<compile_context>
chip_gen: v7x
topology: tpu7x:2x2x1
jax: 0.10.2.dev20260603
libtpu: 0.0.44.dev20260713+nightly
codegen_flags: <defaults>
</compile_context>

<pallas_src>
import jax
import jax.numpy as jnp
from jax import lax
from jax.experimental import pallas as pl
from jax.experimental.pallas import tpu as pltpu
from jax.experimental.pallas import tpu_sc as plsc

R = 128
N = 32768
L = 16
NBITS = 8
D = 1 << NBITS
NPASS = 32 // NBITS
NC, NS = 2, 16
PG = 4
P_TOP = 0.9


def _make_body(rows, n):
    nv = n // L
    chunk = n // L
    chunk_bits = chunk.bit_length() - 1
    rows_per_w = rows // (NC * NS)

    def _sc_body(x_hbm, vals_hbm, order_hbm, bufA, bufB, keysT, counters,
                 osem):
        lane = lax.broadcasted_iota(jnp.int32, (L,), 0)
        ones = jnp.ones((L,), jnp.int32)
        wid = lax.axis_index("s") * NC + lax.axis_index("c")

        def kslot(idx):
            return idx + lax.shift_right_logical(idx, jnp.int32(chunk_bits))

        def row_body(j, _):
            r = wid * rows_per_w + j
            pltpu.sync_copy(x_hbm.at[r], bufA)

            def tr_body(i, mx):
                v = bufA[pl.ds(i * L, L)]
                u = plsc.bitcast(v, jnp.int32)
                t = jnp.where(u < 0, u, ~u & jnp.int32(0x7FFFFFFF))
                e = i * L + lane
                plsc.store_scatter(keysT, [kslot(e)], t)
                return jnp.maximum(mx, v)

            mx16 = lax.fori_loop(0, nv, tr_body,
                                 jnp.full((L,), -jnp.inf, jnp.float32),
                                 unroll=8)
            mx = jnp.max(mx16)

            def sum_body(i, acc):
                v = bufA[pl.ds(i * L, L)]
                return acc + jnp.exp(v - mx)

            acc16 = lax.fori_loop(0, nv, sum_body, jnp.zeros((L,), jnp.float32),
                                  unroll=4)
            total = jnp.sum(acc16)

            c15 = jnp.int32(15)
            c23 = jnp.int32(23)
            cD1 = jnp.int32(D - 1)
            cIM = jnp.int32(n - 1)

            for p in range(NPASS):
                last = p == NPASS - 1
                src = None if p == 0 else (bufA if p % 2 == 1 else bufB)

                if p == 1:
                    @pl.when(j > 0)
                    def _():
                        pltpu.make_async_copy(
                            bufB, order_hbm.at[r], osem).wait()

                def load_pk(i, src=src):
                    iv = src[pl.ds(i * L, L)]
                    return plsc.bitcast(iv, jnp.int32) if src is bufA else iv

                def zero_body(i, _):
                    counters[pl.ds(i * L, L)] = jnp.zeros((L,), jnp.int32)
                    return 0

                lax.fori_loop(0, D, zero_body, 0)

                if p == 0:
                    def hist_body(i, _):
                        t = plsc.load_gather(keysT, [lane * (chunk + 1) + i])
                        d = t & cD1
                        plsc.addupdate_scatter(counters, [d * L + lane], ones)
                        return 0
                else:
                    def hist_body(i, _, load_pk=load_pk):
                        pk = load_pk(i)
                        d = lax.shift_right_logical(pk, c15) & cD1
                        plsc.addupdate_scatter(counters, [d * L + lane], ones)
                        return 0

                lax.fori_loop(0, nv, hist_body, 0, unroll=4 if p == 0 else 16)

                def scan_body(g, carry):
                    vs = [counters[pl.ds((g * 4 + k) * L, L)]
                          for k in range(4)]
                    incs = [plsc.cumsum(v) for v in vs]
                    tots = [jnp.max(inc) for inc in incs]
                    for k in range(4):
                        counters[pl.ds((g * 4 + k) * L, L)] = \
                            incs[k] - vs[k] + carry
                        carry = carry + tots[k]
                    return carry

                lax.fori_loop(0, D // 4, scan_body, jnp.int32(0))

                def perm_group(g, _, p=p, last=last, load_pk=load_pk):
                    ds_, outs = [], []
                    for k in range(PG):
                        i = g * PG + k
                        if p == 0:
                            t = plsc.load_gather(
                                keysT, [lane * (chunk + 1) + i])
                            idxv = lane * chunk + i
                            d = t & cD1
                            d1 = lax.shift_right_logical(t, jnp.int32(8)) & cD1
                            d2 = lax.shift_right_logical(t, jnp.int32(16)) & cD1
                            out = (d2 << c23) | (d1 << c15) | idxv
                        else:
                            pk = load_pk(i)
                            d = lax.shift_right_logical(pk, c15) & cD1
                            idxv = pk & cIM
                            if p == 1:
                                sp = lax.shift_right_logical(pk, c23)
                                t = plsc.load_gather(keysT, [kslot(idxv)])
                                d3 = lax.shift_right_logical(t, jnp.int32(24))
                                out = (d3 << c23) | (sp << c15) | idxv
                            elif p == 2:
                                sp = lax.shift_right_logical(pk, c23)
                                out = (sp << c15) | idxv
                            else:
                                out = idxv
                        ds_.append(d)
                        outs.append(out)
                    bases = [plsc.load_gather(counters, [d * L + lane])
                             for d in ds_]
                    eqs = {}
                    for j in range(PG):
                        for k in range(j + 1, PG):
                            eqs[(j, k)] = ds_[j] == ds_[k]
                    for k in range(PG):
                        occ = jnp.zeros((L,), jnp.int32)
                        for j in range(k):
                            occ = occ + jnp.where(eqs[(j, k)], 1, 0)
                        pos = bases[k] + occ
                        is_last = jnp.full((L,), True)
                        for j in range(k + 1, PG):
                            is_last = is_last & jnp.logical_not(eqs[(k, j)])
                        plsc.store_scatter(counters, [ds_[k] * L + lane],
                                           pos + ones, mask=is_last)
                        if last:
                            s = pos
                        else:
                            s = ((pos & jnp.int32(chunk - 1)) << 4) | \
                                lax.shift_right_logical(
                                    pos, jnp.int32(chunk_bits))
                        if p % 2 == 0:
                            plsc.store_scatter(bufA, [s],
                                               plsc.bitcast(outs[k],
                                                            jnp.float32))
                        else:
                            plsc.store_scatter(bufB, [s], outs[k])
                    return 0

                lax.fori_loop(0, nv // PG, perm_group, 0)

            thresh = jnp.float32(P_TOP) * total

            MG = 8
            last_lane = jnp.full((L,), L - 1, jnp.int32)

            def mask_body(g, cum):
                vs, es, incs = [], [], []
                for k in range(MG):
                    i = g * MG + k
                    idxv = bufB[pl.ds(i * L, L)]
                    t = plsc.load_gather(keysT, [kslot(idxv)])
                    u = jnp.where(t < 0, t, ~t & jnp.int32(0x7FFFFFFF))
                    v = plsc.bitcast(u, jnp.float32)
                    e = jnp.exp(v - mx)
                    vs.append(v)
                    es.append(e)
                    incs.append(plsc.cumsum(e))
                for k in range(MG):
                    i = g * MG + k
                    excl = incs[k] - es[k] + cum
                    out = jnp.where(excl < thresh, vs[k], -jnp.inf)
                    bufA[pl.ds(i * L, L)] = out
                    cum = cum + jnp.take(incs[k], last_lane, mode="wrap")
                return cum

            lax.fori_loop(0, nv // MG, mask_body,
                          jnp.zeros((L,), jnp.float32))

            pltpu.sync_copy(bufA, vals_hbm.at[r])
            pltpu.async_copy(bufB, order_hbm.at[r], osem)
            return 0

        lax.fori_loop(0, rows_per_w, row_body, 0)
        pltpu.make_async_copy(bufB, order_hbm.at[wid * rows_per_w],
                              osem).wait()

    return _sc_body


def _make_kernel(rows, n, interpret=False):
    mesh = plsc.VectorSubcoreMesh(core_axis_name="c", subcore_axis_name="s",
                                  num_cores=NC, num_subcores=NS)
    return pl.kernel(
        _make_body(rows, n),
        out_type=(
            jax.ShapeDtypeStruct((rows, n), jnp.float32),
            jax.ShapeDtypeStruct((rows, n), jnp.int32),
        ),
        mesh=mesh,
        scratch_types=[
            pltpu.VMEM((n,), jnp.float32),
            pltpu.VMEM((n,), jnp.int32),
            pltpu.VMEM((n + L,), jnp.int32),
            pltpu.VMEM((D * L,), jnp.int32),
            pltpu.SemaphoreType.DMA,
        ],
        compiler_params=pltpu.CompilerParams(needs_layout_passes=False),
        interpret=interpret,
    )


@jax.jit
def kernel(x):
    return _make_kernel(R, N)(x)

# --- scband reference (transcript-rebuilt; emitter-appended) ---
"""Pipeline reference for scband-top-p-50921132261688 (READ-ONLY COPY).

The authoritative reference and input builder live on the scoring server;
editing this copy changes nothing except your own understanding.
"""

import jax, jax.numpy as jnp
import numpy as np

P = 0.9


def setup_inputs(seed: int = 0) -> dict:
    key = jax.random.key(seed)
    x = jax.random.normal(key, (128, 32768), dtype=jnp.float32)
    return {"x": x}


def reference(x):
    # Faithful top-p (nucleus) selection along dim=-1 with largest=True.
    # 1) sort descending, 2) softmax -> cumulative probability mass,
    # 3) keep every element whose preceding cumulative mass is < p
    #    (guarantees at least one element kept per row),
    # 4) return (values, indices): values are the sorted inputs with the
    #    elements outside the nucleus masked to -inf; indices are the
    #    descending-sort indices into the original tensor.
    p = P
    axis = -1
    order = jnp.argsort(-x, axis=axis)  # descending sort (largest=True)
    sorted_x = jnp.take_along_axis(x, order, axis=axis)
    probs = jax.nn.softmax(sorted_x, axis=axis)
    cum = jnp.cumsum(probs, axis=axis)
    # cumulative mass strictly before each element
    mask = (cum - probs) < p
    values = jnp.where(mask, sorted_x, -jnp.inf)
    return values, order

if __name__ == "__main__":
    import jax
    _d = setup_inputs()
    print(jax.jit(kernel)(*tuple(_d.values())))

</pallas_src>

<mosaic_0001>
#map = affine_map<(d0, d1) -> (0, 0)>
module attributes {stable_mosaic.version = 14 : i64} {
  func.func @_sc_body(%arg0: i32, %arg1: i32, %arg2: memref<128x32768xf32, #tpu.memory_space<hbm>>, %arg3: memref<128x32768xf32, #tpu.memory_space<hbm>>, %arg4: memref<128x32768xi32, #tpu.memory_space<hbm>>, %arg5: memref<32768xf32, #tpu.memory_space<vmem>>, %arg6: memref<32768xi32, #tpu.memory_space<vmem>>, %arg7: memref<32784xi32, #tpu.memory_space<vmem>>, %arg8: memref<4096xi32, #tpu.memory_space<vmem>>, %arg9: memref<!tpu.dma_semaphore, #tpu.memory_space<semaphore_mem>>) attributes {dimension_semantics = [#tpu.dimension_semantics<core_parallel>, #tpu.dimension_semantics<subcore_parallel>], iteration_bounds = array<i64: 2, 16>, scalar_prefetch = 0 : i64, scratch_operands = 5 : i64, tpu.core_type = #tpu.core_type<sc_vector_subcore>, window_params = [{transform_indices = #map}, {transform_indices = #map}, {transform_indices = #map}]} {
    %iota3A = tpu.iota {dimensions = array<i32: 0>} : vector<16xi32>
    %broadcast_in_dim3A = arith.constant 1 : i32
    %broadcast_in_dim3A_0 = vector.broadcast %broadcast_in_dim3A : i32 to vector<16xi32>
    %mul3A = arith.constant 2 : i32
    %mul3A_1 = arith.muli %arg1, %mul3A : i32
    %add3A = arith.addi %mul3A_1, %arg0 : i32
    %scan3A = arith.constant 0 : i32
    %scan3A_2 = arith.constant 0 : i32
    %scan3A_3 = arith.constant 4 : i32
    %scan3A_4 = arith.addi %scan3A_2, %scan3A_3 : i32
    %scan3A_5 = arith.constant 1 : i32
    %scan3A_6 = scf.for %scan3A_15 = %scan3A_2 to %scan3A_4 step %scan3A_5 iter_args(%scan3A_16 = %scan3A) -> (i32)  : i32 {
      %mul3A_17 = arith.constant 4 : i32
      %mul3A_18 = arith.muli %add3A, %mul3A_17 : i32
      %add3A_19 = arith.addi %mul3A_18, %scan3A_15 : i32
      "tpu.region"() ({
        %run_scoped3A = tpu.sem_alloc : memref<!tpu.dma_semaphore, #tpu.memory_space<semaphore_mem>>
        %dma_start3A_195 = arith.constant 0 : i32
        %dma_start3A_196 = tpu.memref_slice %arg2[%add3A_19, %dma_start3A_195] : memref<128x32768xf32, #tpu.memory_space<hbm>> -> memref<1x32768xf32, #tpu.memory_space<hbm>>
        %dma_start3A_197 = tpu.memref_squeeze %dma_start3A_196 : memref<1x32768xf32, #tpu.memory_space<hbm>> -> memref<32768xf32, #tpu.memory_space<hbm>>
        %dma_start3A_198 = arith.constant 0 : i32
        %dma_start3A_199 = tpu.memref_slice %arg2[%add3A_19, %dma_start3A_198] : memref<128x32768xf32, #tpu.memory_space<hbm>> -> memref<1x32768xf32, #tpu.memory_space<hbm>>
        %dma_start3A_200 = tpu.memref_squeeze %dma_start3A_199 : memref<1x32768xf32, #tpu.memory_space<hbm>> -> memref<32768xf32, #tpu.memory_space<hbm>>
        tpu.enqueue_dma source(%dma_start3A_200 : memref<32768xf32, #tpu.memory_space<hbm>>) target(%arg5 : memref<32768xf32, #tpu.memory_space<vmem>>) target_semaphore(%run_scoped3A : memref<!tpu.dma_semaphore, #tpu.memory_space<semaphore_mem>>)
        %dma_wait3A_201 = arith.constant 0 : i32
        %dma_wait3A_202 = tpu.memref_slice %arg2[%add3A_19, %dma_wait3A_201] : memref<128x32768xf32, #tpu.memory_space<hbm>> -> memref<1x32768xf32, #tpu.memory_space<hbm>>
        %dma_wait3A_203 = tpu.memref_squeeze %dma_wait3A_202 : memref<1x32768xf32, #tpu.memory_space<hbm>> -> memref<32768xf32, #tpu.memory_space<hbm>>
        %dma_wait3A_204 = arith.constant 0 : i32
        %dma_wait3A_205 = tpu.memref_slice %arg2[%add3A_19, %dma_wait3A_204] : memref<128x32768xf32, #tpu.memory_space<hbm>> -> memref<1x32768xf32, #tpu.memory_space<hbm>>
        %dma_wait3A_206 = tpu.memref_squeeze %dma_wait3A_205 : memref<1x32768xf32, #tpu.memory_space<hbm>> -> memref<32768xf32, #tpu.memory_space<hbm>>
        tpu.wait_dma2 semaphore(%run_scoped3A : memref<!tpu.dma_semaphore, #tpu.memory_space<semaphore_mem>>) src(%dma_wait3A_206 : memref<32768xf32, #tpu.memory_space<hbm>>) dst(%arg5 : memref<32768xf32, #tpu.memory_space<vmem>>)
        tpu.yield
      }) : () -> ()
      %broadcast_in_dim3A_20 = arith.constant 0xFF800000 : f32
      %broadcast_in_dim3A_21 = vector.broadcast %broadcast_in_dim3A_20 : f32 to vector<16xf32>
      %scan3A_22 = arith.constant 0 : i32
      %scan3A_23 = arith.constant 2048 : i32
      %scan3A_24 = arith.addi %scan3A_22, %scan3A_23 : i32
      %scan3A_25 = arith.constant 8 : i32
      %scan3A_26 = scf.for %scan3A_195 = %scan3A_22 to %scan3A_24 step %scan3A_25 iter_args(%scan3A_196 = %broadcast_in_dim3A_21) -> (vector<16xf32>)  : i32 {
        %mul3A_197 = arith.constant 16 : i32
        %mul3A_198 = arith.muli %scan3A_195, %mul3A_197 : i32
        %get3A = arith.index_cast %mul3A_198 : i32 to index
        %get3A_199 = tpu.vector_load %arg5[%get3A] {strides = array<i32>} : memref<32768xf32, #tpu.memory_space<vmem>>, vector<16xf32>,
        %bitcast3A = vector.bitcast %get3A_199 : vector<16xf32> to vector<16xi32>
        %lt3A = arith.constant 0 : i32
        %lt3A_200 = vector.broadcast %lt3A : i32 to vector<16xi32>
        %lt3A_201 = arith.cmpi slt, %bitcast3A, %lt3A_200 : vector<16xi32>
        %not3A = arith.constant dense<-1> : vector<16xi32>
        %not3A_202 = arith.xori %bitcast3A, %not3A : vector<16xi32>
        %and3A = arith.constant 2147483647 : i32
        %and3A_203 = vector.broadcast %and3A : i32 to vector<16xi32>
        %and3A_204 = arith.andi %not3A_202, %and3A_203 : vector<16xi32>
        %select_n3A = arith.select %lt3A_201, %bitcast3A, %and3A_204 : vector<16xi1>, vector<16xi32>
        %mul3A_205 = arith.constant 16 : i32
        %mul3A_206 = arith.muli %scan3A_195, %mul3A_205 : i32
        %add3A_207 = vector.broadcast %mul3A_206 : i32 to vector<16xi32>
        %add3A_208 = arith.addi %add3A_207, %iota3A : vector<16xi32>
        %shift_right_logical3A = arith.constant 11 : i32
        %shift_right_logical3A_209 = vector.broadcast %shift_right_logical3A : i32 to vector<16xi32>
        %shift_right_logical3A_210 = arith.shrui %add3A_208, %shift_right_logical3A_209 : vector<16xi32>
        %add3A_211 = arith.addi %add3A_208, %shift_right_logical3A_210 : vector<16xi32>
        tpu.vector_store_idx %arg7[%add3A_211], %select_n3A : memref<32784xi32, #tpu.memory_space<vmem>>[vector<16xi32>], vector<16xi32>,
        %max3A = arith.maximumf %scan3A_196, %get3A_199 : vector<16xf32>
        %scan3A_212 = arith.constant 1 : i32
        %scan3A_213 = arith.addi %scan3A_195, %scan3A_212 : i32
        %mul3A_214 = arith.constant 16 : i32
        %mul3A_215 = arith.muli %scan3A_213, %mul3A_214 : i32
        %get3A_216 = arith.index_cast %mul3A_215 : i32 to index
        %get3A_217 = tpu.vector_load %arg5[%get3A_216] {strides = array<i32>} : memref<32768xf32, #tpu.memory_space<vmem>>, vector<16xf32>,
        %bitcast3A_218 = vector.bitcast %get3A_217 : vector<16xf32> to vector<16xi32>
        %lt3A_219 = arith.constant 0 : i32
        %lt3A_220 = vector.broadcast %lt3A_219 : i32 to vector<16xi32>
        %lt3A_221 = arith.cmpi slt, %bitcast3A_218, %lt3A_220 : vector<16xi32>
        %not3A_222 = arith.constant dense<-1> : vector<16xi32>
        %not3A_223 = arith.xori %bitcast3A_218, %not3A_222 : vector<16xi32>
        %and3A_224 = arith.constant 2147483647 : i32
        %and3A_225 = vector.broadcast %and3A_224 : i32 to vector<16xi32>
        %and3A_226 = arith.andi %not3A_223, %and3A_225 : vector<16xi32>
        %select_n3A_227 = arith.select %lt3A_221, %bitcast3A_218, %and3A_226 : vector<16xi1>, vector<16xi32>
        %mul3A_228 = arith.constant 16 : i32
        %mul3A_229 = arith.muli %scan3A_213, %mul3A_228 : i32
        %add3A_230 = vector.broadcast %mul3A_229 : i32 to vector<16xi32>
        %add3A_231 = arith.addi %add3A_230, %iota3A : vector<16xi32>
        %shift_right_logical3A_232 = arith.constant 11 : i32
        %shift_right_logical3A_233 = vector.broadcast %shift_right_logical3A_232 : i32 to vector<16xi32>
        %shift_right_logical3A_234 = arith.shrui %add3A_231, %shift_right_logical3A_233 : vector<16xi32>
        %add3A_235 = arith.addi %add3A_231, %shift_right_logical3A_234 : vector<16xi32>
        tpu.vector_store_idx %arg7[%add3A_235], %select_n3A_227 : memref<32784xi32, #tpu.memory_space<vmem>>[vector<16xi32>], vector<16xi32>,
        %max3A_236 = arith.maximumf %max3A, %get3A_217 : vector<16xf32>
        %scan3A_237 = arith.constant 2 : i32
        %scan3A_238 = arith.addi %scan3A_195, %scan3A_237 : i32
        %mul3A_239 = arith.constant 16 : i32
        %mul3A_240 = arith.muli %scan3A_238, %mul3A_239 : i32
        %get3A_241 = arith.index_cast %mul3A_240 : i32 to index
        %get3A_242 = tpu.vector_load %arg5[%get3A_241] {strides = array<i32>} : memref<32768xf32, #tpu.memory_space<vmem>>, vector<16xf32>,
        %bitcast3A_243 = vector.bitcast %get3A_242 : vector<16xf32> to vector<16xi32>
        %lt3A_244 = arith.constant 0 : i32
        %lt3A_245 = vector.broadcast %lt3A_244 : i32 to vector<16xi32>
        %lt3A_246 = arith.cmpi slt, %bitcast3A_243, %lt3A_245 : vector<16xi32>
        %not3A_247 = arith.constant dense<-1> : vector<16xi32>
        %not3A_248 = arith.xori %bitcast3A_243, %not3A_247 : vector<16xi32>
        %and3A_249 = arith.constant 2147483647 : i32
        %and3A_250 = vector.broadcast %and3A_249 : i32 to vector<16xi32>
        %and3A_251 = arith.andi %not3A_248, %and3A_250 : vector<16xi32>
        %select_n3A_252 = arith.select %lt3A_246, %bitcast3A_243, %and3A_251 : vector<16xi1>, vector<16xi32>
        %mul3A_253 = arith.constant 16 : i32
        %mul3A_254 = arith.muli %scan3A_238, %mul3A_253 : i32
        %add3A_255 = vector.broadcast %mul3A_254 : i32 to vector<16xi32>
        %add3A_256 = arith.addi %add3A_255, %iota3A : vector<16xi32>
        %shift_right_logical3A_257 = arith.constant 11 : i32
        %shift_right_logical3A_258 = vector.broadcast %shift_right_logical3A_257 : i32 to vector<16xi32>
        %shift_right_logical3A_259 = arith.shrui %add3A_256, %shift_right_logical3A_258 : vector<16xi32>
        %add3A_260 = arith.addi %add3A_256, %shift_right_logical3A_259 : vector<16xi32>
        tpu.vector_store_idx %arg7[%add3A_260], %select_n3A_252 : memref<32784xi32, #tpu.memory_space<vmem>>[vector<16xi32>], vector<16xi32>,
        %max3A_261 = arith.maximumf %max3A_236, %get3A_242 : vector<16xf32>
        %scan3A_262 = arith.constant 3 : i32
        %scan3A_263 = arith.addi %scan3A_195, %scan3A_262 : i32
        %mul3A_264 = arith.constant 16 : i32
        %mul3A_265 = arith.muli %scan3A_263, %mul3A_264 : i32
        %get3A_266 = arith.index_cast %mul3A_265 : i32 to index
        %get3A_267 = tpu.vector_load %arg5[%get3A_266] {strides = array<i32>} : memref<32768xf32, #tpu.memory_space<vmem>>, vector<16xf32>,
        %bitcast3A_268 = vector.bitcast %get3A_267 : vector<16xf32> to vector<16xi32>
        %lt3A_269 = arith.constant 0 : i32
        %lt3A_270 = vector.broadcast %lt3A_269 : i32 to vector<16xi32>
        %lt3A_271 = arith.cmpi slt, %bitcast3A_268, %lt3A_270 : vector<16xi32>
        %not3A_272 = arith.constant dense<-1> : vector<16xi32>
        %not3A_273 = arith.xori %bitcast3A_268, %not3A_272 : vector<16xi32>
        %and3A_274 = arith.constant 2147483647 : i32
        %and3A_275 = vector.broadcast %and3A_274 : i32 to vector<16xi32>
        %and3A_276 = arith.andi %not3A_273, %and3A_275 : vector<16xi32>
        %select_n3A_277 = arith.select %lt3A_271, %bitcast3A_268, %and3A_276 : vector<16xi1>, vector<16xi32>
        %mul3A_278 = arith.constant 16 : i32
        %mul3A_279 = arith.muli %scan3A_263, %mul3A_278 : i32
        %add3A_280 = vector.broadcast %mul3A_279 : i32 to vector<16xi32>
        %add3A_281 = arith.addi %add3A_280, %iota3A : vector<16xi32>
        %shift_right_logical3A_282 = arith.constant 11 : i32
        %shift_right_logical3A_283 = vector.broadcast %shift_right_logical3A_282 : i32 to vector<16xi32>
        %shift_right_logical3A_284 = arith.shrui %add3A_281, %shift_right_logical3A_283 : vector<16xi32>
        %add3A_285 = arith.addi %add3A_281, %shift_right_logical3A_284 : vector<16xi32>
        tpu.vector_store_idx %arg7[%add3A_285], %select_n3A_277 : memref<32784xi32, #tpu.memory_space<vmem>>[vector<16xi32>], vector<16xi32>,
        %max3A_286 = arith.maximumf %max3A_261, %get3A_267 : vector<16xf32>
        %scan3A_287 = arith.constant 4 : i32
        %scan3A_288 = arith.addi %scan3A_195, %scan3A_287 : i32
        %mul3A_289 = arith.constant 16 : i32
        %mul3A_290 = arith.muli %scan3A_288, %mul3A_289 : i32
        %get3A_291 = arith.index_cast %mul3A_290 : i32 to index
        %get3A_292 = tpu.vector_load %arg5[%get3A_291] {strides = array<i32>} : memref<32768xf32, #tpu.memory_space<vmem>>, vector<16xf32>,
        %bitcast3A_293 = vector.bitcast %get3A_292 : vector<16xf32> to vector<16xi32>
        %lt3A_294 = arith.constant 0 : i32
        %lt3A_295 = vector.broadcast %lt3A_294 : i32 to vector<16xi32>
        %lt3A_296 = arith.cmpi slt, %bitcast3A_293, %lt3A_295 : vector<16xi32>
        %not3A_297 = arith.constant dense<-1> : vector<16xi32>
        %not3A_298 = arith.xori %bitcast3A_293, %not3A_297 : vector<16xi32>
        %and3A_299 = arith.constant 2147483647 : i32
        %and3A_300 = vector.broadcast %and3A_299 : i32 to vector<16xi32>
        %and3A_301 = arith.andi %not3A_298, %and3A_300 : vector<16xi32>
        %select_n3A_302 = arith.select %lt3A_296, %bitcast3A_293, %and3A_301 : vector<16xi1>, vector<16xi32>
        %mul3A_303 = arith.constant 16 : i32
        %mul3A_304 = arith.muli %scan3A_288, %mul3A_303 : i32
        %add3A_305 = vector.broadcast %mul3A_304 : i32 to vector<16xi32>
        %add3A_306 = arith.addi %add3A_305, %iota3A : vector<16xi32>
        %shift_right_logical3A_307 = arith.constant 11 : i32
        %shift_right_logical3A_308 = vector.broadcast %shift_right_logical3A_307 : i32 to vector<16xi32>
        %shift_right_logical3A_309 = arith.shrui %add3A_306, %shift_right_logical3A_308 : vector<16xi32>
        %add3A_310 = arith.addi %add3A_306, %shift_right_logical3A_309 : vector<16xi32>
        tpu.vector_store_idx %arg7[%add3A_310], %select_n3A_302 : memref<32784xi32, #tpu.memory_space<vmem>>[vector<16xi32>], vector<16xi32>,
        %max3A_311 = arith.maximumf %max3A_286, %get3A_292 : vector<16xf32>
        %scan3A_312 = arith.constant 5 : i32
        %scan3A_313 = arith.addi %scan3A_195, %scan3A_312 : i32
        %mul3A_314 = arith.constant 16 : i32
        %mul3A_315 = arith.muli %scan3A_313, %mul3A_314 : i32
        %get3A_316 = arith.index_cast %mul3A_315 : i32 to index
        %get3A_317 = tpu.vector_load %arg5[%get3A_316] {strides = array<i32>} : memref<32768xf32, #tpu.memory_space<vmem>>, vector<16xf32>,
        %bitcast3A_318 = vector.bitcast %get3A_317 : vector<16xf32> to vector<16xi32>
        %lt3A_319 = arith.constant 0 : i32
        %lt3A_320 = vector.broadcast %lt3A_319 : i32 to vector<16xi32>
        %lt3A_321 = arith.cmpi slt, %bitcast3A_318, %lt3A_320 : vector<16xi32>
        %not3A_322 = arith.constant dense<-1> : vector<16xi32>
        %not3A_323 = arith.xori %bitcast3A_318, %not3A_322 : vector<16xi32>
        %and3A_324 = arith.constant 2147483647 : i32
        %and3A_325 = vector.broadcast %and3A_324 : i32 to vector<16xi32>
        %and3A_326 = arith.andi %not3A_323, %and3A_325 : vector<16xi32>
        %select_n3A_327 = arith.select %lt3A_321, %bitcast3A_318, %and3A_326 : vector<16xi1>, vector<16xi32>
        %mul3A_328 = arith.constant 16 : i32
        %mul3A_329 = arith.muli %scan3A_313, %mul3A_328 : i32
        %add3A_330 = vector.broadcast %mul3A_329 : i32 to vector<16xi32>
        %add3A_331 = arith.addi %add3A_330, %iota3A : vector<16xi32>
        %shift_right_logical3A_332 = arith.constant 11 : i32
        %shift_right_logical3A_333 = vector.broadcast %shift_right_logical3A_332 : i32 to vector<16xi32>
        %shift_right_logical3A_334 = arith.shrui %add3A_331, %shift_right_logical3A_333 : vector<16xi32>
        %add3A_335 = arith.addi %add3A_331, %shift_right_logical3A_334 : vector<16xi32>
        tpu.vector_store_idx %arg7[%add3A_335], %select_n3A_327 : memref<32784xi32, #tpu.memory_space<vmem>>[vector<16xi32>], vector<16xi32>,
        %max3A_336 = arith.maximumf %max3A_311, %get3A_317 : vector<16xf32>
        %scan3A_337 = arith.constant 6 : i32
        %scan3A_338 = arith.addi %scan3A_195, %scan3A_337 : i32
        %mul3A_339 = arith.constant 16 : i32
        %mul3A_340 = arith.muli %scan3A_338, %mul3A_339 : i32
        %get3A_341 = arith.index_cast %mul3A_340 : i32 to index
        %get3A_342 = tpu.vector_load %arg5[%get3A_341] {strides = array<i32>} : memref<32768xf32, #tpu.memory_space<vmem>>, vector<16xf32>,
        %bitcast3A_343 = vector.bitcast %get3A_342 : vector<16xf32> to vector<16xi32>
        %lt3A_344 = arith.constant 0 : i32
        %lt3A_345 = vector.broadcast %lt3A_344 : i32 to vector<16xi32>
        %lt3A_346 = arith.cmpi slt, %bitcast3A_343, %lt3A_345 : vector<16xi32>
        %not3A_347 = arith.constant dense<-1> : vector<16xi32>
        %not3A_348 = arith.xori %bitcast3A_343, %not3A_347 : vector<16xi32>
        %and3A_349 = arith.constant 2147483647 : i32
        %and3A_350 = vector.broadcast %and3A_349 : i32 to vector<16xi32>
        %and3A_351 = arith.andi %not3A_348, %and3A_350 : vector<16xi32>
        %select_n3A_352 = arith.select %lt3A_346, %bitcast3A_343, %and3A_351 : vector<16xi1>, vector<16xi32>
        %mul3A_353 = arith.constant 16 : i32
        %mul3A_354 = arith.muli %scan3A_338, %mul3A_353 : i32
        %add3A_355 = vector.broadcast %mul3A_354 : i32 to vector<16xi32>
        %add3A_356 = arith.addi %add3A_355, %iota3A : vector<16xi32>
        %shift_right_logical3A_357 = arith.constant 11 : i32
        %shift_right_logical3A_358 = vector.broadcast %shift_right_logical3A_357 : i32 to vector<16xi32>
        %shift_right_logical3A_359 = arith.shrui %add3A_356, %shift_right_logical3A_358 : vector<16xi32>
        %add3A_360 = arith.addi %add3A_356, %shift_right_logical3A_359 : vector<16xi32>
        tpu.vector_store_idx %arg7[%add3A_360], %select_n3A_352 : memref<32784xi32, #tpu.memory_space<vmem>>[vector<16xi32>], vector<16xi32>,
        %max3A_361 = arith.maximumf %max3A_336, %get3A_342 : vector<16xf32>
        %scan3A_362 = arith.constant 7 : i32
        %scan3A_363 = arith.addi %scan3A_195, %scan3A_362 : i32
        %mul3A_364 = arith.constant 16 : i32
        %mul3A_365 = arith.muli %scan3A_363, %mul3A_364 : i32
        %get3A_366 = arith.index_cast %mul3A_365 : i32 to index
        %get3A_367 = tpu.vector_load %arg5[%get3A_366] {strides = array<i32>} : memref<32768xf32, #tpu.memory_space<vmem>>, vector<16xf32>,
        %bitcast3A_368 = vector.bitcast %get3A_367 : vector<16xf32> to vector<16xi32>
        %lt3A_369 = arith.constant 0 : i32
        %lt3A_370 = vector.broadcast %lt3A_369 : i32 to vector<16xi32>
        %lt3A_371 = arith.cmpi slt, %bitcast3A_368, %lt3A_370 : vector<16xi32>
        %not3A_372 = arith.constant dense<-1> : vector<16xi32>
        %not3A_373 = arith.xori %bitcast3A_368, %not3A_372 : vector<16xi32>
        %and3A_374 = arith.constant 2147483647 : i32
        %and3A_375 = vector.broadcast %and3A_374 : i32 to vector<16xi32>
        %and3A_376 = arith.andi %not3A_373, %and3A_375 : vector<16xi32>
        %select_n3A_377 = arith.select %lt3A_371, %bitcast3A_368, %and3A_376 : vector<16xi1>, vector<16xi32>
        %mul3A_378 = arith.constant 16 : i32
        %mul3A_379 = arith.muli %scan3A_363, %mul3A_378 : i32
        %add3A_380 = vector.broadcast %mul3A_379 : i32 to vector<16xi32>
        %add3A_381 = arith.addi %add3A_380, %iota3A : vector<16xi32>
        %shift_right_logical3A_382 = arith.constant 11 : i32
        %shift_right_logical3A_383 = vector.broadcast %shift_right_logical3A_382 : i32 to vector<16xi32>
        %shift_right_logical3A_384 = arith.shrui %add3A_381, %shift_right_logical3A_383 : vector<16xi32>
        %add3A_385 = arith.addi %add3A_381, %shift_right_logical3A_384 : vector<16xi32>
        tpu.vector_store_idx %arg7[%add3A_385], %select_n3A_377 : memref<32784xi32, #tpu.memory_space<vmem>>[vector<16xi32>], vector<16xi32>,
        %max3A_386 = arith.maximumf %max3A_361, %get3A_367 : vector<16xf32>
        scf.yield %max3A_386 : vector<16xf32>
      }
      %scan3A_27 = arith.constant 2048 : i32
      %reduce_max3A = arith.constant true
      %reduce_max3A_28 = vector.broadcast %reduce_max3A : i1 to vector<16xi1>
      %reduce_max3A_29 = tpu.scan <max>, %scan3A_26 masked %reduce_max3A_28 : vector<16xf32>, vector<16xi1> -> vector<16xf32>
      %reduce_max3A_30 = vector.extract %reduce_max3A_29[15] : f32 from vector<16xf32>
      %broadcast_in_dim3A_31 = arith.constant 0.000000e+00 : f32
      %broadcast_in_dim3A_32 = vector.broadcast %broadcast_in_dim3A_31 : f32 to vector<16xf32>
      %scan3A_33 = arith.constant 0 : i32
      %scan3A_34 = arith.constant 2048 : i32
      %scan3A_35 = arith.addi %scan3A_33, %scan3A_34 : i32
      %scan3A_36 = arith.constant 4 : i32
      %scan3A_37 = scf.for %scan3A_195 = %scan3A_33 to %scan3A_35 step %scan3A_36 iter_args(%scan3A_196 = %broadcast_in_dim3A_32) -> (vector<16xf32>)  : i32 {
        %mul3A_197 = arith.constant 16 : i32
        %mul3A_198 = arith.muli %scan3A_195, %mul3A_197 : i32
        %get3A = arith.index_cast %mul3A_198 : i32 to index
        %get3A_199 = tpu.vector_load %arg5[%get3A] {strides = array<i32>} : memref<32768xf32, #tpu.memory_space<vmem>>, vector<16xf32>,
        %sub3A = vector.broadcast %reduce_max3A_30 : f32 to vector<16xf32>
        %sub3A_200 = arith.subf %get3A_199, %sub3A : vector<16xf32>
        %exp3A = math.exp %sub3A_200 : vector<16xf32>
        %add3A_201 = arith.addf %scan3A_196, %exp3A : vector<16xf32>
        %scan3A_202 = arith.constant 1 : i32
        %scan3A_203 = arith.addi %scan3A_195, %scan3A_202 : i32
        %mul3A_204 = arith.constant 16 : i32
        %mul3A_205 = arith.muli %scan3A_203, %mul3A_204 : i32
        %get3A_206 = arith.index_cast %mul3A_205 : i32 to index
        %get3A_207 = tpu.vector_load %arg5[%get3A_206] {strides = array<i32>} : memref<32768xf32, #tpu.memory_space<vmem>>, vector<16xf32>,
        %sub3A_208 = vector.broadcast %reduce_max3A_30 : f32 to vector<16xf32>
        %sub3A_209 = arith.subf %get3A_207, %sub3A_208 : vector<16xf32>
        %exp3A_210 = math.exp %sub3A_209 : vector<16xf32>
        %add3A_211 = arith.addf %add3A_201, %exp3A_210 : vector<16xf32>
        %scan3A_212 = arith.constant 2 : i32
        %scan3A_213 = arith.addi %scan3A_195, %scan3A_212 : i32
        %mul3A_214 = arith.constant 16 : i32
        %mul3A_215 = arith.muli %scan3A_213, %mul3A_214 : i32
        %get3A_216 = arith.index_cast %mul3A_215 : i32 to index
        %get3A_217 = tpu.vector_load %arg5[%get3A_216] {strides = array<i32>} : memref<32768xf32, #tpu.memory_space<vmem>>, vector<16xf32>,
        %sub3A_218 = vector.broadcast %reduce_max3A_30 : f32 to vector<16xf32>
        %sub3A_219 = arith.subf %get3A_217, %sub3A_218 : vector<16xf32>
        %exp3A_220 = math.exp %sub3A_219 : vector<16xf32>
        %add3A_221 = arith.addf %add3A_211, %exp3A_220 : vector<16xf32>
        %scan3A_222 = arith.constant 3 : i32
        %scan3A_223 = arith.addi %scan3A_195, %scan3A_222 : i32
        %mul3A_224 = arith.constant 16 : i32
        %mul3A_225 = arith.muli %scan3A_223, %mul3A_224 : i32
        %get3A_226 = arith.index_cast %mul3A_225 : i32 to index
        %get3A_227 = tpu.vector_load %arg5[%get3A_226] {strides = array<i32>} : memref<32768xf32, #tpu.memory_space<vmem>>, vector<16xf32>,
        %sub3A_228 = vector.broadcast %reduce_max3A_30 : f32 to vector<16xf32>
        %sub3A_229 = arith.subf %get3A_227, %sub3A_228 : vector<16xf32>
        %exp3A_230 = math.exp %sub3A_229 : vector<16xf32>
        %add3A_231 = arith.addf %add3A_221, %exp3A_230 : vector<16xf32>
        scf.yield %add3A_231 : vector<16xf32>
      }
      %scan3A_38 = arith.constant 2048 : i32
      %reduce_sum3A = arith.constant true
      %reduce_sum3A_39 = vector.broadcast %reduce_sum3A : i1 to vector<16xi1>
      %reduce_sum3A_40 = tpu.scan <sum>, %scan3A_37 masked %reduce_sum3A_39 : vector<16xf32>, vector<16xi1> -> vector<16xf32>
      %reduce_sum3A_41 = vector.extract %reduce_sum3A_40[15] : f32 from vector<16xf32>
      %scan3A_42 = arith.constant 0 : i32
      %scan3A_43 = arith.constant 0 : i32
      %scan3A_44 = arith.constant 256 : i32
      %scan3A_45 = arith.addi %scan3A_43, %scan3A_44 : i32
      %scan3A_46 = arith.constant 1 : i32
      %scan3A_47 = scf.for %scan3A_195 = %scan3A_43 to %scan3A_45 step %scan3A_46 iter_args(%scan3A_196 = %scan3A_42) -> (i32)  : i32 {
        %broadcast_in_dim3A_197 = arith.constant 0 : i32
        %broadcast_in_dim3A_198 = vector.broadcast %broadcast_in_dim3A_197 : i32 to vector<16xi32>
        %mul3A_199 = arith.constant 16 : i32
        %mul3A_200 = arith.muli %scan3A_195, %mul3A_199 : i32
        %swap3A = arith.index_cast %mul3A_200 : i32 to index
        %swap3A_201 = tpu.vector_load %arg8[%swap3A] {strides = array<i32>} : memref<4096xi32, #tpu.memory_space<vmem>>, vector<16xi32>,
        tpu.vector_store %arg8[%swap3A], %broadcast_in_dim3A_198 {strides = array<i32>} : memref<4096xi32, #tpu.memory_space<vmem>>, vector<16xi32>,
        %scan3A_202 = arith.constant 0 : i32
        scf.yield %scan3A_202 : i32
      }
      %scan3A_48 = arith.constant 256 : i32
      %scan3A_49 = arith.constant 255 : i32
      %scan3A_50 = arith.constant 0 : i32
      %scan3A_51 = arith.constant 0 : i32
      %scan3A_52 = arith.constant 2048 : i32
      %scan3A_53 = arith.addi %scan3A_51, %scan3A_52 : i32
      %scan3A_54 = arith.constant 4 : i32
      %scan3A_55 = scf.for %scan3A_195 = %scan3A_51 to %scan3A_53 step %scan3A_54 iter_args(%scan3A_196 = %scan3A_50) -> (i32)  : i32 {
        %mul3A_197 = arith.constant 2049 : i32
        %mul3A_198 = vector.broadcast %mul3A_197 : i32 to vector<16xi32>
        %mul3A_199 = arith.muli %iota3A, %mul3A_198 : vector<16xi32>
        %add3A_200 = vector.broadcast %scan3A_195 : i32 to vector<16xi32>
        %add3A_201 = arith.addi %mul3A_199, %add3A_200 : vector<16xi32>
        %gather3A = tpu.vector_load_idx %arg7[%add3A_201] : memref<32784xi32, #tpu.memory_space<vmem>>[vector<16xi32>], vector<16xi32>,
        %and3A = vector.broadcast %scan3A_49 : i32 to vector<16xi32>
        %and3A_202 = arith.andi %gather3A, %and3A : vector<16xi32>
        %mul3A_203 = arith.constant 16 : i32
        %mul3A_204 = vector.broadcast %mul3A_203 : i32 to vector<16xi32>
        %mul3A_205 = arith.muli %and3A_202, %mul3A_204 : vector<16xi32>
        %add3A_206 = arith.addi %mul3A_205, %iota3A : vector<16xi32>
        tpu.vector_store_idx %arg8[%add3A_206], %broadcast_in_dim3A_0 {add = true} : memref<4096xi32, #tpu.memory_space<vmem>>[vector<16xi32>], vector<16xi32>,
        %scan3A_207 = arith.constant 0 : i32
        %scan3A_208 = arith.constant 1 : i32
        %scan3A_209 = arith.addi %scan3A_195, %scan3A_208 : i32
        %mul3A_210 = arith.constant 2049 : i32
        %mul3A_211 = vector.broadcast %mul3A_210 : i32 to vector<16xi32>
        %mul3A_212 = arith.muli %iota3A, %mul3A_211 : vector<16xi32>
        %add3A_213 = vector.broadcast %scan3A_209 : i32 to vector<16xi32>
        %add3A_214 = arith.addi %mul3A_212, %add3A_213 : vector<16xi32>
        %gather3A_215 = tpu.vector_load_idx %arg7[%add3A_214] : memref<32784xi32, #tpu.memory_space<vmem>>[vector<16xi32>], vector<16xi32>,
        %and3A_216 = vector.broadcast %scan3A_49 : i32 to vector<16xi32>
        %and3A_217 = arith.andi %gather3A_215, %and3A_216 : vector<16xi32>
        %mul3A_218 = arith.constant 16 : i32
        %mul3A_219 = vector.broadcast %mul3A_218 : i32 to vector<16xi32>
        %mul3A_220 = arith.muli %and3A_217, %mul3A_219 : vector<16xi32>
        %add3A_221 = arith.addi %mul3A_220, %iota3A : vector<16xi32>
        tpu.vector_store_idx %arg8[%add3A_221], %broadcast_in_dim3A_0 {add = true} : memref<4096xi32, #tpu.memory_space<vmem>>[vector<16xi32>], vector<16xi32>,
        %scan3A_222 = arith.constant 0 : i32
        %scan3A_223 = arith.constant 2 : i32
        %scan3A_224 = arith.addi %scan3A_195, %scan3A_223 : i32
        %mul3A_225 = arith.constant 2049 : i32
        %mul3A_226 = vector.broadcast %mul3A_225 : i32 to vector<16xi32>
        %mul3A_227 = arith.muli %iota3A, %mul3A_226 : vector<16xi32>
        %add3A_228 = vector.broadcast %scan3A_224 : i32 to vector<16xi32>
        %add3A_229 = arith.addi %mul3A_227, %add3A_228 : vector<16xi32>
        %gather3A_230 = tpu.vector_load_idx %arg7[%add3A_229] : memref<32784xi32, #tpu.memory_space<vmem>>[vector<16xi32>], vector<16xi32>,
        %and3A_231 = vector.broadcast %scan3A_49 : i32 to vector<16xi32>
        %and3A_232 = arith.andi %gather3A_230, %and3A_231 : vector<16xi32>
        %mul3A_233 = arith.constant 16 : i32
        %mul3A_234 = vector.broadcast %mul3A_233 : i32 to vector<16xi32>
        %mul3A_235 = arith.muli %and3A_232, %mul3A_234 : vector<16xi32>
        %add3A_236 = arith.addi %mul3A_235, %iota3A : vector<16xi32>
        tpu.vector_store_idx %arg8[%add3A_236], %broadcast_in_dim3A_0 {add = true} : memref<4096xi32, #tpu.memory_space<vmem>>[vector<16xi32>], vector<16xi32>,
        %scan3A_237 = arith.constant 0 : i32
        %scan3A_238 = arith.constant 3 : i32
        %scan3A_239 = arith.addi %scan3A_195, %scan3A_238 : i32
        %mul3A_240 = arith.constant 2049 : i32
        %mul3A_241 = vector.broadcast %mul3A_240 : i32 to vector<16xi32>
        %mul3A_242 = arith.muli %iota3A, %mul3A_241 : vector<16xi32>
        %add3A_243 = vector.broadcast %scan3A_239 : i32 to vector<16xi32>
        %add3A_244 = arith.addi %mul3A_242, %add3A_243 : vector<16xi32>
        %gather3A_245 = tpu.vector_load_idx %arg7[%add3A_244] : memref<32784xi32, #tpu.memory_space<vmem>>[vector<16xi32>], vector<16xi32>,
        %and3A_246 = vector.broadcast %scan3A_49 : i32 to vector<16xi32>
        %and3A_247 = arith.andi %gather3A_245, %and3A_246 : vector<16xi32>
        %mul3A_248 = arith.constant 16 : i32
        %mul3A_249 = vector.broadcast %mul3A_248 : i32 to vector<16xi32>
        %mul3A_250 = arith.muli %and3A_247, %mul3A_249 : vector<16xi32>
        %add3A_251 = arith.addi %mul3A_250, %iota3A : vector<16xi32>
        tpu.vector_store_idx %arg8[%add3A_251], %broadcast_in_dim3A_0 {add = true} : memref<4096xi32, #tpu.memory_space<vmem>>[vector<16xi32>], vector<16xi32>,
        %scan3A_252 = arith.constant 0 : i32
        scf.yield %scan3A_252 : i32
      }
      %scan3A_56 = arith.constant 2048 : i32
      %scan3A_57 = arith.constant 0 : i32
      %scan3A_58 = arith.constant 0 : i32
      %scan3A_59 = arith.constant 64 : i32
      %scan3A_60 = arith.addi %scan3A_58, %scan3A_59 : i32
      %scan3A_61 = arith.constant 1 : i32
      %scan3A_62 = scf.for %scan3A_195 = %scan3A_58 to %scan3A_60 step %scan3A_61 iter_args(%scan3A_196 = %scan3A_57) -> (i32)  : i32 {
        %mul3A_197 = arith.constant 4 : i32
        %mul3A_198 = arith.muli %scan3A_195, %mul3A_197 : i32
        %add3A_199 = arith.constant 0 : i32
        %add3A_200 = arith.addi %mul3A_198, %add3A_199 : i32
        %mul3A_201 = arith.constant 16 : i32
        %mul3A_202 = arith.muli %add3A_200, %mul3A_201 : i32
        %get3A = arith.index_cast %mul3A_202 : i32 to index
        %get3A_203 = tpu.vector_load %arg8[%get3A] {strides = array<i32>} : memref<4096xi32, #tpu.memory_space<vmem>>, vector<16xi32>,
        %mul3A_204 = arith.constant 4 : i32
        %mul3A_205 = arith.muli %scan3A_195, %mul3A_204 : i32
        %add3A_206 = arith.constant 1 : i32
        %add3A_207 = arith.addi %mul3A_205, %add3A_206 : i32
        %mul3A_208 = arith.constant 16 : i32
        %mul3A_209 = arith.muli %add3A_207, %mul3A_208 : i32
        %get3A_210 = arith.index_cast %mul3A_209 : i32 to index
        %get3A_211 = tpu.vector_load %arg8[%get3A_210] {strides = array<i32>} : memref<4096xi32, #tpu.memory_space<vmem>>, vector<16xi32>,
        %mul3A_212 = arith.constant 4 : i32
        %mul3A_213 = arith.muli %scan3A_195, %mul3A_212 : i32
        %add3A_214 = arith.constant 2 : i32
        %add3A_215 = arith.addi %mul3A_213, %add3A_214 : i32
        %mul3A_216 = arith.constant 16 : i32
        %mul3A_217 = arith.muli %add3A_215, %mul3A_216 : i32
        %get3A_218 = arith.index_cast %mul3A_217 : i32 to index
        %get3A_219 = tpu.vector_load %arg8[%get3A_218] {strides = array<i32>} : memref<4096xi32, #tpu.memory_space<vmem>>, vector<16xi32>,
        %mul3A_220 = arith.constant 4 : i32
        %mul3A_221 = arith.muli %scan3A_195, %mul3A_220 : i32
        %add3A_222 = arith.constant 3 : i32
        %add3A_223 = arith.addi %mul3A_221, %add3A_222 : i32
        %mul3A_224 = arith.constant 16 : i32
        %mul3A_225 = arith.muli %add3A_223, %mul3A_224 : i32
        %get3A_226 = arith.index_cast %mul3A_225 : i32 to index
        %get3A_227 = tpu.vector_load %arg8[%get3A_226] {strides = array<i32>} : memref<4096xi32, #tpu.memory_space<vmem>>, vector<16xi32>,
        %broadcast_in_dim3A_228 = arith.constant true
        %broadcast_in_dim3A_229 = vector.broadcast %broadcast_in_dim3A_228 : i1 to vector<16xi1>
        %masked_cumsum3A = tpu.scan <sum>, %get3A_203 masked %broadcast_in_dim3A_229 : vector<16xi32>, vector<16xi1> -> vector<16xi32>
        %broadcast_in_dim3A_230 = arith.constant true
        %broadcast_in_dim3A_231 = vector.broadcast %broadcast_in_dim3A_230 : i1 to vector<16xi1>
        %masked_cumsum3A_232 = tpu.scan <sum>, %get3A_211 masked %broadcast_in_dim3A_231 : vector<16xi32>, vector<16xi1> -> vector<16xi32>
        %broadcast_in_dim3A_233 = arith.constant true
        %broadcast_in_dim3A_234 = vector.broadcast %broadcast_in_dim3A_233 : i1 to vector<16xi1>
        %masked_cumsum3A_235 = tpu.scan <sum>, %get3A_219 masked %broadcast_in_dim3A_234 : vector<16xi32>, vector<16xi1> -> vector<16xi32>
        %broadcast_in_dim3A_236 = arith.constant true
        %broadcast_in_dim3A_237 = vector.broadcast %broadcast_in_dim3A_236 : i1 to vector<16xi1>
        %masked_cumsum3A_238 = tpu.scan <sum>, %get3A_227 masked %broadcast_in_dim3A_237 : vector<16xi32>, vector<16xi1> -> vector<16xi32>
        %reduce_max3A_239 = arith.constant true
        %reduce_max3A_240 = vector.broadcast %reduce_max3A_239 : i1 to vector<16xi1>
        %reduce_max3A_241 = arith.constant -2147483648 : i32
        %reduce_max3A_242 = vector.broadcast %reduce_max3A_241 : i32 to vector<16xi32>
        %reduce_max3A_243 = arith.xori %masked_cumsum3A, %reduce_max3A_242 : vector<16xi32>
        %reduce_max3A_244 = tpu.scan <max>, %reduce_max3A_243 masked %reduce_max3A_240 : vector<16xi32>, vector<16xi1> -> vector<16xi32>
        %reduce_max3A_245 = arith.xori %reduce_max3A_244, %reduce_max3A_242 : vector<16xi32>
        %reduce_max3A_246 = vector.extract %reduce_max3A_245[15] : i32 from vector<16xi32>
        %reduce_max3A_247 = arith.constant true
        %reduce_max3A_248 = vector.broadcast %reduce_max3A_247 : i1 to vector<16xi1>
        %reduce_max3A_249 = arith.constant -2147483648 : i32
        %reduce_max3A_250 = vector.broadcast %reduce_max3A_249 : i32 to vector<16xi32>
        %reduce_max3A_251 = arith.xori %masked_cumsum3A_232, %reduce_max3A_250 : vector<16xi32>
        %reduce_max3A_252 = tpu.scan <max>, %reduce_max3A_251 masked %reduce_max3A_248 : vector<16xi32>, vector<16xi1> -> vector<16xi32>
        %reduce_max3A_253 = arith.xori %reduce_max3A_252, %reduce_max3A_250 : vector<16xi32>
        %reduce_max3A_254 = vector.extract %reduce_max3A_253[15] : i32 from vector<16xi32>
        %reduce_max3A_255 = arith.constant true
        %reduce_max3A_256 = vector.broadcast %reduce_max3A_255 : i1 to vector<16xi1>
        %reduce_max3A_257 = arith.constant -2147483648 : i32
        %reduce_max3A_258 = vector.broadcast %reduce_max3A_257 : i32 to vector<16xi32>
        %reduce_max3A_259 = arith.xori %masked_cumsum3A_235, %reduce_max3A_258 : vector<16xi32>
        %reduce_max3A_260 = tpu.scan <max>, %reduce_max3A_259 masked %reduce_max3A_256 : vector<16xi32>, vector<16xi1> -> vector<16xi32>
        %reduce_max3A_261 = arith.xori %reduce_max3A_260, %reduce_max3A_258 : vector<16xi32>
        %reduce_max3A_262 = vector.extract %reduce_max3A_261[15] : i32 from vector<16xi32>
        %reduce_max3A_263 = arith.constant true
        %reduce_max3A_264 = vector.broadcast %reduce_max3A_263 : i1 to vector<16xi1>
        %reduce_max3A_265 = arith.constant -2147483648 : i32
        %reduce_max3A_266 = vector.broadcast %reduce_max3A_265 : i32 to vector<16xi32>
        %reduce_max3A_267 = arith.xori %masked_cumsum3A_238, %reduce_max3A_266 : vector<16xi32>
        %reduce_max3A_268 = tpu.scan <max>, %reduce_max3A_267 masked %reduce_max3A_264 : vector<16xi32>, vector<16xi1> -> vector<16xi32>
        %reduce_max3A_269 = arith.xori %reduce_max3A_268, %reduce_max3A_266 : vector<16xi32>
        %reduce_max3A_270 = vector.extract %reduce_max3A_269[15] : i32 from vector<16xi32>
        %sub3A = arith.subi %masked_cumsum3A, %get3A_203 : vector<16xi32>
        %add3A_271 = vector.broadcast %scan3A_196 : i32 to vector<16xi32>
        %add3A_272 = arith.addi %sub3A, %add3A_271 : vector<16xi32>
        %mul3A_273 = arith.constant 4 : i32
        %mul3A_274 = arith.muli %scan3A_195, %mul3A_273 : i32
        %add3A_275 = arith.constant 0 : i32
        %add3A_276 = arith.addi %mul3A_274, %add3A_275 : i32
        %mul3A_277 = arith.constant 16 : i32
        %mul3A_278 = arith.muli %add3A_276, %mul3A_277 : i32
        %swap3A = arith.index_cast %mul3A_278 : i32 to index
        %swap3A_279 = tpu.vector_load %arg8[%swap3A] {strides = array<i32>} : memref<4096xi32, #tpu.memory_space<vmem>>, vector<16xi32>,
        tpu.vector_store %arg8[%swap3A], %add3A_272 {strides = array<i32>} : memref<4096xi32, #tpu.memory_space<vmem>>, vector<16xi32>,
        %add3A_280 = arith.addi %scan3A_196, %reduce_max3A_246 : i32
        %sub3A_281 = arith.subi %masked_cumsum3A_232, %get3A_211 : vector<16xi32>
        %add3A_282 = vector.broadcast %add3A_280 : i32 to vector<16xi32>
        %add3A_283 = arith.addi %sub3A_281, %add3A_282 : vector<16xi32>
        %mul3A_284 = arith.constant 4 : i32
        %mul3A_285 = arith.muli %scan3A_195, %mul3A_284 : i32
        %add3A_286 = arith.constant 1 : i32
        %add3A_287 = arith.addi %mul3A_285, %add3A_286 : i32
        %mul3A_288 = arith.constant 16 : i32
        %mul3A_289 = arith.muli %add3A_287, %mul3A_288 : i32
        %swap3A_290 = arith.index_cast %mul3A_289 : i32 to index
        %swap3A_291 = tpu.vector_load %arg8[%swap3A_290] {strides = array<i32>} : memref<4096xi32, #tpu.memory_space<vmem>>, vector<16xi32>,
        tpu.vector_store %arg8[%swap3A_290], %add3A_283 {strides = array<i32>} : memref<4096xi32, #tpu.memory_space<vmem>>, vector<16xi32>,
        %add3A_292 = arith.addi %add3A_280, %reduce_max3A_254 : i32
        %sub3A_293 = arith.subi %masked_cumsum3A_235, %get3A_219 : vector<16xi32>
        %add3A_294 = vector.broadcast %add3A_292 : i32 to vector<16xi32>
        %add3A_295 = arith.addi %sub3A_293, %add3A_294 : vector<16xi32>
        %mul3A_296 = arith.constant 4 : i32
        %mul3A_297 = arith.muli %scan3A_195, %mul3A_296 : i32
        %add3A_298 = arith.constant 2 : i32
        %add3A_299 = arith.addi %mul3A_297, %add3A_298 : i32
        %mul3A_300 = arith.constant 16 : i32
        %mul3A_301 = arith.muli %add3A_299, %mul3A_300 : i32
        %swap3A_302 = arith.index_cast %mul3A_301 : i32 to index
        %swap3A_303 = tpu.vector_load %arg8[%swap3A_302] {strides = array<i32>} : memref<4096xi32, #tpu.memory_space<vmem>>, vector<16xi32>,
        tpu.vector_store %arg8[%swap3A_302], %add3A_295 {strides = array<i32>} : memref<4096xi32, #tpu.memory_space<vmem>>, vector<16xi32>,
        %add3A_304 = arith.addi %add3A_292, %reduce_max3A_262 : i32
        %sub3A_305 = arith.subi %masked_cumsum3A_238, %get3A_227 : vector<16xi32>
        %add3A_306 = vector.broadcast %add3A_304 : i32 to vector<16xi32>
        %add3A_307 = arith.addi %sub3A_305, %add3A_306 : vector<16xi32>
        %mul3A_308 = arith.constant 4 : i32
        %mul3A_309 = arith.muli %scan3A_195, %mul3A_308 : i32
        %add3A_310 = arith.constant 3 : i32
        %add3A_311 = arith.addi %mul3A_309, %add3A_310 : i32
        %mul3A_312 = arith.constant 16 : i32
        %mul3A_313 = arith.muli %add3A_311, %mul3A_312 : i32
        %swap3A_314 = arith.index_cast %mul3A_313 : i32 to index
        %swap3A_315 = tpu.vector_load %arg8[%swap3A_314] {strides = array<i32>} : memref<4096xi32, #tpu.memory_space<vmem>>, vector<16xi32>,
        tpu.vector_store %arg8[%swap3A_314], %add3A_307 {strides = array<i32>} : memref<4096xi32, #tpu.memory_space<vmem>>, vector<16xi32>,
        %add3A_316 = arith.addi %add3A_304, %reduce_max3A_270 : i32
        scf.yield %add3A_316 : i32
      }
      %scan3A_63 = arith.constant 64 : i32
      %scan3A_64 = arith.constant 255 : i32
      %scan3A_65 = arith.constant 23 : i32
      %scan3A_66 = arith.constant 15 : i32
      %scan3A_67 = arith.constant 0 : i32
      %scan3A_68 = arith.constant 0 : i32
      %scan3A_69 = arith.constant 512 : i32
      %scan3A_70 = arith.addi %scan3A_68, %scan3A_69 : i32
      %scan3A_71 = arith.constant 1 : i32
      %scan3A_72 = scf.for %scan3A_195 = %scan3A_68 to %scan3A_70 step %scan3A_71 iter_args(%scan3A_196 = %scan3A_67) -> (i32)  : i32 {
        %mul3A_197 = arith.constant 4 : i32
        %mul3A_198 = arith.muli %scan3A_195, %mul3A_197 : i32
        %add3A_199 = arith.constant 0 : i32
        %add3A_200 = arith.addi %mul3A_198, %add3A_199 : i32
        %mul3A_201 = arith.constant 2049 : i32
        %mul3A_202 = vector.broadcast %mul3A_201 : i32 to vector<16xi32>
        %mul3A_203 = arith.muli %iota3A, %mul3A_202 : vector<16xi32>
        %add3A_204 = vector.broadcast %add3A_200 : i32 to vector<16xi32>
        %add3A_205 = arith.addi %mul3A_203, %add3A_204 : vector<16xi32>
        %gather3A = tpu.vector_load_idx %arg7[%add3A_205] : memref<32784xi32, #tpu.memory_space<vmem>>[vector<16xi32>], vector<16xi32>,
        %mul3A_206 = arith.constant 2048 : i32
        %mul3A_207 = vector.broadcast %mul3A_206 : i32 to vector<16xi32>
        %mul3A_208 = arith.muli %iota3A, %mul3A_207 : vector<16xi32>
        %add3A_209 = vector.broadcast %add3A_200 : i32 to vector<16xi32>
        %add3A_210 = arith.addi %mul3A_208, %add3A_209 : vector<16xi32>
        %and3A = vector.broadcast %scan3A_64 : i32 to vector<16xi32>
        %and3A_211 = arith.andi %gather3A, %and3A : vector<16xi32>
        %shift_right_logical3A = arith.constant 8 : i32
        %shift_right_logical3A_212 = vector.broadcast %shift_right_logical3A : i32 to vector<16xi32>
        %shift_right_logical3A_213 = arith.shrui %gather3A, %shift_right_logical3A_212 : vector<16xi32>
        %and3A_214 = vector.broadcast %scan3A_64 : i32 to vector<16xi32>
        %and3A_215 = arith.andi %shift_right_logical3A_213, %and3A_214 : vector<16xi32>
        %shift_right_logical3A_216 = arith.constant 16 : i32
        %shift_right_logical3A_217 = vector.broadcast %shift_right_logical3A_216 : i32 to vector<16xi32>
        %shift_right_logical3A_218 = arith.shrui %gather3A, %shift_right_logical3A_217 : vector<16xi32>
        %and3A_219 = vector.broadcast %scan3A_64 : i32 to vector<16xi32>
        %and3A_220 = arith.andi %shift_right_logical3A_218, %and3A_219 : vector<16xi32>
        %shift_left3A = vector.broadcast %scan3A_65 : i32 to vector<16xi32>
        %shift_left3A_221 = arith.shli %and3A_220, %shift_left3A : vector<16xi32>
        %shift_left3A_222 = vector.broadcast %scan3A_66 : i32 to vector<16xi32>
        %shift_left3A_223 = arith.shli %and3A_215, %shift_left3A_222 : vector<16xi32>
        %or3A = arith.ori %shift_left3A_221, %shift_left3A_223 : vector<16xi32>
        %or3A_224 = arith.ori %or3A, %add3A_210 : vector<16xi32>
        %mul3A_225 = arith.constant 4 : i32
        %mul3A_226 = arith.muli %scan3A_195, %mul3A_225 : i32
        %add3A_227 = arith.constant 1 : i32
        %add3A_228 = arith.addi %mul3A_226, %add3A_227 : i32
        %mul3A_229 = arith.constant 2049 : i32
        %mul3A_230 = vector.broadcast %mul3A_229 : i32 to vector<16xi32>
        %mul3A_231 = arith.muli %iota3A, %mul3A_230 : vector<16xi32>
        %add3A_232 = vector.broadcast %add3A_228 : i32 to vector<16xi32>
        %add3A_233 = arith.addi %mul3A_231, %add3A_232 : vector<16xi32>
        %gather3A_234 = tpu.vector_load_idx %arg7[%add3A_233] : memref<32784xi32, #tpu.memory_space<vmem>>[vector<16xi32>], vector<16xi32>,
        %mul3A_235 = arith.constant 2048 : i32
        %mul3A_236 = vector.broadcast %mul3A_235 : i32 to vector<16xi32>
        %mul3A_237 = arith.muli %iota3A, %mul3A_236 : vector<16xi32>
        %add3A_238 = vector.broadcast %add3A_228 : i32 to vector<16xi32>
        %add3A_239 = arith.addi %mul3A_237, %add3A_238 : vector<16xi32>
        %and3A_240 = vector.broadcast %scan3A_64 : i32 to vector<16xi32>
        %and3A_241 = arith.andi %gather3A_234, %and3A_240 : vector<16xi32>
        %shift_right_logical3A_242 = arith.constant 8 : i32
        %shift_right_logical3A_243 = vector.broadcast %shift_right_logical3A_242 : i32 to vector<16xi32>
        %shift_right_logical3A_244 = arith.shrui %gather3A_234, %shift_right_logical3A_243 : vector<16xi32>
        %and3A_245 = vector.broadcast %scan3A_64 : i32 to vector<16xi32>
        %and3A_246 = arith.andi %shift_right_logical3A_244, %and3A_245 : vector<16xi32>
        %shift_right_logical3A_247 = arith.constant 16 : i32
        %shift_right_logical3A_248 = vector.broadcast %shift_right_logical3A_247 : i32 to vector<16xi32>
        %shift_right_logical3A_249 = arith.shrui %gather3A_234, %shift_right_logical3A_248 : vector<16xi32>
        %and3A_250 = vector.broadcast %scan3A_64 : i32 to vector<16xi32>
        %and3A_251 = arith.andi %shift_right_logical3A_249, %and3A_250 : vector<16xi32>
        %shift_left3A_252 = vector.broadcast %scan3A_65 : i32 to vector<16xi32>
        %shift_left3A_253 = arith.shli %and3A_251, %shift_left3A_252 : vector<16xi32>
        %shift_left3A_254 = vector.broadcast %scan3A_66 : i32 to vector<16xi32>
        %shift_left3A_255 = arith.shli %and3A_246, %shift_left3A_254 : vector<16xi32>
        %or3A_256 = arith.ori %shift_left3A_253, %shift_left3A_255 : vector<16xi32>
        %or3A_257 = arith.ori %or3A_256, %add3A_239 : vector<16xi32>
        %mul3A_258 = arith.constant 4 : i32
        %mul3A_259 = arith.muli %scan3A_195, %mul3A_258 : i32
        %add3A_260 = arith.constant 2 : i32
        %add3A_261 = arith.addi %mul3A_259, %add3A_260 : i32
        %mul3A_262 = arith.constant 2049 : i32
        %mul3A_263 = vector.broadcast %mul3A_262 : i32 to vector<16xi32>
        %mul3A_264 = arith.muli %iota3A, %mul3A_263 : vector<16xi32>
        %add3A_265 = vector.broadcast %add3A_261 : i32 to vector<16xi32>
        %add3A_266 = arith.addi %mul3A_264, %add3A_265 : vector<16xi32>
        %gather3A_267 = tpu.vector_load_idx %arg7[%add3A_266] : memref<32784xi32, #tpu.memory_space<vmem>>[vector<16xi32>], vector<16xi32>,
        %mul3A_268 = arith.constant 2048 : i32
        %mul3A_269 = vector.broadcast %mul3A_268 : i32 to vector<16xi32>
        %mul3A_270 = arith.muli %iota3A, %mul3A_269 : vector<16xi32>
        %add3A_271 = vector.broadcast %add3A_261 : i32 to vector<16xi32>
        %add3A_272 = arith.addi %mul3A_270, %add3A_271 : vector<16xi32>
        %and3A_273 = vector.broadcast %scan3A_64 : i32 to vector<16xi32>
        %and3A_274 = arith.andi %gather3A_267, %and3A_273 : vector<16xi32>
        %shift_right_logical3A_275 = arith.constant 8 : i32
        %shift_right_logical3A_276 = vector.broadcast %shift_right_logical3A_275 : i32 to vector<16xi32>
        %shift_right_logical3A_277 = arith.shrui %gather3A_267, %shift_right_logical3A_276 : vector<16xi32>
        %and3A_278 = vector.broadcast %scan3A_64 : i32 to vector<16xi32>
        %and3A_279 = arith.andi %shift_right_logical3A_277, %and3A_278 : vector<16xi32>
        %shift_right_logical3A_280 = arith.constant 16 : i32
        %shift_right_logical3A_281 = vector.broadcast %shift_right_logical3A_280 : i32 to vector<16xi32>
        %shift_right_logical3A_282 = arith.shrui %gather3A_267, %shift_right_logical3A_281 : vector<16xi32>
        %and3A_283 = vector.broadcast %scan3A_64 : i32 to vector<16xi32>
        %and3A_284 = arith.andi %shift_right_logical3A_282, %and3A_283 : vector<16xi32>
        %shift_left3A_285 = vector.broadcast %scan3A_65 : i32 to vector<16xi32>
        %shift_left3A_286 = arith.shli %and3A_284, %shift_left3A_285 : vector<16xi32>
        %shift_left3A_287 = vector.broadcast %scan3A_66 : i32 to vector<16xi32>
        %shift_left3A_288 = arith.shli %and3A_279, %shift_left3A_287 : vector<16xi32>
        %or3A_289 = arith.ori %shift_left3A_286, %shift_left3A_288 : vector<16xi32>
        %or3A_290 = arith.ori %or3A_289, %add3A_272 : vector<16xi32>
        %mul3A_291 = arith.constant 4 : i32
        %mul3A_292 = arith.muli %scan3A_195, %mul3A_291 : i32
        %add3A_293 = arith.constant 3 : i32
        %add3A_294 = arith.addi %mul3A_292, %add3A_293 : i32
        %mul3A_295 = arith.constant 2049 : i32
        %mul3A_296 = vector.broadcast %mul3A_295 : i32 to vector<16xi32>
        %mul3A_297 = arith.muli %iota3A, %mul3A_296 : vector<16xi32>
        %add3A_298 = vector.broadcast %add3A_294 : i32 to vector<16xi32>
        %add3A_299 = arith.addi %mul3A_297, %add3A_298 : vector<16xi32>
        %gather3A_300 = tpu.vector_load_idx %arg7[%add3A_299] : memref<32784xi32, #tpu.memory_space<vmem>>[vector<16xi32>], vector<16xi32>,
        %mul3A_301 = arith.constant 2048 : i32
        %mul3A_302 = vector.broadcast %mul3A_301 : i32 to vector<16xi32>
        %mul3A_303 = arith.muli %iota3A, %mul3A_302 : vector<16xi32>
        %add3A_304 = vector.broadcast %add3A_294 : i32 to vector<16xi32>
        %add3A_305 = arith.addi %mul3A_303, %add3A_304 : vector<16xi32>
        %and3A_306 = vector.broadcast %scan3A_64 : i32 to vector<16xi32>
        %and3A_307 = arith.andi %gather3A_300, %and3A_306 : vector<16xi32>
        %shift_right_logical3A_308 = arith.constant 8 : i32
        %shift_right_logical3A_309 = vector.broadcast %shift_right_logical3A_308 : i32 to vector<16xi32>
        %shift_right_logical3A_310 = arith.shrui %gather3A_300, %shift_right_logical3A_309 : vector<16xi32>
        %and3A_311 = vector.broadcast %scan3A_64 : i32 to vector<16xi32>
        %and3A_312 = arith.andi %shift_right_logical3A_310, %and3A_311 : vector<16xi32>
        %shift_right_logical3A_313 = arith.constant 16 : i32
        %shift_right_logical3A_314 = vector.broadcast %shift_right_logical3A_313 : i32 to vector<16xi32>
        %shift_right_logical3A_315 = arith.shrui %gather3A_300, %shift_right_logical3A_314 : vector<16xi32>
        %and3A_316 = vector.broadcast %scan3A_64 : i32 to vector<16xi32>
        %and3A_317 = arith.andi %shift_right_logical3A_315, %and3A_316 : vector<16xi32>
        %shift_left3A_318 = vector.broadcast %scan3A_65 : i32 to vector<16xi32>
        %shift_left3A_319 = arith.shli %and3A_317, %shift_left3A_318 : vector<16xi32>
        %shift_left3A_320 = vector.broadcast %scan3A_66 : i32 to vector<16xi32>
        %shift_left3A_321 = arith.shli %and3A_312, %shift_left3A_320 : vector<16xi32>
        %or3A_322 = arith.ori %shift_left3A_319, %shift_left3A_321 : vector<16xi32>
        %or3A_323 = arith.ori %or3A_322, %add3A_305 : vector<16xi32>
        %mul3A_324 = arith.constant 16 : i32
        %mul3A_325 = vector.broadcast %mul3A_324 : i32 to vector<16xi32>
        %mul3A_326 = arith.muli %and3A_211, %mul3A_325 : vector<16xi32>
        %add3A_327 = arith.addi %mul3A_326, %iota3A : vector<16xi32>
        %gather3A_328 = tpu.vector_load_idx %arg8[%add3A_327] : memref<4096xi32, #tpu.memory_space<vmem>>[vector<16xi32>], vector<16xi32>,
        %mul3A_329 = arith.constant 16 : i32
        %mul3A_330 = vector.broadcast %mul3A_329 : i32 to vector<16xi32>
        %mul3A_331 = arith.muli %and3A_241, %mul3A_330 : vector<16xi32>
        %add3A_332 = arith.addi %mul3A_331, %iota3A : vector<16xi32>
        %gather3A_333 = tpu.vector_load_idx %arg8[%add3A_332] : memref<4096xi32, #tpu.memory_space<vmem>>[vector<16xi32>], vector<16xi32>,
        %mul3A_334 = arith.constant 16 : i32
        %mul3A_335 = vector.broadcast %mul3A_334 : i32 to vector<16xi32>
        %mul3A_336 = arith.muli %and3A_274, %mul3A_335 : vector<16xi32>
        %add3A_337 = arith.addi %mul3A_336, %iota3A : vector<16xi32>
        %gather3A_338 = tpu.vector_load_idx %arg8[%add3A_337] : memref<4096xi32, #tpu.memory_space<vmem>>[vector<16xi32>], vector<16xi32>,
        %mul3A_339 = arith.constant 16 : i32
        %mul3A_340 = vector.broadcast %mul3A_339 : i32 to vector<16xi32>
        %mul3A_341 = arith.muli %and3A_307, %mul3A_340 : vector<16xi32>
        %add3A_342 = arith.addi %mul3A_341, %iota3A : vector<16xi32>
        %gather3A_343 = tpu.vector_load_idx %arg8[%add3A_342] : memref<4096xi32, #tpu.memory_space<vmem>>[vector<16xi32>], vector<16xi32>,
        %eq3A = arith.cmpi eq, %and3A_211, %and3A_241 : vector<16xi32>
        %eq3A_344 = arith.cmpi eq, %and3A_211, %and3A_274 : vector<16xi32>
        %eq3A_345 = arith.cmpi eq, %and3A_211, %and3A_307 : vector<16xi32>
        %eq3A_346 = arith.cmpi eq, %and3A_241, %and3A_274 : vector<16xi32>
        %eq3A_347 = arith.cmpi eq, %and3A_241, %and3A_307 : vector<16xi32>
        %eq3A_348 = arith.cmpi eq, %and3A_274, %and3A_307 : vector<16xi32>
        %broadcast_in_dim3A_349 = arith.constant 0 : i32
        %broadcast_in_dim3A_350 = vector.broadcast %broadcast_in_dim3A_349 : i32 to vector<16xi32>
        %add3A_351 = arith.addi %gather3A_328, %broadcast_in_dim3A_350 : vector<16xi32>
        %broadcast_in_dim3A_352 = arith.constant true
        %broadcast_in_dim3A_353 = vector.broadcast %broadcast_in_dim3A_352 : i1 to vector<16xi1>
        %not3A = arith.constant dense<true> : vector<16xi1>
        %not3A_354 = arith.xori %eq3A, %not3A : vector<16xi1>
        %and3A_355 = arith.andi %broadcast_in_dim3A_353, %not3A_354 : vector<16xi1>
        %not3A_356 = arith.constant dense<true> : vector<16xi1>
        %not3A_357 = arith.xori %eq3A_344, %not3A_356 : vector<16xi1>
        %and3A_358 = arith.andi %and3A_355, %not3A_357 : vector<16xi1>
        %not3A_359 = arith.constant dense<true> : vector<16xi1>
        %not3A_360 = arith.xori %eq3A_345, %not3A_359 : vector<16xi1>
        %and3A_361 = arith.andi %and3A_358, %not3A_360 : vector<16xi1>
        %mul3A_362 = arith.constant 16 : i32
        %mul3A_363 = vector.broadcast %mul3A_362 : i32 to vector<16xi32>
        %mul3A_364 = arith.muli %and3A_211, %mul3A_363 : vector<16xi32>
        %add3A_365 = arith.addi %mul3A_364, %iota3A : vector<16xi32>
        %add3A_366 = arith.addi %add3A_351, %broadcast_in_dim3A_0 : vector<16xi32>
        tpu.vector_store_idx %arg8[%add3A_365], %add3A_366 masked %and3A_361 : memref<4096xi32, #tpu.memory_space<vmem>>[vector<16xi32>], vector<16xi32>, vector<16xi1>
        %and3A_367 = arith.constant 2047 : i32
        %and3A_368 = vector.broadcast %and3A_367 : i32 to vector<16xi32>
        %and3A_369 = arith.andi %add3A_351, %and3A_368 : vector<16xi32>
        %shift_left3A_370 = arith.constant 4 : i32
        %shift_left3A_371 = vector.broadcast %shift_left3A_370 : i32 to vector<16xi32>
        %shift_left3A_372 = arith.shli %and3A_369, %shift_left3A_371 : vector<16xi32>
        %shift_right_logical3A_373 = arith.constant 11 : i32
        %shift_right_logical3A_374 = vector.broadcast %shift_right_logical3A_373 : i32 to vector<16xi32>
        %shift_right_logical3A_375 = arith.shrui %add3A_351, %shift_right_logical3A_374 : vector<16xi32>
        %or3A_376 = arith.ori %shift_left3A_372, %shift_right_logical3A_375 : vector<16xi32>
        %bitcast3A = vector.bitcast %or3A_224 : vector<16xi32> to vector<16xf32>
        tpu.vector_store_idx %arg5[%or3A_376], %bitcast3A : memref<32768xf32, #tpu.memory_space<vmem>>[vector<16xi32>], vector<16xf32>,
        %broadcast_in_dim3A_377 = arith.constant 0 : i32
        %broadcast_in_dim3A_378 = vector.broadcast %broadcast_in_dim3A_377 : i32 to vector<16xi32>
        %jit3A = arith.constant 1 : i32
        %jit3A_379 = arith.constant 0 : i32
        %broadcast_in_dim3A_380 = vector.broadcast %jit3A : i32 to vector<16xi32>
        %broadcast_in_dim3A_381 = vector.broadcast %jit3A_379 : i32 to vector<16xi32>
        %select_n3A = arith.select %eq3A, %broadcast_in_dim3A_380, %broadcast_in_dim3A_381 : vector<16xi1>, vector<16xi32>
        %add3A_382 = arith.addi %broadcast_in_dim3A_378, %select_n3A : vector<16xi32>
        %add3A_383 = arith.addi %gather3A_333, %add3A_382 : vector<16xi32>
        %broadcast_in_dim3A_384 = arith.constant true
        %broadcast_in_dim3A_385 = vector.broadcast %broadcast_in_dim3A_384 : i1 to vector<16xi1>
        %not3A_386 = arith.constant dense<true> : vector<16xi1>
        %not3A_387 = arith.xori %eq3A_346, %not3A_386 : vector<16xi1>
        %and3A_388 = arith.andi %broadcast_in_dim3A_385, %not3A_387 : vector<16xi1>
        %not3A_389 = arith.constant dense<true> : vector<16xi1>
        %not3A_390 = arith.xori %eq3A_347, %not3A_389 : vector<16xi1>
        %and3A_391 = arith.andi %and3A_388, %not3A_390 : vector<16xi1>
        %mul3A_392 = arith.constant 16 : i32
        %mul3A_393 = vector.broadcast %mul3A_392 : i32 to vector<16xi32>
        %mul3A_394 = arith.muli %and3A_241, %mul3A_393 : vector<16xi32>
        %add3A_395 = arith.addi %mul3A_394, %iota3A : vector<16xi32>
        %add3A_396 = arith.addi %add3A_383, %broadcast_in_dim3A_0 : vector<16xi32>
        tpu.vector_store_idx %arg8[%add3A_395], %add3A_396 masked %and3A_391 : memref<4096xi32, #tpu.memory_space<vmem>>[vector<16xi32>], vector<16xi32>, vector<16xi1>
        %and3A_397 = arith.constant 2047 : i32
        %and3A_398 = vector.broadcast %and3A_397 : i32 to vector<16xi32>
        %and3A_399 = arith.andi %add3A_383, %and3A_398 : vector<16xi32>
        %shift_left3A_400 = arith.constant 4 : i32
        %shift_left3A_401 = vector.broadcast %shift_left3A_400 : i32 to vector<16xi32>
        %shift_left3A_402 = arith.shli %and3A_399, %shift_left3A_401 : vector<16xi32>
        %shift_right_logical3A_403 = arith.constant 11 : i32
        %shift_right_logical3A_404 = vector.broadcast %shift_right_logical3A_403 : i32 to vector<16xi32>
        %shift_right_logical3A_405 = arith.shrui %add3A_383, %shift_right_logical3A_404 : vector<16xi32>
        %or3A_406 = arith.ori %shift_left3A_402, %shift_right_logical3A_405 : vector<16xi32>
        %bitcast3A_407 = vector.bitcast %or3A_257 : vector<16xi32> to vector<16xf32>
        tpu.vector_store_idx %arg5[%or3A_406], %bitcast3A_407 : memref<32768xf32, #tpu.memory_space<vmem>>[vector<16xi32>], vector<16xf32>,
        %broadcast_in_dim3A_408 = arith.constant 0 : i32
        %broadcast_in_dim3A_409 = vector.broadcast %broadcast_in_dim3A_408 : i32 to vector<16xi32>
        %jit3A_410 = arith.constant 1 : i32
        %jit3A_411 = arith.constant 0 : i32
        %broadcast_in_dim3A_412 = vector.broadcast %jit3A_410 : i32 to vector<16xi32>
        %broadcast_in_dim3A_413 = vector.broadcast %jit3A_411 : i32 to vector<16xi32>
        %select_n3A_414 = arith.select %eq3A_344, %broadcast_in_dim3A_412, %broadcast_in_dim3A_413 : vector<16xi1>, vector<16xi32>
        %add3A_415 = arith.addi %broadcast_in_dim3A_409, %select_n3A_414 : vector<16xi32>
        %jit3A_416 = arith.constant 1 : i32
        %jit3A_417 = arith.constant 0 : i32
        %broadcast_in_dim3A_418 = vector.broadcast %jit3A_416 : i32 to vector<16xi32>
        %broadcast_in_dim3A_419 = vector.broadcast %jit3A_417 : i32 to vector<16xi32>
        %select_n3A_420 = arith.select %eq3A_346, %broadcast_in_dim3A_418, %broadcast_in_dim3A_419 : vector<16xi1>, vector<16xi32>
        %add3A_421 = arith.addi %add3A_415, %select_n3A_420 : vector<16xi32>
        %add3A_422 = arith.addi %gather3A_338, %add3A_421 : vector<16xi32>
        %broadcast_in_dim3A_423 = arith.constant true
        %broadcast_in_dim3A_424 = vector.broadcast %broadcast_in_dim3A_423 : i1 to vector<16xi1>
        %not3A_425 = arith.constant dense<true> : vector<16xi1>
        %not3A_426 = arith.xori %eq3A_348, %not3A_425 : vector<16xi1>
        %and3A_427 = arith.andi %broadcast_in_dim3A_424, %not3A_426 : vector<16xi1>
        %mul3A_428 = arith.constant 16 : i32
        %mul3A_429 = vector.broadcast %mul3A_428 : i32 to vector<16xi32>
        %mul3A_430 = arith.muli %and3A_274, %mul3A_429 : vector<16xi32>
        %add3A_431 = arith.addi %mul3A_430, %iota3A : vector<16xi32>
        %add3A_432 = arith.addi %add3A_422, %broadcast_in_dim3A_0 : vector<16xi32>
        tpu.vector_store_idx %arg8[%add3A_431], %add3A_432 masked %and3A_427 : memref<4096xi32, #tpu.memory_space<vmem>>[vector<16xi32>], vector<16xi32>, vector<16xi1>
        %and3A_433 = arith.constant 2047 : i32
        %and3A_434 = vector.broadcast %and3A_433 : i32 to vector<16xi32>
        %and3A_435 = arith.andi %add3A_422, %and3A_434 : vector<16xi32>
        %shift_left3A_436 = arith.constant 4 : i32
        %shift_left3A_437 = vector.broadcast %shift_left3A_436 : i32 to vector<16xi32>
        %shift_left3A_438 = arith.shli %and3A_435, %shift_left3A_437 : vector<16xi32>
        %shift_right_logical3A_439 = arith.constant 11 : i32
        %shift_right_logical3A_440 = vector.broadcast %shift_right_logical3A_439 : i32 to vector<16xi32>
        %shift_right_logical3A_441 = arith.shrui %add3A_422, %shift_right_logical3A_440 : vector<16xi32>
        %or3A_442 = arith.ori %shift_left3A_438, %shift_right_logical3A_441 : vector<16xi32>
        %bitcast3A_443 = vector.bitcast %or3A_290 : vector<16xi32> to vector<16xf32>
        tpu.vector_store_idx %arg5[%or3A_442], %bitcast3A_443 : memref<32768xf32, #tpu.memory_space<vmem>>[vector<16xi32>], vector<16xf32>,
        %broadcast_in_dim3A_444 = arith.constant 0 : i32
        %broadcast_in_dim3A_445 = vector.broadcast %broadcast_in_dim3A_444 : i32 to vector<16xi32>
        %jit3A_446 = arith.constant 1 : i32
        %jit3A_447 = arith.constant 0 : i32
        %broadcast_in_dim3A_448 = vector.broadcast %jit3A_446 : i32 to vector<16xi32>
        %broadcast_in_dim3A_449 = vector.broadcast %jit3A_447 : i32 to vector<16xi32>
        %select_n3A_450 = arith.select %eq3A_345, %broadcast_in_dim3A_448, %broadcast_in_dim3A_449 : vector<16xi1>, vector<16xi32>
        %add3A_451 = arith.addi %broadcast_in_dim3A_445, %select_n3A_450 : vector<16xi32>
        %jit3A_452 = arith.constant 1 : i32
        %jit3A_453 = arith.constant 0 : i32
        %broadcast_in_dim3A_454 = vector.broadcast %jit3A_452 : i32 to vector<16xi32>
        %broadcast_in_dim3A_455 = vector.broadcast %jit3A_453 : i32 to vector<16xi32>
        %select_n3A_456 = arith.select %eq3A_347, %broadcast_in_dim3A_454, %broadcast_in_dim3A_455 : vector<16xi1>, vector<16xi32>
        %add3A_457 = arith.addi %add3A_451, %select_n3A_456 : vector<16xi32>
        %jit3A_458 = arith.constant 1 : i32
        %jit3A_459 = arith.constant 0 : i32
        %broadcast_in_dim3A_460 = vector.broadcast %jit3A_458 : i32 to vector<16xi32>
        %broadcast_in_dim3A_461 = vector.broadcast %jit3A_459 : i32 to vector<16xi32>
        %select_n3A_462 = arith.select %eq3A_348, %broadcast_in_dim3A_460, %broadcast_in_dim3A_461 : vector<16xi1>, vector<16xi32>
        %add3A_463 = arith.addi %add3A_457, %select_n3A_462 : vector<16xi32>
        %add3A_464 = arith.addi %gather3A_343, %add3A_463 : vector<16xi32>
        %broadcast_in_dim3A_465 = arith.constant true
        %broadcast_in_dim3A_466 = vector.broadcast %broadcast_in_dim3A_465 : i1 to vector<16xi1>
        %mul3A_467 = arith.constant 16 : i32
        %mul3A_468 = vector.broadcast %mul3A_467 : i32 to vector<16xi32>
        %mul3A_469 = arith.muli %and3A_307, %mul3A_468 : vector<16xi32>
        %add3A_470 = arith.addi %mul3A_469, %iota3A : vector<16xi32>
        %add3A_471 = arith.addi %add3A_464, %broadcast_in_dim3A_0 : vector<16xi32>
        tpu.vector_store_idx %arg8[%add3A_470], %add3A_471 masked %broadcast_in_dim3A_466 : memref<4096xi32, #tpu.memory_space<vmem>>[vector<16xi32>], vector<16xi32>, vector<16xi1>
        %and3A_472 = arith.constant 2047 : i32
        %and3A_473 = vector.broadcast %and3A_472 : i32 to vector<16xi32>
        %and3A_474 = arith.andi %add3A_464, %and3A_473 : vector<16xi32>
        %shift_left3A_475 = arith.constant 4 : i32
        %shift_left3A_476 = vector.broadcast %shift_left3A_475 : i32 to vector<16xi32>
        %shift_left3A_477 = arith.shli %and3A_474, %shift_left3A_476 : vector<16xi32>
        %shift_right_logical3A_478 = arith.constant 11 : i32
        %shift_right_logical3A_479 = vector.broadcast %shift_right_logical3A_478 : i32 to vector<16xi32>
        %shift_right_logical3A_480 = arith.shrui %add3A_464, %shift_right_logical3A_479 : vector<16xi32>
        %or3A_481 = arith.ori %shift_left3A_477, %shift_right_logical3A_480 : vector<16xi32>
        %bitcast3A_482 = vector.bitcast %or3A_323 : vector<16xi32> to vector<16xf32>
        tpu.vector_store_idx %arg5[%or3A_481], %bitcast3A_482 : memref<32768xf32, #tpu.memory_space<vmem>>[vector<16xi32>], vector<16xf32>,
        %scan3A_483 = arith.constant 0 : i32
        scf.yield %scan3A_483 : i32
      }
      %scan3A_73 = arith.constant 512 : i32
      %gt3A = arith.constant 0 : i32
      %gt3A_74 = arith.cmpi sgt, %scan3A_15, %gt3A : i32
      %convert_element_type3A = arith.extui %gt3A_74 : i1 to i32
      %cond3A = arith.constant 0 : i32
      %cond3A_75 = arith.cmpi ne, %convert_element_type3A, %cond3A : i32
      scf.if %cond3A_75 {
        %dma_wait3A_195 = arith.constant 0 : i32
        %dma_wait3A_196 = tpu.memref_slice %arg4[%add3A_19, %dma_wait3A_195] : memref<128x32768xi32, #tpu.memory_space<hbm>> -> memref<1x32768xi32, #tpu.memory_space<hbm>>
        %dma_wait3A_197 = tpu.memref_squeeze %dma_wait3A_196 : memref<1x32768xi32, #tpu.memory_space<hbm>> -> memref<32768xi32, #tpu.memory_space<hbm>>
        %dma_wait3A_198 = arith.constant 0 : i32
        %dma_wait3A_199 = tpu.memref_slice %arg4[%add3A_19, %dma_wait3A_198] : memref<128x32768xi32, #tpu.memory_space<hbm>> -> memref<1x32768xi32, #tpu.memory_space<hbm>>
        %dma_wait3A_200 = tpu.memref_squeeze %dma_wait3A_199 : memref<1x32768xi32, #tpu.memory_space<hbm>> -> memref<32768xi32, #tpu.memory_space<hbm>>
        tpu.wait_dma2 semaphore(%arg9 : memref<!tpu.dma_semaphore, #tpu.memory_space<semaphore_mem>>) src(%arg6 : memref<32768xi32, #tpu.memory_space<vmem>>) dst(%dma_wait3A_200 : memref<32768xi32, #tpu.memory_space<hbm>>)
      } else {
      }
      %scan3A_76 = arith.constant 0 : i32
      %scan3A_77 = arith.constant 0 : i32
      %scan3A_78 = arith.constant 256 : i32
      %scan3A_79 = arith.addi %scan3A_77, %scan3A_78 : i32
      %scan3A_80 = arith.constant 1 : i32
      %scan3A_81 = scf.for %scan3A_195 = %scan3A_77 to %scan3A_79 step %scan3A_80 iter_args(%scan3A_196 = %scan3A_76) -> (i32)  : i32 {
        %broadcast_in_dim3A_197 = arith.constant 0 : i32
        %broadcast_in_dim3A_198 = vector.broadcast %broadcast_in_dim3A_197 : i32 to vector<16xi32>
        %mul3A_199 = arith.constant 16 : i32
        %mul3A_200 = arith.muli %scan3A_195, %mul3A_199 : i32
        %swap3A = arith.index_cast %mul3A_200 : i32 to index
        %swap3A_201 = tpu.vector_load %arg8[%swap3A] {strides = array<i32>} : memref<4096xi32, #tpu.memory_space<vmem>>, vector<16xi32>,
        tpu.vector_store %arg8[%swap3A], %broadcast_in_dim3A_198 {strides = array<i32>} : memref<4096xi32, #tpu.memory_space<vmem>>, vector<16xi32>,
        %scan3A_202 = arith.constant 0 : i32
        scf.yield %scan3A_202 : i32
      }
      %scan3A_82 = arith.constant 256 : i32
      %scan3A_83 = arith.constant 15 : i32
      %scan3A_84 = arith.constant 255 : i32
      %scan3A_85 = arith.constant 0 : i32
      %scan3A_86 = arith.constant 0 : i32
      %scan3A_87 = arith.constant 2048 : i32
      %scan3A_88 = arith.addi %scan3A_86, %scan3A_87 : i32
      %scan3A_89 = arith.constant 16 : i32
      %scan3A_90 = scf.for %scan3A_195 = %scan3A_86 to %scan3A_88 step %scan3A_89 iter_args(%scan3A_196 = %scan3A_85) -> (i32)  : i32 {
        %mul3A_197 = arith.constant 16 : i32
        %mul3A_198 = arith.muli %scan3A_195, %mul3A_197 : i32
        %get3A = arith.index_cast %mul3A_198 : i32 to index
        %get3A_199 = tpu.vector_load %arg5[%get3A] {strides = array<i32>} : memref<32768xf32, #tpu.memory_space<vmem>>, vector<16xf32>,
        %bitcast3A = vector.bitcast %get3A_199 : vector<16xf32> to vector<16xi32>
        %shift_right_logical3A = vector.broadcast %scan3A_83 : i32 to vector<16xi32>
        %shift_right_logical3A_200 = arith.shrui %bitcast3A, %shift_right_logical3A : vector<16xi32>
        %and3A = vector.broadcast %scan3A_84 : i32 to vector<16xi32>
        %and3A_201 = arith.andi %shift_right_logical3A_200, %and3A : vector<16xi32>
        %mul3A_202 = arith.constant 16 : i32
        %mul3A_203 = vector.broadcast %mul3A_202 : i32 to vector<16xi32>
        %mul3A_204 = arith.muli %and3A_201, %mul3A_203 : vector<16xi32>
        %add3A_205 = arith.addi %mul3A_204, %iota3A : vector<16xi32>
        tpu.vector_store_idx %arg8[%add3A_205], %broadcast_in_dim3A_0 {add = true} : memref<4096xi32, #tpu.memory_space<vmem>>[vector<16xi32>], vector<16xi32>,
        %scan3A_206 = arith.constant 0 : i32
        %scan3A_207 = arith.constant 1 : i32
        %scan3A_208 = arith.addi %scan3A_195, %scan3A_207 : i32
        %mul3A_209 = arith.constant 16 : i32
        %mul3A_210 = arith.muli %scan3A_208, %mul3A_209 : i32
        %get3A_211 = arith.index_cast %mul3A_210 : i32 to index
        %get3A_212 = tpu.vector_load %arg5[%get3A_211] {strides = array<i32>} : memref<32768xf32, #tpu.memory_space<vmem>>, vector<16xf32>,
        %bitcast3A_213 = vector.bitcast %get3A_212 : vector<16xf32> to vector<16xi32>
        %shift_right_logical3A_214 = vector.broadcast %scan3A_83 : i32 to vector<16xi32>
        %shift_right_logical3A_215 = arith.shrui %bitcast3A_213, %shift_right_logical3A_214 : vector<16xi32>
        %and3A_216 = vector.broadcast %scan3A_84 : i32 to vector<16xi32>
        %and3A_217 = arith.andi %shift_right_logical3A_215, %and3A_216 : vector<16xi32>
        %mul3A_218 = arith.constant 16 : i32
        %mul3A_219 = vector.broadcast %mul3A_218 : i32 to vector<16xi32>
        %mul3A_220 = arith.muli %and3A_217, %mul3A_219 : vector<16xi32>
        %add3A_221 = arith.addi %mul3A_220, %iota3A : vector<16xi32>
        tpu.vector_store_idx %arg8[%add3A_221], %broadcast_in_dim3A_0 {add = true} : memref<4096xi32, #tpu.memory_space<vmem>>[vector<16xi32>], vector<16xi32>,
        %scan3A_222 = arith.constant 0 : i32
        %scan3A_223 = arith.constant 2 : i32
        %scan3A_224 = arith.addi %scan3A_195, %scan3A_223 : i32
        %mul3A_225 = arith.constant 16 : i32
        %mul3A_226 = arith.muli %scan3A_224, %mul3A_225 : i32
        %get3A_227 = arith.index_cast %mul3A_226 : i32 to index
        %get3A_228 = tpu.vector_load %arg5[%get3A_227] {strides = array<i32>} : memref<32768xf32, #tpu.memory_space<vmem>>, vector<16xf32>,
        %bitcast3A_229 = vector.bitcast %get3A_228 : vector<16xf32> to vector<16xi32>
        %shift_right_logical3A_230 = vector.broadcast %scan3A_83 : i32 to vector<16xi32>
        %shift_right_logical3A_231 = arith.shrui %bitcast3A_229, %shift_right_logical3A_230 : vector<16xi32>
        %and3A_232 = vector.broadcast %scan3A_84 : i32 to vector<16xi32>
        %and3A_233 = arith.andi %shift_right_logical3A_231, %and3A_232 : vector<16xi32>
        %mul3A_234 = arith.constant 16 : i32
        %mul3A_235 = vector.broadcast %mul3A_234 : i32 to vector<16xi32>
        %mul3A_236 = arith.muli %and3A_233, %mul3A_235 : vector<16xi32>
        %add3A_237 = arith.addi %mul3A_236, %iota3A : vector<16xi32>
        tpu.vector_store_idx %arg8[%add3A_237], %broadcast_in_dim3A_0 {add = true} : memref<4096xi32, #tpu.memory_space<vmem>>[vector<16xi32>], vector<16xi32>,
        %scan3A_238 = arith.constant 0 : i32
        %scan3A_239 = arith.constant 3 : i32
        %scan3A_240 = arith.addi %scan3A_195, %scan3A_239 : i32
        %mul3A_241 = arith.constant 16 : i32
        %mul3A_242 = arith.muli %scan3A_240, %mul3A_241 : i32
        %get3A_243 = arith.index_cast %mul3A_242 : i32 to index
        %get3A_244 = tpu.vector_load %arg5[%get3A_243] {strides = array<i32>} : memref<32768xf32, #tpu.memory_space<vmem>>, vector<16xf32>,
        %bitcast3A_245 = vector.bitcast %get3A_244 : vector<16xf32> to vector<16xi32>
        %shift_right_logical3A_246 = vector.broadcast %scan3A_83 : i32 to vector<16xi32>
        %shift_right_logical3A_247 = arith.shrui %bitcast3A_245, %shift_right_logical3A_246 : vector<16xi32>
        %and3A_248 = vector.broadcast %scan3A_84 : i32 to vector<16xi32>
        %and3A_249 = arith.andi %shift_right_logical3A_247, %and3A_248 : vector<16xi32>
        %mul3A_250 = arith.constant 16 : i32
        %mul3A_251 = vector.broadcast %mul3A_250 : i32 to vector<16xi32>
        %mul3A_252 = arith.muli %and3A_249, %mul3A_251 : vector<16xi32>
        %add3A_253 = arith.addi %mul3A_252, %iota3A : vector<16xi32>
        tpu.vector_store_idx %arg8[%add3A_253], %broadcast_in_dim3A_0 {add = true} : memref<4096xi32, #tpu.memory_space<vmem>>[vector<16xi32>], vector<16xi32>,
        %scan3A_254 = arith.constant 0 : i32
        %scan3A_255 = arith.constant 4 : i32
        %scan3A_256 = arith.addi %scan3A_195, %scan3A_255 : i32
        %mul3A_257 = arith.constant 16 : i32
        %mul3A_258 = arith.muli %scan3A_256, %mul3A_257 : i32
        %get3A_259 = arith.index_cast %mul3A_258 : i32 to index
        %get3A_260 = tpu.vector_load %arg5[%get3A_259] {strides = array<i32>} : memref<32768xf32, #tpu.memory_space<vmem>>, vector<16xf32>,
        %bitcast3A_261 = vector.bitcast %get3A_260 : vector<16xf32> to vector<16xi32>
        %shift_right_logical3A_262 = vector.broadcast %scan3A_83 : i32 to vector<16xi32>
        %shift_right_logical3A_263 = arith.shrui %bitcast3A_261, %shift_right_logical3A_262 : vector<16xi32>
        %and3A_264 = vector.broadcast %scan3A_84 : i32 to vector<16xi32>
        %and3A_265 = arith.andi %shift_right_logical3A_263, %and3A_264 : vector<16xi32>
        %mul3A_266 = arith.constant 16 : i32
        %mul3A_267 = vector.broadcast %mul3A_266 : i32 to vector<16xi32>
        %mul3A_268 = arith.muli %and3A_265, %mul3A_267 : vector<16xi32>
        %add3A_269 = arith.addi %mul3A_268, %iota3A : vector<16xi32>
        tpu.vector_store_idx %arg8[%add3A_269], %broadcast_in_dim3A_0 {add = true} : memref<4096xi32, #tpu.memory_space<vmem>>[vector<16xi32>], vector<16xi32>,
        %scan3A_270 = arith.constant 0 : i32
        %scan3A_271 = arith.constant 5 : i32
        %scan3A_272 = arith.addi %scan3A_195, %scan3A_271 : i32
        %mul3A_273 = arith.constant 16 : i32
        %mul3A_274 = arith.muli %scan3A_272, %mul3A_273 : i32
        %get3A_275 = arith.index_cast %mul3A_274 : i32 to index
        %get3A_276 = tpu.vector_load %arg5[%get3A_275] {strides = array<i32>} : memref<32768xf32, #tpu.memory_space<vmem>>, vector<16xf32>,
        %bitcast3A_277 = vector.bitcast %get3A_276 : vector<16xf32> to vector<16xi32>
        %shift_right_logical3A_278 = vector.broadcast %scan3A_83 : i32 to vector<16xi32>
        %shift_right_logical3A_279 = arith.shrui %bitcast3A_277, %shift_right_logical3A_278 : vector<16xi32>
        %and3A_280 = vector.broadcast %scan3A_84 : i32 to vector<16xi32>
        %and3A_281 = arith.andi %shift_right_logical3A_279, %and3A_280 : vector<16xi32>
        %mul3A_282 = arith.constant 16 : i32
        %mul3A_283 = vector.broadcast %mul3A_282 : i32 to vector<16xi32>
        %mul3A_284 = arith.muli %and3A_281, %mul3A_283 : vector<16xi32>
        %add3A_285 = arith.addi %mul3A_284, %iota3A : vector<16xi32>
        tpu.vector_store_idx %arg8[%add3A_285], %broadcast_in_dim3A_0 {add = true} : memref<4096xi32, #tpu.memory_space<vmem>>[vector<16xi32>], vector<16xi32>,
        %scan3A_286 = arith.constant 0 : i32
        %scan3A_287 = arith.constant 6 : i32
        %scan3A_288 = arith.addi %scan3A_195, %scan3A_287 : i32
        %mul3A_289 = arith.constant 16 : i32
        %mul3A_290 = arith.muli %scan3A_288, %mul3A_289 : i32
        %get3A_291 = arith.index_cast %mul3A_290 : i32 to index
        %get3A_292 = tpu.vector_load %arg5[%get3A_291] {strides = array<i32>} : memref<32768xf32, #tpu.memory_space<vmem>>, vector<16xf32>,
        %bitcast3A_293 = vector.bitcast %get3A_292 : vector<16xf32> to vector<16xi32>
        %shift_right_logical3A_294 = vector.broadcast %scan3A_83 : i32 to vector<16xi32>
        %shift_right_logical3A_295 = arith.shrui %bitcast3A_293, %shift_right_logical3A_294 : vector<16xi32>
        %and3A_296 = vector.broadcast %scan3A_84 : i32 to vector<16xi32>
        %and3A_297 = arith.andi %shift_right_logical3A_295, %and3A_296 : vector<16xi32>
        %mul3A_298 = arith.constant 16 : i32
        %mul3A_299 = vector.broadcast %mul3A_298 : i32 to vector<16xi32>
        %mul3A_300 = arith.muli %and3A_297, %mul3A_299 : vector<16xi32>
        %add3A_301 = arith.addi %mul3A_300, %iota3A : vector<16xi32>
        tpu.vector_store_idx %arg8[%add3A_301], %broadcast_in_dim3A_0 {add = true} : memref<4096xi32, #tpu.memory_space<vmem>>[vector<16xi32>], vector<16xi32>,
        %scan3A_302 = arith.constant 0 : i32
        %scan3A_303 = arith.constant 7 : i32
        %scan3A_304 = arith.addi %scan3A_195, %scan3A_303 : i32
        %mul3A_305 = arith.constant 16 : i32
        %mul3A_306 = arith.muli %scan3A_304, %mul3A_305 : i32
        %get3A_307 = arith.index_cast %mul3A_306 : i32 to index
        %get3A_308 = tpu.vector_load %arg5[%get3A_307] {strides = array<i32>} : memref<32768xf32, #tpu.memory_space<vmem>>, vector<16xf32>,
        %bitcast3A_309 = vector.bitcast %get3A_308 : vector<16xf32> to vector<16xi32>
        %shift_right_logical3A_310 = vector.broadcast %scan3A_83 : i32 to vector<16xi32>
        %shift_right_logical3A_311 = arith.shrui %bitcast3A_309, %shift_right_logical3A_310 : vector<16xi32>
        %and3A_312 = vector.broadcast %scan3A_84 : i32 to vector<16xi32>
        %and3A_313 = arith.andi %shift_right_logical3A_311, %and3A_312 : vector<16xi32>
        %mul3A_314 = arith.constant 16 : i32
        %mul3A_315 = vector.broadcast %mul3A_314 : i32 to vector<16xi32>
        %mul3A_316 = arith.muli %and3A_313, %mul3A_315 : vector<16xi32>
        %add3A_317 = arith.addi %mul3A_316, %iota3A : vector<16xi32>
        tpu.vector_store_idx %arg8[%add3A_317], %broadcast_in_dim3A_0 {add = true} : memref<4096xi32, #tpu.memory_space<vmem>>[vector<16xi32>], vector<16xi32>,
        %scan3A_318 = arith.constant 0 : i32
        %scan3A_319 = arith.constant 8 : i32
        %scan3A_320 = arith.addi %scan3A_195, %scan3A_319 : i32
        %mul3A_321 = arith.constant 16 : i32
        %mul3A_322 = arith.muli %scan3A_320, %mul3A_321 : i32
        %get3A_323 = arith.index_cast %mul3A_322 : i32 to index
        %get3A_324 = tpu.vector_load %arg5[%get3A_323] {strides = array<i32>} : memref<32768xf32, #tpu.memory_space<vmem>>, vector<16xf32>,
        %bitcast3A_325 = vector.bitcast %get3A_324 : vector<16xf32> to vector<16xi32>
        %shift_right_logical3A_326 = vector.broadcast %scan3A_83 : i32 to vector<16xi32>
        %shift_right_logical3A_327 = arith.shrui %bitcast3A_325, %shift_right_logical3A_326 : vector<16xi32>
        %and3A_328 = vector.broadcast %scan3A_84 : i32 to vector<16xi32>
        %and3A_329 = arith.andi %shift_right_logical3A_327, %and3A_328 : vector<16xi32>
        %mul3A_330 = arith.constant 16 : i32
        %mul3A_331 = vector.broadcast %mul3A_330 : i32 to vector<16xi32>
        %mul3A_332 = arith.muli %and3A_329, %mul3A_331 : vector<16xi32>
        %add3A_333 = arith.addi %mul3A_332, %iota3A : vector<16xi32>
        tpu.vector_store_idx %arg8[%add3A_333], %broadcast_in_dim3A_0 {add = true} : memref<4096xi32, #tpu.memory_space<vmem>>[vector<16xi32>], vector<16xi32>,
        %scan3A_334 = arith.constant 0 : i32
        %scan3A_335 = arith.constant 9 : i32
        %scan3A_336 = arith.addi %scan3A_195, %scan3A_335 : i32
        %mul3A_337 = arith.constant 16 : i32
        %mul3A_338 = arith.muli %scan3A_336, %mul3A_337 : i32
        %get3A_339 = arith.index_cast %mul3A_338 : i32 to index
        %get3A_340 = tpu.vector_load %arg5[%get3A_339] {strides = array<i32>} : memref<32768xf32, #tpu.memory_space<vmem>>, vector<16xf32>,
        %bitcast3A_341 = vector.bitcast %get3A_340 : vector<16xf32> to vector<16xi32>
        %shift_right_logical3A_342 = vector.broadcast %scan3A_83 : i32 to vector<16xi32>
        %shift_right_logical3A_343 = arith.shrui %bitcast3A_341, %shift_right_logical3A_342 : vector<16xi32>
        %and3A_344 = vector.broadcast %scan3A_84 : i32 to vector<16xi32>
        %and3A_345 = arith.andi %shift_right_logical3A_343, %and3A_344 : vector<16xi32>
        %mul3A_346 = arith.constant 16 : i32
        %mul3A_347 = vector.broadcast %mul3A_346 : i32 to vector<16xi32>
        %mul3A_348 = arith.muli %and3A_345, %mul3A_347 : vector<16xi32>
        %add3A_349 = arith.addi %mul3A_348, %iota3A : vector<16xi32>
        tpu.vector_store_idx %arg8[%add3A_349], %broadcast_in_dim3A_0 {add = true} : memref<4096xi32, #tpu.memory_space<vmem>>[vector<16xi32>], vector<16xi32>,
        %scan3A_350 = arith.constant 0 : i32
        %scan3A_351 = arith.constant 10 : i32
        %scan3A_352 = arith.addi %scan3A_195, %scan3A_351 : i32
        %mul3A_353 = arith.constant 16 : i32
        %mul3A_354 = arith.muli %scan3A_352, %mul3A_353 : i32
        %get3A_355 = arith.index_cast %mul3A_354 : i32 to index
        %get3A_356 = tpu.vector_load %arg5[%get3A_355] {strides = array<i32>} : memref<32768xf32, #tpu.memory_space<vmem>>, vector<16xf32>,
        %bitcast3A_357 = vector.bitcast %get3A_356 : vector<16xf32> to vector<16xi32>
        %shift_right_logical3A_358 = vector.broadcast %scan3A_83 : i32 to vector<16xi32>
        %shift_right_logical3A_359 = arith.shrui %bitcast3A_357, %shift_right_logical3A_358 : vector<16xi32>
        %and3A_360 = vector.broadcast %scan3A_84 : i32 to vector<16xi32>
        %and3A_361 = arith.andi %shift_right_logical3A_359, %and3A_360 : vector<16xi32>
        %mul3A_362 = arith.constant 16 : i32
        %mul3A_363 = vector.broadcast %mul3A_362 : i32 to vector<16xi32>
        %mul3A_364 = arith.muli %and3A_361, %mul3A_363 : vector<16xi32>
        %add3A_365 = arith.addi %mul3A_364, %iota3A : vector<16xi32>
        tpu.vector_store_idx %arg8[%add3A_365], %broadcast_in_dim3A_0 {add = true} : memref<4096xi32, #tpu.memory_space<vmem>>[vector<16xi32>], vector<16xi32>,
        %scan3A_366 = arith.constant 0 : i32
        %scan3A_367 = arith.constant 11 : i32
        %scan3A_368 = arith.addi %scan3A_195, %scan3A_367 : i32
        %mul3A_369 = arith.constant 16 : i32
        %mul3A_370 = arith.muli %scan3A_368, %mul3A_369 : i32
        %get3A_371 = arith.index_cast %mul3A_370 : i32 to index
        %get3A_372 = tpu.vector_load %arg5[%get3A_371] {strides = array<i32>} : memref<32768xf32, #tpu.memory_space<vmem>>, vector<16xf32>,
        %bitcast3A_373 = vector.bitcast %get3A_372 : vector<16xf32> to vector<16xi32>
        %shift_right_logical3A_374 = vector.broadcast %scan3A_83 : i32 to vector<16xi32>
        %shift_right_logical3A_375 = arith.shrui %bitcast3A_373, %shift_right_logical3A_374 : vector<16xi32>
        %and3A_376 = vector.broadcast %scan3A_84 : i32 to vector<16xi32>
        %and3A_377 = arith.andi %shift_right_logical3A_375, %and3A_376 : vector<16xi32>
        %mul3A_378 = arith.constant 16 : i32
        %mul3A_379 = vector.broadcast %mul3A_378 : i32 to vector<16xi32>
        %mul3A_380 = arith.muli %and3A_377, %mul3A_379 : vector<16xi32>
        %add3A_381 = arith.addi %mul3A_380, %iota3A : vector<16xi32>
        tpu.vector_store_idx %arg8[%add3A_381], %broadcast_in_dim3A_0 {add = true} : memref<4096xi32, #tpu.memory_space<vmem>>[vector<16xi32>], vector<16xi32>,
        %scan3A_382 = arith.constant 0 : i32
        %scan3A_383 = arith.constant 12 : i32
        %scan3A_384 = arith.addi %scan3A_195, %scan3A_383 : i32
        %mul3A_385 = arith.constant 16 : i32
        %mul3A_386 = arith.muli %scan3A_384, %mul3A_385 : i32
        %get3A_387 = arith.index_cast %mul3A_386 : i32 to index
        %get3A_388 = tpu.vector_load %arg5[%get3A_387] {strides = array<i32>} : memref<32768xf32, #tpu.memory_space<vmem>>, vector<16xf32>,
        %bitcast3A_389 = vector.bitcast %get3A_388 : vector<16xf32> to vector<16xi32>
        %shift_right_logical3A_390 = vector.broadcast %scan3A_83 : i32 to vector<16xi32>
        %shift_right_logical3A_391 = arith.shrui %bitcast3A_389, %shift_right_logical3A_390 : vector<16xi32>
        %and3A_392 = vector.broadcast %scan3A_84 : i32 to vector<16xi32>
        %and3A_393 = arith.andi %shift_right_logical3A_391, %and3A_392 : vector<16xi32>
        %mul3A_394 = arith.constant 16 : i32
        %mul3A_395 = vector.broadcast %mul3A_394 : i32 to vector<16xi32>
        %mul3A_396 = arith.muli %and3A_393, %mul3A_395 : vector<16xi32>
        %add3A_397 = arith.addi %mul3A_396, %iota3A : vector<16xi32>
        tpu.vector_store_idx %arg8[%add3A_397], %broadcast_in_dim3A_0 {add = true} : memref<4096xi32, #tpu.memory_space<vmem>>[vector<16xi32>], vector<16xi32>,
        %scan3A_398 = arith.constant 0 : i32
        %scan3A_399 = arith.constant 13 : i32
        %scan3A_400 = arith.addi %scan3A_195, %scan3A_399 : i32
        %mul3A_401 = arith.constant 16 : i32
        %mul3A_402 = arith.muli %scan3A_400, %mul3A_401 : i32
        %get3A_403 = arith.index_cast %mul3A_402 : i32 to index
        %get3A_404 = tpu.vector_load %arg5[%get3A_403] {strides = array<i32>} : memref<32768xf32, #tpu.memory_space<vmem>>, vector<16xf32>,
        %bitcast3A_405 = vector.bitcast %get3A_404 : vector<16xf32> to vector<16xi32>
        %shift_right_logical3A_406 = vector.broadcast %scan3A_83 : i32 to vector<16xi32>
        %shift_right_logical3A_407 = arith.shrui %bitcast3A_405, %shift_right_logical3A_406 : vector<16xi32>
        %and3A_408 = vector.broadcast %scan3A_84 : i32 to vector<16xi32>
        %and3A_409 = arith.andi %shift_right_logical3A_407, %and3A_408 : vector<16xi32>
        %mul3A_410 = arith.constant 16 : i32
        %mul3A_411 = vector.broadcast %mul3A_410 : i32 to vector<16xi32>
        %mul3A_412 = arith.muli %and3A_409, %mul3A_411 : vector<16xi32>
        %add3A_413 = arith.addi %mul3A_412, %iota3A : vector<16xi32>
        tpu.vector_store_idx %arg8[%add3A_413], %broadcast_in_dim3A_0 {add = true} : memref<4096xi32, #tpu.memory_space<vmem>>[vector<16xi32>], vector<16xi32>,
        %scan3A_414 = arith.constant 0 : i32
        %scan3A_415 = arith.constant 14 : i32
        %scan3A_416 = arith.addi %scan3A_195, %scan3A_415 : i32
        %mul3A_417 = arith.constant 16 : i32
        %mul3A_418 = arith.muli %scan3A_416, %mul3A_417 : i32
        %get3A_419 = arith.index_cast %mul3A_418 : i32 to index
        %get3A_420 = tpu.vector_load %arg5[%get3A_419] {strides = array<i32>} : memref<32768xf32, #tpu.memory_space<vmem>>, vector<16xf32>,
        %bitcast3A_421 = vector.bitcast %get3A_420 : vector<16xf32> to vector<16xi32>
        %shift_right_logical3A_422 = vector.broadcast %scan3A_83 : i32 to vector<16xi32>
        %shift_right_logical3A_423 = arith.shrui %bitcast3A_421, %shift_right_logical3A_422 : vector<16xi32>
        %and3A_424 = vector.broadcast %scan3A_84 : i32 to vector<16xi32>
        %and3A_425 = arith.andi %shift_right_logical3A_423, %and3A_424 : vector<16xi32>
        %mul3A_426 = arith.constant 16 : i32
        %mul3A_427 = vector.broadcast %mul3A_426 : i32 to vector<16xi32>
        %mul3A_428 = arith.muli %and3A_425, %mul3A_427 : vector<16xi32>
        %add3A_429 = arith.addi %mul3A_428, %iota3A : vector<16xi32>
        tpu.vector_store_idx %arg8[%add3A_429], %broadcast_in_dim3A_0 {add = true} : memref<4096xi32, #tpu.memory_space<vmem>>[vector<16xi32>], vector<16xi32>,
        %scan3A_430 = arith.constant 0 : i32
        %scan3A_431 = arith.constant 15 : i32
        %scan3A_432 = arith.addi %scan3A_195, %scan3A_431 : i32
        %mul3A_433 = arith.constant 16 : i32
        %mul3A_434 = arith.muli %scan3A_432, %mul3A_433 : i32
        %get3A_435 = arith.index_cast %mul3A_434 : i32 to index
        %get3A_436 = tpu.vector_load %arg5[%get3A_435] {strides = array<i32>} : memref<32768xf32, #tpu.memory_space<vmem>>, vector<16xf32>,
        %bitcast3A_437 = vector.bitcast %get3A_436 : vector<16xf32> to vector<16xi32>
        %shift_right_logical3A_438 = vector.broadcast %scan3A_83 : i32 to vector<16xi32>
        %shift_right_logical3A_439 = arith.shrui %bitcast3A_437, %shift_right_logical3A_438 : vector<16xi32>
        %and3A_440 = vector.broadcast %scan3A_84 : i32 to vector<16xi32>
        %and3A_441 = arith.andi %shift_right_logical3A_439, %and3A_440 : vector<16xi32>
        %mul3A_442 = arith.constant 16 : i32
        %mul3A_443 = vector.broadcast %mul3A_442 : i32 to vector<16xi32>
        %mul3A_444 = arith.muli %and3A_441, %mul3A_443 : vector<16xi32>
        %add3A_445 = arith.addi %mul3A_444, %iota3A : vector<16xi32>
        tpu.vector_store_idx %arg8[%add3A_445], %broadcast_in_dim3A_0 {add = true} : memref<4096xi32, #tpu.memory_space<vmem>>[vector<16xi32>], vector<16xi32>,
        %scan3A_446 = arith.constant 0 : i32
        scf.yield %scan3A_446 : i32
      }
      %scan3A_91 = arith.constant 2048 : i32
      %scan3A_92 = arith.constant 0 : i32
      %scan3A_93 = arith.constant 0 : i32
      %scan3A_94 = arith.constant 64 : i32
      %scan3A_95 = arith.addi %scan3A_93, %scan3A_94 : i32
      %scan3A_96 = arith.constant 1 : i32
      %scan3A_97 = scf.for %scan3A_195 = %scan3A_93 to %scan3A_95 step %scan3A_96 iter_args(%scan3A_196 = %scan3A_92) -> (i32)  : i32 {
        %mul3A_197 = arith.constant 4 : i32
        %mul3A_198 = arith.muli %scan3A_195, %mul3A_197 : i32
        %add3A_199 = arith.constant 0 : i32
        %add3A_200 = arith.addi %mul3A_198, %add3A_199 : i32
        %mul3A_201 = arith.constant 16 : i32
        %mul3A_202 = arith.muli %add3A_200, %mul3A_201 : i32
        %get3A = arith.index_cast %mul3A_202 : i32 to index
        %get3A_203 = tpu.vector_load %arg8[%get3A] {strides = array<i32>} : memref<4096xi32, #tpu.memory_space<vmem>>, vector<16xi32>,
        %mul3A_204 = arith.constant 4 : i32
        %mul3A_205 = arith.muli %scan3A_195, %mul3A_204 : i32
        %add3A_206 = arith.constant 1 : i32
        %add3A_207 = arith.addi %mul3A_205, %add3A_206 : i32
        %mul3A_208 = arith.constant 16 : i32
        %mul3A_209 = arith.muli %add3A_207, %mul3A_208 : i32
        %get3A_210 = arith.index_cast %mul3A_209 : i32 to index
        %get3A_211 = tpu.vector_load %arg8[%get3A_210] {strides = array<i32>} : memref<4096xi32, #tpu.memory_space<vmem>>, vector<16xi32>,
        %mul3A_212 = arith.constant 4 : i32
        %mul3A_213 = arith.muli %scan3A_195, %mul3A_212 : i32
        %add3A_214 = arith.constant 2 : i32
        %add3A_215 = arith.addi %mul3A_213, %add3A_214 : i32
        %mul3A_216 = arith.constant 16 : i32
        %mul3A_217 = arith.muli %add3A_215, %mul3A_216 : i32
        %get3A_218 = arith.index_cast %mul3A_217 : i32 to index
        %get3A_219 = tpu.vector_load %arg8[%get3A_218] {strides = array<i32>} : memref<4096xi32, #tpu.memory_space<vmem>>, vector<16xi32>,
        %mul3A_220 = arith.constant 4 : i32
        %mul3A_221 = arith.muli %scan3A_195, %mul3A_220 : i32
        %add3A_222 = arith.constant 3 : i32
        %add3A_223 = arith.addi %mul3A_221, %add3A_222 : i32
        %mul3A_224 = arith.constant 16 : i32
        %mul3A_225 = arith.muli %add3A_223, %mul3A_224 : i32
        %get3A_226 = arith.index_cast %mul3A_225 : i32 to index
        %get3A_227 = tpu.vector_load %arg8[%get3A_226] {strides = array<i32>} : memref<4096xi32, #tpu.memory_space<vmem>>, vector<16xi32>,
        %broadcast_in_dim3A_228 = arith.constant true
        %broadcast_in_dim3A_229 = vector.broadcast %broadcast_in_dim3A_228 : i1 to vector<16xi1>
        %masked_cumsum3A = tpu.scan <sum>, %get3A_203 masked %broadcast_in_dim3A_229 : vector<16xi32>, vector<16xi1> -> vector<16xi32>
        %broadcast_in_dim3A_230 = arith.constant true
        %broadcast_in_dim3A_231 = vector.broadcast %broadcast_in_dim3A_230 : i1 to vector<16xi1>
        %masked_cumsum3A_232 = tpu.scan <sum>, %get3A_211 masked %broadcast_in_dim3A_231 : vector<16xi32>, vector<16xi1> -> vector<16xi32>
        %broadcast_in_dim3A_233 = arith.constant true
        %broadcast_in_dim3A_234 = vector.broadcast %broadcast_in_dim3A_233 : i1 to vector<16xi1>
        %masked_cumsum3A_235 = tpu.scan <sum>, %get3A_219 masked %broadcast_in_dim3A_234 : vector<16xi32>, vector<16xi1> -> vector<16xi32>
        %broadcast_in_dim3A_236 = arith.constant true
        %broadcast_in_dim3A_237 = vector.broadcast %broadcast_in_dim3A_236 : i1 to vector<16xi1>
        %masked_cumsum3A_238 = tpu.scan <sum>, %get3A_227 masked %broadcast_in_dim3A_237 : vector<16xi32>, vector<16xi1> -> vector<16xi32>
        %reduce_max3A_239 = arith.constant true
        %reduce_max3A_240 = vector.broadcast %reduce_max3A_239 : i1 to vector<16xi1>
        %reduce_max3A_241 = arith.constant -2147483648 : i32
        %reduce_max3A_242 = vector.broadcast %reduce_max3A_241 : i32 to vector<16xi32>
        %reduce_max3A_243 = arith.xori %masked_cumsum3A, %reduce_max3A_242 : vector<16xi32>
        %reduce_max3A_244 = tpu.scan <max>, %reduce_max3A_243 masked %reduce_max3A_240 : vector<16xi32>, vector<16xi1> -> vector<16xi32>
        %reduce_max3A_245 = arith.xori %reduce_max3A_244, %reduce_max3A_242 : vector<16xi32>
        %reduce_max3A_246 = vector.extract %reduce_max3A_245[15] : i32 from vector<16xi32>
        %reduce_max3A_247 = arith.constant true
        %reduce_max3A_248 = vector.broadcast %reduce_max3A_247 : i1 to vector<16xi1>
        %reduce_max3A_249 = arith.constant -2147483648 : i32
        %reduce_max3A_250 = vector.broadcast %reduce_max3A_249 : i32 to vector<16xi32>
        %reduce_max3A_251 = arith.xori %masked_cumsum3A_232, %reduce_max3A_250 : vector<16xi32>
        %reduce_max3A_252 = tpu.scan <max>, %reduce_max3A_251 masked %reduce_max3A_248 : vector<16xi32>, vector<16xi1> -> vector<16xi32>
        %reduce_max3A_253 = arith.xori %reduce_max3A_252, %reduce_max3A_250 : vector<16xi32>
        %reduce_max3A_254 = vector.extract %reduce_max3A_253[15] : i32 from vector<16xi32>
        %reduce_max3A_255 = arith.constant true
        %reduce_max3A_256 = vector.broadcast %reduce_max3A_255 : i1 to vector<16xi1>
        %reduce_max3A_257 = arith.constant -2147483648 : i32
        %reduce_max3A_258 = vector.broadcast %reduce_max3A_257 : i32 to vector<16xi32>
        %reduce_max3A_259 = arith.xori %masked_cumsum3A_235, %reduce_max3A_258 : vector<16xi32>
        %reduce_max3A_260 = tpu.scan <max>, %reduce_max3A_259 masked %reduce_max3A_256 : vector<16xi32>, vector<16xi1> -> vector<16xi32>
        %reduce_max3A_261 = arith.xori %reduce_max3A_260, %reduce_max3A_258 : vector<16xi32>
        %reduce_max3A_262 = vector.extract %reduce_max3A_261[15] : i32 from vector<16xi32>
        %reduce_max3A_263 = arith.constant true
        %reduce_max3A_264 = vector.broadcast %reduce_max3A_263 : i1 to vector<16xi1>
        %reduce_max3A_265 = arith.constant -2147483648 : i32
        %reduce_max3A_266 = vector.broadcast %reduce_max3A_265 : i32 to vector<16xi32>
        %reduce_max3A_267 = arith.xori %masked_cumsum3A_238, %reduce_max3A_266 : vector<16xi32>
        %reduce_max3A_268 = tpu.scan <max>, %reduce_max3A_267 masked %reduce_max3A_264 : vector<16xi32>, vector<16xi1> -> vector<16xi32>
        %reduce_max3A_269 = arith.xori %reduce_max3A_268, %reduce_max3A_266 : vector<16xi32>
        %reduce_max3A_270 = vector.extract %reduce_max3A_269[15] : i32 from vector<16xi32>
        %sub3A = arith.subi %masked_cumsum3A, %get3A_203 : vector<16xi32>
        %add3A_271 = vector.broadcast %scan3A_196 : i32 to vector<16xi32>
        %add3A_272 = arith.addi %sub3A, %add3A_271 : vector<16xi32>
        %mul3A_273 = arith.constant 4 : i32
        %mul3A_274 = arith.muli %scan3A_195, %mul3A_273 : i32
        %add3A_275 = arith.constant 0 : i32
        %add3A_276 = arith.addi %mul3A_274, %add3A_275 : i32
        %mul3A_277 = arith.constant 16 : i32
        %mul3A_278 = arith.muli %add3A_276, %mul3A_277 : i32
        %swap3A = arith.index_cast %mul3A_278 : i32 to index
        %swap3A_279 = tpu.vector_load %arg8[%swap3A] {strides = array<i32>} : memref<4096xi32, #tpu.memory_space<vmem>>, vector<16xi32>,
        tpu.vector_store %arg8[%swap3A], %add3A_272 {strides = array<i32>} : memref<4096xi32, #tpu.memory_space<vmem>>, vector<16xi32>,
        %add3A_280 = arith.addi %scan3A_196, %reduce_max3A_246 : i32
        %sub3A_281 = arith.subi %masked_cumsum3A_232, %get3A_211 : vector<16xi32>
        %add3A_282 = vector.broadcast %add3A_280 : i32 to vector<16xi32>
        %add3A_283 = arith.addi %sub3A_281, %add3A_282 : vector<16xi32>
        %mul3A_284 = arith.constant 4 : i32
        %mul3A_285 = arith.muli %scan3A_195, %mul3A_284 : i32
        %add3A_286 = arith.constant 1 : i32
        %add3A_287 = arith.addi %mul3A_285, %add3A_286 : i32
        %mul3A_288 = arith.constant 16 : i32
        %mul3A_289 = arith.muli %add3A_287, %mul3A_288 : i32
        %swap3A_290 = arith.index_cast %mul3A_289 : i32 to index
        %swap3A_291 = tpu.vector_load %arg8[%swap3A_290] {strides = array<i32>} : memref<4096xi32, #tpu.memory_space<vmem>>, vector<16xi32>,
        tpu.vector_store %arg8[%swap3A_290], %add3A_283 {strides = array<i32>} : memref<4096xi32, #tpu.memory_space<vmem>>, vector<16xi32>,
        %add3A_292 = arith.addi %add3A_280, %reduce_max3A_254 : i32
        %sub3A_293 = arith.subi %masked_cumsum3A_235, %get3A_219 : vector<16xi32>
        %add3A_294 = vector.broadcast %add3A_292 : i32 to vector<16xi32>
        %add3A_295 = arith.addi %sub3A_293, %add3A_294 : vector<16xi32>
        %mul3A_296 = arith.constant 4 : i32
        %mul3A_297 = arith.muli %scan3A_195, %mul3A_296 : i32
        %add3A_298 = arith.constant 2 : i32
        %add3A_299 = arith.addi %mul3A_297, %add3A_298 : i32
        %mul3A_300 = arith.constant 16 : i32
        %mul3A_301 = arith.muli %add3A_299, %mul3A_300 : i32
        %swap3A_302 = arith.index_cast %mul3A_301 : i32 to index
        %swap3A_303 = tpu.vector_load %arg8[%swap3A_302] {strides = array<i32>} : memref<4096xi32, #tpu.memory_space<vmem>>, vector<16xi32>,
        tpu.vector_store %arg8[%swap3A_302], %add3A_295 {strides = array<i32>} : memref<4096xi32, #tpu.memory_space<vmem>>, vector<16xi32>,
        %add3A_304 = arith.addi %add3A_292, %reduce_max3A_262 : i32
        %sub3A_305 = arith.subi %masked_cumsum3A_238, %get3A_227 : vector<16xi32>
        %add3A_306 = vector.broadcast %add3A_304 : i32 to vector<16xi32>
        %add3A_307 = arith.addi %sub3A_305, %add3A_306 : vector<16xi32>
        %mul3A_308 = arith.constant 4 : i32
        %mul3A_309 = arith.muli %scan3A_195, %mul3A_308 : i32
        %add3A_310 = arith.constant 3 : i32
        %add3A_311 = arith.addi %mul3A_309, %add3A_310 : i32
        %mul3A_312 = arith.constant 16 : i32
        %mul3A_313 = arith.muli %add3A_311, %mul3A_312 : i32
        %swap3A_314 = arith.index_cast %mul3A_313 : i32 to index
        %swap3A_315 = tpu.vector_load %arg8[%swap3A_314] {strides = array<i32>} : memref<4096xi32, #tpu.memory_space<vmem>>, vector<16xi32>,
        tpu.vector_store %arg8[%swap3A_314], %add3A_307 {strides = array<i32>} : memref<4096xi32, #tpu.memory_space<vmem>>, vector<16xi32>,
        %add3A_316 = arith.addi %add3A_304, %reduce_max3A_270 : i32
        scf.yield %add3A_316 : i32
      }
      %scan3A_98 = arith.constant 64 : i32
      %scan3A_99 = arith.constant 15 : i32
      %scan3A_100 = arith.constant 255 : i32
      %scan3A_101 = arith.constant 32767 : i32
      %scan3A_102 = arith.constant 23 : i32
      %scan3A_103 = arith.constant 0 : i32
      %scan3A_104 = arith.constant 0 : i32
      %scan3A_105 = arith.constant 512 : i32
      %scan3A_106 = arith.addi %scan3A_104, %scan3A_105 : i32
      %scan3A_107 = arith.constant 1 : i32
      %scan3A_108 = scf.for %scan3A_195 = %scan3A_104 to %scan3A_106 step %scan3A_107 iter_args(%scan3A_196 = %scan3A_103) -> (i32)  : i32 {
        %mul3A_197 = arith.constant 4 : i32
        %mul3A_198 = arith.muli %scan3A_195, %mul3A_197 : i32
        %add3A_199 = arith.constant 0 : i32
        %add3A_200 = arith.addi %mul3A_198, %add3A_199 : i32
        %mul3A_201 = arith.constant 16 : i32
        %mul3A_202 = arith.muli %add3A_200, %mul3A_201 : i32
        %get3A = arith.index_cast %mul3A_202 : i32 to index
        %get3A_203 = tpu.vector_load %arg5[%get3A] {strides = array<i32>} : memref<32768xf32, #tpu.memory_space<vmem>>, vector<16xf32>,
        %bitcast3A = vector.bitcast %get3A_203 : vector<16xf32> to vector<16xi32>
        %shift_right_logical3A = vector.broadcast %scan3A_99 : i32 to vector<16xi32>
        %shift_right_logical3A_204 = arith.shrui %bitcast3A, %shift_right_logical3A : vector<16xi32>
        %and3A = vector.broadcast %scan3A_100 : i32 to vector<16xi32>
        %and3A_205 = arith.andi %shift_right_logical3A_204, %and3A : vector<16xi32>
        %and3A_206 = vector.broadcast %scan3A_101 : i32 to vector<16xi32>
        %and3A_207 = arith.andi %bitcast3A, %and3A_206 : vector<16xi32>
        %shift_right_logical3A_208 = vector.broadcast %scan3A_102 : i32 to vector<16xi32>
        %shift_right_logical3A_209 = arith.shrui %bitcast3A, %shift_right_logical3A_208 : vector<16xi32>
        %shift_right_logical3A_210 = arith.constant 11 : i32
        %shift_right_logical3A_211 = vector.broadcast %shift_right_logical3A_210 : i32 to vector<16xi32>
        %shift_right_logical3A_212 = arith.shrui %and3A_207, %shift_right_logical3A_211 : vector<16xi32>
        %add3A_213 = arith.addi %and3A_207, %shift_right_logical3A_212 : vector<16xi32>
        %gather3A = tpu.vector_load_idx %arg7[%add3A_213] : memref<32784xi32, #tpu.memory_space<vmem>>[vector<16xi32>], vector<16xi32>,
        %shift_right_logical3A_214 = arith.constant 24 : i32
        %shift_right_logical3A_215 = vector.broadcast %shift_right_logical3A_214 : i32 to vector<16xi32>
        %shift_right_logical3A_216 = arith.shrui %gather3A, %shift_right_logical3A_215 : vector<16xi32>
        %shift_left3A = vector.broadcast %scan3A_102 : i32 to vector<16xi32>
        %shift_left3A_217 = arith.shli %shift_right_logical3A_216, %shift_left3A : vector<16xi32>
        %shift_left3A_218 = vector.broadcast %scan3A_99 : i32 to vector<16xi32>
        %shift_left3A_219 = arith.shli %shift_right_logical3A_209, %shift_left3A_218 : vector<16xi32>
        %or3A = arith.ori %shift_left3A_217, %shift_left3A_219 : vector<16xi32>
        %or3A_220 = arith.ori %or3A, %and3A_207 : vector<16xi32>
        %mul3A_221 = arith.constant 4 : i32
        %mul3A_222 = arith.muli %scan3A_195, %mul3A_221 : i32
        %add3A_223 = arith.constant 1 : i32
        %add3A_224 = arith.addi %mul3A_222, %add3A_223 : i32
        %mul3A_225 = arith.constant 16 : i32
        %mul3A_226 = arith.muli %add3A_224, %mul3A_225 : i32
        %get3A_227 = arith.index_cast %mul3A_226 : i32 to index
        %get3A_228 = tpu.vector_load %arg5[%get3A_227] {strides = array<i32>} : memref<32768xf32, #tpu.memory_space<vmem>>, vector<16xf32>,
        %bitcast3A_229 = vector.bitcast %get3A_228 : vector<16xf32> to vector<16xi32>
        %shift_right_logical3A_230 = vector.broadcast %scan3A_99 : i32 to vector<16xi32>
        %shift_right_logical3A_231 = arith.shrui %bitcast3A_229, %shift_right_logical3A_230 : vector<16xi32>
        %and3A_232 = vector.broadcast %scan3A_100 : i32 to vector<16xi32>
        %and3A_233 = arith.andi %shift_right_logical3A_231, %and3A_232 : vector<16xi32>
        %and3A_234 = vector.broadcast %scan3A_101 : i32 to vector<16xi32>
        %and3A_235 = arith.andi %bitcast3A_229, %and3A_234 : vector<16xi32>
        %shift_right_logical3A_236 = vector.broadcast %scan3A_102 : i32 to vector<16xi32>
        %shift_right_logical3A_237 = arith.shrui %bitcast3A_229, %shift_right_logical3A_236 : vector<16xi32>
        %shift_right_logical3A_238 = arith.constant 11 : i32
        %shift_right_logical3A_239 = vector.broadcast %shift_right_logical3A_238 : i32 to vector<16xi32>
        %shift_right_logical3A_240 = arith.shrui %and3A_235, %shift_right_logical3A_239 : vector<16xi32>
        %add3A_241 = arith.addi %and3A_235, %shift_right_logical3A_240 : vector<16xi32>
        %gather3A_242 = tpu.vector_load_idx %arg7[%add3A_241] : memref<32784xi32, #tpu.memory_space<vmem>>[vector<16xi32>], vector<16xi32>,
        %shift_right_logical3A_243 = arith.constant 24 : i32
        %shift_right_logical3A_244 = vector.broadcast %shift_right_logical3A_243 : i32 to vector<16xi32>
        %shift_right_logical3A_245 = arith.shrui %gather3A_242, %shift_right_logical3A_244 : vector<16xi32>
        %shift_left3A_246 = vector.broadcast %scan3A_102 : i32 to vector<16xi32>
        %shift_left3A_247 = arith.shli %shift_right_logical3A_245, %shift_left3A_246 : vector<16xi32>
        %shift_left3A_248 = vector.broadcast %scan3A_99 : i32 to vector<16xi32>
        %shift_left3A_249 = arith.shli %shift_right_logical3A_237, %shift_left3A_248 : vector<16xi32>
        %or3A_250 = arith.ori %shift_left3A_247, %shift_left3A_249 : vector<16xi32>
        %or3A_251 = arith.ori %or3A_250, %and3A_235 : vector<16xi32>
        %mul3A_252 = arith.constant 4 : i32
        %mul3A_253 = arith.muli %scan3A_195, %mul3A_252 : i32
        %add3A_254 = arith.constant 2 : i32
        %add3A_255 = arith.addi %mul3A_253, %add3A_254 : i32
        %mul3A_256 = arith.constant 16 : i32
        %mul3A_257 = arith.muli %add3A_255, %mul3A_256 : i32
        %get3A_258 = arith.index_cast %mul3A_257 : i32 to index
        %get3A_259 = tpu.vector_load %arg5[%get3A_258] {strides = array<i32>} : memref<32768xf32, #tpu.memory_space<vmem>>, vector<16xf32>,
        %bitcast3A_260 = vector.bitcast %get3A_259 : vector<16xf32> to vector<16xi32>
        %shift_right_logical3A_261 = vector.broadcast %scan3A_99 : i32 to vector<16xi32>
        %shift_right_logical3A_262 = arith.shrui %bitcast3A_260, %shift_right_logical3A_261 : vector<16xi32>
        %and3A_263 = vector.broadcast %scan3A_100 : i32 to vector<16xi32>
        %and3A_264 = arith.andi %shift_right_logical3A_262, %and3A_263 : vector<16xi32>
        %and3A_265 = vector.broadcast %scan3A_101 : i32 to vector<16xi32>
        %and3A_266 = arith.andi %bitcast3A_260, %and3A_265 : vector<16xi32>
        %shift_right_logical3A_267 = vector.broadcast %scan3A_102 : i32 to vector<16xi32>
        %shift_right_logical3A_268 = arith.shrui %bitcast3A_260, %shift_right_logical3A_267 : vector<16xi32>
        %shift_right_logical3A_269 = arith.constant 11 : i32
        %shift_right_logical3A_270 = vector.broadcast %shift_right_logical3A_269 : i32 to vector<16xi32>
        %shift_right_logical3A_271 = arith.shrui %and3A_266, %shift_right_logical3A_270 : vector<16xi32>
        %add3A_272 = arith.addi %and3A_266, %shift_right_logical3A_271 : vector<16xi32>
        %gather3A_273 = tpu.vector_load_idx %arg7[%add3A_272] : memref<32784xi32, #tpu.memory_space<vmem>>[vector<16xi32>], vector<16xi32>,
        %shift_right_logical3A_274 = arith.constant 24 : i32
        %shift_right_logical3A_275 = vector.broadcast %shift_right_logical3A_274 : i32 to vector<16xi32>
        %shift_right_logical3A_276 = arith.shrui %gather3A_273, %shift_right_logical3A_275 : vector<16xi32>
        %shift_left3A_277 = vector.broadcast %scan3A_102 : i32 to vector<16xi32>
        %shift_left3A_278 = arith.shli %shift_right_logical3A_276, %shift_left3A_277 : vector<16xi32>
        %shift_left3A_279 = vector.broadcast %scan3A_99 : i32 to vector<16xi32>
        %shift_left3A_280 = arith.shli %shift_right_logical3A_268, %shift_left3A_279 : vector<16xi32>
        %or3A_281 = arith.ori %shift_left3A_278, %shift_left3A_280 : vector<16xi32>
        %or3A_282 = arith.ori %or3A_281, %and3A_266 : vector<16xi32>
        %mul3A_283 = arith.constant 4 : i32
        %mul3A_284 = arith.muli %scan3A_195, %mul3A_283 : i32
        %add3A_285 = arith.constant 3 : i32
        %add3A_286 = arith.addi %mul3A_284, %add3A_285 : i32
        %mul3A_287 = arith.constant 16 : i32
        %mul3A_288 = arith.muli %add3A_286, %mul3A_287 : i32
        %get3A_289 = arith.index_cast %mul3A_288 : i32 to index
        %get3A_290 = tpu.vector_load %arg5[%get3A_289] {strides = array<i32>} : memref<32768xf32, #tpu.memory_space<vmem>>, vector<16xf32>,
        %bitcast3A_291 = vector.bitcast %get3A_290 : vector<16xf32> to vector<16xi32>
        %shift_right_logical3A_292 = vector.broadcast %scan3A_99 : i32 to vector<16xi32>
        %shift_right_logical3A_293 = arith.shrui %bitcast3A_291, %shift_right_logical3A_292 : vector<16xi32>
        %and3A_294 = vector.broadcast %scan3A_100 : i32 to vector<16xi32>
        %and3A_295 = arith.andi %shift_right_logical3A_293, %and3A_294 : vector<16xi32>
        %and3A_296 = vector.broadcast %scan3A_101 : i32 to vector<16xi32>
        %and3A_297 = arith.andi %bitcast3A_291, %and3A_296 : vector<16xi32>
        %shift_right_logical3A_298 = vector.broadcast %scan3A_102 : i32 to vector<16xi32>
        %shift_right_logical3A_299 = arith.shrui %bitcast3A_291, %shift_right_logical3A_298 : vector<16xi32>
        %shift_right_logical3A_300 = arith.constant 11 : i32
        %shift_right_logical3A_301 = vector.broadcast %shift_right_logical3A_300 : i32 to vector<16xi32>
        %shift_right_logical3A_302 = arith.shrui %and3A_297, %shift_right_logical3A_301 : vector<16xi32>
        %add3A_303 = arith.addi %and3A_297, %shift_right_logical3A_302 : vector<16xi32>
        %gather3A_304 = tpu.vector_load_idx %arg7[%add3A_303] : memref<32784xi32, #tpu.memory_space<vmem>>[vector<16xi32>], vector<16xi32>,
        %shift_right_logical3A_305 = arith.constant 24 : i32
        %shift_right_logical3A_306 = vector.broadcast %shift_right_logical3A_305 : i32 to vector<16xi32>
        %shift_right_logical3A_307 = arith.shrui %gather3A_304, %shift_right_logical3A_306 : vector<16xi32>
        %shift_left3A_308 = vector.broadcast %scan3A_102 : i32 to vector<16xi32>
        %shift_left3A_309 = arith.shli %shift_right_logical3A_307, %shift_left3A_308 : vector<16xi32>
        %shift_left3A_310 = vector.broadcast %scan3A_99 : i32 to vector<16xi32>
        %shift_left3A_311 = arith.shli %shift_right_logical3A_299, %shift_left3A_310 : vector<16xi32>
        %or3A_312 = arith.ori %shift_left3A_309, %shift_left3A_311 : vector<16xi32>
        %or3A_313 = arith.ori %or3A_312, %and3A_297 : vector<16xi32>
        %mul3A_314 = arith.constant 16 : i32
        %mul3A_315 = vector.broadcast %mul3A_314 : i32 to vector<16xi32>
        %mul3A_316 = arith.muli %and3A_205, %mul3A_315 : vector<16xi32>
        %add3A_317 = arith.addi %mul3A_316, %iota3A : vector<16xi32>
        %gather3A_318 = tpu.vector_load_idx %arg8[%add3A_317] : memref<4096xi32, #tpu.memory_space<vmem>>[vector<16xi32>], vector<16xi32>,
        %mul3A_319 = arith.constant 16 : i32
        %mul3A_320 = vector.broadcast %mul3A_319 : i32 to vector<16xi32>
        %mul3A_321 = arith.muli %and3A_233, %mul3A_320 : vector<16xi32>
        %add3A_322 = arith.addi %mul3A_321, %iota3A : vector<16xi32>
        %gather3A_323 = tpu.vector_load_idx %arg8[%add3A_322] : memref<4096xi32, #tpu.memory_space<vmem>>[vector<16xi32>], vector<16xi32>,
        %mul3A_324 = arith.constant 16 : i32
        %mul3A_325 = vector.broadcast %mul3A_324 : i32 to vector<16xi32>
        %mul3A_326 = arith.muli %and3A_264, %mul3A_325 : vector<16xi32>
        %add3A_327 = arith.addi %mul3A_326, %iota3A : vector<16xi32>
        %gather3A_328 = tpu.vector_load_idx %arg8[%add3A_327] : memref<4096xi32, #tpu.memory_space<vmem>>[vector<16xi32>], vector<16xi32>,
        %mul3A_329 = arith.constant 16 : i32
        %mul3A_330 = vector.broadcast %mul3A_329 : i32 to vector<16xi32>
        %mul3A_331 = arith.muli %and3A_295, %mul3A_330 : vector<16xi32>
        %add3A_332 = arith.addi %mul3A_331, %iota3A : vector<16xi32>
        %gather3A_333 = tpu.vector_load_idx %arg8[%add3A_332] : memref<4096xi32, #tpu.memory_space<vmem>>[vector<16xi32>], vector<16xi32>,
        %eq3A = arith.cmpi eq, %and3A_205, %and3A_233 : vector<16xi32>
        %eq3A_334 = arith.cmpi eq, %and3A_205, %and3A_264 : vector<16xi32>
        %eq3A_335 = arith.cmpi eq, %and3A_205, %and3A_295 : vector<16xi32>
        %eq3A_336 = arith.cmpi eq, %and3A_233, %and3A_264 : vector<16xi32>
        %eq3A_337 = arith.cmpi eq, %and3A_233, %and3A_295 : vector<16xi32>
        %eq3A_338 = arith.cmpi eq, %and3A_264, %and3A_295 : vector<16xi32>
        %broadcast_in_dim3A_339 = arith.constant 0 : i32
        %broadcast_in_dim3A_340 = vector.broadcast %broadcast_in_dim3A_339 : i32 to vector<16xi32>
        %add3A_341 = arith.addi %gather3A_318, %broadcast_in_dim3A_340 : vector<16xi32>
        %broadcast_in_dim3A_342 = arith.constant true
        %broadcast_in_dim3A_343 = vector.broadcast %broadcast_in_dim3A_342 : i1 to vector<16xi1>
        %not3A = arith.constant dense<true> : vector<16xi1>
        %not3A_344 = arith.xori %eq3A, %not3A : vector<16xi1>
        %and3A_345 = arith.andi %broadcast_in_dim3A_343, %not3A_344 : vector<16xi1>
        %not3A_346 = arith.constant dense<true> : vector<16xi1>
        %not3A_347 = arith.xori %eq3A_334, %not3A_346 : vector<16xi1>
        %and3A_348 = arith.andi %and3A_345, %not3A_347 : vector<16xi1>
        %not3A_349 = arith.constant dense<true> : vector<16xi1>
        %not3A_350 = arith.xori %eq3A_335, %not3A_349 : vector<16xi1>
        %and3A_351 = arith.andi %and3A_348, %not3A_350 : vector<16xi1>
        %mul3A_352 = arith.constant 16 : i32
        %mul3A_353 = vector.broadcast %mul3A_352 : i32 to vector<16xi32>
        %mul3A_354 = arith.muli %and3A_205, %mul3A_353 : vector<16xi32>
        %add3A_355 = arith.addi %mul3A_354, %iota3A : vector<16xi32>
        %add3A_356 = arith.addi %add3A_341, %broadcast_in_dim3A_0 : vector<16xi32>
        tpu.vector_store_idx %arg8[%add3A_355], %add3A_356 masked %and3A_351 : memref<4096xi32, #tpu.memory_space<vmem>>[vector<16xi32>], vector<16xi32>, vector<16xi1>
        %and3A_357 = arith.constant 2047 : i32
        %and3A_358 = vector.broadcast %and3A_357 : i32 to vector<16xi32>
        %and3A_359 = arith.andi %add3A_341, %and3A_358 : vector<16xi32>
        %shift_left3A_360 = arith.constant 4 : i32
        %shift_left3A_361 = vector.broadcast %shift_left3A_360 : i32 to vector<16xi32>
        %shift_left3A_362 = arith.shli %and3A_359, %shift_left3A_361 : vector<16xi32>
        %shift_right_logical3A_363 = arith.constant 11 : i32
        %shift_right_logical3A_364 = vector.broadcast %shift_right_logical3A_363 : i32 to vector<16xi32>
        %shift_right_logical3A_365 = arith.shrui %add3A_341, %shift_right_logical3A_364 : vector<16xi32>
        %or3A_366 = arith.ori %shift_left3A_362, %shift_right_logical3A_365 : vector<16xi32>
        tpu.vector_store_idx %arg6[%or3A_366], %or3A_220 : memref<32768xi32, #tpu.memory_space<vmem>>[vector<16xi32>], vector<16xi32>,
        %broadcast_in_dim3A_367 = arith.constant 0 : i32
        %broadcast_in_dim3A_368 = vector.broadcast %broadcast_in_dim3A_367 : i32 to vector<16xi32>
        %jit3A = arith.constant 1 : i32
        %jit3A_369 = arith.constant 0 : i32
        %broadcast_in_dim3A_370 = vector.broadcast %jit3A : i32 to vector<16xi32>
        %broadcast_in_dim3A_371 = vector.broadcast %jit3A_369 : i32 to vector<16xi32>
        %select_n3A = arith.select %eq3A, %broadcast_in_dim3A_370, %broadcast_in_dim3A_371 : vector<16xi1>, vector<16xi32>
        %add3A_372 = arith.addi %broadcast_in_dim3A_368, %select_n3A : vector<16xi32>
        %add3A_373 = arith.addi %gather3A_323, %add3A_372 : vector<16xi32>
        %broadcast_in_dim3A_374 = arith.constant true
        %broadcast_in_dim3A_375 = vector.broadcast %broadcast_in_dim3A_374 : i1 to vector<16xi1>
        %not3A_376 = arith.constant dense<true> : vector<16xi1>
        %not3A_377 = arith.xori %eq3A_336, %not3A_376 : vector<16xi1>
        %and3A_378 = arith.andi %broadcast_in_dim3A_375, %not3A_377 : vector<16xi1>
        %not3A_379 = arith.constant dense<true> : vector<16xi1>
        %not3A_380 = arith.xori %eq3A_337, %not3A_379 : vector<16xi1>
        %and3A_381 = arith.andi %and3A_378, %not3A_380 : vector<16xi1>
        %mul3A_382 = arith.constant 16 : i32
        %mul3A_383 = vector.broadcast %mul3A_382 : i32 to vector<16xi32>
        %mul3A_384 = arith.muli %and3A_233, %mul3A_383 : vector<16xi32>
        %add3A_385 = arith.addi %mul3A_384, %iota3A : vector<16xi32>
        %add3A_386 = arith.addi %add3A_373, %broadcast_in_dim3A_0 : vector<16xi32>
        tpu.vector_store_idx %arg8[%add3A_385], %add3A_386 masked %and3A_381 : memref<4096xi32, #tpu.memory_space<vmem>>[vector<16xi32>], vector<16xi32>, vector<16xi1>
        %and3A_387 = arith.constant 2047 : i32
        %and3A_388 = vector.broadcast %and3A_387 : i32 to vector<16xi32>
        %and3A_389 = arith.andi %add3A_373, %and3A_388 : vector<16xi32>
        %shift_left3A_390 = arith.constant 4 : i32
        %shift_left3A_391 = vector.broadcast %shift_left3A_390 : i32 to vector<16xi32>
        %shift_left3A_392 = arith.shli %and3A_389, %shift_left3A_391 : vector<16xi32>
        %shift_right_logical3A_393 = arith.constant 11 : i32
        %shift_right_logical3A_394 = vector.broadcast %shift_right_logical3A_393 : i32 to vector<16xi32>
        %shift_right_logical3A_395 = arith.shrui %add3A_373, %shift_right_logical3A_394 : vector<16xi32>
        %or3A_396 = arith.ori %shift_left3A_392, %shift_right_logical3A_395 : vector<16xi32>
        tpu.vector_store_idx %arg6[%or3A_396], %or3A_251 : memref<32768xi32, #tpu.memory_space<vmem>>[vector<16xi32>], vector<16xi32>,
        %broadcast_in_dim3A_397 = arith.constant 0 : i32
        %broadcast_in_dim3A_398 = vector.broadcast %broadcast_in_dim3A_397 : i32 to vector<16xi32>
        %jit3A_399 = arith.constant 1 : i32
        %jit3A_400 = arith.constant 0 : i32
        %broadcast_in_dim3A_401 = vector.broadcast %jit3A_399 : i32 to vector<16xi32>
        %broadcast_in_dim3A_402 = vector.broadcast %jit3A_400 : i32 to vector<16xi32>
        %select_n3A_403 = arith.select %eq3A_334, %broadcast_in_dim3A_401, %broadcast_in_dim3A_402 : vector<16xi1>, vector<16xi32>
        %add3A_404 = arith.addi %broadcast_in_dim3A_398, %select_n3A_403 : vector<16xi32>
        %jit3A_405 = arith.constant 1 : i32
        %jit3A_406 = arith.constant 0 : i32
        %broadcast_in_dim3A_407 = vector.broadcast %jit3A_405 : i32 to vector<16xi32>
        %broadcast_in_dim3A_408 = vector.broadcast %jit3A_406 : i32 to vector<16xi32>
        %select_n3A_409 = arith.select %eq3A_336, %broadcast_in_dim3A_407, %broadcast_in_dim3A_408 : vector<16xi1>, vector<16xi32>
        %add3A_410 = arith.addi %add3A_404, %select_n3A_409 : vector<16xi32>
        %add3A_411 = arith.addi %gather3A_328, %add3A_410 : vector<16xi32>
        %broadcast_in_dim3A_412 = arith.constant true
        %broadcast_in_dim3A_413 = vector.broadcast %broadcast_in_dim3A_412 : i1 to vector<16xi1>
        %not3A_414 = arith.constant dense<true> : vector<16xi1>
        %not3A_415 = arith.xori %eq3A_338, %not3A_414 : vector<16xi1>
        %and3A_416 = arith.andi %broadcast_in_dim3A_413, %not3A_415 : vector<16xi1>
        %mul3A_417 = arith.constant 16 : i32
        %mul3A_418 = vector.broadcast %mul3A_417 : i32 to vector<16xi32>
        %mul3A_419 = arith.muli %and3A_264, %mul3A_418 : vector<16xi32>
        %add3A_420 = arith.addi %mul3A_419, %iota3A : vector<16xi32>
        %add3A_421 = arith.addi %add3A_411, %broadcast_in_dim3A_0 : vector<16xi32>
        tpu.vector_store_idx %arg8[%add3A_420], %add3A_421 masked %and3A_416 : memref<4096xi32, #tpu.memory_space<vmem>>[vector<16xi32>], vector<16xi32>, vector<16xi1>
        %and3A_422 = arith.constant 2047 : i32
        %and3A_423 = vector.broadcast %and3A_422 : i32 to vector<16xi32>
        %and3A_424 = arith.andi %add3A_411, %and3A_423 : vector<16xi32>
        %shift_left3A_425 = arith.constant 4 : i32
        %shift_left3A_426 = vector.broadcast %shift_left3A_425 : i32 to vector<16xi32>
        %shift_left3A_427 = arith.shli %and3A_424, %shift_left3A_426 : vector<16xi32>
        %shift_right_logical3A_428 = arith.constant 11 : i32
        %shift_right_logical3A_429 = vector.broadcast %shift_right_logical3A_428 : i32 to vector<16xi32>
        %shift_right_logical3A_430 = arith.shrui %add3A_411, %shift_right_logical3A_429 : vector<16xi32>
        %or3A_431 = arith.ori %shift_left3A_427, %shift_right_logical3A_430 : vector<16xi32>
        tpu.vector_store_idx %arg6[%or3A_431], %or3A_282 : memref<32768xi32, #tpu.memory_space<vmem>>[vector<16xi32>], vector<16xi32>,
        %broadcast_in_dim3A_432 = arith.constant 0 : i32
        %broadcast_in_dim3A_433 = vector.broadcast %broadcast_in_dim3A_432 : i32 to vector<16xi32>
        %jit3A_434 = arith.constant 1 : i32
        %jit3A_435 = arith.constant 0 : i32
        %broadcast_in_dim3A_436 = vector.broadcast %jit3A_434 : i32 to vector<16xi32>
        %broadcast_in_dim3A_437 = vector.broadcast %jit3A_435 : i32 to vector<16xi32>
        %select_n3A_438 = arith.select %eq3A_335, %broadcast_in_dim3A_436, %broadcast_in_dim3A_437 : vector<16xi1>, vector<16xi32>
        %add3A_439 = arith.addi %broadcast_in_dim3A_433, %select_n3A_438 : vector<16xi32>
        %jit3A_440 = arith.constant 1 : i32
        %jit3A_441 = arith.constant 0 : i32
        %broadcast_in_dim3A_442 = vector.broadcast %jit3A_440 : i32 to vector<16xi32>
        %broadcast_in_dim3A_443 = vector.broadcast %jit3A_441 : i32 to vector<16xi32>
        %select_n3A_444 = arith.select %eq3A_337, %broadcast_in_dim3A_442, %broadcast_in_dim3A_443 : vector<16xi1>, vector<16xi32>
        %add3A_445 = arith.addi %add3A_439, %select_n3A_444 : vector<16xi32>
        %jit3A_446 = arith.constant 1 : i32
        %jit3A_447 = arith.constant 0 : i32
        %broadcast_in_dim3A_448 = vector.broadcast %jit3A_446 : i32 to vector<16xi32>
        %broadcast_in_dim3A_449 = vector.broadcast %jit3A_447 : i32 to vector<16xi32>
        %select_n3A_450 = arith.select %eq3A_338, %broadcast_in_dim3A_448, %broadcast_in_dim3A_449 : vector<16xi1>, vector<16xi32>
        %add3A_451 = arith.addi %add3A_445, %select_n3A_450 : vector<16xi32>
        %add3A_452 = arith.addi %gather3A_333, %add3A_451 : vector<16xi32>
        %broadcast_in_dim3A_453 = arith.constant true
        %broadcast_in_dim3A_454 = vector.broadcast %broadcast_in_dim3A_453 : i1 to vector<16xi1>
        %mul3A_455 = arith.constant 16 : i32
        %mul3A_456 = vector.broadcast %mul3A_455 : i32 to vector<16xi32>
        %mul3A_457 = arith.muli %and3A_295, %mul3A_456 : vector<16xi32>
        %add3A_458 = arith.addi %mul3A_457, %iota3A : vector<16xi32>
        %add3A_459 = arith.addi %add3A_452, %broadcast_in_dim3A_0 : vector<16xi32>
        tpu.vector_store_idx %arg8[%add3A_458], %add3A_459 masked %broadcast_in_dim3A_454 : memref<4096xi32, #tpu.memory_space<vmem>>[vector<16xi32>], vector<16xi32>, vector<16xi1>
        %and3A_460 = arith.constant 2047 : i32
        %and3A_461 = vector.broadcast %and3A_460 : i32 to vector<16xi32>
        %and3A_462 = arith.andi %add3A_452, %and3A_461 : vector<16xi32>
        %shift_left3A_463 = arith.constant 4 : i32
        %shift_left3A_464 = vector.broadcast %shift_left3A_463 : i32 to vector<16xi32>
        %shift_left3A_465 = arith.shli %and3A_462, %shift_left3A_464 : vector<16xi32>
        %shift_right_logical3A_466 = arith.constant 11 : i32
        %shift_right_logical3A_467 = vector.broadcast %shift_right_logical3A_466 : i32 to vector<16xi32>
        %shift_right_logical3A_468 = arith.shrui %add3A_452, %shift_right_logical3A_467 : vector<16xi32>
        %or3A_469 = arith.ori %shift_left3A_465, %shift_right_logical3A_468 : vector<16xi32>
        tpu.vector_store_idx %arg6[%or3A_469], %or3A_313 : memref<32768xi32, #tpu.memory_space<vmem>>[vector<16xi32>], vector<16xi32>,
        %scan3A_470 = arith.constant 0 : i32
        scf.yield %scan3A_470 : i32
      }
      %scan3A_109 = arith.constant 512 : i32
      %scan3A_110 = arith.constant 0 : i32
      %scan3A_111 = arith.constant 0 : i32
      %scan3A_112 = arith.constant 256 : i32
      %scan3A_113 = arith.addi %scan3A_111, %scan3A_112 : i32
      %scan3A_114 = arith.constant 1 : i32
      %scan3A_115 = scf.for %scan3A_195 = %scan3A_111 to %scan3A_113 step %scan3A_114 iter_args(%scan3A_196 = %scan3A_110) -> (i32)  : i32 {
        %broadcast_in_dim3A_197 = arith.constant 0 : i32
        %broadcast_in_dim3A_198 = vector.broadcast %broadcast_in_dim3A_197 : i32 to vector<16xi32>
        %mul3A_199 = arith.constant 16 : i32
        %mul3A_200 = arith.muli %scan3A_195, %mul3A_199 : i32
        %swap3A = arith.index_cast %mul3A_200 : i32 to index
        %swap3A_201 = tpu.vector_load %arg8[%swap3A] {strides = array<i32>} : memref<4096xi32, #tpu.memory_space<vmem>>, vector<16xi32>,
        tpu.vector_store %arg8[%swap3A], %broadcast_in_dim3A_198 {strides = array<i32>} : memref<4096xi32, #tpu.memory_space<vmem>>, vector<16xi32>,
        %scan3A_202 = arith.constant 0 : i32
        scf.yield %scan3A_202 : i32
      }
      %scan3A_116 = arith.constant 256 : i32
      %scan3A_117 = arith.constant 15 : i32
      %scan3A_118 = arith.constant 255 : i32
      %scan3A_119 = arith.constant 0 : i32
      %scan3A_120 = arith.constant 0 : i32
      %scan3A_121 = arith.constant 2048 : i32
      %scan3A_122 = arith.addi %scan3A_120, %scan3A_121 : i32
      %scan3A_123 = arith.constant 16 : i32
      %scan3A_124 = scf.for %scan3A_195 = %scan3A_120 to %scan3A_122 step %scan3A_123 iter_args(%scan3A_196 = %scan3A_119) -> (i32)  : i32 {
        %mul3A_197 = arith.constant 16 : i32
        %mul3A_198 = arith.muli %scan3A_195, %mul3A_197 : i32
        %get3A = arith.index_cast %mul3A_198 : i32 to index
        %get3A_199 = tpu.vector_load %arg6[%get3A] {strides = array<i32>} : memref<32768xi32, #tpu.memory_space<vmem>>, vector<16xi32>,
        %shift_right_logical3A = vector.broadcast %scan3A_117 : i32 to vector<16xi32>
        %shift_right_logical3A_200 = arith.shrui %get3A_199, %shift_right_logical3A : vector<16xi32>
        %and3A = vector.broadcast %scan3A_118 : i32 to vector<16xi32>
        %and3A_201 = arith.andi %shift_right_logical3A_200, %and3A : vector<16xi32>
        %mul3A_202 = arith.constant 16 : i32
        %mul3A_203 = vector.broadcast %mul3A_202 : i32 to vector<16xi32>
        %mul3A_204 = arith.muli %and3A_201, %mul3A_203 : vector<16xi32>
        %add3A_205 = arith.addi %mul3A_204, %iota3A : vector<16xi32>
        tpu.vector_store_idx %arg8[%add3A_205], %broadcast_in_dim3A_0 {add = true} : memref<4096xi32, #tpu.memory_space<vmem>>[vector<16xi32>], vector<16xi32>,
        %scan3A_206 = arith.constant 0 : i32
        %scan3A_207 = arith.constant 1 : i32
        %scan3A_208 = arith.addi %scan3A_195, %scan3A_207 : i32
        %mul3A_209 = arith.constant 16 : i32
        %mul3A_210 = arith.muli %scan3A_208, %mul3A_209 : i32
        %get3A_211 = arith.index_cast %mul3A_210 : i32 to index
        %get3A_212 = tpu.vector_load %arg6[%get3A_211] {strides = array<i32>} : memref<32768xi32, #tpu.memory_space<vmem>>, vector<16xi32>,
        %shift_right_logical3A_213 = vector.broadcast %scan3A_117 : i32 to vector<16xi32>
        %shift_right_logical3A_214 = arith.shrui %get3A_212, %shift_right_logical3A_213 : vector<16xi32>
        %and3A_215 = vector.broadcast %scan3A_118 : i32 to vector<16xi32>
        %and3A_216 = arith.andi %shift_right_logical3A_214, %and3A_215 : vector<16xi32>
        %mul3A_217 = arith.constant 16 : i32
        %mul3A_218 = vector.broadcast %mul3A_217 : i32 to vector<16xi32>
        %mul3A_219 = arith.muli %and3A_216, %mul3A_218 : vector<16xi32>
        %add3A_220 = arith.addi %mul3A_219, %iota3A : vector<16xi32>
        tpu.vector_store_idx %arg8[%add3A_220], %broadcast_in_dim3A_0 {add = true} : memref<4096xi32, #tpu.memory_space<vmem>>[vector<16xi32>], vector<16xi32>,
        %scan3A_221 = arith.constant 0 : i32
        %scan3A_222 = arith.constant 2 : i32
        %scan3A_223 = arith.addi %scan3A_195, %scan3A_222 : i32
        %mul3A_224 = arith.constant 16 : i32
        %mul3A_225 = arith.muli %scan3A_223, %mul3A_224 : i32
        %get3A_226 = arith.index_cast %mul3A_225 : i32 to index
        %get3A_227 = tpu.vector_load %arg6[%get3A_226] {strides = array<i32>} : memref<32768xi32, #tpu.memory_space<vmem>>, vector<16xi32>,
        %shift_right_logical3A_228 = vector.broadcast %scan3A_117 : i32 to vector<16xi32>
        %shift_right_logical3A_229 = arith.shrui %get3A_227, %shift_right_logical3A_228 : vector<16xi32>
        %and3A_230 = vector.broadcast %scan3A_118 : i32 to vector<16xi32>
        %and3A_231 = arith.andi %shift_right_logical3A_229, %and3A_230 : vector<16xi32>
        %mul3A_232 = arith.constant 16 : i32
        %mul3A_233 = vector.broadcast %mul3A_232 : i32 to vector<16xi32>
        %mul3A_234 = arith.muli %and3A_231, %mul3A_233 : vector<16xi32>
        %add3A_235 = arith.addi %mul3A_234, %iota3A : vector<16xi32>
        tpu.vector_store_idx %arg8[%add3A_235], %broadcast_in_dim3A_0 {add = true} : memref<4096xi32, #tpu.memory_space<vmem>>[vector<16xi32>], vector<16xi32>,
        %scan3A_236 = arith.constant 0 : i32
        %scan3A_237 = arith.constant 3 : i32
        %scan3A_238 = arith.addi %scan3A_195, %scan3A_237 : i32
        %mul3A_239 = arith.constant 16 : i32
        %mul3A_240 = arith.muli %scan3A_238, %mul3A_239 : i32
        %get3A_241 = arith.index_cast %mul3A_240 : i32 to index
        %get3A_242 = tpu.vector_load %arg6[%get3A_241] {strides = array<i32>} : memref<32768xi32, #tpu.memory_space<vmem>>, vector<16xi32>,
        %shift_right_logical3A_243 = vector.broadcast %scan3A_117 : i32 to vector<16xi32>
        %shift_right_logical3A_244 = arith.shrui %get3A_242, %shift_right_logical3A_243 : vector<16xi32>
        %and3A_245 = vector.broadcast %scan3A_118 : i32 to vector<16xi32>
        %and3A_246 = arith.andi %shift_right_logical3A_244, %and3A_245 : vector<16xi32>
        %mul3A_247 = arith.constant 16 : i32
        %mul3A_248 = vector.broadcast %mul3A_247 : i32 to vector<16xi32>
        %mul3A_249 = arith.muli %and3A_246, %mul3A_248 : vector<16xi32>
        %add3A_250 = arith.addi %mul3A_249, %iota3A : vector<16xi32>
        tpu.vector_store_idx %arg8[%add3A_250], %broadcast_in_dim3A_0 {add = true} : memref<4096xi32, #tpu.memory_space<vmem>>[vector<16xi32>], vector<16xi32>,
        %scan3A_251 = arith.constant 0 : i32
        %scan3A_252 = arith.constant 4 : i32
        %scan3A_253 = arith.addi %scan3A_195, %scan3A_252 : i32
        %mul3A_254 = arith.constant 16 : i32
        %mul3A_255 = arith.muli %scan3A_253, %mul3A_254 : i32
        %get3A_256 = arith.index_cast %mul3A_255 : i32 to index
        %get3A_257 = tpu.vector_load %arg6[%get3A_256] {strides = array<i32>} : memref<32768xi32, #tpu.memory_space<vmem>>, vector<16xi32>,
        %shift_right_logical3A_258 = vector.broadcast %scan3A_117 : i32 to vector<16xi32>
        %shift_right_logical3A_259 = arith.shrui %get3A_257, %shift_right_logical3A_258 : vector<16xi32>
        %and3A_260 = vector.broadcast %scan3A_118 : i32 to vector<16xi32>
        %and3A_261 = arith.andi %shift_right_logical3A_259, %and3A_260 : vector<16xi32>
        %mul3A_262 = arith.constant 16 : i32
        %mul3A_263 = vector.broadcast %mul3A_262 : i32 to vector<16xi32>
        %mul3A_264 = arith.muli %and3A_261, %mul3A_263 : vector<16xi32>
        %add3A_265 = arith.addi %mul3A_264, %iota3A : vector<16xi32>
        tpu.vector_store_idx %arg8[%add3A_265], %broadcast_in_dim3A_0 {add = true} : memref<4096xi32, #tpu.memory_space<vmem>>[vector<16xi32>], vector<16xi32>,
        %scan3A_266 = arith.constant 0 : i32
        %scan3A_267 = arith.constant 5 : i32
        %scan3A_268 = arith.addi %scan3A_195, %scan3A_267 : i32
        %mul3A_269 = arith.constant 16 : i32
        %mul3A_270 = arith.muli %scan3A_268, %mul3A_269 : i32
        %get3A_271 = arith.index_cast %mul3A_270 : i32 to index
        %get3A_272 = tpu.vector_load %arg6[%get3A_271] {strides = array<i32>} : memref<32768xi32, #tpu.memory_space<vmem>>, vector<16xi32>,
        %shift_right_logical3A_273 = vector.broadcast %scan3A_117 : i32 to vector<16xi32>
        %shift_right_logical3A_274 = arith.shrui %get3A_272, %shift_right_logical3A_273 : vector<16xi32>
        %and3A_275 = vector.broadcast %scan3A_118 : i32 to vector<16xi32>
        %and3A_276 = arith.andi %shift_right_logical3A_274, %and3A_275 : vector<16xi32>
        %mul3A_277 = arith.constant 16 : i32
        %mul3A_278 = vector.broadcast %mul3A_277 : i32 to vector<16xi32>
        %mul3A_279 = arith.muli %and3A_276, %mul3A_278 : vector<16xi32>
        %add3A_280 = arith.addi %mul3A_279, %iota3A : vector<16xi32>
        tpu.vector_store_idx %arg8[%add3A_280], %broadcast_in_dim3A_0 {add = true} : memref<4096xi32, #tpu.memory_space<vmem>>[vector<16xi32>], vector<16xi32>,
        %scan3A_281 = arith.constant 0 : i32
        %scan3A_282 = arith.constant 6 : i32
        %scan3A_283 = arith.addi %scan3A_195, %scan3A_282 : i32
        %mul3A_284 = arith.constant 16 : i32
        %mul3A_285 = arith.muli %scan3A_283, %mul3A_284 : i32
        %get3A_286 = arith.index_cast %mul3A_285 : i32 to index
        %get3A_287 = tpu.vector_load %arg6[%get3A_286] {strides = array<i32>} : memref<32768xi32, #tpu.memory_space<vmem>>, vector<16xi32>,
        %shift_right_logical3A_288 = vector.broadcast %scan3A_117 : i32 to vector<16xi32>
        %shift_right_logical3A_289 = arith.shrui %get3A_287, %shift_right_logical3A_288 : vector<16xi32>
        %and3A_290 = vector.broadcast %scan3A_118 : i32 to vector<16xi32>
        %and3A_291 = arith.andi %shift_right_logical3A_289, %and3A_290 : vector<16xi32>
        %mul3A_292 = arith.constant 16 : i32
        %mul3A_293 = vector.broadcast %mul3A_292 : i32 to vector<16xi32>
        %mul3A_294 = arith.muli %and3A_291, %mul3A_293 : vector<16xi32>
        %add3A_295 = arith.addi %mul3A_294, %iota3A : vector<16xi32>
        tpu.vector_store_idx %arg8[%add3A_295], %broadcast_in_dim3A_0 {add = true} : memref<4096xi32, #tpu.memory_space<vmem>>[vector<16xi32>], vector<16xi32>,
        %scan3A_296 = arith.constant 0 : i32
        %scan3A_297 = arith.constant 7 : i32
        %scan3A_298 = arith.addi %scan3A_195, %scan3A_297 : i32
        %mul3A_299 = arith.constant 16 : i32
        %mul3A_300 = arith.muli %scan3A_298, %mul3A_299 : i32
        %get3A_301 = arith.index_cast %mul3A_300 : i32 to index
        %get3A_302 = tpu.vector_load %arg6[%get3A_301] {strides = array<i32>} : memref<32768xi32, #tpu.memory_space<vmem>>, vector<16xi32>,
        %shift_right_logical3A_303 = vector.broadcast %scan3A_117 : i32 to vector<16xi32>
        %shift_right_logical3A_304 = arith.shrui %get3A_302, %shift_right_logical3A_303 : vector<16xi32>
        %and3A_305 = vector.broadcast %scan3A_118 : i32 to vector<16xi32>
        %and3A_306 = arith.andi %shift_right_logical3A_304, %and3A_305 : vector<16xi32>
        %mul3A_307 = arith.constant 16 : i32
        %mul3A_308 = vector.broadcast %mul3A_307 : i32 to vector<16xi32>
        %mul3A_309 = arith.muli %and3A_306, %mul3A_308 : vector<16xi32>
        %add3A_310 = arith.addi %mul3A_309, %iota3A : vector<16xi32>
        tpu.vector_store_idx %arg8[%add3A_310], %broadcast_in_dim3A_0 {add = true} : memref<4096xi32, #tpu.memory_space<vmem>>[vector<16xi32>], vector<16xi32>,
        %scan3A_311 = arith.constant 0 : i32
        %scan3A_312 = arith.constant 8 : i32
        %scan3A_313 = arith.addi %scan3A_195, %scan3A_312 : i32
        %mul3A_314 = arith.constant 16 : i32
        %mul3A_315 = arith.muli %scan3A_313, %mul3A_314 : i32
        %get3A_316 = arith.index_cast %mul3A_315 : i32 to index
        %get3A_317 = tpu.vector_load %arg6[%get3A_316] {strides = array<i32>} : memref<32768xi32, #tpu.memory_space<vmem>>, vector<16xi32>,
        %shift_right_logical3A_318 = vector.broadcast %scan3A_117 : i32 to vector<16xi32>
        %shift_right_logical3A_319 = arith.shrui %get3A_317, %shift_right_logical3A_318 : vector<16xi32>
        %and3A_320 = vector.broadcast %scan3A_118 : i32 to vector<16xi32>
        %and3A_321 = arith.andi %shift_right_logical3A_319, %and3A_320 : vector<16xi32>
        %mul3A_322 = arith.constant 16 : i32
        %mul3A_323 = vector.broadcast %mul3A_322 : i32 to vector<16xi32>
        %mul3A_324 = arith.muli %and3A_321, %mul3A_323 : vector<16xi32>
        %add3A_325 = arith.addi %mul3A_324, %iota3A : vector<16xi32>
        tpu.vector_store_idx %arg8[%add3A_325], %broadcast_in_dim3A_0 {add = true} : memref<4096xi32, #tpu.memory_space<vmem>>[vector<16xi32>], vector<16xi32>,
        %scan3A_326 = arith.constant 0 : i32
        %scan3A_327 = arith.constant 9 : i32
        %scan3A_328 = arith.addi %scan3A_195, %scan3A_327 : i32
        %mul3A_329 = arith.constant 16 : i32
        %mul3A_330 = arith.muli %scan3A_328, %mul3A_329 : i32
        %get3A_331 = arith.index_cast %mul3A_330 : i32 to index
        %get3A_332 = tpu.vector_load %arg6[%get3A_331] {strides = array<i32>} : memref<32768xi32, #tpu.memory_space<vmem>>, vector<16xi32>,
        %shift_right_logical3A_333 = vector.broadcast %scan3A_117 : i32 to vector<16xi32>
        %shift_right_logical3A_334 = arith.shrui %get3A_332, %shift_right_logical3A_333 : vector<16xi32>
        %and3A_335 = vector.broadcast %scan3A_118 : i32 to vector<16xi32>
        %and3A_336 = arith.andi %shift_right_logical3A_334, %and3A_335 : vector<16xi32>
        %mul3A_337 = arith.constant 16 : i32
        %mul3A_338 = vector.broadcast %mul3A_337 : i32 to vector<16xi32>
        %mul3A_339 = arith.muli %and3A_336, %mul3A_338 : vector<16xi32>
        %add3A_340 = arith.addi %mul3A_339, %iota3A : vector<16xi32>
        tpu.vector_store_idx %arg8[%add3A_340], %broadcast_in_dim3A_0 {add = true} : memref<4096xi32, #tpu.memory_space<vmem>>[vector<16xi32>], vector<16xi32>,
        %scan3A_341 = arith.constant 0 : i32
        %scan3A_342 = arith.constant 10 : i32
        %scan3A_343 = arith.addi %scan3A_195, %scan3A_342 : i32
        %mul3A_344 = arith.constant 16 : i32
        %mul3A_345 = arith.muli %scan3A_343, %mul3A_344 : i32
        %get3A_346 = arith.index_cast %mul3A_345 : i32 to index
        %get3A_347 = tpu.vector_load %arg6[%get3A_346] {strides = array<i32>} : memref<32768xi32, #tpu.memory_space<vmem>>, vector<16xi32>,
        %shift_right_logical3A_348 = vector.broadcast %scan3A_117 : i32 to vector<16xi32>
        %shift_right_logical3A_349 = arith.shrui %get3A_347, %shift_right_logical3A_348 : vector<16xi32>
        %and3A_350 = vector.broadcast %scan3A_118 : i32 to vector<16xi32>
        %and3A_351 = arith.andi %shift_right_logical3A_349, %and3A_350 : vector<16xi32>
        %mul3A_352 = arith.constant 16 : i32
        %mul3A_353 = vector.broadcast %mul3A_352 : i32 to vector<16xi32>
        %mul3A_354 = arith.muli %and3A_351, %mul3A_353 : vector<16xi32>
        %add3A_355 = arith.addi %mul3A_354, %iota3A : vector<16xi32>
        tpu.vector_store_idx %arg8[%add3A_355], %broadcast_in_dim3A_0 {add = true} : memref<4096xi32, #tpu.memory_space<vmem>>[vector<16xi32>], vector<16xi32>,
        %scan3A_356 = arith.constant 0 : i32
        %scan3A_357 = arith.constant 11 : i32
        %scan3A_358 = arith.addi %scan3A_195, %scan3A_357 : i32
        %mul3A_359 = arith.constant 16 : i32
        %mul3A_360 = arith.muli %scan3A_358, %mul3A_359 : i32
        %get3A_361 = arith.index_cast %mul3A_360 : i32 to index
        %get3A_362 = tpu.vector_load %arg6[%get3A_361] {strides = array<i32>} : memref<32768xi32, #tpu.memory_space<vmem>>, vector<16xi32>,
        %shift_right_logical3A_363 = vector.broadcast %scan3A_117 : i32 to vector<16xi32>
        %shift_right_logical3A_364 = arith.shrui %get3A_362, %shift_right_logical3A_363 : vector<16xi32>
        %and3A_365 = vector.broadcast %scan3A_118 : i32 to vector<16xi32>
        %and3A_366 = arith.andi %shift_right_logical3A_364, %and3A_365 : vector<16xi32>
        %mul3A_367 = arith.constant 16 : i32
        %mul3A_368 = vector.broadcast %mul3A_367 : i32 to vector<16xi32>
        %mul3A_369 = arith.muli %and3A_366, %mul3A_368 : vector<16xi32>
        %add3A_370 = arith.addi %mul3A_369, %iota3A : vector<16xi32>
        tpu.vector_store_idx %arg8[%add3A_370], %broadcast_in_dim3A_0 {add = true} : memref<4096xi32, #tpu.memory_space<vmem>>[vector<16xi32>], vector<16xi32>,
        %scan3A_371 = arith.constant 0 : i32
        %scan3A_372 = arith.constant 12 : i32
        %scan3A_373 = arith.addi %scan3A_195, %scan3A_372 : i32
        %mul3A_374 = arith.constant 16 : i32
        %mul3A_375 = arith.muli %scan3A_373, %mul3A_374 : i32
        %get3A_376 = arith.index_cast %mul3A_375 : i32 to index
        %get3A_377 = tpu.vector_load %arg6[%get3A_376] {strides = array<i32>} : memref<32768xi32, #tpu.memory_space<vmem>>, vector<16xi32>,
        %shift_right_logical3A_378 = vector.broadcast %scan3A_117 : i32 to vector<16xi32>
        %shift_right_logical3A_379 = arith.shrui %get3A_377, %shift_right_logical3A_378 : vector<16xi32>
        %and3A_380 = vector.broadcast %scan3A_118 : i32 to vector<16xi32>
        %and3A_381 = arith.andi %shift_right_logical3A_379, %and3A_380 : vector<16xi32>
        %mul3A_382 = arith.constant 16 : i32
        %mul3A_383 = vector.broadcast %mul3A_382 : i32 to vector<16xi32>
        %mul3A_384 = arith.muli %and3A_381, %mul3A_383 : vector<16xi32>
        %add3A_385 = arith.addi %mul3A_384, %iota3A : vector<16xi32>
        tpu.vector_store_idx %arg8[%add3A_385], %broadcast_in_dim3A_0 {add = true} : memref<4096xi32, #tpu.memory_space<vmem>>[vector<16xi32>], vector<16xi32>,
        %scan3A_386 = arith.constant 0 : i32
        %scan3A_387 = arith.constant 13 : i32
        %scan3A_388 = arith.addi %scan3A_195, %scan3A_387 : i32
        %mul3A_389 = arith.constant 16 : i32
        %mul3A_390 = arith.muli %scan3A_388, %mul3A_389 : i32
        %get3A_391 = arith.index_cast %mul3A_390 : i32 to index
        %get3A_392 = tpu.vector_load %arg6[%get3A_391] {strides = array<i32>} : memref<32768xi32, #tpu.memory_space<vmem>>, vector<16xi32>,
        %shift_right_logical3A_393 = vector.broadcast %scan3A_117 : i32 to vector<16xi32>
        %shift_right_logical3A_394 = arith.shrui %get3A_392, %shift_right_logical3A_393 : vector<16xi32>
        %and3A_395 = vector.broadcast %scan3A_118 : i32 to vector<16xi32>
        %and3A_396 = arith.andi %shift_right_logical3A_394, %and3A_395 : vector<16xi32>
        %mul3A_397 = arith.constant 16 : i32
        %mul3A_398 = vector.broadcast %mul3A_397 : i32 to vector<16xi32>
        %mul3A_399 = arith.muli %and3A_396, %mul3A_398 : vector<16xi32>
        %add3A_400 = arith.addi %mul3A_399, %iota3A : vector<16xi32>
        tpu.vector_store_idx %arg8[%add3A_400], %broadcast_in_dim3A_0 {add = true} : memref<4096xi32, #tpu.memory_space<vmem>>[vector<16xi32>], vector<16xi32>,
        %scan3A_401 = arith.constant 0 : i32
        %scan3A_402 = arith.constant 14 : i32
        %scan3A_403 = arith.addi %scan3A_195, %scan3A_402 : i32
        %mul3A_404 = arith.constant 16 : i32
        %mul3A_405 = arith.muli %scan3A_403, %mul3A_404 : i32
        %get3A_406 = arith.index_cast %mul3A_405 : i32 to index
        %get3A_407 = tpu.vector_load %arg6[%get3A_406] {strides = array<i32>} : memref<32768xi32, #tpu.memory_space<vmem>>, vector<16xi32>,
        %shift_right_logical3A_408 = vector.broadcast %scan3A_117 : i32 to vector<16xi32>
        %shift_right_logical3A_409 = arith.shrui %get3A_407, %shift_right_logical3A_408 : vector<16xi32>
        %and3A_410 = vector.broadcast %scan3A_118 : i32 to vector<16xi32>
        %and3A_411 = arith.andi %shift_right_logical3A_409, %and3A_410 : vector<16xi32>
        %mul3A_412 = arith.constant 16 : i32
        %mul3A_413 = vector.broadcast %mul3A_412 : i32 to vector<16xi32>
        %mul3A_414 = arith.muli %and3A_411, %mul3A_413 : vector<16xi32>
        %add3A_415 = arith.addi %mul3A_414, %iota3A : vector<16xi32>
        tpu.vector_store_idx %arg8[%add3A_415], %broadcast_in_dim3A_0 {add = true} : memref<4096xi32, #tpu.memory_space<vmem>>[vector<16xi32>], vector<16xi32>,
        %scan3A_416 = arith.constant 0 : i32
        %scan3A_417 = arith.constant 15 : i32
        %scan3A_418 = arith.addi %scan3A_195, %scan3A_417 : i32
        %mul3A_419 = arith.constant 16 : i32
        %mul3A_420 = arith.muli %scan3A_418, %mul3A_419 : i32
        %get3A_421 = arith.index_cast %mul3A_420 : i32 to index
        %get3A_422 = tpu.vector_load %arg6[%get3A_421] {strides = array<i32>} : memref<32768xi32, #tpu.memory_space<vmem>>, vector<16xi32>,
        %shift_right_logical3A_423 = vector.broadcast %scan3A_117 : i32 to vector<16xi32>
        %shift_right_logical3A_424 = arith.shrui %get3A_422, %shift_right_logical3A_423 : vector<16xi32>
        %and3A_425 = vector.broadcast %scan3A_118 : i32 to vector<16xi32>
        %and3A_426 = arith.andi %shift_right_logical3A_424, %and3A_425 : vector<16xi32>
        %mul3A_427 = arith.constant 16 : i32
        %mul3A_428 = vector.broadcast %mul3A_427 : i32 to vector<16xi32>
        %mul3A_429 = arith.muli %and3A_426, %mul3A_428 : vector<16xi32>
        %add3A_430 = arith.addi %mul3A_429, %iota3A : vector<16xi32>
        tpu.vector_store_idx %arg8[%add3A_430], %broadcast_in_dim3A_0 {add = true} : memref<4096xi32, #tpu.memory_space<vmem>>[vector<16xi32>], vector<16xi32>,
        %scan3A_431 = arith.constant 0 : i32
        scf.yield %scan3A_431 : i32
      }
      %scan3A_125 = arith.constant 2048 : i32
      %scan3A_126 = arith.constant 0 : i32
      %scan3A_127 = arith.constant 0 : i32
      %scan3A_128 = arith.constant 64 : i32
      %scan3A_129 = arith.addi %scan3A_127, %scan3A_128 : i32
      %scan3A_130 = arith.constant 1 : i32
      %scan3A_131 = scf.for %scan3A_195 = %scan3A_127 to %scan3A_129 step %scan3A_130 iter_args(%scan3A_196 = %scan3A_126) -> (i32)  : i32 {
        %mul3A_197 = arith.constant 4 : i32
        %mul3A_198 = arith.muli %scan3A_195, %mul3A_197 : i32
        %add3A_199 = arith.constant 0 : i32
        %add3A_200 = arith.addi %mul3A_198, %add3A_199 : i32
        %mul3A_201 = arith.constant 16 : i32
        %mul3A_202 = arith.muli %add3A_200, %mul3A_201 : i32
        %get3A = arith.index_cast %mul3A_202 : i32 to index
        %get3A_203 = tpu.vector_load %arg8[%get3A] {strides = array<i32>} : memref<4096xi32, #tpu.memory_space<vmem>>, vector<16xi32>,
        %mul3A_204 = arith.constant 4 : i32
        %mul3A_205 = arith.muli %scan3A_195, %mul3A_204 : i32
        %add3A_206 = arith.constant 1 : i32
        %add3A_207 = arith.addi %mul3A_205, %add3A_206 : i32
        %mul3A_208 = arith.constant 16 : i32
        %mul3A_209 = arith.muli %add3A_207, %mul3A_208 : i32
        %get3A_210 = arith.index_cast %mul3A_209 : i32 to index
        %get3A_211 = tpu.vector_load %arg8[%get3A_210] {strides = array<i32>} : memref<4096xi32, #tpu.memory_space<vmem>>, vector<16xi32>,
        %mul3A_212 = arith.constant 4 : i32
        %mul3A_213 = arith.muli %scan3A_195, %mul3A_212 : i32
        %add3A_214 = arith.constant 2 : i32
        %add3A_215 = arith.addi %mul3A_213, %add3A_214 : i32
        %mul3A_216 = arith.constant 16 : i32
        %mul3A_217 = arith.muli %add3A_215, %mul3A_216 : i32
        %get3A_218 = arith.index_cast %mul3A_217 : i32 to index
        %get3A_219 = tpu.vector_load %arg8[%get3A_218] {strides = array<i32>} : memref<4096xi32, #tpu.memory_space<vmem>>, vector<16xi32>,
        %mul3A_220 = arith.constant 4 : i32
        %mul3A_221 = arith.muli %scan3A_195, %mul3A_220 : i32
        %add3A_222 = arith.constant 3 : i32
        %add3A_223 = arith.addi %mul3A_221, %add3A_222 : i32
        %mul3A_224 = arith.constant 16 : i32
        %mul3A_225 = arith.muli %add3A_223, %mul3A_224 : i32
        %get3A_226 = arith.index_cast %mul3A_225 : i32 to index
        %get3A_227 = tpu.vector_load %arg8[%get3A_226] {strides = array<i32>} : memref<4096xi32, #tpu.memory_space<vmem>>, vector<16xi32>,
        %broadcast_in_dim3A_228 = arith.constant true
        %broadcast_in_dim3A_229 = vector.broadcast %broadcast_in_dim3A_228 : i1 to vector<16xi1>
        %masked_cumsum3A = tpu.scan <sum>, %get3A_203 masked %broadcast_in_dim3A_229 : vector<16xi32>, vector<16xi1> -> vector<16xi32>
        %broadcast_in_dim3A_230 = arith.constant true
        %broadcast_in_dim3A_231 = vector.broadcast %broadcast_in_dim3A_230 : i1 to vector<16xi1>
        %masked_cumsum3A_232 = tpu.scan <sum>, %get3A_211 masked %broadcast_in_dim3A_231 : vector<16xi32>, vector<16xi1> -> vector<16xi32>
        %broadcast_in_dim3A_233 = arith.constant true
        %broadcast_in_dim3A_234 = vector.broadcast %broadcast_in_dim3A_233 : i1 to vector<16xi1>
        %masked_cumsum3A_235 = tpu.scan <sum>, %get3A_219 masked %broadcast_in_dim3A_234 : vector<16xi32>, vector<16xi1> -> vector<16xi32>
        %broadcast_in_dim3A_236 = arith.constant true
        %broadcast_in_dim3A_237 = vector.broadcast %broadcast_in_dim3A_236 : i1 to vector<16xi1>
        %masked_cumsum3A_238 = tpu.scan <sum>, %get3A_227 masked %broadcast_in_dim3A_237 : vector<16xi32>, vector<16xi1> -> vector<16xi32>
        %reduce_max3A_239 = arith.constant true
        %reduce_max3A_240 = vector.broadcast %reduce_max3A_239 : i1 to vector<16xi1>
        %reduce_max3A_241 = arith.constant -2147483648 : i32
        %reduce_max3A_242 = vector.broadcast %reduce_max3A_241 : i32 to vector<16xi32>
        %reduce_max3A_243 = arith.xori %masked_cumsum3A, %reduce_max3A_242 : vector<16xi32>
        %reduce_max3A_244 = tpu.scan <max>, %reduce_max3A_243 masked %reduce_max3A_240 : vector<16xi32>, vector<16xi1> -> vector<16xi32>
        %reduce_max3A_245 = arith.xori %reduce_max3A_244, %reduce_max3A_242 : vector<16xi32>
        %reduce_max3A_246 = vector.extract %reduce_max3A_245[15] : i32 from vector<16xi32>
        %reduce_max3A_247 = arith.constant true
        %reduce_max3A_248 = vector.broadcast %reduce_max3A_247 : i1 to vector<16xi1>
        %reduce_max3A_249 = arith.constant -2147483648 : i32
        %reduce_max3A_250 = vector.broadcast %reduce_max3A_249 : i32 to vector<16xi32>
        %reduce_max3A_251 = arith.xori %masked_cumsum3A_232, %reduce_max3A_250 : vector<16xi32>
        %reduce_max3A_252 = tpu.scan <max>, %reduce_max3A_251 masked %reduce_max3A_248 : vector<16xi32>, vector<16xi1> -> vector<16xi32>
        %reduce_max3A_253 = arith.xori %reduce_max3A_252, %reduce_max3A_250 : vector<16xi32>
        %reduce_max3A_254 = vector.extract %reduce_max3A_253[15] : i32 from vector<16xi32>
        %reduce_max3A_255 = arith.constant true
        %reduce_max3A_256 = vector.broadcast %reduce_max3A_255 : i1 to vector<16xi1>
        %reduce_max3A_257 = arith.constant -2147483648 : i32
        %reduce_max3A_258 = vector.broadcast %reduce_max3A_257 : i32 to vector<16xi32>
        %reduce_max3A_259 = arith.xori %masked_cumsum3A_235, %reduce_max3A_258 : vector<16xi32>
        %reduce_max3A_260 = tpu.scan <max>, %reduce_max3A_259 masked %reduce_max3A_256 : vector<16xi32>, vector<16xi1> -> vector<16xi32>
        %reduce_max3A_261 = arith.xori %reduce_max3A_260, %reduce_max3A_258 : vector<16xi32>
        %reduce_max3A_262 = vector.extract %reduce_max3A_261[15] : i32 from vector<16xi32>
        %reduce_max3A_263 = arith.constant true
        %reduce_max3A_264 = vector.broadcast %reduce_max3A_263 : i1 to vector<16xi1>
        %reduce_max3A_265 = arith.constant -2147483648 : i32
        %reduce_max3A_266 = vector.broadcast %reduce_max3A_265 : i32 to vector<16xi32>
        %reduce_max3A_267 = arith.xori %masked_cumsum3A_238, %reduce_max3A_266 : vector<16xi32>
        %reduce_max3A_268 = tpu.scan <max>, %reduce_max3A_267 masked %reduce_max3A_264 : vector<16xi32>, vector<16xi1> -> vector<16xi32>
        %reduce_max3A_269 = arith.xori %reduce_max3A_268, %reduce_max3A_266 : vector<16xi32>
        %reduce_max3A_270 = vector.extract %reduce_max3A_269[15] : i32 from vector<16xi32>
        %sub3A = arith.subi %masked_cumsum3A, %get3A_203 : vector<16xi32>
        %add3A_271 = vector.broadcast %scan3A_196 : i32 to vector<16xi32>
        %add3A_272 = arith.addi %sub3A, %add3A_271 : vector<16xi32>
        %mul3A_273 = arith.constant 4 : i32
        %mul3A_274 = arith.muli %scan3A_195, %mul3A_273 : i32
        %add3A_275 = arith.constant 0 : i32
        %add3A_276 = arith.addi %mul3A_274, %add3A_275 : i32
        %mul3A_277 = arith.constant 16 : i32
        %mul3A_278 = arith.muli %add3A_276, %mul3A_277 : i32
        %swap3A = arith.index_cast %mul3A_278 : i32 to index
        %swap3A_279 = tpu.vector_load %arg8[%swap3A] {strides = array<i32>} : memref<4096xi32, #tpu.memory_space<vmem>>, vector<16xi32>,
        tpu.vector_store %arg8[%swap3A], %add3A_272 {strides = array<i32>} : memref<4096xi32, #tpu.memory_space<vmem>>, vector<16xi32>,
        %add3A_280 = arith.addi %scan3A_196, %reduce_max3A_246 : i32
        %sub3A_281 = arith.subi %masked_cumsum3A_232, %get3A_211 : vector<16xi32>
        %add3A_282 = vector.broadcast %add3A_280 : i32 to vector<16xi32>
        %add3A_283 = arith.addi %sub3A_281, %add3A_282 : vector<16xi32>
        %mul3A_284 = arith.constant 4 : i32
        %mul3A_285 = arith.muli %scan3A_195, %mul3A_284 : i32
        %add3A_286 = arith.constant 1 : i32
        %add3A_287 = arith.addi %mul3A_285, %add3A_286 : i32
        %mul3A_288 = arith.constant 16 : i32
        %mul3A_289 = arith.muli %add3A_287, %mul3A_288 : i32
        %swap3A_290 = arith.index_cast %mul3A_289 : i32 to index
        %swap3A_291 = tpu.vector_load %arg8[%swap3A_290] {strides = array<i32>} : memref<4096xi32, #tpu.memory_space<vmem>>, vector<16xi32>,
        tpu.vector_store %arg8[%swap3A_290], %add3A_283 {strides = array<i32>} : memref<4096xi32, #tpu.memory_space<vmem>>, vector<16xi32>,
        %add3A_292 = arith.addi %add3A_280, %reduce_max3A_254 : i32
        %sub3A_293 = arith.subi %masked_cumsum3A_235, %get3A_219 : vector<16xi32>
        %add3A_294 = vector.broadcast %add3A_292 : i32 to vector<16xi32>
        %add3A_295 = arith.addi %sub3A_293, %add3A_294 : vector<16xi32>
        %mul3A_296 = arith.constant 4 : i32
        %mul3A_297 = arith.muli %scan3A_195, %mul3A_296 : i32
        %add3A_298 = arith.constant 2 : i32
        %add3A_299 = arith.addi %mul3A_297, %add3A_298 : i32
        %mul3A_300 = arith.constant 16 : i32
        %mul3A_301 = arith.muli %add3A_299, %mul3A_300 : i32
        %swap3A_302 = arith.index_cast %mul3A_301 : i32 to index
        %swap3A_303 = tpu.vector_load %arg8[%swap3A_302] {strides = array<i32>} : memref<4096xi32, #tpu.memory_space<vmem>>, vector<16xi32>,
        tpu.vector_store %arg8[%swap3A_302], %add3A_295 {strides = array<i32>} : memref<4096xi32, #tpu.memory_space<vmem>>, vector<16xi32>,
        %add3A_304 = arith.addi %add3A_292, %reduce_max3A_262 : i32
        %sub3A_305 = arith.subi %masked_cumsum3A_238, %get3A_227 : vector<16xi32>
        %add3A_306 = vector.broadcast %add3A_304 : i32 to vector<16xi32>
        %add3A_307 = arith.addi %sub3A_305, %add3A_306 : vector<16xi32>
        %mul3A_308 = arith.constant 4 : i32
        %mul3A_309 = arith.muli %scan3A_195, %mul3A_308 : i32
        %add3A_310 = arith.constant 3 : i32
        %add3A_311 = arith.addi %mul3A_309, %add3A_310 : i32
        %mul3A_312 = arith.constant 16 : i32
        %mul3A_313 = arith.muli %add3A_311, %mul3A_312 : i32
        %swap3A_314 = arith.index_cast %mul3A_313 : i32 to index
        %swap3A_315 = tpu.vector_load %arg8[%swap3A_314] {strides = array<i32>} : memref<4096xi32, #tpu.memory_space<vmem>>, vector<16xi32>,
        tpu.vector_store %arg8[%swap3A_314], %add3A_307 {strides = array<i32>} : memref<4096xi32, #tpu.memory_space<vmem>>, vector<16xi32>,
        %add3A_316 = arith.addi %add3A_304, %reduce_max3A_270 : i32
        scf.yield %add3A_316 : i32
      }
      %scan3A_132 = arith.constant 64 : i32
      %scan3A_133 = arith.constant 15 : i32
      %scan3A_134 = arith.constant 255 : i32
      %scan3A_135 = arith.constant 32767 : i32
      %scan3A_136 = arith.constant 23 : i32
      %scan3A_137 = arith.constant 0 : i32
      %scan3A_138 = arith.constant 0 : i32
      %scan3A_139 = arith.constant 512 : i32
      %scan3A_140 = arith.addi %scan3A_138, %scan3A_139 : i32
      %scan3A_141 = arith.constant 1 : i32
      %scan3A_142 = scf.for %scan3A_195 = %scan3A_138 to %scan3A_140 step %scan3A_141 iter_args(%scan3A_196 = %scan3A_137) -> (i32)  : i32 {
        %mul3A_197 = arith.constant 4 : i32
        %mul3A_198 = arith.muli %scan3A_195, %mul3A_197 : i32
        %add3A_199 = arith.constant 0 : i32
        %add3A_200 = arith.addi %mul3A_198, %add3A_199 : i32
        %mul3A_201 = arith.constant 16 : i32
        %mul3A_202 = arith.muli %add3A_200, %mul3A_201 : i32
        %get3A = arith.index_cast %mul3A_202 : i32 to index
        %get3A_203 = tpu.vector_load %arg6[%get3A] {strides = array<i32>} : memref<32768xi32, #tpu.memory_space<vmem>>, vector<16xi32>,
        %shift_right_logical3A = vector.broadcast %scan3A_133 : i32 to vector<16xi32>
        %shift_right_logical3A_204 = arith.shrui %get3A_203, %shift_right_logical3A : vector<16xi32>
        %and3A = vector.broadcast %scan3A_134 : i32 to vector<16xi32>
        %and3A_205 = arith.andi %shift_right_logical3A_204, %and3A : vector<16xi32>
        %and3A_206 = vector.broadcast %scan3A_135 : i32 to vector<16xi32>
        %and3A_207 = arith.andi %get3A_203, %and3A_206 : vector<16xi32>
        %shift_right_logical3A_208 = vector.broadcast %scan3A_136 : i32 to vector<16xi32>
        %shift_right_logical3A_209 = arith.shrui %get3A_203, %shift_right_logical3A_208 : vector<16xi32>
        %shift_left3A = vector.broadcast %scan3A_133 : i32 to vector<16xi32>
        %shift_left3A_210 = arith.shli %shift_right_logical3A_209, %shift_left3A : vector<16xi32>
        %or3A = arith.ori %shift_left3A_210, %and3A_207 : vector<16xi32>
        %mul3A_211 = arith.constant 4 : i32
        %mul3A_212 = arith.muli %scan3A_195, %mul3A_211 : i32
        %add3A_213 = arith.constant 1 : i32
        %add3A_214 = arith.addi %mul3A_212, %add3A_213 : i32
        %mul3A_215 = arith.constant 16 : i32
        %mul3A_216 = arith.muli %add3A_214, %mul3A_215 : i32
        %get3A_217 = arith.index_cast %mul3A_216 : i32 to index
        %get3A_218 = tpu.vector_load %arg6[%get3A_217] {strides = array<i32>} : memref<32768xi32, #tpu.memory_space<vmem>>, vector<16xi32>,
        %shift_right_logical3A_219 = vector.broadcast %scan3A_133 : i32 to vector<16xi32>
        %shift_right_logical3A_220 = arith.shrui %get3A_218, %shift_right_logical3A_219 : vector<16xi32>
        %and3A_221 = vector.broadcast %scan3A_134 : i32 to vector<16xi32>
        %and3A_222 = arith.andi %shift_right_logical3A_220, %and3A_221 : vector<16xi32>
        %and3A_223 = vector.broadcast %scan3A_135 : i32 to vector<16xi32>
        %and3A_224 = arith.andi %get3A_218, %and3A_223 : vector<16xi32>
        %shift_right_logical3A_225 = vector.broadcast %scan3A_136 : i32 to vector<16xi32>
        %shift_right_logical3A_226 = arith.shrui %get3A_218, %shift_right_logical3A_225 : vector<16xi32>
        %shift_left3A_227 = vector.broadcast %scan3A_133 : i32 to vector<16xi32>
        %shift_left3A_228 = arith.shli %shift_right_logical3A_226, %shift_left3A_227 : vector<16xi32>
        %or3A_229 = arith.ori %shift_left3A_228, %and3A_224 : vector<16xi32>
        %mul3A_230 = arith.constant 4 : i32
        %mul3A_231 = arith.muli %scan3A_195, %mul3A_230 : i32
        %add3A_232 = arith.constant 2 : i32
        %add3A_233 = arith.addi %mul3A_231, %add3A_232 : i32
        %mul3A_234 = arith.constant 16 : i32
        %mul3A_235 = arith.muli %add3A_233, %mul3A_234 : i32
        %get3A_236 = arith.index_cast %mul3A_235 : i32 to index
        %get3A_237 = tpu.vector_load %arg6[%get3A_236] {strides = array<i32>} : memref<32768xi32, #tpu.memory_space<vmem>>, vector<16xi32>,
        %shift_right_logical3A_238 = vector.broadcast %scan3A_133 : i32 to vector<16xi32>
        %shift_right_logical3A_239 = arith.shrui %get3A_237, %shift_right_logical3A_238 : vector<16xi32>
        %and3A_240 = vector.broadcast %scan3A_134 : i32 to vector<16xi32>
        %and3A_241 = arith.andi %shift_right_logical3A_239, %and3A_240 : vector<16xi32>
        %and3A_242 = vector.broadcast %scan3A_135 : i32 to vector<16xi32>
        %and3A_243 = arith.andi %get3A_237, %and3A_242 : vector<16xi32>
        %shift_right_logical3A_244 = vector.broadcast %scan3A_136 : i32 to vector<16xi32>
        %shift_right_logical3A_245 = arith.shrui %get3A_237, %shift_right_logical3A_244 : vector<16xi32>
        %shift_left3A_246 = vector.broadcast %scan3A_133 : i32 to vector<16xi32>
        %shift_left3A_247 = arith.shli %shift_right_logical3A_245, %shift_left3A_246 : vector<16xi32>
        %or3A_248 = arith.ori %shift_left3A_247, %and3A_243 : vector<16xi32>
        %mul3A_249 = arith.constant 4 : i32
        %mul3A_250 = arith.muli %scan3A_195, %mul3A_249 : i32
        %add3A_251 = arith.constant 3 : i32
        %add3A_252 = arith.addi %mul3A_250, %add3A_251 : i32
        %mul3A_253 = arith.constant 16 : i32
        %mul3A_254 = arith.muli %add3A_252, %mul3A_253 : i32
        %get3A_255 = arith.index_cast %mul3A_254 : i32 to index
        %get3A_256 = tpu.vector_load %arg6[%get3A_255] {strides = array<i32>} : memref<32768xi32, #tpu.memory_space<vmem>>, vector<16xi32>,
        %shift_right_logical3A_257 = vector.broadcast %scan3A_133 : i32 to vector<16xi32>
        %shift_right_logical3A_258 = arith.shrui %get3A_256, %shift_right_logical3A_257 : vector<16xi32>
        %and3A_259 = vector.broadcast %scan3A_134 : i32 to vector<16xi32>
        %and3A_260 = arith.andi %shift_right_logical3A_258, %and3A_259 : vector<16xi32>
        %and3A_261 = vector.broadcast %scan3A_135 : i32 to vector<16xi32>
        %and3A_262 = arith.andi %get3A_256, %and3A_261 : vector<16xi32>
        %shift_right_logical3A_263 = vector.broadcast %scan3A_136 : i32 to vector<16xi32>
        %shift_right_logical3A_264 = arith.shrui %get3A_256, %shift_right_logical3A_263 : vector<16xi32>
        %shift_left3A_265 = vector.broadcast %scan3A_133 : i32 to vector<16xi32>
        %shift_left3A_266 = arith.shli %shift_right_logical3A_264, %shift_left3A_265 : vector<16xi32>
        %or3A_267 = arith.ori %shift_left3A_266, %and3A_262 : vector<16xi32>
        %mul3A_268 = arith.constant 16 : i32
        %mul3A_269 = vector.broadcast %mul3A_268 : i32 to vector<16xi32>
        %mul3A_270 = arith.muli %and3A_205, %mul3A_269 : vector<16xi32>
        %add3A_271 = arith.addi %mul3A_270, %iota3A : vector<16xi32>
        %gather3A = tpu.vector_load_idx %arg8[%add3A_271] : memref<4096xi32, #tpu.memory_space<vmem>>[vector<16xi32>], vector<16xi32>,
        %mul3A_272 = arith.constant 16 : i32
        %mul3A_273 = vector.broadcast %mul3A_272 : i32 to vector<16xi32>
        %mul3A_274 = arith.muli %and3A_222, %mul3A_273 : vector<16xi32>
        %add3A_275 = arith.addi %mul3A_274, %iota3A : vector<16xi32>
        %gather3A_276 = tpu.vector_load_idx %arg8[%add3A_275] : memref<4096xi32, #tpu.memory_space<vmem>>[vector<16xi32>], vector<16xi32>,
        %mul3A_277 = arith.constant 16 : i32
        %mul3A_278 = vector.broadcast %mul3A_277 : i32 to vector<16xi32>
        %mul3A_279 = arith.muli %and3A_241, %mul3A_278 : vector<16xi32>
        %add3A_280 = arith.addi %mul3A_279, %iota3A : vector<16xi32>
        %gather3A_281 = tpu.vector_load_idx %arg8[%add3A_280] : memref<4096xi32, #tpu.memory_space<vmem>>[vector<16xi32>], vector<16xi32>,
        %mul3A_282 = arith.constant 16 : i32
        %mul3A_283 = vector.broadcast %mul3A_282 : i32 to vector<16xi32>
        %mul3A_284 = arith.muli %and3A_260, %mul3A_283 : vector<16xi32>
        %add3A_285 = arith.addi %mul3A_284, %iota3A : vector<16xi32>
        %gather3A_286 = tpu.vector_load_idx %arg8[%add3A_285] : memref<4096xi32, #tpu.memory_space<vmem>>[vector<16xi32>], vector<16xi32>,
        %eq3A = arith.cmpi eq, %and3A_205, %and3A_222 : vector<16xi32>
        %eq3A_287 = arith.cmpi eq, %and3A_205, %and3A_241 : vector<16xi32>
        %eq3A_288 = arith.cmpi eq, %and3A_205, %and3A_260 : vector<16xi32>
        %eq3A_289 = arith.cmpi eq, %and3A_222, %and3A_241 : vector<16xi32>
        %eq3A_290 = arith.cmpi eq, %and3A_222, %and3A_260 : vector<16xi32>
        %eq3A_291 = arith.cmpi eq, %and3A_241, %and3A_260 : vector<16xi32>
        %broadcast_in_dim3A_292 = arith.constant 0 : i32
        %broadcast_in_dim3A_293 = vector.broadcast %broadcast_in_dim3A_292 : i32 to vector<16xi32>
        %add3A_294 = arith.addi %gather3A, %broadcast_in_dim3A_293 : vector<16xi32>
        %broadcast_in_dim3A_295 = arith.constant true
        %broadcast_in_dim3A_296 = vector.broadcast %broadcast_in_dim3A_295 : i1 to vector<16xi1>
        %not3A = arith.constant dense<true> : vector<16xi1>
        %not3A_297 = arith.xori %eq3A, %not3A : vector<16xi1>
        %and3A_298 = arith.andi %broadcast_in_dim3A_296, %not3A_297 : vector<16xi1>
        %not3A_299 = arith.constant dense<true> : vector<16xi1>
        %not3A_300 = arith.xori %eq3A_287, %not3A_299 : vector<16xi1>
        %and3A_301 = arith.andi %and3A_298, %not3A_300 : vector<16xi1>
        %not3A_302 = arith.constant dense<true> : vector<16xi1>
        %not3A_303 = arith.xori %eq3A_288, %not3A_302 : vector<16xi1>
        %and3A_304 = arith.andi %and3A_301, %not3A_303 : vector<16xi1>
        %mul3A_305 = arith.constant 16 : i32
        %mul3A_306 = vector.broadcast %mul3A_305 : i32 to vector<16xi32>
        %mul3A_307 = arith.muli %and3A_205, %mul3A_306 : vector<16xi32>
        %add3A_308 = arith.addi %mul3A_307, %iota3A : vector<16xi32>
        %add3A_309 = arith.addi %add3A_294, %broadcast_in_dim3A_0 : vector<16xi32>
        tpu.vector_store_idx %arg8[%add3A_308], %add3A_309 masked %and3A_304 : memref<4096xi32, #tpu.memory_space<vmem>>[vector<16xi32>], vector<16xi32>, vector<16xi1>
        %and3A_310 = arith.constant 2047 : i32
        %and3A_311 = vector.broadcast %and3A_310 : i32 to vector<16xi32>
        %and3A_312 = arith.andi %add3A_294, %and3A_311 : vector<16xi32>
        %shift_left3A_313 = arith.constant 4 : i32
        %shift_left3A_314 = vector.broadcast %shift_left3A_313 : i32 to vector<16xi32>
        %shift_left3A_315 = arith.shli %and3A_312, %shift_left3A_314 : vector<16xi32>
        %shift_right_logical3A_316 = arith.constant 11 : i32
        %shift_right_logical3A_317 = vector.broadcast %shift_right_logical3A_316 : i32 to vector<16xi32>
        %shift_right_logical3A_318 = arith.shrui %add3A_294, %shift_right_logical3A_317 : vector<16xi32>
        %or3A_319 = arith.ori %shift_left3A_315, %shift_right_logical3A_318 : vector<16xi32>
        %bitcast3A = vector.bitcast %or3A : vector<16xi32> to vector<16xf32>
        tpu.vector_store_idx %arg5[%or3A_319], %bitcast3A : memref<32768xf32, #tpu.memory_space<vmem>>[vector<16xi32>], vector<16xf32>,
        %broadcast_in_dim3A_320 = arith.constant 0 : i32
        %broadcast_in_dim3A_321 = vector.broadcast %broadcast_in_dim3A_320 : i32 to vector<16xi32>
        %jit3A = arith.constant 1 : i32
        %jit3A_322 = arith.constant 0 : i32
        %broadcast_in_dim3A_323 = vector.broadcast %jit3A : i32 to vector<16xi32>
        %broadcast_in_dim3A_324 = vector.broadcast %jit3A_322 : i32 to vector<16xi32>
        %select_n3A = arith.select %eq3A, %broadcast_in_dim3A_323, %broadcast_in_dim3A_324 : vector<16xi1>, vector<16xi32>
        %add3A_325 = arith.addi %broadcast_in_dim3A_321, %select_n3A : vector<16xi32>
        %add3A_326 = arith.addi %gather3A_276, %add3A_325 : vector<16xi32>
        %broadcast_in_dim3A_327 = arith.constant true
        %broadcast_in_dim3A_328 = vector.broadcast %broadcast_in_dim3A_327 : i1 to vector<16xi1>
        %not3A_329 = arith.constant dense<true> : vector<16xi1>
        %not3A_330 = arith.xori %eq3A_289, %not3A_329 : vector<16xi1>
        %and3A_331 = arith.andi %broadcast_in_dim3A_328, %not3A_330 : vector<16xi1>
        %not3A_332 = arith.constant dense<true> : vector<16xi1>
        %not3A_333 = arith.xori %eq3A_290, %not3A_332 : vector<16xi1>
        %and3A_334 = arith.andi %and3A_331, %not3A_333 : vector<16xi1>
        %mul3A_335 = arith.constant 16 : i32
        %mul3A_336 = vector.broadcast %mul3A_335 : i32 to vector<16xi32>
        %mul3A_337 = arith.muli %and3A_222, %mul3A_336 : vector<16xi32>
        %add3A_338 = arith.addi %mul3A_337, %iota3A : vector<16xi32>
        %add3A_339 = arith.addi %add3A_326, %broadcast_in_dim3A_0 : vector<16xi32>
        tpu.vector_store_idx %arg8[%add3A_338], %add3A_339 masked %and3A_334 : memref<4096xi32, #tpu.memory_space<vmem>>[vector<16xi32>], vector<16xi32>, vector<16xi1>
        %and3A_340 = arith.constant 2047 : i32
        %and3A_341 = vector.broadcast %and3A_340 : i32 to vector<16xi32>
        %and3A_342 = arith.andi %add3A_326, %and3A_341 : vector<16xi32>
        %shift_left3A_343 = arith.constant 4 : i32
        %shift_left3A_344 = vector.broadcast %shift_left3A_343 : i32 to vector<16xi32>
        %shift_left3A_345 = arith.shli %and3A_342, %shift_left3A_344 : vector<16xi32>
        %shift_right_logical3A_346 = arith.constant 11 : i32
        %shift_right_logical3A_347 = vector.broadcast %shift_right_logical3A_346 : i32 to vector<16xi32>
        %shift_right_logical3A_348 = arith.shrui %add3A_326, %shift_right_logical3A_347 : vector<16xi32>
        %or3A_349 = arith.ori %shift_left3A_345, %shift_right_logical3A_348 : vector<16xi32>
        %bitcast3A_350 = vector.bitcast %or3A_229 : vector<16xi32> to vector<16xf32>
        tpu.vector_store_idx %arg5[%or3A_349], %bitcast3A_350 : memref<32768xf32, #tpu.memory_space<vmem>>[vector<16xi32>], vector<16xf32>,
        %broadcast_in_dim3A_351 = arith.constant 0 : i32
        %broadcast_in_dim3A_352 = vector.broadcast %broadcast_in_dim3A_351 : i32 to vector<16xi32>
        %jit3A_353 = arith.constant 1 : i32
        %jit3A_354 = arith.constant 0 : i32
        %broadcast_in_dim3A_355 = vector.broadcast %jit3A_353 : i32 to vector<16xi32>
        %broadcast_in_dim3A_356 = vector.broadcast %jit3A_354 : i32 to vector<16xi32>
        %select_n3A_357 = arith.select %eq3A_287, %broadcast_in_dim3A_355, %broadcast_in_dim3A_356 : vector<16xi1>, vector<16xi32>
        %add3A_358 = arith.addi %broadcast_in_dim3A_352, %select_n3A_357 : vector<16xi32>
        %jit3A_359 = arith.constant 1 : i32
        %jit3A_360 = arith.constant 0 : i32
        %broadcast_in_dim3A_361 = vector.broadcast %jit3A_359 : i32 to vector<16xi32>
        %broadcast_in_dim3A_362 = vector.broadcast %jit3A_360 : i32 to vector<16xi32>
        %select_n3A_363 = arith.select %eq3A_289, %broadcast_in_dim3A_361, %broadcast_in_dim3A_362 : vector<16xi1>, vector<16xi32>
        %add3A_364 = arith.addi %add3A_358, %select_n3A_363 : vector<16xi32>
        %add3A_365 = arith.addi %gather3A_281, %add3A_364 : vector<16xi32>
        %broadcast_in_dim3A_366 = arith.constant true
        %broadcast_in_dim3A_367 = vector.broadcast %broadcast_in_dim3A_366 : i1 to vector<16xi1>
        %not3A_368 = arith.constant dense<true> : vector<16xi1>
        %not3A_369 = arith.xori %eq3A_291, %not3A_368 : vector<16xi1>
        %and3A_370 = arith.andi %broadcast_in_dim3A_367, %not3A_369 : vector<16xi1>
        %mul3A_371 = arith.constant 16 : i32
        %mul3A_372 = vector.broadcast %mul3A_371 : i32 to vector<16xi32>
        %mul3A_373 = arith.muli %and3A_241, %mul3A_372 : vector<16xi32>
        %add3A_374 = arith.addi %mul3A_373, %iota3A : vector<16xi32>
        %add3A_375 = arith.addi %add3A_365, %broadcast_in_dim3A_0 : vector<16xi32>
        tpu.vector_store_idx %arg8[%add3A_374], %add3A_375 masked %and3A_370 : memref<4096xi32, #tpu.memory_space<vmem>>[vector<16xi32>], vector<16xi32>, vector<16xi1>
        %and3A_376 = arith.constant 2047 : i32
        %and3A_377 = vector.broadcast %and3A_376 : i32 to vector<16xi32>
        %and3A_378 = arith.andi %add3A_365, %and3A_377 : vector<16xi32>
        %shift_left3A_379 = arith.constant 4 : i32
        %shift_left3A_380 = vector.broadcast %shift_left3A_379 : i32 to vector<16xi32>
        %shift_left3A_381 = arith.shli %and3A_378, %shift_left3A_380 : vector<16xi32>
        %shift_right_logical3A_382 = arith.constant 11 : i32
        %shift_right_logical3A_383 = vector.broadcast %shift_right_logical3A_382 : i32 to vector<16xi32>
        %shift_right_logical3A_384 = arith.shrui %add3A_365, %shift_right_logical3A_383 : vector<16xi32>
        %or3A_385 = arith.ori %shift_left3A_381, %shift_right_logical3A_384 : vector<16xi32>
        %bitcast3A_386 = vector.bitcast %or3A_248 : vector<16xi32> to vector<16xf32>
        tpu.vector_store_idx %arg5[%or3A_385], %bitcast3A_386 : memref<32768xf32, #tpu.memory_space<vmem>>[vector<16xi32>], vector<16xf32>,
        %broadcast_in_dim3A_387 = arith.constant 0 : i32
        %broadcast_in_dim3A_388 = vector.broadcast %broadcast_in_dim3A_387 : i32 to vector<16xi32>
        %jit3A_389 = arith.constant 1 : i32
        %jit3A_390 = arith.constant 0 : i32
        %broadcast_in_dim3A_391 = vector.broadcast %jit3A_389 : i32 to vector<16xi32>
        %broadcast_in_dim3A_392 = vector.broadcast %jit3A_390 : i32 to vector<16xi32>
        %select_n3A_393 = arith.select %eq3A_288, %broadcast_in_dim3A_391, %broadcast_in_dim3A_392 : vector<16xi1>, vector<16xi32>
        %add3A_394 = arith.addi %broadcast_in_dim3A_388, %select_n3A_393 : vector<16xi32>
        %jit3A_395 = arith.constant 1 : i32
        %jit3A_396 = arith.constant 0 : i32
        %broadcast_in_dim3A_397 = vector.broadcast %jit3A_395 : i32 to vector<16xi32>
        %broadcast_in_dim3A_398 = vector.broadcast %jit3A_396 : i32 to vector<16xi32>
        %select_n3A_399 = arith.select %eq3A_290, %broadcast_in_dim3A_397, %broadcast_in_dim3A_398 : vector<16xi1>, vector<16xi32>
        %add3A_400 = arith.addi %add3A_394, %select_n3A_399 : vector<16xi32>
        %jit3A_401 = arith.constant 1 : i32
        %jit3A_402 = arith.constant 0 : i32
        %broadcast_in_dim3A_403 = vector.broadcast %jit3A_401 : i32 to vector<16xi32>
        %broadcast_in_dim3A_404 = vector.broadcast %jit3A_402 : i32 to vector<16xi32>
        %select_n3A_405 = arith.select %eq3A_291, %broadcast_in_dim3A_403, %broadcast_in_dim3A_404 : vector<16xi1>, vector<16xi32>
        %add3A_406 = arith.addi %add3A_400, %select_n3A_405 : vector<16xi32>
        %add3A_407 = arith.addi %gather3A_286, %add3A_406 : vector<16xi32>
        %broadcast_in_dim3A_408 = arith.constant true
        %broadcast_in_dim3A_409 = vector.broadcast %broadcast_in_dim3A_408 : i1 to vector<16xi1>
        %mul3A_410 = arith.constant 16 : i32
        %mul3A_411 = vector.broadcast %mul3A_410 : i32 to vector<16xi32>
        %mul3A_412 = arith.muli %and3A_260, %mul3A_411 : vector<16xi32>
        %add3A_413 = arith.addi %mul3A_412, %iota3A : vector<16xi32>
        %add3A_414 = arith.addi %add3A_407, %broadcast_in_dim3A_0 : vector<16xi32>
        tpu.vector_store_idx %arg8[%add3A_413], %add3A_414 masked %broadcast_in_dim3A_409 : memref<4096xi32, #tpu.memory_space<vmem>>[vector<16xi32>], vector<16xi32>, vector<16xi1>
        %and3A_415 = arith.constant 2047 : i32
        %and3A_416 = vector.broadcast %and3A_415 : i32 to vector<16xi32>
        %and3A_417 = arith.andi %add3A_407, %and3A_416 : vector<16xi32>
        %shift_left3A_418 = arith.constant 4 : i32
        %shift_left3A_419 = vector.broadcast %shift_left3A_418 : i32 to vector<16xi32>
        %shift_left3A_420 = arith.shli %and3A_417, %shift_left3A_419 : vector<16xi32>
        %shift_right_logical3A_421 = arith.constant 11 : i32
        %shift_right_logical3A_422 = vector.broadcast %shift_right_logical3A_421 : i32 to vector<16xi32>
        %shift_right_logical3A_423 = arith.shrui %add3A_407, %shift_right_logical3A_422 : vector<16xi32>
        %or3A_424 = arith.ori %shift_left3A_420, %shift_right_logical3A_423 : vector<16xi32>
        %bitcast3A_425 = vector.bitcast %or3A_267 : vector<16xi32> to vector<16xf32>
        tpu.vector_store_idx %arg5[%or3A_424], %bitcast3A_425 : memref<32768xf32, #tpu.memory_space<vmem>>[vector<16xi32>], vector<16xf32>,
        %scan3A_426 = arith.constant 0 : i32
        scf.yield %scan3A_426 : i32
      }
      %scan3A_143 = arith.constant 512 : i32
      %scan3A_144 = arith.constant 0 : i32
      %scan3A_145 = arith.constant 0 : i32
      %scan3A_146 = arith.constant 256 : i32
      %scan3A_147 = arith.addi %scan3A_145, %scan3A_146 : i32
      %scan3A_148 = arith.constant 1 : i32
      %scan3A_149 = scf.for %scan3A_195 = %scan3A_145 to %scan3A_147 step %scan3A_148 iter_args(%scan3A_196 = %scan3A_144) -> (i32)  : i32 {
        %broadcast_in_dim3A_197 = arith.constant 0 : i32
        %broadcast_in_dim3A_198 = vector.broadcast %broadcast_in_dim3A_197 : i32 to vector<16xi32>
        %mul3A_199 = arith.constant 16 : i32
        %mul3A_200 = arith.muli %scan3A_195, %mul3A_199 : i32
        %swap3A = arith.index_cast %mul3A_200 : i32 to index
        %swap3A_201 = tpu.vector_load %arg8[%swap3A] {strides = array<i32>} : memref<4096xi32, #tpu.memory_space<vmem>>, vector<16xi32>,
        tpu.vector_store %arg8[%swap3A], %broadcast_in_dim3A_198 {strides = array<i32>} : memref<4096xi32, #tpu.memory_space<vmem>>, vector<16xi32>,
        %scan3A_202 = arith.constant 0 : i32
        scf.yield %scan3A_202 : i32
      }
      %scan3A_150 = arith.constant 256 : i32
      %scan3A_151 = arith.constant 15 : i32
      %scan3A_152 = arith.constant 255 : i32
      %scan3A_153 = arith.constant 0 : i32
      %scan3A_154 = arith.constant 0 : i32
      %scan3A_155 = arith.constant 2048 : i32
      %scan3A_156 = arith.addi %scan3A_154, %scan3A_155 : i32
      %scan3A_157 = arith.constant 16 : i32
      %scan3A_158 = scf.for %scan3A_195 = %scan3A_154 to %scan3A_156 step %scan3A_157 iter_args(%scan3A_196 = %scan3A_153) -> (i32)  : i32 {
        %mul3A_197 = arith.constant 16 : i32
        %mul3A_198 = arith.muli %scan3A_195, %mul3A_197 : i32
        %get3A = arith.index_cast %mul3A_198 : i32 to index
        %get3A_199 = tpu.vector_load %arg5[%get3A] {strides = array<i32>} : memref<32768xf32, #tpu.memory_space<vmem>>, vector<16xf32>,
        %bitcast3A = vector.bitcast %get3A_199 : vector<16xf32> to vector<16xi32>
        %shift_right_logical3A = vector.broadcast %scan3A_151 : i32 to vector<16xi32>
        %shift_right_logical3A_200 = arith.shrui %bitcast3A, %shift_right_logical3A : vector<16xi32>
        %and3A = vector.broadcast %scan3A_152 : i32 to vector<16xi32>
        %and3A_201 = arith.andi %shift_right_logical3A_200, %and3A : vector<16xi32>
        %mul3A_202 = arith.constant 16 : i32
        %mul3A_203 = vector.broadcast %mul3A_202 : i32 to vector<16xi32>
        %mul3A_204 = arith.muli %and3A_201, %mul3A_203 : vector<16xi32>
        %add3A_205 = arith.addi %mul3A_204, %iota3A : vector<16xi32>
        tpu.vector_store_idx %arg8[%add3A_205], %broadcast_in_dim3A_0 {add = true} : memref<4096xi32, #tpu.memory_space<vmem>>[vector<16xi32>], vector<16xi32>,
        %scan3A_206 = arith.constant 0 : i32
        %scan3A_207 = arith.constant 1 : i32
        %scan3A_208 = arith.addi %scan3A_195, %scan3A_207 : i32
        %mul3A_209 = arith.constant 16 : i32
        %mul3A_210 = arith.muli %scan3A_208, %mul3A_209 : i32
        %get3A_211 = arith.index_cast %mul3A_210 : i32 to index
        %get3A_212 = tpu.vector_load %arg5[%get3A_211] {strides = array<i32>} : memref<32768xf32, #tpu.memory_space<vmem>>, vector<16xf32>,
        %bitcast3A_213 = vector.bitcast %get3A_212 : vector<16xf32> to vector<16xi32>
        %shift_right_logical3A_214 = vector.broadcast %scan3A_151 : i32 to vector<16xi32>
        %shift_right_logical3A_215 = arith.shrui %bitcast3A_213, %shift_right_logical3A_214 : vector<16xi32>
        %and3A_216 = vector.broadcast %scan3A_152 : i32 to vector<16xi32>
        %and3A_217 = arith.andi %shift_right_logical3A_215, %and3A_216 : vector<16xi32>
        %mul3A_218 = arith.constant 16 : i32
        %mul3A_219 = vector.broadcast %mul3A_218 : i32 to vector<16xi32>
        %mul3A_220 = arith.muli %and3A_217, %mul3A_219 : vector<16xi32>
        %add3A_221 = arith.addi %mul3A_220, %iota3A : vector<16xi32>
        tpu.vector_store_idx %arg8[%add3A_221], %broadcast_in_dim3A_0 {add = true} : memref<4096xi32, #tpu.memory_space<vmem>>[vector<16xi32>], vector<16xi32>,
        %scan3A_222 = arith.constant 0 : i32
        %scan3A_223 = arith.constant 2 : i32
        %scan3A_224 = arith.addi %scan3A_195, %scan3A_223 : i32
        %mul3A_225 = arith.constant 16 : i32
        %mul3A_226 = arith.muli %scan3A_224, %mul3A_225 : i32
        %get3A_227 = arith.index_cast %mul3A_226 : i32 to index
        %get3A_228 = tpu.vector_load %arg5[%get3A_227] {strides = array<i32>} : memref<32768xf32, #tpu.memory_space<vmem>>, vector<16xf32>,
        %bitcast3A_229 = vector.bitcast %get3A_228 : vector<16xf32> to vector<16xi32>
        %shift_right_logical3A_230 = vector.broadcast %scan3A_151 : i32 to vector<16xi32>
        %shift_right_logical3A_231 = arith.shrui %bitcast3A_229, %shift_right_logical3A_230 : vector<16xi32>
        %and3A_232 = vector.broadcast %scan3A_152 : i32 to vector<16xi32>
        %and3A_233 = arith.andi %shift_right_logical3A_231, %and3A_232 : vector<16xi32>
        %mul3A_234 = arith.constant 16 : i32
        %mul3A_235 = vector.broadcast %mul3A_234 : i32 to vector<16xi32>
        %mul3A_236 = arith.muli %and3A_233, %mul3A_235 : vector<16xi32>
        %add3A_237 = arith.addi %mul3A_236, %iota3A : vector<16xi32>
        tpu.vector_store_idx %arg8[%add3A_237], %broadcast_in_dim3A_0 {add = true} : memref<4096xi32, #tpu.memory_space<vmem>>[vector<16xi32>], vector<16xi32>,
        %scan3A_238 = arith.constant 0 : i32
        %scan3A_239 = arith.constant 3 : i32
        %scan3A_240 = arith.addi %scan3A_195, %scan3A_239 : i32
        %mul3A_241 = arith.constant 16 : i32
        %mul3A_242 = arith.muli %scan3A_240, %mul3A_241 : i32
        %get3A_243 = arith.index_cast %mul3A_242 : i32 to index
        %get3A_244 = tpu.vector_load %arg5[%get3A_243] {strides = array<i32>} : memref<32768xf32, #tpu.memory_space<vmem>>, vector<16xf32>,
        %bitcast3A_245 = vector.bitcast %get3A_244 : vector<16xf32> to vector<16xi32>
        %shift_right_logical3A_246 = vector.broadcast %scan3A_151 : i32 to vector<16xi32>
        %shift_right_logical3A_247 = arith.shrui %bitcast3A_245, %shift_right_logical3A_246 : vector<16xi32>
        %and3A_248 = vector.broadcast %scan3A_152 : i32 to vector<16xi32>
        %and3A_249 = arith.andi %shift_right_logical3A_247, %and3A_248 : vector<16xi32>
        %mul3A_250 = arith.constant 16 : i32
        %mul3A_251 = vector.broadcast %mul3A_250 : i32 to vector<16xi32>
        %mul3A_252 = arith.muli %and3A_249, %mul3A_251 : vector<16xi32>
        %add3A_253 = arith.addi %mul3A_252, %iota3A : vector<16xi32>
        tpu.vector_store_idx %arg8[%add3A_253], %broadcast_in_dim3A_0 {add = true} : memref<4096xi32, #tpu.memory_space<vmem>>[vector<16xi32>], vector<16xi32>,
        %scan3A_254 = arith.constant 0 : i32
        %scan3A_255 = arith.constant 4 : i32
        %scan3A_256 = arith.addi %scan3A_195, %scan3A_255 : i32
        %mul3A_257 = arith.constant 16 : i32
        %mul3A_258 = arith.muli %scan3A_256, %mul3A_257 : i32
        %get3A_259 = arith.index_cast %mul3A_258 : i32 to index
        %get3A_260 = tpu.vector_load %arg5[%get3A_259] {strides = array<i32>} : memref<32768xf32, #tpu.memory_space<vmem>>, vector<16xf32>,
        %bitcast3A_261 = vector.bitcast %get3A_260 : vector<16xf32> to vector<16xi32>
        %shift_right_logical3A_262 = vector.broadcast %scan3A_151 : i32 to vector<16xi32>
        %shift_right_logical3A_263 = arith.shrui %bitcast3A_261, %shift_right_logical3A_262 : vector<16xi32>
        %and3A_264 = vector.broadcast %scan3A_152 : i32 to vector<16xi32>
        %and3A_265 = arith.andi %shift_right_logical3A_263, %and3A_264 : vector<16xi32>
        %mul3A_266 = arith.constant 16 : i32
        %mul3A_267 = vector.broadcast %mul3A_266 : i32 to vector<16xi32>
        %mul3A_268 = arith.muli %and3A_265, %mul3A_267 : vector<16xi32>
        %add3A_269 = arith.addi %mul3A_268, %iota3A : vector<16xi32>
        tpu.vector_store_idx %arg8[%add3A_269], %broadcast_in_dim3A_0 {add = true} : memref<4096xi32, #tpu.memory_space<vmem>>[vector<16xi32>], vector<16xi32>,
        %scan3A_270 = arith.constant 0 : i32
        %scan3A_271 = arith.constant 5 : i32
        %scan3A_272 = arith.addi %scan3A_195, %scan3A_271 : i32
        %mul3A_273 = arith.constant 16 : i32
        %mul3A_274 = arith.muli %scan3A_272, %mul3A_273 : i32
        %get3A_275 = arith.index_cast %mul3A_274 : i32 to index
        %get3A_276 = tpu.vector_load %arg5[%get3A_275] {strides = array<i32>} : memref<32768xf32, #tpu.memory_space<vmem>>, vector<16xf32>,
        %bitcast3A_277 = vector.bitcast %get3A_276 : vector<16xf32> to vector<16xi32>
        %shift_right_logical3A_278 = vector.broadcast %scan3A_151 : i32 to vector<16xi32>
        %shift_right_logical3A_279 = arith.shrui %bitcast3A_277, %shift_right_logical3A_278 : vector<16xi32>
        %and3A_280 = vector.broadcast %scan3A_152 : i32 to vector<16xi32>
        %and3A_281 = arith.andi %shift_right_logical3A_279, %and3A_280 : vector<16xi32>
        %mul3A_282 = arith.constant 16 : i32
        %mul3A_283 = vector.broadcast %mul3A_282 : i32 to vector<16xi32>
        %mul3A_284 = arith.muli %and3A_281, %mul3A_283 : vector<16xi32>
        %add3A_285 = arith.addi %mul3A_284, %iota3A : vector<16xi32>
        tpu.vector_store_idx %arg8[%add3A_285], %broadcast_in_dim3A_0 {add = true} : memref<4096xi32, #tpu.memory_space<vmem>>[vector<16xi32>], vector<16xi32>,
        %scan3A_286 = arith.constant 0 : i32
        %scan3A_287 = arith.constant 6 : i32
        %scan3A_288 = arith.addi %scan3A_195, %scan3A_287 : i32
        %mul3A_289 = arith.constant 16 : i32
        %mul3A_290 = arith.muli %scan3A_288, %mul3A_289 : i32
        %get3A_291 = arith.index_cast %mul3A_290 : i32 to index
        %get3A_292 = tpu.vector_load %arg5[%get3A_291] {strides = array<i32>} : memref<32768xf32, #tpu.memory_space<vmem>>, vector<16xf32>,
        %bitcast3A_293 = vector.bitcast %get3A_292 : vector<16xf32> to vector<16xi32>
        %shift_right_logical3A_294 = vector.broadcast %scan3A_151 : i32 to vector<16xi32>
        %shift_right_logical3A_295 = arith.shrui %bitcast3A_293, %shift_right_logical3A_294 : vector<16xi32>
        %and3A_296 = vector.broadcast %scan3A_152 : i32 to vector<16xi32>
        %and3A_297 = arith.andi %shift_right_logical3A_295, %and3A_296 : vector<16xi32>
        %mul3A_298 = arith.constant 16 : i32
        %mul3A_299 = vector.broadcast %mul3A_298 : i32 to vector<16xi32>
        %mul3A_300 = arith.muli %and3A_297, %mul3A_299 : vector<16xi32>
        %add3A_301 = arith.addi %mul3A_300, %iota3A : vector<16xi32>
        tpu.vector_store_idx %arg8[%add3A_301], %broadcast_in_dim3A_0 {add = true} : memref<4096xi32, #tpu.memory_space<vmem>>[vector<16xi32>], vector<16xi32>,
        %scan3A_302 = arith.constant 0 : i32
        %scan3A_303 = arith.constant 7 : i32
        %scan3A_304 = arith.addi %scan3A_195, %scan3A_303 : i32
        %mul3A_305 = arith.constant 16 : i32
        %mul3A_306 = arith.muli %scan3A_304, %mul3A_305 : i32
        %get3A_307 = arith.index_cast %mul3A_306 : i32 to index
        %get3A_308 = tpu.vector_load %arg5[%get3A_307] {strides = array<i32>} : memref<32768xf32, #tpu.memory_space<vmem>>, vector<16xf32>,
        %bitcast3A_309 = vector.bitcast %get3A_308 : vector<16xf32> to vector<16xi32>
        %shift_right_logical3A_310 = vector.broadcast %scan3A_151 : i32 to vector<16xi32>
        %shift_right_logical3A_311 = arith.shrui %bitcast3A_309, %shift_right_logical3A_310 : vector<16xi32>
        %and3A_312 = vector.broadcast %scan3A_152 : i32 to vector<16xi32>
        %and3A_313 = arith.andi %shift_right_logical3A_311, %and3A_312 : vector<16xi32>
        %mul3A_314 = arith.constant 16 : i32
        %mul3A_315 = vector.broadcast %mul3A_314 : i32 to vector<16xi32>
        %mul3A_316 = arith.muli %and3A_313, %mul3A_315 : vector<16xi32>
        %add3A_317 = arith.addi %mul3A_316, %iota3A : vector<16xi32>
        tpu.vector_store_idx %arg8[%add3A_317], %broadcast_in_dim3A_0 {add = true} : memref<4096xi32, #tpu.memory_space<vmem>>[vector<16xi32>], vector<16xi32>,
        %scan3A_318 = arith.constant 0 : i32
        %scan3A_319 = arith.constant 8 : i32
        %scan3A_320 = arith.addi %scan3A_195, %scan3A_319 : i32
        %mul3A_321 = arith.constant 16 : i32
        %mul3A_322 = arith.muli %scan3A_320, %mul3A_321 : i32
        %get3A_323 = arith.index_cast %mul3A_322 : i32 to index
        %get3A_324 = tpu.vector_load %arg5[%get3A_323] {strides = array<i32>} : memref<32768xf32, #tpu.memory_space<vmem>>, vector<16xf32>,
        %bitcast3A_325 = vector.bitcast %get3A_324 : vector<16xf32> to vector<16xi32>
        %shift_right_logical3A_326 = vector.broadcast %scan3A_151 : i32 to vector<16xi32>
        %shift_right_logical3A_327 = arith.shrui %bitcast3A_325, %shift_right_logical3A_326 : vector<16xi32>
        %and3A_328 = vector.broadcast %scan3A_152 : i32 to vector<16xi32>
        %and3A_329 = arith.andi %shift_right_logical3A_327, %and3A_328 : vector<16xi32>
        %mul3A_330 = arith.constant 16 : i32
        %mul3A_331 = vector.broadcast %mul3A_330 : i32 to vector<16xi32>
        %mul3A_332 = arith.muli %and3A_329, %mul3A_331 : vector<16xi32>
        %add3A_333 = arith.addi %mul3A_332, %iota3A : vector<16xi32>
        tpu.vector_store_idx %arg8[%add3A_333], %broadcast_in_dim3A_0 {add = true} : memref<4096xi32, #tpu.memory_space<vmem>>[vector<16xi32>], vector<16xi32>,
        %scan3A_334 = arith.constant 0 : i32
        %scan3A_335 = arith.constant 9 : i32
        %scan3A_336 = arith.addi %scan3A_195, %scan3A_335 : i32
        %mul3A_337 = arith.constant 16 : i32
        %mul3A_338 = arith.muli %scan3A_336, %mul3A_337 : i32
        %get3A_339 = arith.index_cast %mul3A_338 : i32 to index
        %get3A_340 = tpu.vector_load %arg5[%get3A_339] {strides = array<i32>} : memref<32768xf32, #tpu.memory_space<vmem>>, vector<16xf32>,
        %bitcast3A_341 = vector.bitcast %get3A_340 : vector<16xf32> to vector<16xi32>
        %shift_right_logical3A_342 = vector.broadcast %scan3A_151 : i32 to vector<16xi32>
        %shift_right_logical3A_343 = arith.shrui %bitcast3A_341, %shift_right_logical3A_342 : vector<16xi32>
        %and3A_344 = vector.broadcast %scan3A_152 : i32 to vector<16xi32>
        %and3A_345 = arith.andi %shift_right_logical3A_343, %and3A_344 : vector<16xi32>
        %mul3A_346 = arith.constant 16 : i32
        %mul3A_347 = vector.broadcast %mul3A_346 : i32 to vector<16xi32>
        %mul3A_348 = arith.muli %and3A_345, %mul3A_347 : vector<16xi32>
        %add3A_349 = arith.addi %mul3A_348, %iota3A : vector<16xi32>
        tpu.vector_store_idx %arg8[%add3A_349], %broadcast_in_dim3A_0 {add = true} : memref<4096xi32, #tpu.memory_space<vmem>>[vector<16xi32>], vector<16xi32>,
        %scan3A_350 = arith.constant 0 : i32
        %scan3A_351 = arith.constant 10 : i32
        %scan3A_352 = arith.addi %scan3A_195, %scan3A_351 : i32
        %mul3A_353 = arith.constant 16 : i32
        %mul3A_354 = arith.muli %scan3A_352, %mul3A_353 : i32
        %get3A_355 = arith.index_cast %mul3A_354 : i32 to index
        %get3A_356 = tpu.vector_load %arg5[%get3A_355] {strides = array<i32>} : memref<32768xf32, #tpu.memory_space<vmem>>, vector<16xf32>,
        %bitcast3A_357 = vector.bitcast %get3A_356 : vector<16xf32> to vector<16xi32>
        %shift_right_logical3A_358 = vector.broadcast %scan3A_151 : i32 to vector<16xi32>
        %shift_right_logical3A_359 = arith.shrui %bitcast3A_357, %shift_right_logical3A_358 : vector<16xi32>
        %and3A_360 = vector.broadcast %scan3A_152 : i32 to vector<16xi32>
        %and3A_361 = arith.andi %shift_right_logical3A_359, %and3A_360 : vector<16xi32>
        %mul3A_362 = arith.constant 16 : i32
        %mul3A_363 = vector.broadcast %mul3A_362 : i32 to vector<16xi32>
        %mul3A_364 = arith.muli %and3A_361, %mul3A_363 : vector<16xi32>
        %add3A_365 = arith.addi %mul3A_364, %iota3A : vector<16xi32>
        tpu.vector_store_idx %arg8[%add3A_365], %broadcast_in_dim3A_0 {add = true} : memref<4096xi32, #tpu.memory_space<vmem>>[vector<16xi32>], vector<16xi32>,
        %scan3A_366 = arith.constant 0 : i32
        %scan3A_367 = arith.constant 11 : i32
        %scan3A_368 = arith.addi %scan3A_195, %scan3A_367 : i32
        %mul3A_369 = arith.constant 16 : i32
        %mul3A_370 = arith.muli %scan3A_368, %mul3A_369 : i32
        %get3A_371 = arith.index_cast %mul3A_370 : i32 to index
        %get3A_372 = tpu.vector_load %arg5[%get3A_371] {strides = array<i32>} : memref<32768xf32, #tpu.memory_space<vmem>>, vector<16xf32>,
        %bitcast3A_373 = vector.bitcast %get3A_372 : vector<16xf32> to vector<16xi32>
        %shift_right_logical3A_374 = vector.broadcast %scan3A_151 : i32 to vector<16xi32>
        %shift_right_logical3A_375 = arith.shrui %bitcast3A_373, %shift_right_logical3A_374 : vector<16xi32>
        %and3A_376 = vector.broadcast %scan3A_152 : i32 to vector<16xi32>
        %and3A_377 = arith.andi %shift_right_logical3A_375, %and3A_376 : vector<16xi32>
        %mul3A_378 = arith.constant 16 : i32
        %mul3A_379 = vector.broadcast %mul3A_378 : i32 to vector<16xi32>
        %mul3A_380 = arith.muli %and3A_377, %mul3A_379 : vector<16xi32>
        %add3A_381 = arith.addi %mul3A_380, %iota3A : vector<16xi32>
        tpu.vector_store_idx %arg8[%add3A_381], %broadcast_in_dim3A_0 {add = true} : memref<4096xi32, #tpu.memory_space<vmem>>[vector<16xi32>], vector<16xi32>,
        %scan3A_382 = arith.constant 0 : i32
        %scan3A_383 = arith.constant 12 : i32
        %scan3A_384 = arith.addi %scan3A_195, %scan3A_383 : i32
        %mul3A_385 = arith.constant 16 : i32
        %mul3A_386 = arith.muli %scan3A_384, %mul3A_385 : i32
        %get3A_387 = arith.index_cast %mul3A_386 : i32 to index
        %get3A_388 = tpu.vector_load %arg5[%get3A_387] {strides = array<i32>} : memref<32768xf32, #tpu.memory_space<vmem>>, vector<16xf32>,
        %bitcast3A_389 = vector.bitcast %get3A_388 : vector<16xf32> to vector<16xi32>
        %shift_right_logical3A_390 = vector.broadcast %scan3A_151 : i32 to vector<16xi32>
        %shift_right_logical3A_391 = arith.shrui %bitcast3A_389, %shift_right_logical3A_390 : vector<16xi32>
        %and3A_392 = vector.broadcast %scan3A_152 : i32 to vector<16xi32>
        %and3A_393 = arith.andi %shift_right_logical3A_391, %and3A_392 : vector<16xi32>
        %mul3A_394 = arith.constant 16 : i32
        %mul3A_395 = vector.broadcast %mul3A_394 : i32 to vector<16xi32>
        %mul3A_396 = arith.muli %and3A_393, %mul3A_395 : vector<16xi32>
        %add3A_397 = arith.addi %mul3A_396, %iota3A : vector<16xi32>
        tpu.vector_store_idx %arg8[%add3A_397], %broadcast_in_dim3A_0 {add = true} : memref<4096xi32, #tpu.memory_space<vmem>>[vector<16xi32>], vector<16xi32>,
        %scan3A_398 = arith.constant 0 : i32
        %scan3A_399 = arith.constant 13 : i32
        %scan3A_400 = arith.addi %scan3A_195, %scan3A_399 : i32
        %mul3A_401 = arith.constant 16 : i32
        %mul3A_402 = arith.muli %scan3A_400, %mul3A_401 : i32
        %get3A_403 = arith.index_cast %mul3A_402 : i32 to index
        %get3A_404 = tpu.vector_load %arg5[%get3A_403] {strides = array<i32>} : memref<32768xf32, #tpu.memory_space<vmem>>, vector<16xf32>,
        %bitcast3A_405 = vector.bitcast %get3A_404 : vector<16xf32> to vector<16xi32>
        %shift_right_logical3A_406 = vector.broadcast %scan3A_151 : i32 to vector<16xi32>
        %shift_right_logical3A_407 = arith.shrui %bitcast3A_405, %shift_right_logical3A_406 : vector<16xi32>
        %and3A_408 = vector.broadcast %scan3A_152 : i32 to vector<16xi32>
        %and3A_409 = arith.andi %shift_right_logical3A_407, %and3A_408 : vector<16xi32>
        %mul3A_410 = arith.constant 16 : i32
        %mul3A_411 = vector.broadcast %mul3A_410 : i32 to vector<16xi32>
        %mul3A_412 = arith.muli %and3A_409, %mul3A_411 : vector<16xi32>
        %add3A_413 = arith.addi %mul3A_412, %iota3A : vector<16xi32>
        tpu.vector_store_idx %arg8[%add3A_413], %broadcast_in_dim3A_0 {add = true} : memref<4096xi32, #tpu.memory_space<vmem>>[vector<16xi32>], vector<16xi32>,
        %scan3A_414 = arith.constant 0 : i32
        %scan3A_415 = arith.constant 14 : i32
        %scan3A_416 = arith.addi %scan3A_195, %scan3A_415 : i32
        %mul3A_417 = arith.constant 16 : i32
        %mul3A_418 = arith.muli %scan3A_416, %mul3A_417 : i32
        %get3A_419 = arith.index_cast %mul3A_418 : i32 to index
        %get3A_420 = tpu.vector_load %arg5[%get3A_419] {strides = array<i32>} : memref<32768xf32, #tpu.memory_space<vmem>>, vector<16xf32>,
        %bitcast3A_421 = vector.bitcast %get3A_420 : vector<16xf32> to vector<16xi32>
        %shift_right_logical3A_422 = vector.broadcast %scan3A_151 : i32 to vector<16xi32>
        %shift_right_logical3A_423 = arith.shrui %bitcast3A_421, %shift_right_logical3A_422 : vector<16xi32>
        %and3A_424 = vector.broadcast %scan3A_152 : i32 to vector<16xi32>
        %and3A_425 = arith.andi %shift_right_logical3A_423, %and3A_424 : vector<16xi32>
        %mul3A_426 = arith.constant 16 : i32
        %mul3A_427 = vector.broadcast %mul3A_426 : i32 to vector<16xi32>
        %mul3A_428 = arith.muli %and3A_425, %mul3A_427 : vector<16xi32>
        %add3A_429 = arith.addi %mul3A_428, %iota3A : vector<16xi32>
        tpu.vector_store_idx %arg8[%add3A_429], %broadcast_in_dim3A_0 {add = true} : memref<4096xi32, #tpu.memory_space<vmem>>[vector<16xi32>], vector<16xi32>,
        %scan3A_430 = arith.constant 0 : i32
        %scan3A_431 = arith.constant 15 : i32
        %scan3A_432 = arith.addi %scan3A_195, %scan3A_431 : i32
        %mul3A_433 = arith.constant 16 : i32
        %mul3A_434 = arith.muli %scan3A_432, %mul3A_433 : i32
        %get3A_435 = arith.index_cast %mul3A_434 : i32 to index
        %get3A_436 = tpu.vector_load %arg5[%get3A_435] {strides = array<i32>} : memref<32768xf32, #tpu.memory_space<vmem>>, vector<16xf32>,
        %bitcast3A_437 = vector.bitcast %get3A_436 : vector<16xf32> to vector<16xi32>
        %shift_right_logical3A_438 = vector.broadcast %scan3A_151 : i32 to vector<16xi32>
        %shift_right_logical3A_439 = arith.shrui %bitcast3A_437, %shift_right_logical3A_438 : vector<16xi32>
        %and3A_440 = vector.broadcast %scan3A_152 : i32 to vector<16xi32>
        %and3A_441 = arith.andi %shift_right_logical3A_439, %and3A_440 : vector<16xi32>
        %mul3A_442 = arith.constant 16 : i32
        %mul3A_443 = vector.broadcast %mul3A_442 : i32 to vector<16xi32>
        %mul3A_444 = arith.muli %and3A_441, %mul3A_443 : vector<16xi32>
        %add3A_445 = arith.addi %mul3A_444, %iota3A : vector<16xi32>
        tpu.vector_store_idx %arg8[%add3A_445], %broadcast_in_dim3A_0 {add = true} : memref<4096xi32, #tpu.memory_space<vmem>>[vector<16xi32>], vector<16xi32>,
        %scan3A_446 = arith.constant 0 : i32
        scf.yield %scan3A_446 : i32
      }
      %scan3A_159 = arith.constant 2048 : i32
      %scan3A_160 = arith.constant 0 : i32
      %scan3A_161 = arith.constant 0 : i32
      %scan3A_162 = arith.constant 64 : i32
      %scan3A_163 = arith.addi %scan3A_161, %scan3A_162 : i32
      %scan3A_164 = arith.constant 1 : i32
      %scan3A_165 = scf.for %scan3A_195 = %scan3A_161 to %scan3A_163 step %scan3A_164 iter_args(%scan3A_196 = %scan3A_160) -> (i32)  : i32 {
        %mul3A_197 = arith.constant 4 : i32
        %mul3A_198 = arith.muli %scan3A_195, %mul3A_197 : i32
        %add3A_199 = arith.constant 0 : i32
        %add3A_200 = arith.addi %mul3A_198, %add3A_199 : i32
        %mul3A_201 = arith.constant 16 : i32
        %mul3A_202 = arith.muli %add3A_200, %mul3A_201 : i32
        %get3A = arith.index_cast %mul3A_202 : i32 to index
        %get3A_203 = tpu.vector_load %arg8[%get3A] {strides = array<i32>} : memref<4096xi32, #tpu.memory_space<vmem>>, vector<16xi32>,
        %mul3A_204 = arith.constant 4 : i32
        %mul3A_205 = arith.muli %scan3A_195, %mul3A_204 : i32
        %add3A_206 = arith.constant 1 : i32
        %add3A_207 = arith.addi %mul3A_205, %add3A_206 : i32
        %mul3A_208 = arith.constant 16 : i32
        %mul3A_209 = arith.muli %add3A_207, %mul3A_208 : i32
        %get3A_210 = arith.index_cast %mul3A_209 : i32 to index
        %get3A_211 = tpu.vector_load %arg8[%get3A_210] {strides = array<i32>} : memref<4096xi32, #tpu.memory_space<vmem>>, vector<16xi32>,
        %mul3A_212 = arith.constant 4 : i32
        %mul3A_213 = arith.muli %scan3A_195, %mul3A_212 : i32
        %add3A_214 = arith.constant 2 : i32
        %add3A_215 = arith.addi %mul3A_213, %add3A_214 : i32
        %mul3A_216 = arith.constant 16 : i32
        %mul3A_217 = arith.muli %add3A_215, %mul3A_216 : i32
        %get3A_218 = arith.index_cast %mul3A_217 : i32 to index
        %get3A_219 = tpu.vector_load %arg8[%get3A_218] {strides = array<i32>} : memref<4096xi32, #tpu.memory_space<vmem>>, vector<16xi32>,
        %mul3A_220 = arith.constant 4 : i32
        %mul3A_221 = arith.muli %scan3A_195, %mul3A_220 : i32
        %add3A_222 = arith.constant 3 : i32
        %add3A_223 = arith.addi %mul3A_221, %add3A_222 : i32
        %mul3A_224 = arith.constant 16 : i32
        %mul3A_225 = arith.muli %add3A_223, %mul3A_224 : i32
        %get3A_226 = arith.index_cast %mul3A_225 : i32 to index
        %get3A_227 = tpu.vector_load %arg8[%get3A_226] {strides = array<i32>} : memref<4096xi32, #tpu.memory_space<vmem>>, vector<16xi32>,
        %broadcast_in_dim3A_228 = arith.constant true
        %broadcast_in_dim3A_229 = vector.broadcast %broadcast_in_dim3A_228 : i1 to vector<16xi1>
        %masked_cumsum3A = tpu.scan <sum>, %get3A_203 masked %broadcast_in_dim3A_229 : vector<16xi32>, vector<16xi1> -> vector<16xi32>
        %broadcast_in_dim3A_230 = arith.constant true
        %broadcast_in_dim3A_231 = vector.broadcast %broadcast_in_dim3A_230 : i1 to vector<16xi1>
        %masked_cumsum3A_232 = tpu.scan <sum>, %get3A_211 masked %broadcast_in_dim3A_231 : vector<16xi32>, vector<16xi1> -> vector<16xi32>
        %broadcast_in_dim3A_233 = arith.constant true
        %broadcast_in_dim3A_234 = vector.broadcast %broadcast_in_dim3A_233 : i1 to vector<16xi1>
        %masked_cumsum3A_235 = tpu.scan <sum>, %get3A_219 masked %broadcast_in_dim3A_234 : vector<16xi32>, vector<16xi1> -> vector<16xi32>
        %broadcast_in_dim3A_236 = arith.constant true
        %broadcast_in_dim3A_237 = vector.broadcast %broadcast_in_dim3A_236 : i1 to vector<16xi1>
        %masked_cumsum3A_238 = tpu.scan <sum>, %get3A_227 masked %broadcast_in_dim3A_237 : vector<16xi32>, vector<16xi1> -> vector<16xi32>
        %reduce_max3A_239 = arith.constant true
        %reduce_max3A_240 = vector.broadcast %reduce_max3A_239 : i1 to vector<16xi1>
        %reduce_max3A_241 = arith.constant -2147483648 : i32
        %reduce_max3A_242 = vector.broadcast %reduce_max3A_241 : i32 to vector<16xi32>
        %reduce_max3A_243 = arith.xori %masked_cumsum3A, %reduce_max3A_242 : vector<16xi32>
        %reduce_max3A_244 = tpu.scan <max>, %reduce_max3A_243 masked %reduce_max3A_240 : vector<16xi32>, vector<16xi1> -> vector<16xi32>
        %reduce_max3A_245 = arith.xori %reduce_max3A_244, %reduce_max3A_242 : vector<16xi32>
        %reduce_max3A_246 = vector.extract %reduce_max3A_245[15] : i32 from vector<16xi32>
        %reduce_max3A_247 = arith.constant true
        %reduce_max3A_248 = vector.broadcast %reduce_max3A_247 : i1 to vector<16xi1>
        %reduce_max3A_249 = arith.constant -2147483648 : i32
        %reduce_max3A_250 = vector.broadcast %reduce_max3A_249 : i32 to vector<16xi32>
        %reduce_max3A_251 = arith.xori %masked_cumsum3A_232, %reduce_max3A_250 : vector<16xi32>
        %reduce_max3A_252 = tpu.scan <max>, %reduce_max3A_251 masked %reduce_max3A_248 : vector<16xi32>, vector<16xi1> -> vector<16xi32>
        %reduce_max3A_253 = arith.xori %reduce_max3A_252, %reduce_max3A_250 : vector<16xi32>
        %reduce_max3A_254 = vector.extract %reduce_max3A_253[15] : i32 from vector<16xi32>
        %reduce_max3A_255 = arith.constant true
        %reduce_max3A_256 = vector.broadcast %reduce_max3A_255 : i1 to vector<16xi1>
        %reduce_max3A_257 = arith.constant -2147483648 : i32
        %reduce_max3A_258 = vector.broadcast %reduce_max3A_257 : i32 to vector<16xi32>
        %reduce_max3A_259 = arith.xori %masked_cumsum3A_235, %reduce_max3A_258 : vector<16xi32>
        %reduce_max3A_260 = tpu.scan <max>, %reduce_max3A_259 masked %reduce_max3A_256 : vector<16xi32>, vector<16xi1> -> vector<16xi32>
        %reduce_max3A_261 = arith.xori %reduce_max3A_260, %reduce_max3A_258 : vector<16xi32>
        %reduce_max3A_262 = vector.extract %reduce_max3A_261[15] : i32 from vector<16xi32>
        %reduce_max3A_263 = arith.constant true
        %reduce_max3A_264 = vector.broadcast %reduce_max3A_263 : i1 to vector<16xi1>
        %reduce_max3A_265 = arith.constant -2147483648 : i32
        %reduce_max3A_266 = vector.broadcast %reduce_max3A_265 : i32 to vector<16xi32>
        %reduce_max3A_267 = arith.xori %masked_cumsum3A_238, %reduce_max3A_266 : vector<16xi32>
        %reduce_max3A_268 = tpu.scan <max>, %reduce_max3A_267 masked %reduce_max3A_264 : vector<16xi32>, vector<16xi1> -> vector<16xi32>
        %reduce_max3A_269 = arith.xori %reduce_max3A_268, %reduce_max3A_266 : vector<16xi32>
        %reduce_max3A_270 = vector.extract %reduce_max3A_269[15] : i32 from vector<16xi32>
        %sub3A = arith.subi %masked_cumsum3A, %get3A_203 : vector<16xi32>
        %add3A_271 = vector.broadcast %scan3A_196 : i32 to vector<16xi32>
        %add3A_272 = arith.addi %sub3A, %add3A_271 : vector<16xi32>
        %mul3A_273 = arith.constant 4 : i32
        %mul3A_274 = arith.muli %scan3A_195, %mul3A_273 : i32
        %add3A_275 = arith.constant 0 : i32
        %add3A_276 = arith.addi %mul3A_274, %add3A_275 : i32
        %mul3A_277 = arith.constant 16 : i32
        %mul3A_278 = arith.muli %add3A_276, %mul3A_277 : i32
        %swap3A = arith.index_cast %mul3A_278 : i32 to index
        %swap3A_279 = tpu.vector_load %arg8[%swap3A] {strides = array<i32>} : memref<4096xi32, #tpu.memory_space<vmem>>, vector<16xi32>,
        tpu.vector_store %arg8[%swap3A], %add3A_272 {strides = array<i32>} : memref<4096xi32, #tpu.memory_space<vmem>>, vector<16xi32>,
        %add3A_280 = arith.addi %scan3A_196, %reduce_max3A_246 : i32
        %sub3A_281 = arith.subi %masked_cumsum3A_232, %get3A_211 : vector<16xi32>
        %add3A_282 = vector.broadcast %add3A_280 : i32 to vector<16xi32>
        %add3A_283 = arith.addi %sub3A_281, %add3A_282 : vector<16xi32>
        %mul3A_284 = arith.constant 4 : i32
        %mul3A_285 = arith.muli %scan3A_195, %mul3A_284 : i32
        %add3A_286 = arith.constant 1 : i32
        %add3A_287 = arith.addi %mul3A_285, %add3A_286 : i32
        %mul3A_288 = arith.constant 16 : i32
        %mul3A_289 = arith.muli %add3A_287, %mul3A_288 : i32
        %swap3A_290 = arith.index_cast %mul3A_289 : i32 to index
        %swap3A_291 = tpu.vector_load %arg8[%swap3A_290] {strides = array<i32>} : memref<4096xi32, #tpu.memory_space<vmem>>, vector<16xi32>,
        tpu.vector_store %arg8[%swap3A_290], %add3A_283 {strides = array<i32>} : memref<4096xi32, #tpu.memory_space<vmem>>, vector<16xi32>,
        %add3A_292 = arith.addi %add3A_280, %reduce_max3A_254 : i32
        %sub3A_293 = arith.subi %masked_cumsum3A_235, %get3A_219 : vector<16xi32>
        %add3A_294 = vector.broadcast %add3A_292 : i32 to vector<16xi32>
        %add3A_295 = arith.addi %sub3A_293, %add3A_294 : vector<16xi32>
        %mul3A_296 = arith.constant 4 : i32
        %mul3A_297 = arith.muli %scan3A_195, %mul3A_296 : i32
        %add3A_298 = arith.constant 2 : i32
        %add3A_299 = arith.addi %mul3A_297, %add3A_298 : i32
        %mul3A_300 = arith.constant 16 : i32
        %mul3A_301 = arith.muli %add3A_299, %mul3A_300 : i32
        %swap3A_302 = arith.index_cast %mul3A_301 : i32 to index
        %swap3A_303 = tpu.vector_load %arg8[%swap3A_302] {strides = array<i32>} : memref<4096xi32, #tpu.memory_space<vmem>>, vector<16xi32>,
        tpu.vector_store %arg8[%swap3A_302], %add3A_295 {strides = array<i32>} : memref<4096xi32, #tpu.memory_space<vmem>>, vector<16xi32>,
        %add3A_304 = arith.addi %add3A_292, %reduce_max3A_262 : i32
        %sub3A_305 = arith.subi %masked_cumsum3A_238, %get3A_227 : vector<16xi32>
        %add3A_306 = vector.broadcast %add3A_304 : i32 to vector<16xi32>
        %add3A_307 = arith.addi %sub3A_305, %add3A_306 : vector<16xi32>
        %mul3A_308 = arith.constant 4 : i32
        %mul3A_309 = arith.muli %scan3A_195, %mul3A_308 : i32
        %add3A_310 = arith.constant 3 : i32
        %add3A_311 = arith.addi %mul3A_309, %add3A_310 : i32
        %mul3A_312 = arith.constant 16 : i32
        %mul3A_313 = arith.muli %add3A_311, %mul3A_312 : i32
        %swap3A_314 = arith.index_cast %mul3A_313 : i32 to index
        %swap3A_315 = tpu.vector_load %arg8[%swap3A_314] {strides = array<i32>} : memref<4096xi32, #tpu.memory_space<vmem>>, vector<16xi32>,
        tpu.vector_store %arg8[%swap3A_314], %add3A_307 {strides = array<i32>} : memref<4096xi32, #tpu.memory_space<vmem>>, vector<16xi32>,
        %add3A_316 = arith.addi %add3A_304, %reduce_max3A_270 : i32
        scf.yield %add3A_316 : i32
      }
      %scan3A_166 = arith.constant 64 : i32
      %scan3A_167 = arith.constant 15 : i32
      %scan3A_168 = arith.constant 255 : i32
      %scan3A_169 = arith.constant 32767 : i32
      %scan3A_170 = arith.constant 0 : i32
      %scan3A_171 = arith.constant 0 : i32
      %scan3A_172 = arith.constant 512 : i32
      %scan3A_173 = arith.addi %scan3A_171, %scan3A_172 : i32
      %scan3A_174 = arith.constant 1 : i32
      %scan3A_175 = scf.for %scan3A_195 = %scan3A_171 to %scan3A_173 step %scan3A_174 iter_args(%scan3A_196 = %scan3A_170) -> (i32)  : i32 {
        %mul3A_197 = arith.constant 4 : i32
        %mul3A_198 = arith.muli %scan3A_195, %mul3A_197 : i32
        %add3A_199 = arith.constant 0 : i32
        %add3A_200 = arith.addi %mul3A_198, %add3A_199 : i32
        %mul3A_201 = arith.constant 16 : i32
        %mul3A_202 = arith.muli %add3A_200, %mul3A_201 : i32
        %get3A = arith.index_cast %mul3A_202 : i32 to index
        %get3A_203 = tpu.vector_load %arg5[%get3A] {strides = array<i32>} : memref<32768xf32, #tpu.memory_space<vmem>>, vector<16xf32>,
        %bitcast3A = vector.bitcast %get3A_203 : vector<16xf32> to vector<16xi32>
        %shift_right_logical3A = vector.broadcast %scan3A_167 : i32 to vector<16xi32>
        %shift_right_logical3A_204 = arith.shrui %bitcast3A, %shift_right_logical3A : vector<16xi32>
        %and3A = vector.broadcast %scan3A_168 : i32 to vector<16xi32>
        %and3A_205 = arith.andi %shift_right_logical3A_204, %and3A : vector<16xi32>
        %and3A_206 = vector.broadcast %scan3A_169 : i32 to vector<16xi32>
        %and3A_207 = arith.andi %bitcast3A, %and3A_206 : vector<16xi32>
        %mul3A_208 = arith.constant 4 : i32
        %mul3A_209 = arith.muli %scan3A_195, %mul3A_208 : i32
        %add3A_210 = arith.constant 1 : i32
        %add3A_211 = arith.addi %mul3A_209, %add3A_210 : i32
        %mul3A_212 = arith.constant 16 : i32
        %mul3A_213 = arith.muli %add3A_211, %mul3A_212 : i32
        %get3A_214 = arith.index_cast %mul3A_213 : i32 to index
        %get3A_215 = tpu.vector_load %arg5[%get3A_214] {strides = array<i32>} : memref<32768xf32, #tpu.memory_space<vmem>>, vector<16xf32>,
        %bitcast3A_216 = vector.bitcast %get3A_215 : vector<16xf32> to vector<16xi32>
        %shift_right_logical3A_217 = vector.broadcast %scan3A_167 : i32 to vector<16xi32>
        %shift_right_logical3A_218 = arith.shrui %bitcast3A_216, %shift_right_logical3A_217 : vector<16xi32>
        %and3A_219 = vector.broadcast %scan3A_168 : i32 to vector<16xi32>
        %and3A_220 = arith.andi %shift_right_logical3A_218, %and3A_219 : vector<16xi32>
        %and3A_221 = vector.broadcast %scan3A_169 : i32 to vector<16xi32>
        %and3A_222 = arith.andi %bitcast3A_216, %and3A_221 : vector<16xi32>
        %mul3A_223 = arith.constant 4 : i32
        %mul3A_224 = arith.muli %scan3A_195, %mul3A_223 : i32
        %add3A_225 = arith.constant 2 : i32
        %add3A_226 = arith.addi %mul3A_224, %add3A_225 : i32
        %mul3A_227 = arith.constant 16 : i32
        %mul3A_228 = arith.muli %add3A_226, %mul3A_227 : i32
        %get3A_229 = arith.index_cast %mul3A_228 : i32 to index
        %get3A_230 = tpu.vector_load %arg5[%get3A_229] {strides = array<i32>} : memref<32768xf32, #tpu.memory_space<vmem>>, vector<16xf32>,
        %bitcast3A_231 = vector.bitcast %get3A_230 : vector<16xf32> to vector<16xi32>
        %shift_right_logical3A_232 = vector.broadcast %scan3A_167 : i32 to vector<16xi32>
        %shift_right_logical3A_233 = arith.shrui %bitcast3A_231, %shift_right_logical3A_232 : vector<16xi32>
        %and3A_234 = vector.broadcast %scan3A_168 : i32 to vector<16xi32>
        %and3A_235 = arith.andi %shift_right_logical3A_233, %and3A_234 : vector<16xi32>
        %and3A_236 = vector.broadcast %scan3A_169 : i32 to vector<16xi32>
        %and3A_237 = arith.andi %bitcast3A_231, %and3A_236 : vector<16xi32>
        %mul3A_238 = arith.constant 4 : i32
        %mul3A_239 = arith.muli %scan3A_195, %mul3A_238 : i32
        %add3A_240 = arith.constant 3 : i32
        %add3A_241 = arith.addi %mul3A_239, %add3A_240 : i32
        %mul3A_242 = arith.constant 16 : i32
        %mul3A_243 = arith.muli %add3A_241, %mul3A_242 : i32
        %get3A_244 = arith.index_cast %mul3A_243 : i32 to index
        %get3A_245 = tpu.vector_load %arg5[%get3A_244] {strides = array<i32>} : memref<32768xf32, #tpu.memory_space<vmem>>, vector<16xf32>,
        %bitcast3A_246 = vector.bitcast %get3A_245 : vector<16xf32> to vector<16xi32>
        %shift_right_logical3A_247 = vector.broadcast %scan3A_167 : i32 to vector<16xi32>
        %shift_right_logical3A_248 = arith.shrui %bitcast3A_246, %shift_right_logical3A_247 : vector<16xi32>
        %and3A_249 = vector.broadcast %scan3A_168 : i32 to vector<16xi32>
        %and3A_250 = arith.andi %shift_right_logical3A_248, %and3A_249 : vector<16xi32>
        %and3A_251 = vector.broadcast %scan3A_169 : i32 to vector<16xi32>
        %and3A_252 = arith.andi %bitcast3A_246, %and3A_251 : vector<16xi32>
        %mul3A_253 = arith.constant 16 : i32
        %mul3A_254 = vector.broadcast %mul3A_253 : i32 to vector<16xi32>
        %mul3A_255 = arith.muli %and3A_205, %mul3A_254 : vector<16xi32>
        %add3A_256 = arith.addi %mul3A_255, %iota3A : vector<16xi32>
        %gather3A = tpu.vector_load_idx %arg8[%add3A_256] : memref<4096xi32, #tpu.memory_space<vmem>>[vector<16xi32>], vector<16xi32>,
        %mul3A_257 = arith.constant 16 : i32
        %mul3A_258 = vector.broadcast %mul3A_257 : i32 to vector<16xi32>
        %mul3A_259 = arith.muli %and3A_220, %mul3A_258 : vector<16xi32>
        %add3A_260 = arith.addi %mul3A_259, %iota3A : vector<16xi32>
        %gather3A_261 = tpu.vector_load_idx %arg8[%add3A_260] : memref<4096xi32, #tpu.memory_space<vmem>>[vector<16xi32>], vector<16xi32>,
        %mul3A_262 = arith.constant 16 : i32
        %mul3A_263 = vector.broadcast %mul3A_262 : i32 to vector<16xi32>
        %mul3A_264 = arith.muli %and3A_235, %mul3A_263 : vector<16xi32>
        %add3A_265 = arith.addi %mul3A_264, %iota3A : vector<16xi32>
        %gather3A_266 = tpu.vector_load_idx %arg8[%add3A_265] : memref<4096xi32, #tpu.memory_space<vmem>>[vector<16xi32>], vector<16xi32>,
        %mul3A_267 = arith.constant 16 : i32
        %mul3A_268 = vector.broadcast %mul3A_267 : i32 to vector<16xi32>
        %mul3A_269 = arith.muli %and3A_250, %mul3A_268 : vector<16xi32>
        %add3A_270 = arith.addi %mul3A_269, %iota3A : vector<16xi32>
        %gather3A_271 = tpu.vector_load_idx %arg8[%add3A_270] : memref<4096xi32, #tpu.memory_space<vmem>>[vector<16xi32>], vector<16xi32>,
        %eq3A = arith.cmpi eq, %and3A_205, %and3A_220 : vector<16xi32>
        %eq3A_272 = arith.cmpi eq, %and3A_205, %and3A_235 : vector<16xi32>
        %eq3A_273 = arith.cmpi eq, %and3A_205, %and3A_250 : vector<16xi32>
        %eq3A_274 = arith.cmpi eq, %and3A_220, %and3A_235 : vector<16xi32>
        %eq3A_275 = arith.cmpi eq, %and3A_220, %and3A_250 : vector<16xi32>
        %eq3A_276 = arith.cmpi eq, %and3A_235, %and3A_250 : vector<16xi32>
        %broadcast_in_dim3A_277 = arith.constant 0 : i32
        %broadcast_in_dim3A_278 = vector.broadcast %broadcast_in_dim3A_277 : i32 to vector<16xi32>
        %add3A_279 = arith.addi %gather3A, %broadcast_in_dim3A_278 : vector<16xi32>
        %broadcast_in_dim3A_280 = arith.constant true
        %broadcast_in_dim3A_281 = vector.broadcast %broadcast_in_dim3A_280 : i1 to vector<16xi1>
        %not3A = arith.constant dense<true> : vector<16xi1>
        %not3A_282 = arith.xori %eq3A, %not3A : vector<16xi1>
        %and3A_283 = arith.andi %broadcast_in_dim3A_281, %not3A_282 : vector<16xi1>
        %not3A_284 = arith.constant dense<true> : vector<16xi1>
        %not3A_285 = arith.xori %eq3A_272, %not3A_284 : vector<16xi1>
        %and3A_286 = arith.andi %and3A_283, %not3A_285 : vector<16xi1>
        %not3A_287 = arith.constant dense<true> : vector<16xi1>
        %not3A_288 = arith.xori %eq3A_273, %not3A_287 : vector<16xi1>
        %and3A_289 = arith.andi %and3A_286, %not3A_288 : vector<16xi1>
        %mul3A_290 = arith.constant 16 : i32
        %mul3A_291 = vector.broadcast %mul3A_290 : i32 to vector<16xi32>
        %mul3A_292 = arith.muli %and3A_205, %mul3A_291 : vector<16xi32>
        %add3A_293 = arith.addi %mul3A_292, %iota3A : vector<16xi32>
        %add3A_294 = arith.addi %add3A_279, %broadcast_in_dim3A_0 : vector<16xi32>
        tpu.vector_store_idx %arg8[%add3A_293], %add3A_294 masked %and3A_289 : memref<4096xi32, #tpu.memory_space<vmem>>[vector<16xi32>], vector<16xi32>, vector<16xi1>
        tpu.vector_store_idx %arg6[%add3A_279], %and3A_207 : memref<32768xi32, #tpu.memory_space<vmem>>[vector<16xi32>], vector<16xi32>,
        %broadcast_in_dim3A_295 = arith.constant 0 : i32
        %broadcast_in_dim3A_296 = vector.broadcast %broadcast_in_dim3A_295 : i32 to vector<16xi32>
        %jit3A = arith.constant 1 : i32
        %jit3A_297 = arith.constant 0 : i32
        %broadcast_in_dim3A_298 = vector.broadcast %jit3A : i32 to vector<16xi32>
        %broadcast_in_dim3A_299 = vector.broadcast %jit3A_297 : i32 to vector<16xi32>
        %select_n3A = arith.select %eq3A, %broadcast_in_dim3A_298, %broadcast_in_dim3A_299 : vector<16xi1>, vector<16xi32>
        %add3A_300 = arith.addi %broadcast_in_dim3A_296, %select_n3A : vector<16xi32>
        %add3A_301 = arith.addi %gather3A_261, %add3A_300 : vector<16xi32>
        %broadcast_in_dim3A_302 = arith.constant true
        %broadcast_in_dim3A_303 = vector.broadcast %broadcast_in_dim3A_302 : i1 to vector<16xi1>
        %not3A_304 = arith.constant dense<true> : vector<16xi1>
        %not3A_305 = arith.xori %eq3A_274, %not3A_304 : vector<16xi1>
        %and3A_306 = arith.andi %broadcast_in_dim3A_303, %not3A_305 : vector<16xi1>
        %not3A_307 = arith.constant dense<true> : vector<16xi1>
        %not3A_308 = arith.xori %eq3A_275, %not3A_307 : vector<16xi1>
        %and3A_309 = arith.andi %and3A_306, %not3A_308 : vector<16xi1>
        %mul3A_310 = arith.constant 16 : i32
        %mul3A_311 = vector.broadcast %mul3A_310 : i32 to vector<16xi32>
        %mul3A_312 = arith.muli %and3A_220, %mul3A_311 : vector<16xi32>
        %add3A_313 = arith.addi %mul3A_312, %iota3A : vector<16xi32>
        %add3A_314 = arith.addi %add3A_301, %broadcast_in_dim3A_0 : vector<16xi32>
        tpu.vector_store_idx %arg8[%add3A_313], %add3A_314 masked %and3A_309 : memref<4096xi32, #tpu.memory_space<vmem>>[vector<16xi32>], vector<16xi32>, vector<16xi1>
        tpu.vector_store_idx %arg6[%add3A_301], %and3A_222 : memref<32768xi32, #tpu.memory_space<vmem>>[vector<16xi32>], vector<16xi32>,
        %broadcast_in_dim3A_315 = arith.constant 0 : i32
        %broadcast_in_dim3A_316 = vector.broadcast %broadcast_in_dim3A_315 : i32 to vector<16xi32>
        %jit3A_317 = arith.constant 1 : i32
        %jit3A_318 = arith.constant 0 : i32
        %broadcast_in_dim3A_319 = vector.broadcast %jit3A_317 : i32 to vector<16xi32>
        %broadcast_in_dim3A_320 = vector.broadcast %jit3A_318 : i32 to vector<16xi32>
        %select_n3A_321 = arith.select %eq3A_272, %broadcast_in_dim3A_319, %broadcast_in_dim3A_320 : vector<16xi1>, vector<16xi32>
        %add3A_322 = arith.addi %broadcast_in_dim3A_316, %select_n3A_321 : vector<16xi32>
        %jit3A_323 = arith.constant 1 : i32
        %jit3A_324 = arith.constant 0 : i32
        %broadcast_in_dim3A_325 = vector.broadcast %jit3A_323 : i32 to vector<16xi32>
        %broadcast_in_dim3A_326 = vector.broadcast %jit3A_324 : i32 to vector<16xi32>
        %select_n3A_327 = arith.select %eq3A_274, %broadcast_in_dim3A_325, %broadcast_in_dim3A_326 : vector<16xi1>, vector<16xi32>
        %add3A_328 = arith.addi %add3A_322, %select_n3A_327 : vector<16xi32>
        %add3A_329 = arith.addi %gather3A_266, %add3A_328 : vector<16xi32>
        %broadcast_in_dim3A_330 = arith.constant true
        %broadcast_in_dim3A_331 = vector.broadcast %broadcast_in_dim3A_330 : i1 to vector<16xi1>
        %not3A_332 = arith.constant dense<true> : vector<16xi1>
        %not3A_333 = arith.xori %eq3A_276, %not3A_332 : vector<16xi1>
        %and3A_334 = arith.andi %broadcast_in_dim3A_331, %not3A_333 : vector<16xi1>
        %mul3A_335 = arith.constant 16 : i32
        %mul3A_336 = vector.broadcast %mul3A_335 : i32 to vector<16xi32>
        %mul3A_337 = arith.muli %and3A_235, %mul3A_336 : vector<16xi32>
        %add3A_338 = arith.addi %mul3A_337, %iota3A : vector<16xi32>
        %add3A_339 = arith.addi %add3A_329, %broadcast_in_dim3A_0 : vector<16xi32>
        tpu.vector_store_idx %arg8[%add3A_338], %add3A_339 masked %and3A_334 : memref<4096xi32, #tpu.memory_space<vmem>>[vector<16xi32>], vector<16xi32>, vector<16xi1>
        tpu.vector_store_idx %arg6[%add3A_329], %and3A_237 : memref<32768xi32, #tpu.memory_space<vmem>>[vector<16xi32>], vector<16xi32>,
        %broadcast_in_dim3A_340 = arith.constant 0 : i32
        %broadcast_in_dim3A_341 = vector.broadcast %broadcast_in_dim3A_340 : i32 to vector<16xi32>
        %jit3A_342 = arith.constant 1 : i32
        %jit3A_343 = arith.constant 0 : i32
        %broadcast_in_dim3A_344 = vector.broadcast %jit3A_342 : i32 to vector<16xi32>
        %broadcast_in_dim3A_345 = vector.broadcast %jit3A_343 : i32 to vector<16xi32>
        %select_n3A_346 = arith.select %eq3A_273, %broadcast_in_dim3A_344, %broadcast_in_dim3A_345 : vector<16xi1>, vector<16xi32>
        %add3A_347 = arith.addi %broadcast_in_dim3A_341, %select_n3A_346 : vector<16xi32>
        %jit3A_348 = arith.constant 1 : i32
        %jit3A_349 = arith.constant 0 : i32
        %broadcast_in_dim3A_350 = vector.broadcast %jit3A_348 : i32 to vector<16xi32>
        %broadcast_in_dim3A_351 = vector.broadcast %jit3A_349 : i32 to vector<16xi32>
        %select_n3A_352 = arith.select %eq3A_275, %broadcast_in_dim3A_350, %broadcast_in_dim3A_351 : vector<16xi1>, vector<16xi32>
        %add3A_353 = arith.addi %add3A_347, %select_n3A_352 : vector<16xi32>
        %jit3A_354 = arith.constant 1 : i32
        %jit3A_355 = arith.constant 0 : i32
        %broadcast_in_dim3A_356 = vector.broadcast %jit3A_354 : i32 to vector<16xi32>
        %broadcast_in_dim3A_357 = vector.broadcast %jit3A_355 : i32 to vector<16xi32>
        %select_n3A_358 = arith.select %eq3A_276, %broadcast_in_dim3A_356, %broadcast_in_dim3A_357 : vector<16xi1>, vector<16xi32>
        %add3A_359 = arith.addi %add3A_353, %select_n3A_358 : vector<16xi32>
        %add3A_360 = arith.addi %gather3A_271, %add3A_359 : vector<16xi32>
        %broadcast_in_dim3A_361 = arith.constant true
        %broadcast_in_dim3A_362 = vector.broadcast %broadcast_in_dim3A_361 : i1 to vector<16xi1>
        %mul3A_363 = arith.constant 16 : i32
        %mul3A_364 = vector.broadcast %mul3A_363 : i32 to vector<16xi32>
        %mul3A_365 = arith.muli %and3A_250, %mul3A_364 : vector<16xi32>
        %add3A_366 = arith.addi %mul3A_365, %iota3A : vector<16xi32>
        %add3A_367 = arith.addi %add3A_360, %broadcast_in_dim3A_0 : vector<16xi32>
        tpu.vector_store_idx %arg8[%add3A_366], %add3A_367 masked %broadcast_in_dim3A_362 : memref<4096xi32, #tpu.memory_space<vmem>>[vector<16xi32>], vector<16xi32>, vector<16xi1>
        tpu.vector_store_idx %arg6[%add3A_360], %and3A_252 : memref<32768xi32, #tpu.memory_space<vmem>>[vector<16xi32>], vector<16xi32>,
        %scan3A_368 = arith.constant 0 : i32
        scf.yield %scan3A_368 : i32
      }
      %scan3A_176 = arith.constant 512 : i32
      %mul3A_177 = arith.constant 0.899999976 : f32
      %mul3A_178 = arith.mulf %mul3A_177, %reduce_sum3A_41 : f32
      %broadcast_in_dim3A_179 = arith.constant 15 : i32
      %broadcast_in_dim3A_180 = vector.broadcast %broadcast_in_dim3A_179 : i32 to vector<16xi32>
      %broadcast_in_dim3A_181 = arith.constant 0.000000e+00 : f32
      %broadcast_in_dim3A_182 = vector.broadcast %broadcast_in_dim3A_181 : f32 to vector<16xf32>
      %scan3A_183 = arith.constant 0 : i32
      %scan3A_184 = arith.constant 256 : i32
      %scan3A_185 = arith.addi %scan3A_183, %scan3A_184 : i32
      %scan3A_186 = arith.constant 1 : i32
      %scan3A_187 = scf.for %scan3A_195 = %scan3A_183 to %scan3A_185 step %scan3A_186 iter_args(%scan3A_196 = %broadcast_in_dim3A_182) -> (vector<16xf32>)  : i32 {
        %mul3A_197 = arith.constant 8 : i32
        %mul3A_198 = arith.muli %scan3A_195, %mul3A_197 : i32
        %add3A_199 = arith.constant 0 : i32
        %add3A_200 = arith.addi %mul3A_198, %add3A_199 : i32
        %mul3A_201 = arith.constant 16 : i32
        %mul3A_202 = arith.muli %add3A_200, %mul3A_201 : i32
        %get3A = arith.index_cast %mul3A_202 : i32 to index
        %get3A_203 = tpu.vector_load %arg6[%get3A] {strides = array<i32>} : memref<32768xi32, #tpu.memory_space<vmem>>, vector<16xi32>,
        %shift_right_logical3A = arith.constant 11 : i32
        %shift_right_logical3A_204 = vector.broadcast %shift_right_logical3A : i32 to vector<16xi32>
        %shift_right_logical3A_205 = arith.shrui %get3A_203, %shift_right_logical3A_204 : vector<16xi32>
        %add3A_206 = arith.addi %get3A_203, %shift_right_logical3A_205 : vector<16xi32>
        %gather3A = tpu.vector_load_idx %arg7[%add3A_206] : memref<32784xi32, #tpu.memory_space<vmem>>[vector<16xi32>], vector<16xi32>,
        %lt3A = arith.constant 0 : i32
        %lt3A_207 = vector.broadcast %lt3A : i32 to vector<16xi32>
        %lt3A_208 = arith.cmpi slt, %gather3A, %lt3A_207 : vector<16xi32>
        %not3A = arith.constant dense<-1> : vector<16xi32>
        %not3A_209 = arith.xori %gather3A, %not3A : vector<16xi32>
        %and3A = arith.constant 2147483647 : i32
        %and3A_210 = vector.broadcast %and3A : i32 to vector<16xi32>
        %and3A_211 = arith.andi %not3A_209, %and3A_210 : vector<16xi32>
        %select_n3A = arith.select %lt3A_208, %gather3A, %and3A_211 : vector<16xi1>, vector<16xi32>
        %bitcast3A = vector.bitcast %select_n3A : vector<16xi32> to vector<16xf32>
        %sub3A = vector.broadcast %reduce_max3A_30 : f32 to vector<16xf32>
        %sub3A_212 = arith.subf %bitcast3A, %sub3A : vector<16xf32>
        %exp3A = math.exp %sub3A_212 : vector<16xf32>
        %broadcast_in_dim3A_213 = arith.constant true
        %broadcast_in_dim3A_214 = vector.broadcast %broadcast_in_dim3A_213 : i1 to vector<16xi1>
        %masked_cumsum3A = tpu.scan <sum>, %exp3A masked %broadcast_in_dim3A_214 : vector<16xf32>, vector<16xi1> -> vector<16xf32>
        %mul3A_215 = arith.constant 8 : i32
        %mul3A_216 = arith.muli %scan3A_195, %mul3A_215 : i32
        %add3A_217 = arith.constant 1 : i32
        %add3A_218 = arith.addi %mul3A_216, %add3A_217 : i32
        %mul3A_219 = arith.constant 16 : i32
        %mul3A_220 = arith.muli %add3A_218, %mul3A_219 : i32
        %get3A_221 = arith.index_cast %mul3A_220 : i32 to index
        %get3A_222 = tpu.vector_load %arg6[%get3A_221] {strides = array<i32>} : memref<32768xi32, #tpu.memory_space<vmem>>, vector<16xi32>,
        %shift_right_logical3A_223 = arith.constant 11 : i32
        %shift_right_logical3A_224 = vector.broadcast %shift_right_logical3A_223 : i32 to vector<16xi32>
        %shift_right_logical3A_225 = arith.shrui %get3A_222, %shift_right_logical3A_224 : vector<16xi32>
        %add3A_226 = arith.addi %get3A_222, %shift_right_logical3A_225 : vector<16xi32>
        %gather3A_227 = tpu.vector_load_idx %arg7[%add3A_226] : memref<32784xi32, #tpu.memory_space<vmem>>[vector<16xi32>], vector<16xi32>,
        %lt3A_228 = arith.constant 0 : i32
        %lt3A_229 = vector.broadcast %lt3A_228 : i32 to vector<16xi32>
        %lt3A_230 = arith.cmpi slt, %gather3A_227, %lt3A_229 : vector<16xi32>
        %not3A_231 = arith.constant dense<-1> : vector<16xi32>
        %not3A_232 = arith.xori %gather3A_227, %not3A_231 : vector<16xi32>
        %and3A_233 = arith.constant 2147483647 : i32
        %and3A_234 = vector.broadcast %and3A_233 : i32 to vector<16xi32>
        %and3A_235 = arith.andi %not3A_232, %and3A_234 : vector<16xi32>
        %select_n3A_236 = arith.select %lt3A_230, %gather3A_227, %and3A_235 : vector<16xi1>, vector<16xi32>
        %bitcast3A_237 = vector.bitcast %select_n3A_236 : vector<16xi32> to vector<16xf32>
        %sub3A_238 = vector.broadcast %reduce_max3A_30 : f32 to vector<16xf32>
        %sub3A_239 = arith.subf %bitcast3A_237, %sub3A_238 : vector<16xf32>
        %exp3A_240 = math.exp %sub3A_239 : vector<16xf32>
        %broadcast_in_dim3A_241 = arith.constant true
        %broadcast_in_dim3A_242 = vector.broadcast %broadcast_in_dim3A_241 : i1 to vector<16xi1>
        %masked_cumsum3A_243 = tpu.scan <sum>, %exp3A_240 masked %broadcast_in_dim3A_242 : vector<16xf32>, vector<16xi1> -> vector<16xf32>
        %mul3A_244 = arith.constant 8 : i32
        %mul3A_245 = arith.muli %scan3A_195, %mul3A_244 : i32
        %add3A_246 = arith.constant 2 : i32
        %add3A_247 = arith.addi %mul3A_245, %add3A_246 : i32
        %mul3A_248 = arith.constant 16 : i32
        %mul3A_249 = arith.muli %add3A_247, %mul3A_248 : i32
        %get3A_250 = arith.index_cast %mul3A_249 : i32 to index
        %get3A_251 = tpu.vector_load %arg6[%get3A_250] {strides = array<i32>} : memref<32768xi32, #tpu.memory_space<vmem>>, vector<16xi32>,
        %shift_right_logical3A_252 = arith.constant 11 : i32
        %shift_right_logical3A_253 = vector.broadcast %shift_right_logical3A_252 : i32 to vector<16xi32>
        %shift_right_logical3A_254 = arith.shrui %get3A_251, %shift_right_logical3A_253 : vector<16xi32>
        %add3A_255 = arith.addi %get3A_251, %shift_right_logical3A_254 : vector<16xi32>
        %gather3A_256 = tpu.vector_load_idx %arg7[%add3A_255] : memref<32784xi32, #tpu.memory_space<vmem>>[vector<16xi32>], vector<16xi32>,
        %lt3A_257 = arith.constant 0 : i32
        %lt3A_258 = vector.broadcast %lt3A_257 : i32 to vector<16xi32>
        %lt3A_259 = arith.cmpi slt, %gather3A_256, %lt3A_258 : vector<16xi32>
        %not3A_260 = arith.constant dense<-1> : vector<16xi32>
        %not3A_261 = arith.xori %gather3A_256, %not3A_260 : vector<16xi32>
        %and3A_262 = arith.constant 2147483647 : i32
        %and3A_263 = vector.broadcast %and3A_262 : i32 to vector<16xi32>
        %and3A_264 = arith.andi %not3A_261, %and3A_263 : vector<16xi32>
        %select_n3A_265 = arith.select %lt3A_259, %gather3A_256, %and3A_264 : vector<16xi1>, vector<16xi32>
        %bitcast3A_266 = vector.bitcast %select_n3A_265 : vector<16xi32> to vector<16xf32>
        %sub3A_267 = vector.broadcast %reduce_max3A_30 : f32 to vector<16xf32>
        %sub3A_268 = arith.subf %bitcast3A_266, %sub3A_267 : vector<16xf32>
        %exp3A_269 = math.exp %sub3A_268 : vector<16xf32>
        %broadcast_in_dim3A_270 = arith.constant true
        %broadcast_in_dim3A_271 = vector.broadcast %broadcast_in_dim3A_270 : i1 to vector<16xi1>
        %masked_cumsum3A_272 = tpu.scan <sum>, %exp3A_269 masked %broadcast_in_dim3A_271 : vector<16xf32>, vector<16xi1> -> vector<16xf32>
        %mul3A_273 = arith.constant 8 : i32
        %mul3A_274 = arith.muli %scan3A_195, %mul3A_273 : i32
        %add3A_275 = arith.constant 3 : i32
        %add3A_276 = arith.addi %mul3A_274, %add3A_275 : i32
        %mul3A_277 = arith.constant 16 : i32
        %mul3A_278 = arith.muli %add3A_276, %mul3A_277 : i32
        %get3A_279 = arith.index_cast %mul3A_278 : i32 to index
        %get3A_280 = tpu.vector_load %arg6[%get3A_279] {strides = array<i32>} : memref<32768xi32, #tpu.memory_space<vmem>>, vector<16xi32>,
        %shift_right_logical3A_281 = arith.constant 11 : i32
        %shift_right_logical3A_282 = vector.broadcast %shift_right_logical3A_281 : i32 to vector<16xi32>
        %shift_right_logical3A_283 = arith.shrui %get3A_280, %shift_right_logical3A_282 : vector<16xi32>
        %add3A_284 = arith.addi %get3A_280, %shift_right_logical3A_283 : vector<16xi32>
        %gather3A_285 = tpu.vector_load_idx %arg7[%add3A_284] : memref<32784xi32, #tpu.memory_space<vmem>>[vector<16xi32>], vector<16xi32>,
        %lt3A_286 = arith.constant 0 : i32
        %lt3A_287 = vector.broadcast %lt3A_286 : i32 to vector<16xi32>
        %lt3A_288 = arith.cmpi slt, %gather3A_285, %lt3A_287 : vector<16xi32>
        %not3A_289 = arith.constant dense<-1> : vector<16xi32>
        %not3A_290 = arith.xori %gather3A_285, %not3A_289 : vector<16xi32>
        %and3A_291 = arith.constant 2147483647 : i32
        %and3A_292 = vector.broadcast %and3A_291 : i32 to vector<16xi32>
        %and3A_293 = arith.andi %not3A_290, %and3A_292 : vector<16xi32>
        %select_n3A_294 = arith.select %lt3A_288, %gather3A_285, %and3A_293 : vector<16xi1>, vector<16xi32>
        %bitcast3A_295 = vector.bitcast %select_n3A_294 : vector<16xi32> to vector<16xf32>
        %sub3A_296 = vector.broadcast %reduce_max3A_30 : f32 to vector<16xf32>
        %sub3A_297 = arith.subf %bitcast3A_295, %sub3A_296 : vector<16xf32>
        %exp3A_298 = math.exp %sub3A_297 : vector<16xf32>
        %broadcast_in_dim3A_299 = arith.constant true
        %broadcast_in_dim3A_300 = vector.broadcast %broadcast_in_dim3A_299 : i1 to vector<16xi1>
        %masked_cumsum3A_301 = tpu.scan <sum>, %exp3A_298 masked %broadcast_in_dim3A_300 : vector<16xf32>, vector<16xi1> -> vector<16xf32>
        %mul3A_302 = arith.constant 8 : i32
        %mul3A_303 = arith.muli %scan3A_195, %mul3A_302 : i32
        %add3A_304 = arith.constant 4 : i32
        %add3A_305 = arith.addi %mul3A_303, %add3A_304 : i32
        %mul3A_306 = arith.constant 16 : i32
        %mul3A_307 = arith.muli %add3A_305, %mul3A_306 : i32
        %get3A_308 = arith.index_cast %mul3A_307 : i32 to index
        %get3A_309 = tpu.vector_load %arg6[%get3A_308] {strides = array<i32>} : memref<32768xi32, #tpu.memory_space<vmem>>, vector<16xi32>,
        %shift_right_logical3A_310 = arith.constant 11 : i32
        %shift_right_logical3A_311 = vector.broadcast %shift_right_logical3A_310 : i32 to vector<16xi32>
        %shift_right_logical3A_312 = arith.shrui %get3A_309, %shift_right_logical3A_311 : vector<16xi32>
        %add3A_313 = arith.addi %get3A_309, %shift_right_logical3A_312 : vector<16xi32>
        %gather3A_314 = tpu.vector_load_idx %arg7[%add3A_313] : memref<32784xi32, #tpu.memory_space<vmem>>[vector<16xi32>], vector<16xi32>,
        %lt3A_315 = arith.constant 0 : i32
        %lt3A_316 = vector.broadcast %lt3A_315 : i32 to vector<16xi32>
        %lt3A_317 = arith.cmpi slt, %gather3A_314, %lt3A_316 : vector<16xi32>
        %not3A_318 = arith.constant dense<-1> : vector<16xi32>
        %not3A_319 = arith.xori %gather3A_314, %not3A_318 : vector<16xi32>
        %and3A_320 = arith.constant 2147483647 : i32
        %and3A_321 = vector.broadcast %and3A_320 : i32 to vector<16xi32>
        %and3A_322 = arith.andi %not3A_319, %and3A_321 : vector<16xi32>
        %select_n3A_323 = arith.select %lt3A_317, %gather3A_314, %and3A_322 : vector<16xi1>, vector<16xi32>
        %bitcast3A_324 = vector.bitcast %select_n3A_323 : vector<16xi32> to vector<16xf32>
        %sub3A_325 = vector.broadcast %reduce_max3A_30 : f32 to vector<16xf32>
        %sub3A_326 = arith.subf %bitcast3A_324, %sub3A_325 : vector<16xf32>
        %exp3A_327 = math.exp %sub3A_326 : vector<16xf32>
        %broadcast_in_dim3A_328 = arith.constant true
        %broadcast_in_dim3A_329 = vector.broadcast %broadcast_in_dim3A_328 : i1 to vector<16xi1>
        %masked_cumsum3A_330 = tpu.scan <sum>, %exp3A_327 masked %broadcast_in_dim3A_329 : vector<16xf32>, vector<16xi1> -> vector<16xf32>
        %mul3A_331 = arith.constant 8 : i32
        %mul3A_332 = arith.muli %scan3A_195, %mul3A_331 : i32
        %add3A_333 = arith.constant 5 : i32
        %add3A_334 = arith.addi %mul3A_332, %add3A_333 : i32
        %mul3A_335 = arith.constant 16 : i32
        %mul3A_336 = arith.muli %add3A_334, %mul3A_335 : i32
        %get3A_337 = arith.index_cast %mul3A_336 : i32 to index
        %get3A_338 = tpu.vector_load %arg6[%get3A_337] {strides = array<i32>} : memref<32768xi32, #tpu.memory_space<vmem>>, vector<16xi32>,
        %shift_right_logical3A_339 = arith.constant 11 : i32
        %shift_right_logical3A_340 = vector.broadcast %shift_right_logical3A_339 : i32 to vector<16xi32>
        %shift_right_logical3A_341 = arith.shrui %get3A_338, %shift_right_logical3A_340 : vector<16xi32>
        %add3A_342 = arith.addi %get3A_338, %shift_right_logical3A_341 : vector<16xi32>
        %gather3A_343 = tpu.vector_load_idx %arg7[%add3A_342] : memref<32784xi32, #tpu.memory_space<vmem>>[vector<16xi32>], vector<16xi32>,
        %lt3A_344 = arith.constant 0 : i32
        %lt3A_345 = vector.broadcast %lt3A_344 : i32 to vector<16xi32>
        %lt3A_346 = arith.cmpi slt, %gather3A_343, %lt3A_345 : vector<16xi32>
        %not3A_347 = arith.constant dense<-1> : vector<16xi32>
        %not3A_348 = arith.xori %gather3A_343, %not3A_347 : vector<16xi32>
        %and3A_349 = arith.constant 2147483647 : i32
        %and3A_350 = vector.broadcast %and3A_349 : i32 to vector<16xi32>
        %and3A_351 = arith.andi %not3A_348, %and3A_350 : vector<16xi32>
        %select_n3A_352 = arith.select %lt3A_346, %gather3A_343, %and3A_351 : vector<16xi1>, vector<16xi32>
        %bitcast3A_353 = vector.bitcast %select_n3A_352 : vector<16xi32> to vector<16xf32>
        %sub3A_354 = vector.broadcast %reduce_max3A_30 : f32 to vector<16xf32>
        %sub3A_355 = arith.subf %bitcast3A_353, %sub3A_354 : vector<16xf32>
        %exp3A_356 = math.exp %sub3A_355 : vector<16xf32>
        %broadcast_in_dim3A_357 = arith.constant true
        %broadcast_in_dim3A_358 = vector.broadcast %broadcast_in_dim3A_357 : i1 to vector<16xi1>
        %masked_cumsum3A_359 = tpu.scan <sum>, %exp3A_356 masked %broadcast_in_dim3A_358 : vector<16xf32>, vector<16xi1> -> vector<16xf32>
        %mul3A_360 = arith.constant 8 : i32
        %mul3A_361 = arith.muli %scan3A_195, %mul3A_360 : i32
        %add3A_362 = arith.constant 6 : i32
        %add3A_363 = arith.addi %mul3A_361, %add3A_362 : i32
        %mul3A_364 = arith.constant 16 : i32
        %mul3A_365 = arith.muli %add3A_363, %mul3A_364 : i32
        %get3A_366 = arith.index_cast %mul3A_365 : i32 to index
        %get3A_367 = tpu.vector_load %arg6[%get3A_366] {strides = array<i32>} : memref<32768xi32, #tpu.memory_space<vmem>>, vector<16xi32>,
        %shift_right_logical3A_368 = arith.constant 11 : i32
        %shift_right_logical3A_369 = vector.broadcast %shift_right_logical3A_368 : i32 to vector<16xi32>
        %shift_right_logical3A_370 = arith.shrui %get3A_367, %shift_right_logical3A_369 : vector<16xi32>
        %add3A_371 = arith.addi %get3A_367, %shift_right_logical3A_370 : vector<16xi32>
        %gather3A_372 = tpu.vector_load_idx %arg7[%add3A_371] : memref<32784xi32, #tpu.memory_space<vmem>>[vector<16xi32>], vector<16xi32>,
        %lt3A_373 = arith.constant 0 : i32
        %lt3A_374 = vector.broadcast %lt3A_373 : i32 to vector<16xi32>
        %lt3A_375 = arith.cmpi slt, %gather3A_372, %lt3A_374 : vector<16xi32>
        %not3A_376 = arith.constant dense<-1> : vector<16xi32>
        %not3A_377 = arith.xori %gather3A_372, %not3A_376 : vector<16xi32>
        %and3A_378 = arith.constant 2147483647 : i32
        %and3A_379 = vector.broadcast %and3A_378 : i32 to vector<16xi32>
        %and3A_380 = arith.andi %not3A_377, %and3A_379 : vector<16xi32>
        %select_n3A_381 = arith.select %lt3A_375, %gather3A_372, %and3A_380 : vector<16xi1>, vector<16xi32>
        %bitcast3A_382 = vector.bitcast %select_n3A_381 : vector<16xi32> to vector<16xf32>
        %sub3A_383 = vector.broadcast %reduce_max3A_30 : f32 to vector<16xf32>
        %sub3A_384 = arith.subf %bitcast3A_382, %sub3A_383 : vector<16xf32>
        %exp3A_385 = math.exp %sub3A_384 : vector<16xf32>
        %broadcast_in_dim3A_386 = arith.constant true
        %broadcast_in_dim3A_387 = vector.broadcast %broadcast_in_dim3A_386 : i1 to vector<16xi1>
        %masked_cumsum3A_388 = tpu.scan <sum>, %exp3A_385 masked %broadcast_in_dim3A_387 : vector<16xf32>, vector<16xi1> -> vector<16xf32>
        %mul3A_389 = arith.constant 8 : i32
        %mul3A_390 = arith.muli %scan3A_195, %mul3A_389 : i32
        %add3A_391 = arith.constant 7 : i32
        %add3A_392 = arith.addi %mul3A_390, %add3A_391 : i32
        %mul3A_393 = arith.constant 16 : i32
        %mul3A_394 = arith.muli %add3A_392, %mul3A_393 : i32
        %get3A_395 = arith.index_cast %mul3A_394 : i32 to index
        %get3A_396 = tpu.vector_load %arg6[%get3A_395] {strides = array<i32>} : memref<32768xi32, #tpu.memory_space<vmem>>, vector<16xi32>,
        %shift_right_logical3A_397 = arith.constant 11 : i32
        %shift_right_logical3A_398 = vector.broadcast %shift_right_logical3A_397 : i32 to vector<16xi32>
        %shift_right_logical3A_399 = arith.shrui %get3A_396, %shift_right_logical3A_398 : vector<16xi32>
        %add3A_400 = arith.addi %get3A_396, %shift_right_logical3A_399 : vector<16xi32>
        %gather3A_401 = tpu.vector_load_idx %arg7[%add3A_400] : memref<32784xi32, #tpu.memory_space<vmem>>[vector<16xi32>], vector<16xi32>,
        %lt3A_402 = arith.constant 0 : i32
        %lt3A_403 = vector.broadcast %lt3A_402 : i32 to vector<16xi32>
        %lt3A_404 = arith.cmpi slt, %gather3A_401, %lt3A_403 : vector<16xi32>
        %not3A_405 = arith.constant dense<-1> : vector<16xi32>
        %not3A_406 = arith.xori %gather3A_401, %not3A_405 : vector<16xi32>
        %and3A_407 = arith.constant 2147483647 : i32
        %and3A_408 = vector.broadcast %and3A_407 : i32 to vector<16xi32>
        %and3A_409 = arith.andi %not3A_406, %and3A_408 : vector<16xi32>
        %select_n3A_410 = arith.select %lt3A_404, %gather3A_401, %and3A_409 : vector<16xi1>, vector<16xi32>
        %bitcast3A_411 = vector.bitcast %select_n3A_410 : vector<16xi32> to vector<16xf32>
        %sub3A_412 = vector.broadcast %reduce_max3A_30 : f32 to vector<16xf32>
        %sub3A_413 = arith.subf %bitcast3A_411, %sub3A_412 : vector<16xf32>
        %exp3A_414 = math.exp %sub3A_413 : vector<16xf32>
        %broadcast_in_dim3A_415 = arith.constant true
        %broadcast_in_dim3A_416 = vector.broadcast %broadcast_in_dim3A_415 : i1 to vector<16xi1>
        %masked_cumsum3A_417 = tpu.scan <sum>, %exp3A_414 masked %broadcast_in_dim3A_416 : vector<16xf32>, vector<16xi1> -> vector<16xf32>
        %mul3A_418 = arith.constant 8 : i32
        %mul3A_419 = arith.muli %scan3A_195, %mul3A_418 : i32
        %add3A_420 = arith.constant 0 : i32
        %add3A_421 = arith.addi %mul3A_419, %add3A_420 : i32
        %sub3A_422 = arith.subf %masked_cumsum3A, %exp3A : vector<16xf32>
        %add3A_423 = arith.addf %sub3A_422, %scan3A_196 : vector<16xf32>
        %lt3A_424 = vector.broadcast %mul3A_178 : f32 to vector<16xf32>
        %lt3A_425 = arith.cmpf olt, %add3A_423, %lt3A_424 : vector<16xf32>
        %jit3A = arith.constant 0xFF800000 : f32
        %broadcast_in_dim3A_426 = vector.broadcast %jit3A : f32 to vector<16xf32>
        %select_n3A_427 = arith.select %lt3A_425, %bitcast3A, %broadcast_in_dim3A_426 : vector<16xi1>, vector<16xf32>
        %mul3A_428 = arith.constant 16 : i32
        %mul3A_429 = arith.muli %add3A_421, %mul3A_428 : i32
        %swap3A = arith.index_cast %mul3A_429 : i32 to index
        %swap3A_430 = tpu.vector_load %arg5[%swap3A] {strides = array<i32>} : memref<32768xf32, #tpu.memory_space<vmem>>, vector<16xf32>,
        tpu.vector_store %arg5[%swap3A], %select_n3A_427 {strides = array<i32>} : memref<32768xf32, #tpu.memory_space<vmem>>, vector<16xf32>,
        %jit3A_431 = arith.constant 16 : i32
        %eq3A = arith.constant 0 : i32
        %eq3A_432 = arith.cmpi eq, %jit3A_431, %eq3A : i32
        %jit3A_433 = arith.constant 1 : i32
        %select_n3A_434 = arith.select %eq3A_432, %jit3A_433, %jit3A_431 : i32
        %rem3A = vector.broadcast %select_n3A_434 : i32 to vector<16xi32>
        %rem3A_435 = arith.remsi %broadcast_in_dim3A_180, %rem3A : vector<16xi32>
        %ne3A = arith.constant 0 : i32
        %ne3A_436 = vector.broadcast %ne3A : i32 to vector<16xi32>
        %ne3A_437 = arith.cmpi ne, %rem3A_435, %ne3A_436 : vector<16xi32>
        %lt3A_438 = arith.constant 0 : i32
        %lt3A_439 = vector.broadcast %lt3A_438 : i32 to vector<16xi32>
        %lt3A_440 = arith.cmpi slt, %rem3A_435, %lt3A_439 : vector<16xi32>
        %lt3A_441 = arith.constant 0 : i32
        %lt3A_442 = arith.cmpi slt, %select_n3A_434, %lt3A_441 : i32
        %ne3A_443 = vector.broadcast %lt3A_442 : i1 to vector<16xi1>
        %ne3A_444 = vector.broadcast %ne3A_443 : vector<16xi1> to vector<16xi1>
        %ne3A_445 = arith.xori %lt3A_440, %ne3A_444 : vector<16xi1>
        %and3A_446 = arith.andi %ne3A_445, %ne3A_437 : vector<16xi1>
        %add3A_447 = vector.broadcast %select_n3A_434 : i32 to vector<16xi32>
        %add3A_448 = arith.addi %rem3A_435, %add3A_447 : vector<16xi32>
        %select_n3A_449 = arith.select %and3A_446, %add3A_448, %rem3A_435 : vector<16xi1>, vector<16xi32>
        %broadcast_in_dim3A_450 = vector.shape_cast %select_n3A_449 : vector<16xi32> to vector<16x1xi32>
        %gather3A_451 = vector.shape_cast %broadcast_in_dim3A_450 : vector<16x1xi32> to vector<16xi32>
        %gather3A_452 = tpu.dynamic_gather %masked_cumsum3A[%gather3A_451] in [0] : vector<16xf32>, vector<16xi32> -> vector<16xf32>
        %add3A_453 = arith.addf %scan3A_196, %gather3A_452 : vector<16xf32>
        %mul3A_454 = arith.constant 8 : i32
        %mul3A_455 = arith.muli %scan3A_195, %mul3A_454 : i32
        %add3A_456 = arith.constant 1 : i32
        %add3A_457 = arith.addi %mul3A_455, %add3A_456 : i32
        %sub3A_458 = arith.subf %masked_cumsum3A_243, %exp3A_240 : vector<16xf32>
        %add3A_459 = arith.addf %sub3A_458, %add3A_453 : vector<16xf32>
        %lt3A_460 = vector.broadcast %mul3A_178 : f32 to vector<16xf32>
        %lt3A_461 = arith.cmpf olt, %add3A_459, %lt3A_460 : vector<16xf32>
        %jit3A_462 = arith.constant 0xFF800000 : f32
        %broadcast_in_dim3A_463 = vector.broadcast %jit3A_462 : f32 to vector<16xf32>
        %select_n3A_464 = arith.select %lt3A_461, %bitcast3A_237, %broadcast_in_dim3A_463 : vector<16xi1>, vector<16xf32>
        %mul3A_465 = arith.constant 16 : i32
        %mul3A_466 = arith.muli %add3A_457, %mul3A_465 : i32
        %swap3A_467 = arith.index_cast %mul3A_466 : i32 to index
        %swap3A_468 = tpu.vector_load %arg5[%swap3A_467] {strides = array<i32>} : memref<32768xf32, #tpu.memory_space<vmem>>, vector<16xf32>,
        tpu.vector_store %arg5[%swap3A_467], %select_n3A_464 {strides = array<i32>} : memref<32768xf32, #tpu.memory_space<vmem>>, vector<16xf32>,
        %jit3A_469 = arith.constant 16 : i32
        %eq3A_470 = arith.constant 0 : i32
        %eq3A_471 = arith.cmpi eq, %jit3A_469, %eq3A_470 : i32
        %jit3A_472 = arith.constant 1 : i32
        %select_n3A_473 = arith.select %eq3A_471, %jit3A_472, %jit3A_469 : i32
        %rem3A_474 = vector.broadcast %select_n3A_473 : i32 to vector<16xi32>
        %rem3A_475 = arith.remsi %broadcast_in_dim3A_180, %rem3A_474 : vector<16xi32>
        %ne3A_476 = arith.constant 0 : i32
        %ne3A_477 = vector.broadcast %ne3A_476 : i32 to vector<16xi32>
        %ne3A_478 = arith.cmpi ne, %rem3A_475, %ne3A_477 : vector<16xi32>
        %lt3A_479 = arith.constant 0 : i32
        %lt3A_480 = vector.broadcast %lt3A_479 : i32 to vector<16xi32>
        %lt3A_481 = arith.cmpi slt, %rem3A_475, %lt3A_480 : vector<16xi32>
        %lt3A_482 = arith.constant 0 : i32
        %lt3A_483 = arith.cmpi slt, %select_n3A_473, %lt3A_482 : i32
        %ne3A_484 = vector.broadcast %lt3A_483 : i1 to vector<16xi1>
        %ne3A_485 = vector.broadcast %ne3A_484 : vector<16xi1> to vector<16xi1>
        %ne3A_486 = arith.xori %lt3A_481, %ne3A_485 : vector<16xi1>
        %and3A_487 = arith.andi %ne3A_486, %ne3A_478 : vector<16xi1>
        %add3A_488 = vector.broadcast %select_n3A_473 : i32 to vector<16xi32>
        %add3A_489 = arith.addi %rem3A_475, %add3A_488 : vector<16xi32>
        %select_n3A_490 = arith.select %and3A_487, %add3A_489, %rem3A_475 : vector<16xi1>, vector<16xi32>
        %broadcast_in_dim3A_491 = vector.shape_cast %select_n3A_490 : vector<16xi32> to vector<16x1xi32>
        %gather3A_492 = vector.shape_cast %broadcast_in_dim3A_491 : vector<16x1xi32> to vector<16xi32>
        %gather3A_493 = tpu.dynamic_gather %masked_cumsum3A_243[%gather3A_492] in [0] : vector<16xf32>, vector<16xi32> -> vector<16xf32>
        %add3A_494 = arith.addf %add3A_453, %gather3A_493 : vector<16xf32>
        %mul3A_495 = arith.constant 8 : i32
        %mul3A_496 = arith.muli %scan3A_195, %mul3A_495 : i32
        %add3A_497 = arith.constant 2 : i32
        %add3A_498 = arith.addi %mul3A_496, %add3A_497 : i32
        %sub3A_499 = arith.subf %masked_cumsum3A_272, %exp3A_269 : vector<16xf32>
        %add3A_500 = arith.addf %sub3A_499, %add3A_494 : vector<16xf32>
        %lt3A_501 = vector.broadcast %mul3A_178 : f32 to vector<16xf32>
        %lt3A_502 = arith.cmpf olt, %add3A_500, %lt3A_501 : vector<16xf32>
        %jit3A_503 = arith.constant 0xFF800000 : f32
        %broadcast_in_dim3A_504 = vector.broadcast %jit3A_503 : f32 to vector<16xf32>
        %select_n3A_505 = arith.select %lt3A_502, %bitcast3A_266, %broadcast_in_dim3A_504 : vector<16xi1>, vector<16xf32>
        %mul3A_506 = arith.constant 16 : i32
        %mul3A_507 = arith.muli %add3A_498, %mul3A_506 : i32
        %swap3A_508 = arith.index_cast %mul3A_507 : i32 to index
        %swap3A_509 = tpu.vector_load %arg5[%swap3A_508] {strides = array<i32>} : memref<32768xf32, #tpu.memory_space<vmem>>, vector<16xf32>,
        tpu.vector_store %arg5[%swap3A_508], %select_n3A_505 {strides = array<i32>} : memref<32768xf32, #tpu.memory_space<vmem>>, vector<16xf32>,
        %jit3A_510 = arith.constant 16 : i32
        %eq3A_511 = arith.constant 0 : i32
        %eq3A_512 = arith.cmpi eq, %jit3A_510, %eq3A_511 : i32
        %jit3A_513 = arith.constant 1 : i32
        %select_n3A_514 = arith.select %eq3A_512, %jit3A_513, %jit3A_510 : i32
        %rem3A_515 = vector.broadcast %select_n3A_514 : i32 to vector<16xi32>
        %rem3A_516 = arith.remsi %broadcast_in_dim3A_180, %rem3A_515 : vector<16xi32>
        %ne3A_517 = arith.constant 0 : i32
        %ne3A_518 = vector.broadcast %ne3A_517 : i32 to vector<16xi32>
        %ne3A_519 = arith.cmpi ne, %rem3A_516, %ne3A_518 : vector<16xi32>
        %lt3A_520 = arith.constant 0 : i32
        %lt3A_521 = vector.broadcast %lt3A_520 : i32 to vector<16xi32>
        %lt3A_522 = arith.cmpi slt, %rem3A_516, %lt3A_521 : vector<16xi32>
        %lt3A_523 = arith.constant 0 : i32
        %lt3A_524 = arith.cmpi slt, %select_n3A_514, %lt3A_523 : i32
        %ne3A_525 = vector.broadcast %lt3A_524 : i1 to vector<16xi1>
        %ne3A_526 = vector.broadcast %ne3A_525 : vector<16xi1> to vector<16xi1>
        %ne3A_527 = arith.xori %lt3A_522, %ne3A_526 : vector<16xi1>
        %and3A_528 = arith.andi %ne3A_527, %ne3A_519 : vector<16xi1>
        %add3A_529 = vector.broadcast %select_n3A_514 : i32 to vector<16xi32>
        %add3A_530 = arith.addi %rem3A_516, %add3A_529 : vector<16xi32>
        %select_n3A_531 = arith.select %and3A_528, %add3A_530, %rem3A_516 : vector<16xi1>, vector<16xi32>
        %broadcast_in_dim3A_532 = vector.shape_cast %select_n3A_531 : vector<16xi32> to vector<16x1xi32>
        %gather3A_533 = vector.shape_cast %broadcast_in_dim3A_532 : vector<16x1xi32> to vector<16xi32>
        %gather3A_534 = tpu.dynamic_gather %masked_cumsum3A_272[%gather3A_533] in [0] : vector<16xf32>, vector<16xi32> -> vector<16xf32>
        %add3A_535 = arith.addf %add3A_494, %gather3A_534 : vector<16xf32>
        %mul3A_536 = arith.constant 8 : i32
        %mul3A_537 = arith.muli %scan3A_195, %mul3A_536 : i32
        %add3A_538 = arith.constant 3 : i32
        %add3A_539 = arith.addi %mul3A_537, %add3A_538 : i32
        %sub3A_540 = arith.subf %masked_cumsum3A_301, %exp3A_298 : vector<16xf32>
        %add3A_541 = arith.addf %sub3A_540, %add3A_535 : vector<16xf32>
        %lt3A_542 = vector.broadcast %mul3A_178 : f32 to vector<16xf32>
        %lt3A_543 = arith.cmpf olt, %add3A_541, %lt3A_542 : vector<16xf32>
        %jit3A_544 = arith.constant 0xFF800000 : f32
        %broadcast_in_dim3A_545 = vector.broadcast %jit3A_544 : f32 to vector<16xf32>
        %select_n3A_546 = arith.select %lt3A_543, %bitcast3A_295, %broadcast_in_dim3A_545 : vector<16xi1>, vector<16xf32>
        %mul3A_547 = arith.constant 16 : i32
        %mul3A_548 = arith.muli %add3A_539, %mul3A_547 : i32
        %swap3A_549 = arith.index_cast %mul3A_548 : i32 to index
        %swap3A_550 = tpu.vector_load %arg5[%swap3A_549] {strides = array<i32>} : memref<32768xf32, #tpu.memory_space<vmem>>, vector<16xf32>,
        tpu.vector_store %arg5[%swap3A_549], %select_n3A_546 {strides = array<i32>} : memref<32768xf32, #tpu.memory_space<vmem>>, vector<16xf32>,
        %jit3A_551 = arith.constant 16 : i32
        %eq3A_552 = arith.constant 0 : i32
        %eq3A_553 = arith.cmpi eq, %jit3A_551, %eq3A_552 : i32
        %jit3A_554 = arith.constant 1 : i32
        %select_n3A_555 = arith.select %eq3A_553, %jit3A_554, %jit3A_551 : i32
        %rem3A_556 = vector.broadcast %select_n3A_555 : i32 to vector<16xi32>
        %rem3A_557 = arith.remsi %broadcast_in_dim3A_180, %rem3A_556 : vector<16xi32>
        %ne3A_558 = arith.constant 0 : i32
        %ne3A_559 = vector.broadcast %ne3A_558 : i32 to vector<16xi32>
        %ne3A_560 = arith.cmpi ne, %rem3A_557, %ne3A_559 : vector<16xi32>
        %lt3A_561 = arith.constant 0 : i32
        %lt3A_562 = vector.broadcast %lt3A_561 : i32 to vector<16xi32>
        %lt3A_563 = arith.cmpi slt, %rem3A_557, %lt3A_562 : vector<16xi32>
        %lt3A_564 = arith.constant 0 : i32
        %lt3A_565 = arith.cmpi slt, %select_n3A_555, %lt3A_564 : i32
        %ne3A_566 = vector.broadcast %lt3A_565 : i1 to vector<16xi1>
        %ne3A_567 = vector.broadcast %ne3A_566 : vector<16xi1> to vector<16xi1>
        %ne3A_568 = arith.xori %lt3A_563, %ne3A_567 : vector<16xi1>
        %and3A_569 = arith.andi %ne3A_568, %ne3A_560 : vector<16xi1>
        %add3A_570 = vector.broadcast %select_n3A_555 : i32 to vector<16xi32>
        %add3A_571 = arith.addi %rem3A_557, %add3A_570 : vector<16xi32>
        %select_n3A_572 = arith.select %and3A_569, %add3A_571, %rem3A_557 : vector<16xi1>, vector<16xi32>
        %broadcast_in_dim3A_573 = vector.shape_cast %select_n3A_572 : vector<16xi32> to vector<16x1xi32>
        %gather3A_574 = vector.shape_cast %broadcast_in_dim3A_573 : vector<16x1xi32> to vector<16xi32>
        %gather3A_575 = tpu.dynamic_gather %masked_cumsum3A_301[%gather3A_574] in [0] : vector<16xf32>, vector<16xi32> -> vector<16xf32>
        %add3A_576 = arith.addf %add3A_535, %gather3A_575 : vector<16xf32>
        %mul3A_577 = arith.constant 8 : i32
        %mul3A_578 = arith.muli %scan3A_195, %mul3A_577 : i32
        %add3A_579 = arith.constant 4 : i32
        %add3A_580 = arith.addi %mul3A_578, %add3A_579 : i32
        %sub3A_581 = arith.subf %masked_cumsum3A_330, %exp3A_327 : vector<16xf32>
        %add3A_582 = arith.addf %sub3A_581, %add3A_576 : vector<16xf32>
        %lt3A_583 = vector.broadcast %mul3A_178 : f32 to vector<16xf32>
        %lt3A_584 = arith.cmpf olt, %add3A_582, %lt3A_583 : vector<16xf32>
        %jit3A_585 = arith.constant 0xFF800000 : f32
        %broadcast_in_dim3A_586 = vector.broadcast %jit3A_585 : f32 to vector<16xf32>
        %select_n3A_587 = arith.select %lt3A_584, %bitcast3A_324, %broadcast_in_dim3A_586 : vector<16xi1>, vector<16xf32>
        %mul3A_588 = arith.constant 16 : i32
        %mul3A_589 = arith.muli %add3A_580, %mul3A_588 : i32
        %swap3A_590 = arith.index_cast %mul3A_589 : i32 to index
        %swap3A_591 = tpu.vector_load %arg5[%swap3A_590] {strides = array<i32>} : memref<32768xf32, #tpu.memory_space<vmem>>, vector<16xf32>,
        tpu.vector_store %arg5[%swap3A_590], %select_n3A_587 {strides = array<i32>} : memref<32768xf32, #tpu.memory_space<vmem>>, vector<16xf32>,
        %jit3A_592 = arith.constant 16 : i32
        %eq3A_593 = arith.constant 0 : i32
        %eq3A_594 = arith.cmpi eq, %jit3A_592, %eq3A_593 : i32
        %jit3A_595 = arith.constant 1 : i32
        %select_n3A_596 = arith.select %eq3A_594, %jit3A_595, %jit3A_592 : i32
        %rem3A_597 = vector.broadcast %select_n3A_596 : i32 to vector<16xi32>
        %rem3A_598 = arith.remsi %broadcast_in_dim3A_180, %rem3A_597 : vector<16xi32>
        %ne3A_599 = arith.constant 0 : i32
        %ne3A_600 = vector.broadcast %ne3A_599 : i32 to vector<16xi32>
        %ne3A_601 = arith.cmpi ne, %rem3A_598, %ne3A_600 : vector<16xi32>
        %lt3A_602 = arith.constant 0 : i32
        %lt3A_603 = vector.broadcast %lt3A_602 : i32 to vector<16xi32>
        %lt3A_604 = arith.cmpi slt, %rem3A_598, %lt3A_603 : vector<16xi32>
        %lt3A_605 = arith.constant 0 : i32
        %lt3A_606 = arith.cmpi slt, %select_n3A_596, %lt3A_605 : i32
        %ne3A_607 = vector.broadcast %lt3A_606 : i1 to vector<16xi1>
        %ne3A_608 = vector.broadcast %ne3A_607 : vector<16xi1> to vector<16xi1>
        %ne3A_609 = arith.xori %lt3A_604, %ne3A_608 : vector<16xi1>
        %and3A_610 = arith.andi %ne3A_609, %ne3A_601 : vector<16xi1>
        %add3A_611 = vector.broadcast %select_n3A_596 : i32 to vector<16xi32>
        %add3A_612 = arith.addi %rem3A_598, %add3A_611 : vector<16xi32>
        %select_n3A_613 = arith.select %and3A_610, %add3A_612, %rem3A_598 : vector<16xi1>, vector<16xi32>
        %broadcast_in_dim3A_614 = vector.shape_cast %select_n3A_613 : vector<16xi32> to vector<16x1xi32>
        %gather3A_615 = vector.shape_cast %broadcast_in_dim3A_614 : vector<16x1xi32> to vector<16xi32>
        %gather3A_616 = tpu.dynamic_gather %masked_cumsum3A_330[%gather3A_615] in [0] : vector<16xf32>, vector<16xi32> -> vector<16xf32>
        %add3A_617 = arith.addf %add3A_576, %gather3A_616 : vector<16xf32>
        %mul3A_618 = arith.constant 8 : i32
        %mul3A_619 = arith.muli %scan3A_195, %mul3A_618 : i32
        %add3A_620 = arith.constant 5 : i32
        %add3A_621 = arith.addi %mul3A_619, %add3A_620 : i32
        %sub3A_622 = arith.subf %masked_cumsum3A_359, %exp3A_356 : vector<16xf32>
        %add3A_623 = arith.addf %sub3A_622, %add3A_617 : vector<16xf32>
        %lt3A_624 = vector.broadcast %mul3A_178 : f32 to vector<16xf32>
        %lt3A_625 = arith.cmpf olt, %add3A_623, %lt3A_624 : vector<16xf32>
        %jit3A_626 = arith.constant 0xFF800000 : f32
        %broadcast_in_dim3A_627 = vector.broadcast %jit3A_626 : f32 to vector<16xf32>
        %select_n3A_628 = arith.select %lt3A_625, %bitcast3A_353, %broadcast_in_dim3A_627 : vector<16xi1>, vector<16xf32>
        %mul3A_629 = arith.constant 16 : i32
        %mul3A_630 = arith.muli %add3A_621, %mul3A_629 : i32
        %swap3A_631 = arith.index_cast %mul3A_630 : i32 to index
        %swap3A_632 = tpu.vector_load %arg5[%swap3A_631] {strides = array<i32>} : memref<32768xf32, #tpu.memory_space<vmem>>, vector<16xf32>,
        tpu.vector_store %arg5[%swap3A_631], %select_n3A_628 {strides = array<i32>} : memref<32768xf32, #tpu.memory_space<vmem>>, vector<16xf32>,
        %jit3A_633 = arith.constant 16 : i32
        %eq3A_634 = arith.constant 0 : i32
        %eq3A_635 = arith.cmpi eq, %jit3A_633, %eq3A_634 : i32
        %jit3A_636 = arith.constant 1 : i32
        %select_n3A_637 = arith.select %eq3A_635, %jit3A_636, %jit3A_633 : i32
        %rem3A_638 = vector.broadcast %select_n3A_637 : i32 to vector<16xi32>
        %rem3A_639 = arith.remsi %broadcast_in_dim3A_180, %rem3A_638 : vector<16xi32>
        %ne3A_640 = arith.constant 0 : i32
        %ne3A_641 = vector.broadcast %ne3A_640 : i32 to vector<16xi32>
        %ne3A_642 = arith.cmpi ne, %rem3A_639, %ne3A_641 : vector<16xi32>
        %lt3A_643 = arith.constant 0 : i32
        %lt3A_644 = vector.broadcast %lt3A_643 : i32 to vector<16xi32>
        %lt3A_645 = arith.cmpi slt, %rem3A_639, %lt3A_644 : vector<16xi32>
        %lt3A_646 = arith.constant 0 : i32
        %lt3A_647 = arith.cmpi slt, %select_n3A_637, %lt3A_646 : i32
        %ne3A_648 = vector.broadcast %lt3A_647 : i1 to vector<16xi1>
        %ne3A_649 = vector.broadcast %ne3A_648 : vector<16xi1> to vector<16xi1>
        %ne3A_650 = arith.xori %lt3A_645, %ne3A_649 : vector<16xi1>
        %and3A_651 = arith.andi %ne3A_650, %ne3A_642 : vector<16xi1>
        %add3A_652 = vector.broadcast %select_n3A_637 : i32 to vector<16xi32>
        %add3A_653 = arith.addi %rem3A_639, %add3A_652 : vector<16xi32>
        %select_n3A_654 = arith.select %and3A_651, %add3A_653, %rem3A_639 : vector<16xi1>, vector<16xi32>
        %broadcast_in_dim3A_655 = vector.shape_cast %select_n3A_654 : vector<16xi32> to vector<16x1xi32>
        %gather3A_656 = vector.shape_cast %broadcast_in_dim3A_655 : vector<16x1xi32> to vector<16xi32>
        %gather3A_657 = tpu.dynamic_gather %masked_cumsum3A_359[%gather3A_656] in [0] : vector<16xf32>, vector<16xi32> -> vector<16xf32>
        %add3A_658 = arith.addf %add3A_617, %gather3A_657 : vector<16xf32>
        %mul3A_659 = arith.constant 8 : i32
        %mul3A_660 = arith.muli %scan3A_195, %mul3A_659 : i32
        %add3A_661 = arith.constant 6 : i32
        %add3A_662 = arith.addi %mul3A_660, %add3A_661 : i32
        %sub3A_663 = arith.subf %masked_cumsum3A_388, %exp3A_385 : vector<16xf32>
        %add3A_664 = arith.addf %sub3A_663, %add3A_658 : vector<16xf32>
        %lt3A_665 = vector.broadcast %mul3A_178 : f32 to vector<16xf32>
        %lt3A_666 = arith.cmpf olt, %add3A_664, %lt3A_665 : vector<16xf32>
        %jit3A_667 = arith.constant 0xFF800000 : f32
        %broadcast_in_dim3A_668 = vector.broadcast %jit3A_667 : f32 to vector<16xf32>
        %select_n3A_669 = arith.select %lt3A_666, %bitcast3A_382, %broadcast_in_dim3A_668 : vector<16xi1>, vector<16xf32>
        %mul3A_670 = arith.constant 16 : i32
        %mul3A_671 = arith.muli %add3A_662, %mul3A_670 : i32
        %swap3A_672 = arith.index_cast %mul3A_671 : i32 to index
        %swap3A_673 = tpu.vector_load %arg5[%swap3A_672] {strides = array<i32>} : memref<32768xf32, #tpu.memory_space<vmem>>, vector<16xf32>,
        tpu.vector_store %arg5[%swap3A_672], %select_n3A_669 {strides = array<i32>} : memref<32768xf32, #tpu.memory_space<vmem>>, vector<16xf32>,
        %jit3A_674 = arith.constant 16 : i32
        %eq3A_675 = arith.constant 0 : i32
        %eq3A_676 = arith.cmpi eq, %jit3A_674, %eq3A_675 : i32
        %jit3A_677 = arith.constant 1 : i32
        %select_n3A_678 = arith.select %eq3A_676, %jit3A_677, %jit3A_674 : i32
        %rem3A_679 = vector.broadcast %select_n3A_678 : i32 to vector<16xi32>
        %rem3A_680 = arith.remsi %broadcast_in_dim3A_180, %rem3A_679 : vector<16xi32>
        %ne3A_681 = arith.constant 0 : i32
        %ne3A_682 = vector.broadcast %ne3A_681 : i32 to vector<16xi32>
        %ne3A_683 = arith.cmpi ne, %rem3A_680, %ne3A_682 : vector<16xi32>
        %lt3A_684 = arith.constant 0 : i32
        %lt3A_685 = vector.broadcast %lt3A_684 : i32 to vector<16xi32>
        %lt3A_686 = arith.cmpi slt, %rem3A_680, %lt3A_685 : vector<16xi32>
        %lt3A_687 = arith.constant 0 : i32
        %lt3A_688 = arith.cmpi slt, %select_n3A_678, %lt3A_687 : i32
        %ne3A_689 = vector.broadcast %lt3A_688 : i1 to vector<16xi1>
        %ne3A_690 = vector.broadcast %ne3A_689 : vector<16xi1> to vector<16xi1>
        %ne3A_691 = arith.xori %lt3A_686, %ne3A_690 : vector<16xi1>
        %and3A_692 = arith.andi %ne3A_691, %ne3A_683 : vector<16xi1>
        %add3A_693 = vector.broadcast %select_n3A_678 : i32 to vector<16xi32>
        %add3A_694 = arith.addi %rem3A_680, %add3A_693 : vector<16xi32>
        %select_n3A_695 = arith.select %and3A_692, %add3A_694, %rem3A_680 : vector<16xi1>, vector<16xi32>
        %broadcast_in_dim3A_696 = vector.shape_cast %select_n3A_695 : vector<16xi32> to vector<16x1xi32>
        %gather3A_697 = vector.shape_cast %broadcast_in_dim3A_696 : vector<16x1xi32> to vector<16xi32>
        %gather3A_698 = tpu.dynamic_gather %masked_cumsum3A_388[%gather3A_697] in [0] : vector<16xf32>, vector<16xi32> -> vector<16xf32>
        %add3A_699 = arith.addf %add3A_658, %gather3A_698 : vector<16xf32>
        %mul3A_700 = arith.constant 8 : i32
        %mul3A_701 = arith.muli %scan3A_195, %mul3A_700 : i32
        %add3A_702 = arith.constant 7 : i32
        %add3A_703 = arith.addi %mul3A_701, %add3A_702 : i32
        %sub3A_704 = arith.subf %masked_cumsum3A_417, %exp3A_414 : vector<16xf32>
        %add3A_705 = arith.addf %sub3A_704, %add3A_699 : vector<16xf32>
        %lt3A_706 = vector.broadcast %mul3A_178 : f32 to vector<16xf32>
        %lt3A_707 = arith.cmpf olt, %add3A_705, %lt3A_706 : vector<16xf32>
        %jit3A_708 = arith.constant 0xFF800000 : f32
        %broadcast_in_dim3A_709 = vector.broadcast %jit3A_708 : f32 to vector<16xf32>
        %select_n3A_710 = arith.select %lt3A_707, %bitcast3A_411, %broadcast_in_dim3A_709 : vector<16xi1>, vector<16xf32>
        %mul3A_711 = arith.constant 16 : i32
        %mul3A_712 = arith.muli %add3A_703, %mul3A_711 : i32
        %swap3A_713 = arith.index_cast %mul3A_712 : i32 to index
        %swap3A_714 = tpu.vector_load %arg5[%swap3A_713] {strides = array<i32>} : memref<32768xf32, #tpu.memory_space<vmem>>, vector<16xf32>,
        tpu.vector_store %arg5[%swap3A_713], %select_n3A_710 {strides = array<i32>} : memref<32768xf32, #tpu.memory_space<vmem>>, vector<16xf32>,
        %jit3A_715 = arith.constant 16 : i32
        %eq3A_716 = arith.constant 0 : i32
        %eq3A_717 = arith.cmpi eq, %jit3A_715, %eq3A_716 : i32
        %jit3A_718 = arith.constant 1 : i32
        %select_n3A_719 = arith.select %eq3A_717, %jit3A_718, %jit3A_715 : i32
        %rem3A_720 = vector.broadcast %select_n3A_719 : i32 to vector<16xi32>
        %rem3A_721 = arith.remsi %broadcast_in_dim3A_180, %rem3A_720 : vector<16xi32>
        %ne3A_722 = arith.constant 0 : i32
        %ne3A_723 = vector.broadcast %ne3A_722 : i32 to vector<16xi32>
        %ne3A_724 = arith.cmpi ne, %rem3A_721, %ne3A_723 : vector<16xi32>
        %lt3A_725 = arith.constant 0 : i32
        %lt3A_726 = vector.broadcast %lt3A_725 : i32 to vector<16xi32>
        %lt3A_727 = arith.cmpi slt, %rem3A_721, %lt3A_726 : vector<16xi32>
        %lt3A_728 = arith.constant 0 : i32
        %lt3A_729 = arith.cmpi slt, %select_n3A_719, %lt3A_728 : i32
        %ne3A_730 = vector.broadcast %lt3A_729 : i1 to vector<16xi1>
        %ne3A_731 = vector.broadcast %ne3A_730 : vector<16xi1> to vector<16xi1>
        %ne3A_732 = arith.xori %lt3A_727, %ne3A_731 : vector<16xi1>
        %and3A_733 = arith.andi %ne3A_732, %ne3A_724 : vector<16xi1>
        %add3A_734 = vector.broadcast %select_n3A_719 : i32 to vector<16xi32>
        %add3A_735 = arith.addi %rem3A_721, %add3A_734 : vector<16xi32>
        %select_n3A_736 = arith.select %and3A_733, %add3A_735, %rem3A_721 : vector<16xi1>, vector<16xi32>
        %broadcast_in_dim3A_737 = vector.shape_cast %select_n3A_736 : vector<16xi32> to vector<16x1xi32>
        %gather3A_738 = vector.shape_cast %broadcast_in_dim3A_737 : vector<16x1xi32> to vector<16xi32>
        %gather3A_739 = tpu.dynamic_gather %masked_cumsum3A_417[%gather3A_738] in [0] : vector<16xf32>, vector<16xi32> -> vector<16xf32>
        %add3A_740 = arith.addf %add3A_699, %gather3A_739 : vector<16xf32>
        scf.yield %add3A_740 : vector<16xf32>
      }
      %scan3A_188 = arith.constant 256 : i32
      "tpu.region"() ({
        %run_scoped3A = tpu.sem_alloc : memref<!tpu.dma_semaphore, #tpu.memory_space<semaphore_mem>>
        %dma_start3A_195 = arith.constant 0 : i32
        %dma_start3A_196 = tpu.memref_slice %arg3[%add3A_19, %dma_start3A_195] : memref<128x32768xf32, #tpu.memory_space<hbm>> -> memref<1x32768xf32, #tpu.memory_space<hbm>>
        %dma_start3A_197 = tpu.memref_squeeze %dma_start3A_196 : memref<1x32768xf32, #tpu.memory_space<hbm>> -> memref<32768xf32, #tpu.memory_space<hbm>>
        %dma_start3A_198 = arith.constant 0 : i32
        %dma_start3A_199 = tpu.memref_slice %arg3[%add3A_19, %dma_start3A_198] : memref<128x32768xf32, #tpu.memory_space<hbm>> -> memref<1x32768xf32, #tpu.memory_space<hbm>>
        %dma_start3A_200 = tpu.memref_squeeze %dma_start3A_199 : memref<1x32768xf32, #tpu.memory_space<hbm>> -> memref<32768xf32, #tpu.memory_space<hbm>>
        tpu.enqueue_dma source(%arg5 : memref<32768xf32, #tpu.memory_space<vmem>>) target(%dma_start3A_200 : memref<32768xf32, #tpu.memory_space<hbm>>) target_semaphore(%run_scoped3A : memref<!tpu.dma_semaphore, #tpu.memory_space<semaphore_mem>>)
        %dma_wait3A_201 = arith.constant 0 : i32
        %dma_wait3A_202 = tpu.memref_slice %arg3[%add3A_19, %dma_wait3A_201] : memref<128x32768xf32, #tpu.memory_space<hbm>> -> memref<1x32768xf32, #tpu.memory_space<hbm>>
        %dma_wait3A_203 = tpu.memref_squeeze %dma_wait3A_202 : memref<1x32768xf32, #tpu.memory_space<hbm>> -> memref<32768xf32, #tpu.memory_space<hbm>>
        %dma_wait3A_204 = arith.constant 0 : i32
        %dma_wait3A_205 = tpu.memref_slice %arg3[%add3A_19, %dma_wait3A_204] : memref<128x32768xf32, #tpu.memory_space<hbm>> -> memref<1x32768xf32, #tpu.memory_space<hbm>>
        %dma_wait3A_206 = tpu.memref_squeeze %dma_wait3A_205 : memref<1x32768xf32, #tpu.memory_space<hbm>> -> memref<32768xf32, #tpu.memory_space<hbm>>
        tpu.wait_dma2 semaphore(%run_scoped3A : memref<!tpu.dma_semaphore, #tpu.memory_space<semaphore_mem>>) src(%arg5 : memref<32768xf32, #tpu.memory_space<vmem>>) dst(%dma_wait3A_206 : memref<32768xf32, #tpu.memory_space<hbm>>)
        tpu.yield
      }) : () -> ()
      %dma_start3A = arith.constant 0 : i32
      %dma_start3A_189 = tpu.memref_slice %arg4[%add3A_19, %dma_start3A] : memref<128x32768xi32, #tpu.memory_space<hbm>> -> memref<1x32768xi32, #tpu.memory_space<hbm>>
      %dma_start3A_190 = tpu.memref_squeeze %dma_start3A_189 : memref<1x32768xi32, #tpu.memory_space<hbm>> -> memref<32768xi32, #tpu.memory_space<hbm>>
      %dma_start3A_191 = arith.constant 0 : i32
      %dma_start3A_192 = tpu.memref_slice %arg4[%add3A_19, %dma_start3A_191] : memref<128x32768xi32, #tpu.memory_space<hbm>> -> memref<1x32768xi32, #tpu.memory_space<hbm>>
      %dma_start3A_193 = tpu.memref_squeeze %dma_start3A_192 : memref<1x32768xi32, #tpu.memory_space<hbm>> -> memref<32768xi32, #tpu.memory_space<hbm>>
      tpu.enqueue_dma source(%arg6 : memref<32768xi32, #tpu.memory_space<vmem>>) target(%dma_start3A_193 : memref<32768xi32, #tpu.memory_space<hbm>>) target_semaphore(%arg9 : memref<!tpu.dma_semaphore, #tpu.memory_space<semaphore_mem>>)
      %scan3A_194 = arith.constant 0 : i32
      scf.yield %scan3A_194 : i32
    }
    %scan3A_7 = arith.constant 4 : i32
    %mul3A_8 = arith.constant 4 : i32
    %mul3A_9 = arith.muli %add3A, %mul3A_8 : i32
    %dma_wait3A = arith.constant 0 : i32
    %dma_wait3A_10 = tpu.memref_slice %arg4[%mul3A_9, %dma_wait3A] : memref<128x32768xi32, #tpu.memory_space<hbm>> -> memref<1x32768xi32, #tpu.memory_space<hbm>>
    %dma_wait3A_11 = tpu.memref_squeeze %dma_wait3A_10 : memref<1x32768xi32, #tpu.memory_space<hbm>> -> memref<32768xi32, #tpu.memory_space<hbm>>
    %dma_wait3A_12 = arith.constant 0 : i32
    %dma_wait3A_13 = tpu.memref_slice %arg4[%mul3A_9, %dma_wait3A_12] : memref<128x32768xi32, #tpu.memory_space<hbm>> -> memref<1x32768xi32, #tpu.memory_space<hbm>>
    %dma_wait3A_14 = tpu.memref_squeeze %dma_wait3A_13 : memref<1x32768xi32, #tpu.memory_space<hbm>> -> memref<32768xi32, #tpu.memory_space<hbm>>
    tpu.wait_dma2 semaphore(%arg9 : memref<!tpu.dma_semaphore, #tpu.memory_space<semaphore_mem>>) src(%arg6 : memref<32768xi32, #tpu.memory_space<vmem>>) dst(%dma_wait3A_14 : memref<32768xi32, #tpu.memory_space<hbm>>)
    return
  }
}

</mosaic_0001>

<sc_bundles>
// kernel: kernel.3.cloned.1.call-start
scs
__scs_entry_jumppad:
0x0: {  	(pc) =	sbr.rel $0x88, $3  }
0x1: {  	(tag) =	ssettag $0x0;
	lr =	simm.s32 $0x1  }
0x2: {  	[smem:$0x3FA0] =	sst lr;
	_ =	strace $0xD0000000  }
0x3: {  	_ = 	snop  }
0x4: {  	_ = 	snop  }
0x5: {  	_ = 	snop  }
0x6: {  	_ = 	snop  }
0x7: {  	_ = 	snop  }
__scs_overlays_trampoline_lowered:
0x8: {  	[smem:$0x3FAF] =	sst s0  }
0x9: {  	[smem:$0x3FB0] =	sst s1  }
0xa: {  	[smem:$0x3FB1] =	sst s2  }
0xb: {  	[smem:$0x3FB2] =	sst s3  }
0xc: {  	[smem:$0x3FB3] =	sst s4  }
0xd: {  	[smem:$0x3FB4] =	sst s5  }
0xe: {  	[smem:$0x3FB5] =	sst s6  }
0xf: {  	[smem:$0x3FB6] =	sst s7  }
0x10: {  	[smem:$0x3FB7] =	sst s8  }
0x11: {  	[smem:$0x3FB8] =	sst s9;
	s0 =	simm.s32 @!p0 $0x0  }
0x12: {  	s1 =	sld [smem:$0x3F9E];
	s0 =	simm.s32 @p0 $0x1  }
0x13: {  	[smem:$0x3FB9] =	sst s0;
	s0 =	simm.s32 @!p1 $0x0  }
0x14: {  	s2 =	sld [smem:$0x3F9D];
	s0 =	simm.s32 @p1 $0x1  }
0x15: {  	[smem:$0x3FBA] =	sst s0;
	s0 =	simm.s32 @!p2 $0x0  }
0x16: {  	s3 =	sld [smem:$0x3FDB];
	s0 =	simm.s32 @p2 $0x1  }
0x17: {  	s4 =	simm.s32 $0x1BF5;
	[smem:$0x3FBC] =	sst s0  }
0x18: {  	s0 =	sld [smem:$0x3F9F];
	_ =	swait.ge [sflag:s4], $0x0  }
0x19: {  	s7 =	sld [smem:$0x3FA0]  }
0x1a: {  	s8 =	sadd.s32 $0xFFFFE003, lr  }
0x1b: {  	s9 =	sadd.s32 $0xFFFFFEF7, lr;
	s5 =	simm.s32 $0xFFFFFFFF;
	p2 =	slt.u32 s8, $0xFFFFF086  }
0x1c: {  	p1 =	slt.u32 s9, $0xF7A;
	s5 =	simm.s32 @!p2 $0x0  }
0x1d: {  	s5 =	simm.s32 @p1 $0x1;
	p0 =	seq.s32 s7, s2  }
0x1e: {  	s7 =	smul.u32 @!p0 $0xF7A, s2;
	p2 =	seq.s32 @!p0 s5, $0x0  }
0x1f: {  	s9 =	smul.u32 $0xF7A, s1;
	s8 =	simm.s32 @!p0 $0x1BF5;
	p2 =	por !p2, p0  }
0x20: {  	[sflag:s8] =	ssyncset.s32 @!p0 $0xFFFFF086;
	s6 =	sadd.s32 @!p0 s3, s7;
	s7 =	simm.s32 @!p0 $0x108  }
0x21: {  	s3 =	sadd.s32 s3, s9;
	s6 =	sadd.s32 @!p0 $0x88, s6;
	s7 =	simm.s32 @p2 $0x1082  }
0x22: {  	[simem:s7], [sflag:s8] =	dma.local @!p0 [hbm:s6], $0xF7A  }
0x23: {  	s9 =	sor.u32 $0xD0000000, s2;
	s6 =	simm.s32 $0x108;
	_ =	swait.ge @!p0 [sflag:s8], $0x0  }
0x24: {  	s3 =	sadd.s32 $0x88, s3;
	s6 =	simm.s32 @!p1 $0x1082;
	[sflag:s4] =	ssyncset.s32 $0xFFFFF086  }
0x25: {  	[simem:s6], [sflag:s4] =	dma.local [hbm:s3], $0xF7A  }
0x26: {  	[smem:$0x3FA0] =	sst s1;
	(tag) =	ssettag s2;
	_ =	strace s9  }
0x27: {  	s1 =	sld [smem:$0x3FB0]  }
0x28: {  	s2 =	sld [smem:$0x3FB1]  }
0x29: {  	s4 =	sld [smem:$0x3FB3]  }
0x2a: {  	p0 =	seq.s32 s5, $0x0;
	s5 =	sld [smem:$0x3FB4]  }
0x2b: {  	s6 =	sld [smem:$0x3FB5]  }
0x2c: {  	s7 =	sld [smem:$0x3FB6]  }
0x2d: {  	s3 =	simm.s32 $0x108;
	s8 =	sld [smem:$0x3FB7]  }
0x2e: {  	s3 =	simm.s32 @!p0 $0x1082;
	s9 =	sld [smem:$0x3FB8]  }
0x2f: {  	lr =	sadd.s32 s0, s3;
	s0 =	sld [smem:$0x3FAF]  }
0x30: {  	s3 =	sld [smem:$0x3FB2]  }
0x31: {  	[smem:$0x3FBB] =	sst s10  }
0x32: {  	s10 =	sld [smem:$0x3FB9];
	_ =	sdelay $0x3  }
0x33: {  	p0 =	seq.s32 s10, $0x1;
	s10 =	sld [smem:$0x3FBB];
	_ =	sdelay $0x3  }
0x34: {  	[smem:$0x3FBB] =	sst s10  }
0x35: {  	s10 =	sld [smem:$0x3FBA];
	_ =	sdelay $0x3  }
0x36: {  	p1 =	seq.s32 s10, $0x1;
	s10 =	sld [smem:$0x3FBB];
	_ =	sdelay $0x3  }
0x37: {  	[smem:$0x3FBB] =	sst s10  }
0x38: {  	s10 =	sld [smem:$0x3FBC]  }
0x39: {  	_ = 	snop;
	(pc) =	sbr.ind lr, $3  }
0x3a: {  	_ = 	snop  }
0x3b: {  	_ = 	snop  }
0x3c: {  	p2 =	seq.s32 s10, $0x1;
	s10 =	sld [smem:$0x3FBB]  }
0x3d: {  	_ =	shalt  }
0x3e: {  	_ =	shalt  }
0x3f: {  	_ =	shalt  }
0x40: {  	_ =	shalt  }
0x41: {  	_ =	shalt  }
0x42: {  	_ =	shalt  }
0x43: {  	_ =	shalt  }
0x44: {  	_ =	shalt  }
0x45: {  	_ =	shalt  }
0x46: {  	_ =	shalt  }
0x47: {  	_ =	shalt  }
0x48: {  	_ =	shalt  }
0x49: {  	_ =	shalt  }
0x4a: {  	_ =	shalt  }
0x4b: {  	_ =	shalt  }
0x4c: {  	_ =	shalt  }
0x4d: {  	_ =	shalt  }
0x4e: {  	_ =	shalt  }
0x4f: {  	_ =	shalt  }
0x50: {  	_ =	shalt  }
0x51: {  	_ =	shalt  }
0x52: {  	_ =	shalt  }
0x53: {  	_ =	shalt  }
0x54: {  	_ =	shalt  }
0x55: {  	_ =	shalt  }
0x56: {  	_ =	shalt  }
0x57: {  	_ =	shalt  }
0x58: {  	_ =	shalt  }
0x59: {  	_ =	shalt  }
0x5a: {  	_ =	shalt  }
0x5b: {  	_ =	shalt  }
0x5c: {  	_ =	shalt  }
0x5d: {  	_ =	shalt  }
0x5e: {  	_ =	shalt  }
0x5f: {  	_ =	shalt  }
0x60: {  	_ =	shalt  }
0x61: {  	_ =	shalt  }
0x62: {  	_ =	shalt  }
0x63: {  	_ =	shalt  }
0x64: {  	_ =	shalt  }
0x65: {  	_ =	shalt  }
0x66: {  	_ =	shalt  }
0x67: {  	_ =	shalt  }
0x68: {  	_ =	shalt  }
0x69: {  	_ =	shalt  }
0x6a: {  	_ =	shalt  }
0x6b: {  	_ =	shalt  }
0x6c: {  	_ =	shalt  }
0x6d: {  	_ =	shalt  }
0x6e: {  	_ =	shalt  }
0x6f: {  	_ =	shalt  }
0x70: {  	_ =	shalt  }
0x71: {  	_ =	shalt  }
0x72: {  	_ =	shalt  }
0x73: {  	_ =	shalt  }
0x74: {  	_ =	shalt  }
0x75: {  	_ =	shalt  }
0x76: {  	_ =	shalt  }
0x77: {  	_ =	shalt  }
0x78: {  	_ =	shalt  }
0x79: {  	_ =	shalt  }
0x7a: {  	_ =	shalt  }
0x7b: {  	_ =	shalt  }
0x7c: {  	_ =	shalt  }
0x7d: {  	_ =	shalt  }
0x7e: {  	_ =	shalt  }
0x7f: {  	_ =	shalt  }
0x80: {  	_ =	shalt  }
0x81: {  	_ =	shalt  }
0x82: {  	_ =	shalt  }
0x83: {  	_ =	shalt  }
0x84: {  	_ =	shalt  }
0x85: {  	_ =	shalt  }
0x86: {  	_ =	shalt  }
0x87: {  	_ =	shalt  }
.Lfunc_end0:
.L_simem_size_0:
called_computation_lowered:
.L_overlay_start_0:
0x88: {  	s2 =	sld [smem:$0x3FD9]  }
0x89: {  	s3 =	sld [smem:$0x3FFE];
	_ =	sdelay $0x1  }
0x8a: {  	s1 =	srdreg.scid  }
0x8b: {  	s0 =	sand.u32 $0x1, s1  }
0x8c: {  	s15 =	sshll.u32 s0, $0xA;
	s2 =	sadd.s32 s3, s2  }
0x8d: {  	s2 =	sadd.s32 s2, s15  }
0x8e: {  	[smem:$0x3FC7] =	sst s2  }
0x8f: {  	_ = 	snop  }
0x90: {  	s2 =	sld [smem:$0x3FD0];
	_ =	sdelay $0x2  }
0x91: {  	s4 =	simm.s32 $0xA;
	s5 =	simm.s32 $0x10;
	s16 =	sld [smem:$0x3FC9]  }
0x92: {  	[smem:s5], [sflag:s4] =	dma.local [hbm:s2], $0x1  }
0x93: {  	_ =	swait.eq [sflag:s4], $0x1  }
0x94: {  	[sflag:s4] =	ssyncset.done $0x0  }
0x95: {  	s17 =	sld [smem:$0x10];
	[sflag:s4] =	ssyncadd.s32 $0xFFFFFFFF  }
0x96: {  	s18 =	sld [smem:$0x11];
	(tm) =	ssettm $0x1  }
0x97: {  	s19 =	sld [smem:$0x3FFB];
	_ =	sdelay $0x3  }
0x98: {  	_ =	strace s19  }
0x99: {  	s5 =	sld [smem:$0x3FFC];
	_ =	sdelay $0x3  }
0x9a: {  	_ =	strace s5  }
0x9b: {  	s5 =	sld [smem:$0x3FFD];
	_ =	sdelay $0x3  }
0x9c: {  	_ =	strace s5  }
0x9d: {  	_ =	strace $0x8FFFFFFF  }
0x9e: {  	s20 =	sld [smem:$0x3FDB];
	_ =	sdelay $0x1  }
0x9f: {  	s6 =	simm.s32 $_scs_section_size  }
0xa0: {  	s7 =	simm.s32 $_size__tile_overlayer_lowered;
	s8 =	simm.s32 $_tile_overlayer_lowered  }
0xa1: {  	s23 =	simm.s32 $0x1BFF;
	s22 =	sshll.u32 s8, $0x1;
	s5 =	sadd.s32 s6, s20  }
0xa2: {  	s9 =	simm.s32 $0x0;
	s21 =	sshll.u32 s7, $0x1;
	s7 =	sadd.s32 s22, s5  }
0xa3: {  	[timem:s9], [sflag:s23] =	dma.local [hbm:s7], s21  }
0xa4: {  	_ =	swait.ge [sflag:s23], s21  }
0xa5: {  	s6 =	ssub.s32 $0x0, s21;
	[sflag:s23] =	ssyncset.done $0x0  }
0xa6: {  	[sflag:s23] =	ssyncadd.s32 s6;
	_ =	sdelay $0x1  }
0xa7: {  	s24 =	simm.s32 $0x1B8B  }
0xa8: {  	_ =	swait.ge [sflag:s24], $0x1  }
0xa9: {  	[sflag:s24] =	ssyncset.done $0x0  }
0xaa: {  	s25 =	simm.s32 $0x1B8E;
	[sflag:s24] =	ssyncadd.s32 $0xFFFFFFFF  }
0xab: {  	s26 =	simm.s32 $execute0_lowered;
	[smem:$0x3FD2] =	sst s25  }
0xac: {  	s6 =	sshll.u32 s26, $0x1;
	_ =	strace $0x80000046;
	[dreg:$0x1] =	wrdreg $0xFFFFFFFF  }
0xad: {  	s28 =	simm.s32 $_size_execute0_lowered;
	s5 =	sadd.s32 s5, s6;
	[dreg:$0x0] =	wrdreg $0x0  }
0xae: {  	s6 =	sshll.u32 s28, $0x1;
	[dreg:$0x2] =	wrdreg s5  }
0xaf: {  	[dreg:$0x3] =	wrdreg s6  }
0xb0: {  	[dreg:$0x4] =	wrdreg $0xC0  }
0xb1: {  	_ =	task [dreg:s9], $0x5FFFF  }
0xb2: {  	[dreg:$0x1] =	wrdreg $0xFFFFFFFF  }
0xb3: {  	[dreg:$0x0] =	wrdreg $0x60  }
0xb4: {  	[dreg:$0x2] =	wrdreg s16  }
0xb5: {  	[dreg:$0x3] =	wrdreg s17  }
0xb6: {  	[dreg:$0x4] =	wrdreg s18  }
0xb7: {  	[dreg:$0x5] =	wrdreg $0x9  }
0xb8: {  	_ =	task.clear_ibuf [dreg:s9], $0x6FFFF;
	_ =	strace $0x90000046  }
0xb9: {  	s29 =	simm.s32 $0x9;
	_ =	strace $0x80000048  }
0xba: {  	_ =	swait.ge [sflag:s29], $0x1  }
0xbb: {  	[sflag:s29] =	ssyncadd.s32 $0xFFFFFFFF  }
0xbc: {  	_ =	strace $0x90000048  }
0xbd: {  	_ =	sfence  }
0xbe: {  	s30 =	sld [smem:$0x0];
	_ =	sdelay $0x2  }
0xbf: {  	s31 =	sshll.u32 s1, $0xD;
	s1 =	sshrl.u32 s1, $0x2  }
0xc0: {  	s3 =	sand.u32 $0x4000, s31;
	s1 =	sadd.s32 s1, s30  }
0xc1: {  	s0 =	sor.u32 s3, s0;
	s1 =	sshll.u32 s1, $0x11  }
0xc2: {  	s0 =	sor.u32 s1, s0  }
0xc3: {  	s0 =	sadd.s32 $0x8F2B, s0  }
0xc4: {  	[sflag:s0] =	ssyncadd.remote.s32 $0x1  }
0xc5: {  	_ =	sfence.sel $0xFFFF  }
0xc6: {  	[dreg:$0x0] =	wrdreg $0xFFFFFFFF;
	(pc) =	sbr.abs _section_cstart, $3  }
0xc7: {  	[dreg:$0x1] =	wrdreg $0xFFFFFFFF  }
0xc8: {  	_ =	task.clear_ibuf [dreg:s9], $0x2FFFF;
	_ =	strace $0x9FFFFFFF  }
0xc9: {  	(tm) =	ssettm $0x7FFFFFFF  }
tec
execute0_lowered:
.L_overlay_start_1:
0x0: {  	(tag) =	ssettag $0x1  }
0x1: {  	s1 =	rddreg [dreg:$0x0]  }
0x2: {  	s2 =	rddreg [dreg:$0x1]  }
0x3: {  	s3 =	rddreg [dreg:$0x2];
	s4 =	srdreg.scid  }
0x4: {  	s0 =	rddreg [dreg:$0x3];
	s5 =	simm.s32 $0x0;
	s10 =	simm.s32 $0x2  }
0x5: {  	s11 =	simm.s32 $0x10000;
	s12 =	simm.s32 $0x18080;
	s13 =	simm.s32 $0x8000  }
0x6: {  	s14 =	simm.s32 $0x1;
	s15 =	simm.s32 $0x0;
	s6 =	sand.u32 $0x1, s4  }
0x7: {  	[smem:$0x7FF] =	sst s5;
	s4 =	stileid.u32;
	s7 =	ssub.s32 $0x2, s6  }
0x8: {  	v0 =	vlaneseq.u32;
	s9 =	sshll.u32 s4, $0xF;
	s6 =	sshll.u32 s6, $0x6;
	s8 =	sshrl.u32 s7, $0x1  }
0x9: {  	v2 =	vmul.u32 $0x801, v0;
	v4 =	vmul.u32 $0x800, v0;
	_ =	strace $0x80000047;
	s6 =	sor.u32 s9, s6;
	s7 =	ssub.s32 s7, s8  }
0xa: {  	v1 =	vimm.s32 $0x0;
	v3 =	vimm.s32 $0x1;
	v5 =	vimm.s32 $0xF;
	s9 =	simm.s32 $0x400;
	s8 =	simm.s32 $0x80;
	s7 =	smax.u32 s7, $0x1  }
.LBB2_1:
0xb: {  	s16 =	simm.s32 $0x0  }
.LBB2_2:
0xc: {  	s17 =	sshll.u32 s16, $0x4  }
0xd: {  	s17 =	sadd.s32 s6, s17  }
0xe: {  	s18 =	sadd.s32 s1, s17  }
0xf: {  	[tilespmem:s5], [sflag:$0x2] =	stream.strided.gather [hbm4b:s18+s8], $0x8000, s9, s8, $0x38;
	[tilespmem:$0x19080] =	vst v63  }
0x10: {  	_ =	swait.ge [sflag:s10], $0x8000  }
0x11: {  	[sflag:s10] =	ssyncset.done $0x0  }
0x12: {  	s19 =	simm.s32 $0x0;
	s18 =	simm.s32 $0x40;
	[sflag:s10] =	ssyncadd.s32 $0xFFFF8000  }
0x13: {  	v7 =	vmov s19;
	v6 =	vld [tilespmem:s18+$0xFFFFFFC0]  }
0x14: {  	v7 =	vshrl.u32 v7, $0xB  }
0x15: {  	v7 =	vadd.s32 s19, v7  }
0x16: {  	v7 =	vadd.s32 v0, v7;
	_ =	sdelay $0x1  }
0x17: {  	v8 =	vand.u32 $0x7FFFFFFF, v6  }
0x18: {  	vm0 =	vlt.s32 v6, $0x0;
	v8 =	vxor.u32 $0x7FFFFFFF, v8  }
0x19: {  	v8 =	vsel vm0, v6, v8  }
0x1a: {  	s24 =	simm.s32 $0x10;
	[tilespmem:v7+s11+$0x0] =	vst.idx.msk $0xffff, v8  }
0x1b: {  	v8 =	vmov s24;
	v7 =	vld [tilespmem:s18+$0xFFFFFFD0]  }
0x1c: {  	v8 =	vshrl.u32 v8, $0xB  }
0x1d: {  	v8 =	vadd.s32 s24, v8  }
0x1e: {  	v8 =	vadd.s32 v0, v8;
	_ =	sdelay $0x1  }
0x1f: {  	v9 =	vand.u32 $0x7FFFFFFF, v7  }
0x20: {  	vm9 =	vlt.s32 v7, $0x0;
	v9 =	vxor.u32 $0x7FFFFFFF, v9  }
0x21: {  	v9 =	vsel vm9, v7, v9  }
0x22: {  	s25 =	simm.s32 $0x20;
	[tilespmem:v8+s11+$0x0] =	vst.idx.msk $0xffff, v9  }
0x23: {  	v9 =	vmov s25;
	v8 =	vld [tilespmem:s18+$0xFFFFFFE0]  }
0x24: {  	v9 =	vshrl.u32 v9, $0xB  }
0x25: {  	v9 =	vadd.s32 s25, v9  }
0x26: {  	v9 =	vadd.s32 v0, v9;
	_ =	sdelay $0x1  }
0x27: {  	v10 =	vand.u32 $0x7FFFFFFF, v8  }
0x28: {  	vm10 =	vlt.s32 v8, $0x0;
	v10 =	vxor.u32 $0x7FFFFFFF, v10  }
0x29: {  	v10 =	vsel vm10, v8, v10  }
0x2a: {  	s26 =	simm.s32 $0x30;
	[tilespmem:v9+s11+$0x0] =	vst.idx.msk $0xffff, v10  }
0x2b: {  	v10 =	vmov s26;
	v9 =	vld [tilespmem:s18+$0xFFFFFFF0]  }
0x2c: {  	v10 =	vshrl.u32 v10, $0xB  }
0x2d: {  	v10 =	vadd.s32 s26, v10  }
0x2e: {  	v10 =	vadd.s32 v0, v10;
	_ =	sdelay $0x1  }
0x2f: {  	v11 =	vand.u32 $0x7FFFFFFF, v9  }
0x30: {  	vm11 =	vlt.s32 v9, $0x0;
	v11 =	vxor.u32 $0x7FFFFFFF, v11  }
0x31: {  	v11 =	vsel vm11, v9, v11  }
0x32: {  	s28 =	simm.s32 $0x40;
	[tilespmem:v10+s11+$0x0] =	vst.idx.msk $0xffff, v11  }
0x33: {  	v11 =	vmov s28;
	v10 =	vld [tilespmem:s18+$0x0]  }
0x34: {  	v11 =	vshrl.u32 v11, $0xB  }
0x35: {  	v11 =	vadd.s32 s28, v11  }
0x36: {  	v11 =	vadd.s32 v0, v11;
	_ =	sdelay $0x1  }
0x37: {  	v12 =	vand.u32 $0x7FFFFFFF, v10  }
0x38: {  	vm12 =	vlt.s32 v10, $0x0;
	v12 =	vxor.u32 $0x7FFFFFFF, v12  }
0x39: {  	v12 =	vsel vm12, v10, v12  }
0x3a: {  	s29 =	simm.s32 $0x50;
	[tilespmem:v11+s11+$0x0] =	vst.idx.msk $0xffff, v12  }
0x3b: {  	v62 =	vmov s29;
	v11 =	vld [tilespmem:s18+$0x10]  }
0x3c: {  	v12 =	vshrl.u32 v62, $0xB  }
0x3d: {  	v12 =	vadd.s32 s29, v12  }
0x3e: {  	v12 =	vadd.s32 v0, v12;
	_ =	sdelay $0x1  }
0x3f: {  	v13 =	vand.u32 $0x7FFFFFFF, v11  }
0x40: {  	vm13 =	vlt.s32 v11, $0x0;
	v13 =	vxor.u32 $0x7FFFFFFF, v13  }
0x41: {  	v13 =	vsel vm13, v11, v13  }
0x42: {  	s30 =	simm.s32 $0x60;
	[tilespmem:v12+s11+$0x0] =	vst.idx.msk $0xffff, v13  }
0x43: {  	v63 =	vmov s30;
	v12 =	vld [tilespmem:s18+$0x20]  }
0x44: {  	v13 =	vshrl.u32 v63, $0xB  }
0x45: {  	v13 =	vadd.s32 s30, v13  }
0x46: {  	v13 =	vadd.s32 v0, v13;
	_ =	sdelay $0x1  }
0x47: {  	v14 =	vand.u32 $0x7FFFFFFF, v12  }
0x48: {  	vm14 =	vlt.s32 v12, $0x0;
	v14 =	vxor.u32 $0x7FFFFFFF, v14  }
0x49: {  	v15 =	vimm.f32 $-Inf;
	v14 =	vsel vm14, v12, v14  }
0x4a: {  	s31 =	simm.s32 $0x70;
	v6 =	vmax.f32 v15, v6;
	[tilespmem:v13+s11+$0x0] =	vst.idx.msk $0xffff, v14  }
0x4b: {  	v6 =	vmax.f32 v6, v7;
	v7 =	vmov s31;
	v13 =	vld [tilespmem:s18+$0x30]  }
0x4c: {  	v7 =	vshrl.u32 v7, $0xB  }
0x4d: {  	v7 =	vadd.s32 s31, v7;
	v6 =	vmax.f32 v6, v8  }
0x4e: {  	v7 =	vadd.s32 v0, v7;
	v6 =	vmax.f32 v6, v9  }
0x4f: {  	v6 =	vmax.f32 v6, v10  }
0x50: {  	v6 =	vmax.f32 v6, v11;
	v8 =	vand.u32 $0x7FFFFFFF, v13  }
0x51: {  	v6 =	vmax.f32 v6, v12;
	vm15 =	vlt.s32 v13, $0x0;
	v8 =	vxor.u32 $0x7FFFFFFF, v8  }
0x52: {  	s20 =	simm.s32 $0x8;
	s19 =	simm.s32 $0xF0;
	v6 =	vmax.f32 v6, v13;
	v8 =	vsel vm15, v13, v8  }
.LBB2_3:
0x53: {  	s20 =	sadd.s32 $0x8, s20;
	s21 =	sadd.s32 $0xFFFFFF90, s19;
	[tilespmem:v7+s11+$0x0] =	vst.idx.msk $0xffff, v8;
	s18 =	sadd.s32 $0x80, s18  }
0x54: {  	p0 =	slt.u32 s20, $0x7F8;
	v7 =	vld [tilespmem:s18+$0xFFFFFFC0];
	v8 =	vmov s21  }
0x55: {  	v8 =	vshrl.u32 v8, $0xB  }
0x56: {  	v8 =	vadd.s32 s21, v8  }
0x57: {  	v8 =	vadd.s32 v0, v8;
	_ =	sdelay $0x1  }
0x58: {  	v9 =	vand.u32 $0x7FFFFFFF, v7  }
0x59: {  	vm0 =	vlt.s32 v7, $0x0;
	v9 =	vxor.u32 $0x7FFFFFFF, v9  }
0x5a: {  	v9 =	vsel vm0, v7, v9  }
0x5b: {  	s21 =	sadd.s32 $0xFFFFFFA0, s19;
	[tilespmem:v8+s11+$0x0] =	vst.idx.msk $0xffff, v9  }
0x5c: {  	v9 =	vmov s21;
	v8 =	vld [tilespmem:s18+$0xFFFFFFD0]  }
0x5d: {  	v9 =	vshrl.u32 v9, $0xB  }
0x5e: {  	v9 =	vadd.s32 s21, v9  }
0x5f: {  	v9 =	vadd.s32 v0, v9;
	_ =	sdelay $0x1  }
0x60: {  	v10 =	vand.u32 $0x7FFFFFFF, v8  }
0x61: {  	vm0 =	vlt.s32 v8, $0x0;
	v10 =	vxor.u32 $0x7FFFFFFF, v10  }
0x62: {  	v10 =	vsel vm0, v8, v10  }
0x63: {  	s21 =	sadd.s32 $0xFFFFFFB0, s19;
	[tilespmem:v9+s11+$0x0] =	vst.idx.msk $0xffff, v10  }
0x64: {  	v10 =	vmov s21;
	v9 =	vld [tilespmem:s18+$0xFFFFFFE0]  }
0x65: {  	v10 =	vshrl.u32 v10, $0xB  }
0x66: {  	v10 =	vadd.s32 s21, v10  }
0x67: {  	v10 =	vadd.s32 v0, v10;
	_ =	sdelay $0x1  }
0x68: {  	v11 =	vand.u32 $0x7FFFFFFF, v9  }
0x69: {  	vm0 =	vlt.s32 v9, $0x0;
	v11 =	vxor.u32 $0x7FFFFFFF, v11  }
0x6a: {  	v11 =	vsel vm0, v9, v11  }
0x6b: {  	s21 =	sadd.s32 $0xFFFFFFC0, s19;
	[tilespmem:v10+s11+$0x0] =	vst.idx.msk $0xffff, v11  }
0x6c: {  	v11 =	vmov s21;
	v10 =	vld [tilespmem:s18+$0xFFFFFFF0]  }
0x6d: {  	v11 =	vshrl.u32 v11, $0xB  }
0x6e: {  	v11 =	vadd.s32 s21, v11  }
0x6f: {  	v11 =	vadd.s32 v0, v11;
	_ =	sdelay $0x1  }
0x70: {  	v12 =	vand.u32 $0x7FFFFFFF, v10  }
0x71: {  	vm0 =	vlt.s32 v10, $0x0;
	v12 =	vxor.u32 $0x7FFFFFFF, v12  }
0x72: {  	v12 =	vsel vm0, v10, v12  }
0x73: {  	s21 =	sadd.s32 $0xFFFFFFD0, s19;
	[tilespmem:v11+s11+$0x0] =	vst.idx.msk $0xffff, v12  }
0x74: {  	v12 =	vmov s21;
	v11 =	vld [tilespmem:s18+$0x0]  }
0x75: {  	v12 =	vshrl.u32 v12, $0xB  }
0x76: {  	v12 =	vadd.s32 s21, v12  }
0x77: {  	v12 =	vadd.s32 v0, v12;
	_ =	sdelay $0x1  }
0x78: {  	v13 =	vand.u32 $0x7FFFFFFF, v11  }
0x79: {  	vm0 =	vlt.s32 v11, $0x0;
	v13 =	vxor.u32 $0x7FFFFFFF, v13  }
0x7a: {  	v13 =	vsel vm0, v11, v13  }
0x7b: {  	s21 =	sadd.s32 $0xFFFFFFE0, s19;
	[tilespmem:v12+s11+$0x0] =	vst.idx.msk $0xffff, v13  }
0x7c: {  	v13 =	vmov s21;
	v12 =	vld [tilespmem:s18+$0x10]  }
0x7d: {  	v13 =	vshrl.u32 v13, $0xB  }
0x7e: {  	v13 =	vadd.s32 s21, v13  }
0x7f: {  	v13 =	vadd.s32 v0, v13;
	_ =	sdelay $0x1  }
0x80: {  	v14 =	vand.u32 $0x7FFFFFFF, v12  }
0x81: {  	vm0 =	vlt.s32 v12, $0x0;
	v14 =	vxor.u32 $0x7FFFFFFF, v14  }
0x82: {  	v14 =	vsel vm0, v12, v14  }
0x83: {  	s21 =	sadd.s32 $0xFFFFFFF0, s19;
	[tilespmem:v13+s11+$0x0] =	vst.idx.msk $0xffff, v14  }
0x84: {  	v14 =	vmov s21;
	v13 =	vld [tilespmem:s18+$0x20]  }
0x85: {  	v14 =	vshrl.u32 v14, $0xB  }
0x86: {  	v14 =	vadd.s32 s21, v14  }
0x87: {  	v14 =	vadd.s32 v0, v14;
	_ =	sdelay $0x1  }
0x88: {  	v15 =	vand.u32 $0x7FFFFFFF, v13  }
0x89: {  	vm0 =	vlt.s32 v13, $0x0;
	v15 =	vxor.u32 $0x7FFFFFFF, v15  }
0x8a: {  	v6 =	vmax.f32 v6, v7;
	v7 =	vsel vm0, v13, v15  }
0x8b: {  	v6 =	vmax.f32 v6, v8;
	[tilespmem:v14+s11+$0x0] =	vst.idx.msk $0xffff, v7  }
0x8c: {  	v6 =	vmax.f32 v6, v9;
	v7 =	vmov s19;
	v8 =	vld [tilespmem:s18+$0x30]  }
0x8d: {  	v6 =	vmax.f32 v6, v10;
	v7 =	vshrl.u32 v7, $0xB  }
0x8e: {  	v6 =	vmax.f32 v6, v11;
	v7 =	vadd.s32 s19, v7  }
.Ltmp0:
0x8f: {  	v6 =	vmax.f32 v6, v12;
	v7 =	vadd.s32 v0, v7;
	(pc) =	sbr.rel @p0 .LBB2_3-.Ltmp0, $4  }
0x90: {  	v6 =	vmax.f32 v6, v13  }
0x91: {  	v9 =	vand.u32 $0x7FFFFFFF, v8;
	v6 =	vmax.f32 v6, v8  }
0x92: {  	vm0 =	vlt.s32 v8, $0x0;
	v9 =	vxor.u32 $0x7FFFFFFF, v9  }
0x93: {  	s19 =	sadd.s32 $0x80, s19;
	v8 =	vsel vm0, v8, v9  }
0x94: {  	_ =	sdelay $0x3  }
0x95: {  	s20 =	sadd.s32 $0xFFFFFF90, s19;
	[tilespmem:v7+s11+$0x0] =	vst.idx.msk $0xffff, v8;
	s18 =	sadd.s32 $0x80, s18  }
0x96: {  	v7 =	vld [tilespmem:s18+$0xFFFFFFC0];
	v8 =	vmov s20  }
0x97: {  	v8 =	vshrl.u32 v8, $0xB  }
0x98: {  	v8 =	vadd.s32 s20, v8  }
0x99: {  	v8 =	vadd.s32 v0, v8;
	_ =	sdelay $0x1  }
0x9a: {  	v9 =	vand.u32 $0x7FFFFFFF, v7  }
0x9b: {  	vm0 =	vlt.s32 v7, $0x0;
	v9 =	vxor.u32 $0x7FFFFFFF, v9  }
0x9c: {  	v9 =	vsel vm0, v7, v9  }
0x9d: {  	s22 =	sadd.s32 $0xFFFFFFA0, s19;
	[tilespmem:v8+s11+$0x0] =	vst.idx.msk $0xffff, v9  }
0x9e: {  	v9 =	vmov s22;
	v8 =	vld [tilespmem:s18+$0xFFFFFFD0]  }
0x9f: {  	v9 =	vshrl.u32 v9, $0xB  }
0xa0: {  	v9 =	vadd.s32 s22, v9  }
0xa1: {  	v9 =	vadd.s32 v0, v9;
	_ =	sdelay $0x1  }
0xa2: {  	v10 =	vand.u32 $0x7FFFFFFF, v8  }
0xa3: {  	vm9 =	vlt.s32 v8, $0x0;
	v10 =	vxor.u32 $0x7FFFFFFF, v10  }
0xa4: {  	v10 =	vsel vm9, v8, v10  }
0xa5: {  	s23 =	sadd.s32 $0xFFFFFFB0, s19;
	[tilespmem:v9+s11+$0x0] =	vst.idx.msk $0xffff, v10  }
0xa6: {  	v10 =	vmov s23;
	v9 =	vld [tilespmem:s18+$0xFFFFFFE0]  }
0xa7: {  	v10 =	vshrl.u32 v10, $0xB  }
0xa8: {  	v10 =	vadd.s32 s23, v10  }
0xa9: {  	v10 =	vadd.s32 v0, v10;
	_ =	sdelay $0x1  }
0xaa: {  	v11 =	vand.u32 $0x7FFFFFFF, v9  }
0xab: {  	vm10 =	vlt.s32 v9, $0x0;
	v11 =	vxor.u32 $0x7FFFFFFF, v11  }
0xac: {  	v11 =	vsel vm10, v9, v11  }
0xad: {  	s24 =	sadd.s32 $0xFFFFFFC0, s19;
	[tilespmem:v10+s11+$0x0] =	vst.idx.msk $0xffff, v11  }
0xae: {  	v11 =	vmov s24;
	v10 =	vld [tilespmem:s18+$0xFFFFFFF0]  }
0xaf: {  	v11 =	vshrl.u32 v11, $0xB  }
0xb0: {  	v11 =	vadd.s32 s24, v11  }
0xb1: {  	v11 =	vadd.s32 v0, v11;
	_ =	sdelay $0x1  }
0xb2: {  	v12 =	vand.u32 $0x7FFFFFFF, v10  }
0xb3: {  	vm11 =	vlt.s32 v10, $0x0;
	v12 =	vxor.u32 $0x7FFFFFFF, v12  }
0xb4: {  	v12 =	vsel vm11, v10, v12  }
0xb5: {  	s25 =	sadd.s32 $0xFFFFFFD0, s19;
	[tilespmem:v11+s11+$0x0] =	vst.idx.msk $0xffff, v12  }
0xb6: {  	v12 =	vmov s25;
	v11 =	vld [tilespmem:s18+$0x0]  }
0xb7: {  	v12 =	vshrl.u32 v12, $0xB  }
0xb8: {  	v12 =	vadd.s32 s25, v12  }
0xb9: {  	v12 =	vadd.s32 v0, v12;
	_ =	sdelay $0x1  }
0xba: {  	v13 =	vand.u32 $0x7FFFFFFF, v11  }
0xbb: {  	vm12 =	vlt.s32 v11, $0x0;
	v13 =	vxor.u32 $0x7FFFFFFF, v13  }
0xbc: {  	v13 =	vsel vm12, v11, v13  }
0xbd: {  	s26 =	sadd.s32 $0xFFFFFFE0, s19;
	[tilespmem:v12+s11+$0x0] =	vst.idx.msk $0xffff, v13  }
0xbe: {  	v13 =	vmov s26;
	v12 =	vld [tilespmem:s18+$0x10]  }
0xbf: {  	v13 =	vshrl.u32 v13, $0xB  }
0xc0: {  	v13 =	vadd.s32 s26, v13  }
0xc1: {  	v13 =	vadd.s32 v0, v13;
	_ =	sdelay $0x1  }
0xc2: {  	v14 =	vand.u32 $0x7FFFFFFF, v12  }
0xc3: {  	vm13 =	vlt.s32 v12, $0x0;
	v14 =	vxor.u32 $0x7FFFFFFF, v14  }
0xc4: {  	v14 =	vsel vm13, v12, v14  }
0xc5: {  	s28 =	sadd.s32 $0xFFFFFFF0, s19;
	[tilespmem:v13+s11+$0x0] =	vst.idx.msk $0xffff, v14  }
0xc6: {  	v14 =	vmov s28;
	v13 =	vld [tilespmem:s18+$0x20]  }
0xc7: {  	v14 =	vshrl.u32 v14, $0xB  }
0xc8: {  	v14 =	vadd.s32 s28, v14  }
0xc9: {  	v14 =	vadd.s32 v0, v14;
	_ =	sdelay $0x1  }
0xca: {  	v15 =	vand.u32 $0x7FFFFFFF, v13  }
0xcb: {  	vm14 =	vlt.s32 v13, $0x0;
	v15 =	vxor.u32 $0x7FFFFFFF, v15  }
0xcc: {  	v6 =	vmax.f32 v6, v7;
	v7 =	vsel vm14, v13, v15  }
0xcd: {  	v6 =	vmax.f32 v6, v8;
	[tilespmem:v14+s11+$0x0] =	vst.idx.msk $0xffff, v7  }
0xce: {  	v6 =	vmax.f32 v6, v9;
	v7 =	vld [tilespmem:s18+$0x30]  }
0xcf: {  	v8 =	vmov s19;
	v6 =	vmax.f32 v6, v10  }
0xd0: {  	v8 =	vshrl.u32 v8, $0xB;
	v6 =	vmax.f32 v6, v11  }
0xd1: {  	v8 =	vadd.s32 s19, v8;
	v6 =	vmax.f32 v6, v12  }
0xd2: {  	v8 =	vadd.s32 v0, v8;
	v6 =	vmax.f32 v6, v13  }
0xd3: {  	v6 =	vmax.f32 v6, v7  }
0xd4: {  	v9 =	vand.u32 $0x7FFFFFFF, v7;
	(xrf0) =	vmax.scan.msk.f32 $0xffff, v6  }
0xd5: {  	vm15 =	vlt.s32 v7, $0x0;
	v6 =	vxor.u32 $0x7FFFFFFF, v9  }
0xd6: {  	v6 =	vsel vm15, v7, v6  }
0xd7: {  	s29 =	simm.s32 $0x20;
	[tilespmem:v8+s11+$0x0] =	vst.idx.msk $0xffff, v6  }
0xd8: {  	v7 =	vld [tilespmem:s29+$0xFFFFFFE0];
	_ =	sdelay $0x1  }
0xd9: {  	v6, _, _ =	vpop (xrf0)  }
0xda: {  	v8 =	vld [tilespmem:s29+$0xFFFFFFF0];
	v6 =	vbroadcast v6, $0xF  }
0xdb: {  	v9 =	vld [tilespmem:s29+$0x0]  }
0xdc: {  	v7 =	vsub.f32 v7, v6;
	_ =	sdelay $0x1  }
0xdd: {  	v10 =	vld [tilespmem:s29+$0x10];
	v7 =	vmul.f32 $1.442695020e+00, v7  }
0xde: {  	s30 =	simm.s32 $0x60;
	v8 =	vsub.f32 v8, v6  }
0xdf: {  	v9 =	vsub.f32 v9, v6;
	(erf) = vpow2.f32 v7;
	v7 =	vld [tilespmem:s30+$0xFFFFFFE0]  }
0xe0: {  	v11 =	vld [tilespmem:s30+$0xFFFFFFF0];
	v8 =	vmul.f32 $1.442695020e+00, v8  }
0xe1: {  	v9 =	vmul.f32 $1.442695020e+00, v9  }
0xe2: {  	v10 =	vsub.f32 v10, v6;
	(erf) = vpow2.f32 v8;
	v8 =	vld [tilespmem:s30+$0x0]  }
0xe3: {  	(erf) = vpow2.f32 v9;
	v9 =	vld [tilespmem:s30+$0x10]  }
0xe4: {  	v10 =	vmul.f32 $1.442695020e+00, v10;
	v7 =	vsub.f32 v7, v6  }
0xe5: {  	v11 =	vsub.f32 v11, v6  }
0xe6: {  	s31 =	simm.s32 $0xA0;
	(erf) = vpow2.f32 v10;
	v7 =	vmul.f32 $1.442695020e+00, v7  }
0xe7: {  	v12 =	vld [tilespmem:s31+$0xFFFFFFE0];
	v10 =	vmul.f32 $1.442695020e+00, v11  }
0xe8: {  	v13 =	vld [tilespmem:s31+$0xFFFFFFF0];
	v8 =	vsub.f32 v8, v6;
	v11 =	vsub.f32 v9, v6;
	v9 =	vpop (erf);
	(erf) = vpow2.f32 v7  }
0xe9: {  	v14 =	vimm.f32 $0.0e+00  }
0xea: {  	v15 =	vmul.f32 $1.442695020e+00, v8;
	v7 =	vld [tilespmem:s31+$0x0];
	v14 =	vadd.f32 v9, v14;
	(erf) = vpow2.f32 v10  }
0xeb: {  	v11 =	vmul.f32 $1.442695020e+00, v11;
	v10 =	vpop (erf)  }
0xec: {  	v8 =	vld [tilespmem:s31+$0x10];
	v9 =	vsub.f32 v12, v6;
	(erf) = vpow2.f32 v15;
	v12 =	vadd.f32 v10, v14  }
0xed: {  	s19 =	simm.s32 $0xE0;
	s18 =	simm.s32 $0x8;
	v10 =	vsub.f32 v13, v6;
	v13 =	vpop (erf)  }
.LBB2_5:
0xee: {  	v14 =	vld [tilespmem:s19+$0xFFFFFFE0];
	v9 =	vmul.f32 $1.442695020e+00, v9;
	(erf) = vpow2.f32 v11;
	v11 =	vadd.f32 v13, v12  }
0xef: {  	s18 =	sadd.s32 $0x4, s18;
	v12 =	vsub.f32 v7, v6;
	v7 =	vpop (erf)  }
0xf0: {  	p0 =	slt.u32 s18, $0x7FC;
	v10 =	vmul.f32 $1.442695020e+00, v10;
	v13 =	vld [tilespmem:s19+$0xFFFFFFF0];
	(erf) = vpow2.f32 v9;
	v9 =	vadd.f32 v7, v11  }
.Ltmp1:
0xf1: {  	v11 =	vsub.f32 v8, v6;
	v8 =	vpop (erf);
	(pc) =	sbr.rel @p0 .LBB2_5-.Ltmp1, $4  }
0xf2: {  	v12 =	vmul.f32 $1.442695020e+00, v12;
	v7 =	vld [tilespmem:s19+$0x0];
	(erf) = vpow2.f32 v10;
	v10 =	vadd.f32 v8, v9  }
0xf3: {  	v9 =	vsub.f32 v14, v6;
	v14 =	vpop (erf)  }
0xf4: {  	v11 =	vmul.f32 $1.442695020e+00, v11;
	v8 =	vld [tilespmem:s19+$0x10];
	(erf) = vpow2.f32 v12;
	v12 =	vadd.f32 v14, v10  }
0xf5: {  	s19 =	sadd.s32 $0x40, s19;
	v10 =	vsub.f32 v13, v6;
	v13 =	vpop (erf)  }
0xf6: {  	v9 =	vmul.f32 $1.442695020e+00, v9;
	(erf) = vpow2.f32 v11;
	v58 =	vadd.f32 v13, v12  }
0xf7: {  	v7 =	vsub.f32 v7, v6;
	v59 =	vpop (erf)  }
0xf8: {  	v10 =	vmul.f32 $1.442695020e+00, v10;
	(erf) = vpow2.f32 v9;
	v60 =	vadd.f32 v59, v58  }
0xf9: {  	v8 =	vsub.f32 v8, v6;
	v61 =	vpop (erf)  }
0xfa: {  	v7 =	vmul.f32 $1.442695020e+00, v7;
	(erf) = vpow2.f32 v10;
	v9 =	vadd.f32 v61, v60  }
0xfb: {  	v62 =	vpop (erf);
	v8 =	vmul.f32 $1.442695020e+00, v8  }
0xfc: {  	(erf) = vpow2.f32 v7;
	v7 =	vadd.f32 v62, v9  }
0xfd: {  	v63 =	vpop (erf)  }
0xfe: {  	(erf) = vpow2.f32 v8;
	v7 =	vadd.f32 v63, v7  }
0xff: {  	v8 =	vpop (erf)  }
0x100: {  	v7 =	vadd.f32 v8, v7  }
0x101: {  	v8 =	vpop (erf)  }
0x102: {  	v7 =	vadd.f32 v8, v7  }
0x103: {  	v8 =	vpop (erf)  }
0x104: {  	v7 =	vadd.f32 v8, v7  }
0x105: {  	v8 =	vpop (erf)  }
0x106: {  	v7 =	vadd.f32 v8, v7  }
0x107: {  	v8 =	vpop (erf)  }
0x108: {  	s18 =	simm.s32 $0x0;
	s19 =	simm.s32 $0x40;
	s20 =	simm.s32 $0x0;
	v7 =	vadd.f32 v8, v7  }
.LBB2_7:
0x109: {  	p0 =	sne.s32 s19, $0x3FC0;
	[tilespmem:s20+$0x18080] =	vst v1;
	s20 =	smov.u32 s19;
	s19 =	sadd.s32 $0x40, s19  }
.Ltmp2:
0x10a: {  	(pc) =	sbr.rel @p0 .LBB2_7-.Ltmp2, $2  }
0x10b: {  	_ =	sdelay $0x2  }
0x10c: {  	s20 =	sshra.s32 s20, $0x2  }
0x10d: {  	[tilespmem:s20+$0x18080] =	vst v1  }
.LBB2_9:
0x10e: {  	v8 =	vadd.s32 s18, v2;
	_ =	sdelay $0x4  }
0x10f: {  	v8 =	vld.idx.msk [tilespmem:v8+s11+$0x0], $0xffff;
	_ =	sdelay $0x4  }
0x110: {  	v8 =	vshll.u32 v8, $0x4  }
0x111: {  	v8 =	vor.u32 v0, v8  }
0x112: {  	s19 =	sadd.s32 $0x1, s18;
	v8 =	vand.u32 $0xFFF, v8  }
0x113: {  	v9 =	vadd.s32 s19, v2;
	_ =	sdelay $0x3  }
0x114: {  	[tilespmem:v8+s12+$0x0] =	vst.idx.add.s32.msk $0xffff, v3  }
0x115: {  	v8 =	vld.idx.msk [tilespmem:v9+s11+$0x0], $0xffff;
	_ =	sdelay $0x4  }
0x116: {  	v8 =	vshll.u32 v8, $0x4  }
0x117: {  	v8 =	vor.u32 v0, v8  }
0x118: {  	s30 =	sadd.s32 $0x2, s18;
	v8 =	vand.u32 $0xFFF, v8  }
0x119: {  	v62 =	vadd.s32 s30, v2;
	_ =	sdelay $0x3  }
0x11a: {  	[tilespmem:v8+s12+$0x0] =	vst.idx.add.s32.msk $0xffff, v3  }
0x11b: {  	v8 =	vld.idx.msk [tilespmem:v62+s11+$0x0], $0xffff;
	_ =	sdelay $0x4  }
0x11c: {  	v8 =	vshll.u32 v8, $0x4  }
0x11d: {  	v8 =	vor.u32 v0, v8  }
0x11e: {  	s31 =	sadd.s32 $0x3, s18;
	v8 =	vand.u32 $0xFFF, v8  }
0x11f: {  	v63 =	vadd.s32 s31, v2;
	_ =	sdelay $0x3  }
0x120: {  	[tilespmem:v8+s12+$0x0] =	vst.idx.add.s32.msk $0xffff, v3  }
0x121: {  	v8 =	vld.idx.msk [tilespmem:v63+s11+$0x0], $0xffff;
	_ =	sdelay $0x4  }
0x122: {  	v8 =	vshll.u32 v8, $0x4  }
0x123: {  	v8 =	vor.u32 v0, v8  }
0x124: {  	p0 =	slt.u32 s18, $0x7FC;
	v8 =	vand.u32 $0xFFF, v8  }
.Ltmp3:
0x125: {  	_ = 	snop;
	(pc) =	sbr.rel @p0 .LBB2_9-.Ltmp3, $2  }
0x126: {  	_ =	sdelay $0x2  }
0x127: {  	s18 =	sadd.s32 $0x4, s18;
	s19 =	simm.s32 $0x0;
	[tilespmem:v8+s12+$0x0] =	vst.idx.add.s32.msk $0xffff, v3  }
0x128: {  	s20 =	simm.s32 $0x0  }
0x129: {  	v8 =	vld [tilespmem:s20+$0x18080];
	_ =	sdelay $0x4  }
0x12a: {  	(xrf0) =	vadd.scan.msk.s32 $0xffff, v8;
	_ =	sdelay $0x1  }
0x12b: {  	v9 =	vld [tilespmem:s20+$0x18090];
	_ =	sdelay $0x3  }
0x12c: {  	v10, _, _ =	vpop (xrf0)  }
0x12d: {  	(xrf0) =	vadd.scan.msk.s32 $0xffff, v9;
	v11 =	vxor.u32 $0x80000000, v10  }
0x12e: {  	(xrf0) =	vmax.scan.msk.u32 $0xffff, v11;
	v11 =	vld [tilespmem:s20+$0x180A0];
	_ =	sdelay $0x4  }
0x12f: {  	v13, _, _ =	vpop (xrf0);
	(xrf0) =	vadd.scan.msk.s32 $0xffff, v11  }
0x130: {  	v14 =	vxor.u32 $0x80000000, v13  }
0x131: {  	v12 =	vld [tilespmem:s20+$0x180B0];
	v15, _, _ =	vpop (xrf0);
	(xrf0) =	vmax.scan.msk.u32 $0xffff, v14;
	_ =	sdelay $0x1  }
0x132: {  	(v2sf) =	vpush v15, $0xF;
	_ =	sdelay $0x1  }
0x133: {  	v14, _, _ =	vpop (xrf0)  }
0x134: {  	(xrf0) =	vadd.scan.msk.s32 $0xffff, v12;
	v15 =	vxor.u32 $0x80000000, v14  }
0x135: {  	v16, _, _ =	vpop (xrf0);
	(xrf0) =	vmax.scan.msk.u32 $0xffff, v15;
	_ =	sdelay $0x2  }
0x136: {  	(v2sf) =	vpush v16, $0xF;
	_ =	sdelay $0x1  }
0x137: {  	v8 =	vsub.s32 s19, v8;
	v15, _, _ =	vpop (xrf0)  }
0x138: {  	v8 =	vadd.s32 v10, v8;
	v63 =	vxor.u32 $0x80000000, v15;
	v10, _, _ =	vpop (xrf0)  }
0x139: {  	(xrf0) =	vmax.scan.msk.u32 $0xffff, v63;
	(v2sf) =	vpush v10, $0xF  }
0x13a: {  	s18 =	simm.s32 $0x40;
	[tilespmem:s20+$0x18080] =	vst v8  }
0x13b: {  	v8 =	vld [tilespmem:s18+$0x18080];
	_ =	sdelay $0x1  }
0x13c: {  	s21 =	spop (v2sf)  }
0x13d: {  	s21 =	sadd.s32 $0x0, s21  }
0x13e: {  	v9 =	vsub.s32 v13, v9;
	v10, _, _ =	vpop (xrf0);
	s21 =	sadd.s32 $0x80000000, s21  }
0x13f: {  	(xrf0) =	vadd.scan.msk.s32 $0xffff, v8;
	(v2sf) =	vpush v10, $0xF;
	v9 =	vadd.s32 s21, v9  }
0x140: {  	[tilespmem:s20+$0x18090] =	vst v9  }
0x141: {  	v10 =	vld [tilespmem:s18+$0x18090];
	_ =	sdelay $0x1  }
0x142: {  	s22 =	spop (v2sf)  }
0x143: {  	s21 =	sadd.s32 s22, s21  }
0x144: {  	v11 =	vsub.s32 v14, v11;
	v9, _, _ =	vpop (xrf0);
	s21 =	sadd.s32 $0x80000000, s21  }
0x145: {  	v13 =	vxor.u32 $0x80000000, v9;
	v11 =	vadd.s32 s21, v11;
	(xrf0) =	vadd.scan.msk.s32 $0xffff, v10  }
0x146: {  	[tilespmem:s20+$0x180A0] =	vst v11;
	(xrf0) =	vmax.scan.msk.u32 $0xffff, v13;
	s30 =	spop (v2sf)  }
0x147: {  	v11 =	vld [tilespmem:s18+$0x180A0];
	s21 =	sadd.s32 s30, s21  }
0x148: {  	v12 =	vsub.s32 v15, v12;
	s21 =	sadd.s32 $0x80000000, s21  }
0x149: {  	v12 =	vadd.s32 s21, v12;
	_ =	sdelay $0x1  }
0x14a: {  	v13, _, _ =	vpop (xrf0)  }
0x14b: {  	(xrf0) =	vadd.scan.msk.s32 $0xffff, v11;
	v14 =	vxor.u32 $0x80000000, v13;
	[tilespmem:s20+$0x180B0] =	vst v12;
	v12, _, _ =	vpop (xrf0)  }
0x14c: {  	s31 =	spop (v2sf);
	(xrf0) =	vmax.scan.msk.u32 $0xffff, v14;
	(v2sf) =	vpush v12, $0xF  }
0x14d: {  	v12 =	vld [tilespmem:s18+$0x180B0];
	_ =	sdelay $0x1  }
0x14e: {  	s20 =	simm.s32 $0x200;
	v10 =	vsub.s32 v13, v10;
	s21 =	sadd.s32 s31, s21  }
.LBB2_11:
0x14f: {  	p0 =	sne.s32 s20, $0x3F00  }
0x150: {  	v13, _, _ =	vpop (xrf0);
	s21 =	sadd.s32 $0x80000000, s21;
	s22 =	smov.u32 s20;
	s20 =	sadd.s32 $0x100, s20  }
0x151: {  	v14 =	vxor.u32 $0x80000000, v13;
	v8 =	vsub.s32 s21, v8;
	v11 =	vsub.s32 v13, v11;
	(xrf0) =	vadd.scan.msk.s32 $0xffff, v12;
	v13, _, _ =	vpop (xrf0)  }
0x152: {  	v8 =	vadd.s32 v9, v8;
	(v2sf) =	vpush v13, $0xF;
	(xrf0) =	vmax.scan.msk.u32 $0xffff, v14  }
0x153: {  	[tilespmem:s18+$0x18080] =	vst v8;
	_ =	sdelay $0x3  }
0x154: {  	s22 =	sshra.s32 s22, $0x2;
	v9, _, _ =	vpop (xrf0)  }
0x155: {  	v8 =	vld [tilespmem:s22+$0x18080];
	v13 =	vxor.u32 $0x80000000, v9;
	v12 =	vsub.s32 v9, v12;
	v9, _, _ =	vpop (xrf0)  }
0x156: {  	(v2sf) =	vpush v9, $0xF;
	(xrf0) =	vmax.scan.msk.u32 $0xffff, v13  }
0x157: {  	s23 =	spop (v2sf)  }
0x158: {  	s21 =	sadd.s32 s23, s21  }
0x159: {  	s21 =	sadd.s32 $0x80000000, s21  }
0x15a: {  	(xrf0) =	vadd.scan.msk.s32 $0xffff, v8;
	v13 =	vadd.s32 s21, v10  }
0x15b: {  	[tilespmem:s18+$0x18090] =	vst v13  }
0x15c: {  	v10 =	vld [tilespmem:s22+$0x18090];
	v9, _, _ =	vpop (xrf0)  }
0x15d: {  	(v2sf) =	vpush v9, $0xF  }
0x15e: {  	s23 =	spop (v2sf)  }
0x15f: {  	s21 =	sadd.s32 s23, s21  }
0x160: {  	v9, _, _ =	vpop (xrf0);
	s21 =	sadd.s32 $0x80000000, s21  }
0x161: {  	v13 =	vxor.u32 $0x80000000, v9;
	(xrf0) =	vadd.scan.msk.s32 $0xffff, v10;
	v11 =	vadd.s32 s21, v11  }
0x162: {  	(xrf0) =	vmax.scan.msk.u32 $0xffff, v13;
	[tilespmem:s18+$0x180A0] =	vst v11  }
0x163: {  	v11 =	vld [tilespmem:s22+$0x180A0];
	_ =	sdelay $0x1  }
0x164: {  	s23 =	spop (v2sf)  }
0x165: {  	s21 =	sadd.s32 s23, s21  }
0x166: {  	v13, _, _ =	vpop (xrf0);
	s21 =	sadd.s32 $0x80000000, s21  }
0x167: {  	v14 =	vxor.u32 $0x80000000, v13;
	v10 =	vsub.s32 v13, v10;
	(xrf0) =	vadd.scan.msk.s32 $0xffff, v11;
	v13, _, _ =	vpop (xrf0);
	v12 =	vadd.s32 s21, v12  }
.Ltmp4:
0x168: {  	(v2sf) =	vpush v13, $0xF;
	(xrf0) =	vmax.scan.msk.u32 $0xffff, v14;
	[tilespmem:s18+$0x180B0] =	vst v12;
	s18 =	smov.u32 s22;
	(pc) =	sbr.rel @p0 .LBB2_11-.Ltmp4, $3  }
0x169: {  	v12 =	vld [tilespmem:s18+$0x180B0];
	_ =	sdelay $0x1  }
0x16a: {  	s22 =	spop (v2sf)  }
0x16b: {  	s21 =	sadd.s32 s22, s21  }
0x16c: {  	v13, _, _ =	vpop (xrf0)  }
0x16d: {  	v14 =	vxor.u32 $0x80000000, v13;
	(xrf0) =	vadd.scan.msk.s32 $0xffff, v12  }
0x16e: {  	(xrf0) =	vmax.scan.msk.u32 $0xffff, v14;
	_ =	sdelay $0x3  }
0x16f: {  	v14, _, _ =	vpop (xrf0)  }
0x170: {  	(v2sf) =	vpush v14, $0xF;
	v14, _, _ =	vpop (xrf0)  }
0x171: {  	v15, _, _ =	vpop (xrf0)  }
0x172: {  	(v2sf) =	vpush v15, $0xF;
	_ =	sdelay $0xa  }
0x173: {  	s20 =	sadd.s32 $0x80000000, s21;
	s24 =	spop (v2sf)  }
0x174: {  	s21 =	sadd.s32 s24, s20  }
0x175: {  	s22 =	sadd.s32 $0x80000000, s21;
	s25 =	spop (v2sf)  }
0x176: {  	v8 =	vsub.s32 s20, v8;
	s26 =	sadd.s32 s25, s22  }
0x177: {  	s28 =	simm.s32 $0x1;
	v11 =	vsub.s32 v13, v11;
	v8 =	vadd.s32 v9, v8;
	v9 =	vadd.s32 s19, v2;
	s20 =	sadd.s32 $0x80000000, s26;
	s23 =	spop (v2sf)  }
0x178: {  	v13 =	vadd.s32 s28, v2;
	[tilespmem:s18+$0x18080] =	vst v8;
	v8 =	vxor.u32 $0x80000000, v14;
	v10 =	vadd.s32 s22, v10;
	s29 =	sadd.s32 s23, s20  }
0x179: {  	v12 =	vsub.s32 v14, v12;
	(xrf0) =	vmax.scan.msk.u32 $0xffff, v8;
	[tilespmem:s18+$0x18090] =	vst v10;
	v8 =	vadd.s32 s20, v11;
	s22 =	sadd.s32 $0x80000000, s29  }
0x17a: {  	[tilespmem:s18+$0x180A0] =	vst v8;
	s20 =	simm.s32 $0x3;
	v8 =	vadd.s32 s22, v12  }
0x17b: {  	s30 =	simm.s32 $0x2;
	v10 =	vadd.s32 s20, v2;
	[tilespmem:s18+$0x180B0] =	vst v8  }
0x17c: {  	v8 =	vadd.s32 s30, v2;
	v9 =	vld.idx.msk [tilespmem:v9+s11+$0x0], $0xffff  }
0x17d: {  	v11 =	vld.idx.msk [tilespmem:v13+s11+$0x0], $0xffff;
	_ =	sdelay $0x1  }
0x17e: {  	v12, _, _ =	vpop (xrf0)  }
0x17f: {  	(v2sf) =	vpush v12, $0xF;
	s18 =	simm.s32 $0x4;
	v16 =	vld.idx.msk [tilespmem:v10+s11+$0x0], $0xffff  }
0x180: {  	v12 =	vld.idx.msk [tilespmem:v8+s11+$0x0], $0xffff;
	v8 =	vadd.s32 s18, v2;
	v10 =	vshll.u32 v9, $0x7;
	v13 =	vand.u32 $0xFF, v9  }
0x181: {  	v15 =	vand.u32 $0xFF, v11;
	v11 =	vshll.u32 v11, $0x7;
	v14 =	vand.u32 $0x7FFF8000, v10  }
0x182: {  	v9 =	vshll.u32 v13, $0x4;
	vm0 =	vne.s32 v13, v15;
	vm1 =	veq.s32 v13, v15  }
0x183: {  	v11 =	vand.u32 $0x7FFF8000, v11;
	v17 =	vor.u32 v0, v9;
	v9 =	vshll.u32 v15, $0x4  }
0x184: {  	v18 =	vand.u32 $0xFF, v16;
	v21 =	vsel vm1, $0x1, v1;
	v14 =	vor.u32 s19, v14  }
0x185: {  	v59 =	vor.u32 s28, v11;
	v19 =	vor.u32 v0, v9;
	v20 =	vand.u32 $0xFF, v12  }
0x186: {  	v16 =	vshll.u32 v16, $0x7;
	v9 =	vshll.u32 v18, $0x4;
	v10 =	vshll.u32 v20, $0x4  }
0x187: {  	vm3 =	vne.s32 v13, v18;
	vm6 =	veq.s32 v13, v18;
	v10 =	vor.u32 v0, v10  }
0x188: {  	v14 =	vor.u32 v4, v14;
	v9 =	vor.u32 v0, v9;
	vm4 =	vne.s32 v13, v20  }
0x189: {  	vm2 =	vne.s32 v15, v20;
	vm14 =	veq.s32 v13, v20;
	vm5 =	veq.s32 v15, v20;
	v22 =	vld.idx.msk [tilespmem:v17+s12+$0x0], $0xffff  }
0x18a: {  	vm15 =	veq.s32 v20, v18;
	vm0 =	vmand vm0, vm4;
	v13 =	vsel vm5, $0x1, v1;
	v23 =	vld.idx.msk [tilespmem:v19+s12+$0x0], $0xffff  }
0x18b: {  	v24 =	vsel vm14, $0x1, v1;
	vm1 =	vmand vm0, vm3;
	vm0 =	veq.s32 v15, v18  }
0x18c: {  	vm3 =	vne.s32 v15, v18;
	v15 =	vsel vm0, $0x1, v1;
	vm0 =	vne.s32 v20, v18;
	v18 =	vld.idx.msk [tilespmem:v10+s12+$0x0], $0xffff  }
0x18d: {  	v25 =	vsel vm6, $0x1, v1;
	v57 =	vsel vm15, $0x1, v1;
	v13 =	vadd.s32 v13, v24  }
0x18e: {  	vm2 =	vmand vm2, vm3;
	v58 =	vld.idx.msk [tilespmem:v9+s12+$0x0], $0xffff;
	v26 =	vadd.s32 $0x1, v22;
	v27 =	vshll.u32 v22, $0x4  }
0x18f: {  	v22 =	vshrl.u32 v22, $0xB;
	v27 =	vand.u32 $0x7FF0, v27;
	v21 =	vadd.s32 v21, v23  }
0x190: {  	v15 =	vadd.s32 v15, v25;
	v22 =	vor.u32 v22, v27;
	v11 =	vshll.u32 v21, $0x4  }
0x191: {  	v23 =	vshrl.u32 v21, $0xB;
	v11 =	vand.u32 $0x7FF0, v11;
	v18 =	vadd.s32 v18, v13  }
0x192: {  	v13 =	vadd.s32 v57, v15;
	v60 =	vor.u32 v23, v11;
	v15 =	vshll.u32 v18, $0x4  }
0x193: {  	v11 =	vadd.s32 v58, v13;
	v13 =	vand.u32 $0x7FF0, v15;
	v15 =	vshrl.u32 v18, $0xB  }
0x194: {  	[tilespmem:v17+s12+$0x0] =	vst.idx.msk vm1, v26;
	v17 =	vadd.s32 $0x1, v21;
	v61 =	vshll.u32 v11, $0x4;
	v13 =	vor.u32 v15, v13  }
0x195: {  	v63 =	vshrl.u32 v11, $0xB;
	v15 =	vand.u32 $0x7FF0, v61;
	[tilespmem:v22+s5+$0x0] =	vst.idx.msk $0xffff, v14;
	v14 =	vshll.u32 v12, $0x7  }
0x196: {  	s19 =	simm.s32 $0x5;
	v62 =	vor.u32 v4, v59;
	[tilespmem:v19+s12+$0x0] =	vst.idx.msk vm2, v17;
	v17 =	vand.u32 $0x7FFF8000, v14;
	v14 =	vor.u32 v63, v15  }
0x197: {  	s21 =	simm.s32 $0x8;
	s31 =	spop (v2sf);
	v12 =	vadd.s32 s19, v2;
	v15 =	vor.u32 s30, v17;
	[tilespmem:v60+s5+$0x0] =	vst.idx.msk $0xffff, v62;
	v17 =	vadd.s32 $0x1, v18  }
.LBB2_13:
0x198: {  	p0 =	sne.s32 s21, $0x7FC;
	v15 =	vor.u32 v4, v15;
	v16 =	vand.u32 $0x7FFF8000, v16;
	[tilespmem:v10+s12+$0x0] =	vst.idx.msk vm0, v17;
	s23 =	smov.u32 s21;
	s21 =	sadd.s32 $0x4, s21  }
0x199: {  	v11 =	vadd.s32 $0x1, v11;
	v10 =	vor.u32 s20, v16;
	s20 =	sadd.s32 $0x3, s18;
	[tilespmem:v13+s5+$0x0] =	vst.idx.msk $0xffff, v15  }
0x19a: {  	s22 =	sadd.s32 $0x2, s18;
	v13 =	vadd.s32 s20, v2;
	v10 =	vor.u32 v4, v10;
	[tilespmem:v9+s12+$0x0] =	vst.idx.msk $0xffff, v11  }
0x19b: {  	v9 =	vadd.s32 s22, v2;
	[tilespmem:v14+s5+$0x0] =	vst.idx.msk $0xffff, v10  }
0x19c: {  	v10 =	vld.idx.msk [tilespmem:v8+s11+$0x0], $0xffff  }
0x19d: {  	v11 =	vld.idx.msk [tilespmem:v12+s11+$0x0], $0xffff;
	_ =	sdelay $0x1  }
0x19e: {  	v16 =	vld.idx.msk [tilespmem:v13+s11+$0x0], $0xffff  }
0x19f: {  	v12 =	vld.idx.msk [tilespmem:v9+s11+$0x0], $0xffff;
	_ =	sdelay $0x1  }
0x1a0: {  	v8 =	vadd.s32 s23, v2;
	v9 =	vshll.u32 v10, $0x7;
	v13 =	vand.u32 $0xFF, v10  }
0x1a1: {  	v14 =	vand.u32 $0x7FFF8000, v9;
	v15 =	vand.u32 $0xFF, v11;
	v9 =	vshll.u32 v13, $0x4  }
0x1a2: {  	v17 =	vor.u32 v0, v9;
	v9 =	vshll.u32 v15, $0x4;
	vm0 =	vne.s32 v13, v15  }
0x1a3: {  	vm2 =	veq.s32 v13, v15;
	v18 =	vand.u32 $0xFF, v16;
	v19 =	vor.u32 v0, v9  }
0x1a4: {  	v20 =	vand.u32 $0xFF, v12;
	v9 =	vshll.u32 v18, $0x4;
	vm3 =	vne.s32 v13, v18  }
0x1a5: {  	v10 =	vshll.u32 v20, $0x4;
	vm4 =	vne.s32 v13, v20;
	vm1 =	vne.s32 v15, v20  }
0x1a6: {  	v21 =	vsel vm2, $0x1, v1;
	v10 =	vor.u32 v0, v10;
	vm0 =	vmand vm0, vm4  }
0x1a7: {  	v9 =	vor.u32 v0, v9;
	vm2 =	veq.s32 v13, v20;
	vm4 =	veq.s32 v15, v20;
	v22 =	vld.idx.msk [tilespmem:v17+s12+$0x0], $0xffff  }
0x1a8: {  	vm5 =	veq.s32 v13, v18;
	vm3 =	vmand vm0, vm3;
	v13 =	vsel vm4, $0x1, v1;
	v23 =	vld.idx.msk [tilespmem:v19+s12+$0x0], $0xffff  }
0x1a9: {  	v25 =	vsel vm5, $0x1, v1;
	v24 =	vsel vm2, $0x1, v1;
	vm0 =	veq.s32 v15, v18  }
0x1aa: {  	vm2 =	vne.s32 v15, v18;
	vm4 =	veq.s32 v20, v18;
	v15 =	vsel vm0, $0x1, v1  }
0x1ab: {  	v14 =	vor.u32 s18, v14;
	s18 =	smov.u32 s23;
	vm0 =	vne.s32 v20, v18;
	v15 =	vadd.s32 v15, v25;
	v26 =	vld.idx.msk [tilespmem:v10+s12+$0x0], $0xffff  }
0x1ac: {  	v11 =	vshll.u32 v11, $0x7;
	v14 =	vor.u32 v4, v14;
	v20 =	vsel vm4, $0x1, v1;
	v18 =	vld.idx.msk [tilespmem:v9+s12+$0x0], $0xffff  }
0x1ad: {  	v11 =	vand.u32 $0x7FFF8000, v11;
	v25 =	vadd.s32 $0x1, v22;
	v27 =	vshll.u32 v22, $0x4  }
0x1ae: {  	v22 =	vshrl.u32 v22, $0xB;
	v21 =	vadd.s32 v21, v23;
	[tilespmem:v17+s12+$0x0] =	vst.idx.msk vm3, v25;
	v17 =	vand.u32 $0x7FF0, v27  }
0x1af: {  	vm1 =	vmand vm1, vm2;
	v17 =	vor.u32 v22, v17;
	v22 =	vshrl.u32 v21, $0xB  }
0x1b0: {  	v13 =	vadd.s32 v13, v24;
	v23 =	vor.u32 s19, v11;
	v11 =	vshll.u32 v21, $0x4  }
0x1b1: {  	v11 =	vand.u32 $0x7FF0, v11;
	v24 =	vadd.s32 v26, v13;
	v13 =	vadd.s32 v20, v15  }
0x1b2: {  	v20 =	vor.u32 v22, v11;
	v15 =	vshll.u32 v24, $0x4;
	v11 =	vadd.s32 v18, v13  }
.Ltmp5:
0x1b3: {  	v13 =	vand.u32 $0x7FF0, v15;
	v15 =	vshrl.u32 v24, $0xB;
	v18 =	vshll.u32 v11, $0x4;
	(pc) =	sbr.rel @p0 .LBB2_13-.Ltmp5, $4  }
0x1b4: {  	v13 =	vor.u32 v15, v13;
	v15 =	vand.u32 $0x7FF0, v18;
	[tilespmem:v17+s5+$0x0] =	vst.idx.msk $0xffff, v14;
	v14 =	vadd.s32 $0x1, v21  }
0x1b5: {  	s19 =	sadd.s32 $0x1, s18;
	v18 =	vshll.u32 v12, $0x7;
	v17 =	vor.u32 v4, v23;
	[tilespmem:v19+s12+$0x0] =	vst.idx.msk vm1, v14;
	v14 =	vshrl.u32 v11, $0xB  }
0x1b6: {  	v12 =	vadd.s32 s19, v2;
	v18 =	vand.u32 $0x7FFF8000, v18;
	v14 =	vor.u32 v14, v15  }
0x1b7: {  	v16 =	vshll.u32 v16, $0x7;
	v15 =	vor.u32 s22, v18;
	[tilespmem:v20+s5+$0x0] =	vst.idx.msk $0xffff, v17;
	v17 =	vadd.s32 $0x1, v24  }
0x1b8: {  	_ =	sdelay $0x4  }
0x1b9: {  	v15 =	vor.u32 v4, v15;
	v16 =	vand.u32 $0x7FFF8000, v16;
	[tilespmem:v10+s12+$0x0] =	vst.idx.msk vm0, v17  }
0x1ba: {  	s21 =	sadd.s32 $0x3, s18;
	v11 =	vadd.s32 $0x1, v11;
	v42 =	vor.u32 s20, v16;
	[tilespmem:v13+s5+$0x0] =	vst.idx.msk $0xffff, v15  }
0x1bb: {  	s31 =	sadd.s32 $0x2, s18;
	v43 =	vadd.s32 s21, v2;
	v10 =	vor.u32 v4, v42;
	[tilespmem:v9+s12+$0x0] =	vst.idx.msk $0xffff, v11  }
0x1bc: {  	(xrf2) =	vadd.scan.msk.f32 $0xffff, v7;
	v44 =	vadd.s32 s31, v2;
	[tilespmem:v14+s5+$0x0] =	vst.idx.msk $0xffff, v10  }
0x1bd: {  	v8 =	vld.idx.msk [tilespmem:v8+s11+$0x0], $0xffff  }
0x1be: {  	v10 =	vld.idx.msk [tilespmem:v12+s11+$0x0], $0xffff;
	_ =	sdelay $0x1  }
0x1bf: {  	v11 =	vld.idx.msk [tilespmem:v43+s11+$0x0], $0xffff  }
0x1c0: {  	v9 =	vld.idx.msk [tilespmem:v44+s11+$0x0], $0xffff  }
0x1c1: {  	v45 =	vshll.u32 v8, $0x7;
	v8 =	vand.u32 $0xFF, v8  }
0x1c2: {  	v46 =	vand.u32 $0xFF, v10;
	v10 =	vshll.u32 v10, $0x7;
	v12 =	vand.u32 $0x7FFF8000, v45  }
0x1c3: {  	v47 =	vshll.u32 v8, $0x4;
	v48 =	vshll.u32 v46, $0x4;
	vm9 =	vne.s32 v8, v46  }
0x1c4: {  	vm1 =	veq.s32 v8, v46;
	v10 =	vand.u32 $0x7FFF8000, v10;
	v7 =	vor.u32 v0, v47  }
0x1c5: {  	v53, _, _ =	vpop (xrf2);
	v49 =	vand.u32 $0xFF, v11;
	v14 =	vor.u32 v0, v48;
	v50 =	vand.u32 $0xFF, v9  }
0x1c6: {  	v19 =	vsel vm1, $0x1, v1;
	v12 =	vor.u32 s18, v12;
	(v2sf) =	vpush v53, $0xF  }
0x1c7: {  	v10 =	vor.u32 s19, v10;
	v9 =	vshll.u32 v9, $0x7;
	v18 =	vshll.u32 v50, $0x4  }
0x1c8: {  	v51 =	vshll.u32 v49, $0x4;
	vm3 =	vne.s32 v8, v49;
	v18 =	vor.u32 v0, v18  }
0x1c9: {  	vm4 =	vne.s32 v8, v50;
	vm2 =	vne.s32 v46, v50;
	vm10 =	veq.s32 v8, v50  }
0x1ca: {  	vm5 =	veq.s32 v46, v50;
	vm6 =	veq.s32 v8, v49;
	v17 =	vor.u32 v0, v51;
	v20 =	vld.idx.msk [tilespmem:v7+s12+$0x0], $0xffff  }
0x1cb: {  	vm12 =	veq.s32 v46, v49;
	vm13 =	vne.s32 v46, v49;
	vm14 =	veq.s32 v50, v49;
	v23 =	vld.idx.msk [tilespmem:v14+s12+$0x0], $0xffff  }
0x1cc: {  	vm15 =	vne.s32 v50, v49;
	vm0 =	vmand vm9, vm4;
	v8 =	vsel vm5, $0x1, v1  }
0x1cd: {  	v21 =	vsel vm10, $0x1, v1;
	v22 =	vsel vm6, $0x1, v1;
	v52 =	vsel vm12, $0x1, v1;
	v54 =	vld.idx.msk [tilespmem:v18+s12+$0x0], $0xffff  }
0x1ce: {  	v55 =	vsel vm14, $0x1, v1;
	vm2 =	vmand vm2, vm13;
	vm11 =	vmand vm0, vm3  }
0x1cf: {  	v13 =	vadd.s32 v52, v22;
	v24 =	vld.idx.msk [tilespmem:v17+s12+$0x0], $0xffff;
	v56 =	vshll.u32 v20, $0x4;
	v25 =	vadd.s32 $0x1, v20  }
0x1d0: {  	v20 =	vshrl.u32 v20, $0xB;
	v19 =	vadd.s32 v19, v23;
	v22 =	vand.u32 $0x7FF0, v56  }
0x1d1: {  	v8 =	vadd.s32 v8, v21;
	v23 =	vshll.u32 v19, $0x4;
	v20 =	vor.u32 v20, v22  }
0x1d2: {  	v57 =	vshrl.u32 v19, $0xB;
	v58 =	vand.u32 $0x7FF0, v23;
	v8 =	vadd.s32 v54, v8  }
0x1d3: {  	v13 =	vadd.s32 v55, v13;
	v59 =	vor.u32 v57, v58;
	v16 =	vshll.u32 v8, $0x4  }
0x1d4: {  	v13 =	vadd.s32 v24, v13;
	v60 =	vshrl.u32 v8, $0xB;
	v16 =	vand.u32 $0x7FF0, v16  }
0x1d5: {  	v12 =	vor.u32 v4, v12;
	[tilespmem:v7+s12+$0x0] =	vst.idx.msk vm11, v25;
	v7 =	vshll.u32 v13, $0x4;
	v16 =	vor.u32 v60, v16  }
0x1d6: {  	v19 =	vadd.s32 $0x1, v19;
	v61 =	vshrl.u32 v13, $0xB;
	v7 =	vand.u32 $0x7FF0, v7;
	[tilespmem:v20+s5+$0x0] =	vst.idx.msk $0xffff, v12  }
0x1d7: {  	v10 =	vor.u32 v4, v10;
	v9 =	vand.u32 $0x7FFF8000, v9;
	v7 =	vor.u32 v61, v7;
	[tilespmem:v14+s12+$0x0] =	vst.idx.msk vm2, v19  }
0x1d8: {  	v11 =	vshll.u32 v11, $0x7;
	v9 =	vor.u32 s31, v9;
	v8 =	vadd.s32 $0x1, v8;
	[tilespmem:v59+s5+$0x0] =	vst.idx.msk $0xffff, v10  }
0x1d9: {  	v62 =	vand.u32 $0x7FFF8000, v11;
	v9 =	vor.u32 v4, v9;
	[tilespmem:v18+s12+$0x0] =	vst.idx.msk vm15, v8  }
0x1da: {  	v63 =	vadd.s32 $0x1, v13;
	v8 =	vor.u32 s21, v62;
	[tilespmem:v16+s5+$0x0] =	vst.idx.msk $0xffff, v9  }
0x1db: {  	p0 =	seq.s32 s16, $0x0;
	v8 =	vor.u32 v4, v8;
	[tilespmem:v17+s12+$0x0] =	vst.idx.msk $0xffff, v63  }
0x1dc: {  	s19 =	simm.s32 @!p0 $0x1;
	s18 =	spop (v2sf);
	[tilespmem:v7+s5+$0x0] =	vst.idx.msk $0xffff, v8  }
0x1dd: {  	_ =	swait.ge @!p0 [sflag:s19], $0x8000  }
0x1de: {  	[sflag:s19] =	ssyncset.done @!p0 $0x0  }
0x1df: {  	[sflag:s19] =	ssyncadd.s32 @!p0 $0xFFFF8000;
	s19 =	simm.s32 $0x0  }
.LBB2_15:
0x1e0: {  	p0 =	sne.s32 s19, $0x3FC0  }
.Ltmp6:
0x1e1: {  	_ = 	snop;
	(pc) =	sbr.rel @p0 .LBB2_15-.Ltmp6, $3  }
0x1e2: {  	_ =	sdelay $0x1  }
0x1e3: {  	s20 =	sshra.s32 s19, $0x2  }
0x1e4: {  	s19 =	sadd.s32 $0x40, s19;
	[tilespmem:s20+$0x18080] =	vst v1  }
0x1e5: {  	s19 =	simm.s32 $0xFFFFFFF0;
	s20 =	simm.s32 $0x80  }
.LBB2_17:
0x1e6: {  	v7 =	vld [tilespmem:s20+$0xFFFFFF80];
	_ =	sdelay $0x4  }
0x1e7: {  	v7 =	vshrl.u32 v7, $0xB  }
0x1e8: {  	v7 =	vand.u32 $0xFF0, v7  }
0x1e9: {  	v7 =	vor.u32 v0, v7;
	_ =	sdelay $0x4  }
0x1ea: {  	[tilespmem:v7+s12+$0x0] =	vst.idx.add.s32.msk $0xffff, v3  }
0x1eb: {  	v7 =	vld [tilespmem:s20+$0xFFFFFF90];
	_ =	sdelay $0x4  }
0x1ec: {  	v7 =	vshrl.u32 v7, $0xB  }
0x1ed: {  	v7 =	vand.u32 $0xFF0, v7  }
0x1ee: {  	v7 =	vor.u32 v0, v7;
	_ =	sdelay $0x4  }
0x1ef: {  	[tilespmem:v7+s12+$0x0] =	vst.idx.add.s32.msk $0xffff, v3  }
0x1f0: {  	v7 =	vld [tilespmem:s20+$0xFFFFFFA0];
	_ =	sdelay $0x4  }
0x1f1: {  	v7 =	vshrl.u32 v7, $0xB  }
0x1f2: {  	v7 =	vand.u32 $0xFF0, v7  }
0x1f3: {  	v7 =	vor.u32 v0, v7;
	_ =	sdelay $0x4  }
0x1f4: {  	[tilespmem:v7+s12+$0x0] =	vst.idx.add.s32.msk $0xffff, v3  }
0x1f5: {  	v7 =	vld [tilespmem:s20+$0xFFFFFFB0];
	_ =	sdelay $0x4  }
0x1f6: {  	v7 =	vshrl.u32 v7, $0xB  }
0x1f7: {  	v7 =	vand.u32 $0xFF0, v7  }
0x1f8: {  	v7 =	vor.u32 v0, v7;
	_ =	sdelay $0x4  }
0x1f9: {  	[tilespmem:v7+s12+$0x0] =	vst.idx.add.s32.msk $0xffff, v3  }
0x1fa: {  	v7 =	vld [tilespmem:s20+$0xFFFFFFC0];
	_ =	sdelay $0x4  }
0x1fb: {  	v7 =	vshrl.u32 v7, $0xB  }
0x1fc: {  	v7 =	vand.u32 $0xFF0, v7  }
0x1fd: {  	v7 =	vor.u32 v0, v7;
	_ =	sdelay $0x4  }
0x1fe: {  	[tilespmem:v7+s12+$0x0] =	vst.idx.add.s32.msk $0xffff, v3  }
0x1ff: {  	v7 =	vld [tilespmem:s20+$0xFFFFFFD0];
	_ =	sdelay $0x4  }
0x200: {  	v7 =	vshrl.u32 v7, $0xB  }
0x201: {  	v7 =	vand.u32 $0xFF0, v7  }
0x202: {  	v7 =	vor.u32 v0, v7;
	_ =	sdelay $0x4  }
0x203: {  	[tilespmem:v7+s12+$0x0] =	vst.idx.add.s32.msk $0xffff, v3  }
0x204: {  	v7 =	vld [tilespmem:s20+$0xFFFFFFE0];
	_ =	sdelay $0x4  }
0x205: {  	v7 =	vshrl.u32 v7, $0xB  }
0x206: {  	v7 =	vand.u32 $0xFF0, v7  }
0x207: {  	v7 =	vor.u32 v0, v7;
	_ =	sdelay $0x4  }
0x208: {  	[tilespmem:v7+s12+$0x0] =	vst.idx.add.s32.msk $0xffff, v3  }
0x209: {  	v7 =	vld [tilespmem:s20+$0xFFFFFFF0];
	_ =	sdelay $0x4  }
0x20a: {  	v7 =	vshrl.u32 v7, $0xB  }
0x20b: {  	v7 =	vand.u32 $0xFF0, v7  }
0x20c: {  	v7 =	vor.u32 v0, v7;
	_ =	sdelay $0x4  }
0x20d: {  	[tilespmem:v7+s12+$0x0] =	vst.idx.add.s32.msk $0xffff, v3  }
0x20e: {  	v7 =	vld [tilespmem:s20+$0x0];
	_ =	sdelay $0x4  }
0x20f: {  	v7 =	vshrl.u32 v7, $0xB  }
0x210: {  	v7 =	vand.u32 $0xFF0, v7  }
0x211: {  	v7 =	vor.u32 v0, v7;
	_ =	sdelay $0x4  }
0x212: {  	[tilespmem:v7+s12+$0x0] =	vst.idx.add.s32.msk $0xffff, v3  }
0x213: {  	v7 =	vld [tilespmem:s20+$0x10];
	_ =	sdelay $0x4  }
0x214: {  	v7 =	vshrl.u32 v7, $0xB  }
0x215: {  	v7 =	vand.u32 $0xFF0, v7  }
0x216: {  	v7 =	vor.u32 v0, v7;
	_ =	sdelay $0x4  }
0x217: {  	[tilespmem:v7+s12+$0x0] =	vst.idx.add.s32.msk $0xffff, v3  }
0x218: {  	v7 =	vld [tilespmem:s20+$0x20];
	_ =	sdelay $0x4  }
0x219: {  	v7 =	vshrl.u32 v7, $0xB  }
0x21a: {  	v7 =	vand.u32 $0xFF0, v7  }
0x21b: {  	v7 =	vor.u32 v0, v7;
	_ =	sdelay $0x4  }
0x21c: {  	[tilespmem:v7+s12+$0x0] =	vst.idx.add.s32.msk $0xffff, v3  }
0x21d: {  	v7 =	vld [tilespmem:s20+$0x30];
	_ =	sdelay $0x4  }
0x21e: {  	v7 =	vshrl.u32 v7, $0xB  }
0x21f: {  	v7 =	vand.u32 $0xFF0, v7  }
0x220: {  	v7 =	vor.u32 v0, v7;
	_ =	sdelay $0x4  }
0x221: {  	[tilespmem:v7+s12+$0x0] =	vst.idx.add.s32.msk $0xffff, v3  }
0x222: {  	v7 =	vld [tilespmem:s20+$0x40];
	_ =	sdelay $0x4  }
0x223: {  	v7 =	vshrl.u32 v7, $0xB  }
0x224: {  	v7 =	vand.u32 $0xFF0, v7  }
0x225: {  	v7 =	vor.u32 v0, v7;
	_ =	sdelay $0x4  }
0x226: {  	[tilespmem:v7+s12+$0x0] =	vst.idx.add.s32.msk $0xffff, v3  }
0x227: {  	v7 =	vld [tilespmem:s20+$0x50];
	_ =	sdelay $0x4  }
0x228: {  	v7 =	vshrl.u32 v7, $0xB  }
0x229: {  	v7 =	vand.u32 $0xFF0, v7  }
0x22a: {  	v7 =	vor.u32 v0, v7;
	_ =	sdelay $0x4  }
0x22b: {  	[tilespmem:v7+s12+$0x0] =	vst.idx.add.s32.msk $0xffff, v3  }
0x22c: {  	v7 =	vld [tilespmem:s20+$0x60];
	_ =	sdelay $0x4  }
0x22d: {  	v7 =	vshrl.u32 v7, $0xB  }
0x22e: {  	v7 =	vand.u32 $0xFF0, v7  }
0x22f: {  	v7 =	vor.u32 v0, v7;
	_ =	sdelay $0x4  }
0x230: {  	[tilespmem:v7+s12+$0x0] =	vst.idx.add.s32.msk $0xffff, v3  }
0x231: {  	v7 =	vld [tilespmem:s20+$0x70];
	_ =	sdelay $0x4  }
0x232: {  	v7 =	vshrl.u32 v7, $0xB  }
0x233: {  	s19 =	sadd.s32 $0x10, s19;
	v7 =	vand.u32 $0xFF0, v7  }
0x234: {  	p0 =	slt.u32 s19, $0x7F0;
	v7 =	vor.u32 v0, v7  }
.Ltmp7:
0x235: {  	_ = 	snop;
	(pc) =	sbr.rel @p0 .LBB2_17-.Ltmp7, $2  }
0x236: {  	_ =	sdelay $0x2  }
0x237: {  	s21 =	simm.s32 $0x0;
	s20 =	sadd.s32 $0x100, s20;
	[tilespmem:v7+s12+$0x0] =	vst.idx.add.s32.msk $0xffff, v3  }
0x238: {  	s20 =	simm.s32 $0x0  }
0x239: {  	v7 =	vld [tilespmem:s20+$0x18080];
	_ =	sdelay $0x4  }
0x23a: {  	(xrf0) =	vadd.scan.msk.s32 $0xffff, v7;
	_ =	sdelay $0x1  }
0x23b: {  	v8 =	vld [tilespmem:s20+$0x18090];
	_ =	sdelay $0x3  }
0x23c: {  	v9, _, _ =	vpop (xrf0)  }
0x23d: {  	(xrf0) =	vadd.scan.msk.s32 $0xffff, v8;
	v10 =	vxor.u32 $0x80000000, v9  }
0x23e: {  	(xrf0) =	vmax.scan.msk.u32 $0xffff, v10;
	v10 =	vld [tilespmem:s20+$0x180A0];
	_ =	sdelay $0x4  }
0x23f: {  	(xrf0) =	vadd.scan.msk.s32 $0xffff, v10;
	_ =	sdelay $0x1  }
0x240: {  	v11 =	vld [tilespmem:s20+$0x180B0];
	v12, _, _ =	vpop (xrf0)  }
0x241: {  	v13 =	vxor.u32 $0x80000000, v12;
	v14, _, _ =	vpop (xrf0)  }
0x242: {  	(xrf0) =	vmax.scan.msk.u32 $0xffff, v13;
	(v2sf) =	vpush v14, $0xF;
	_ =	sdelay $0x1  }
0x243: {  	v57, _, _ =	vpop (xrf0)  }
0x244: {  	(xrf0) =	vadd.scan.msk.s32 $0xffff, v11;
	v58 =	vxor.u32 $0x80000000, v57  }
0x245: {  	(xrf0) =	vmax.scan.msk.u32 $0xffff, v58;
	_ =	sdelay $0x1  }
0x246: {  	v15, _, _ =	vpop (xrf0)  }
0x247: {  	(v2sf) =	vpush v15, $0xF;
	_ =	sdelay $0x1  }
0x248: {  	v7 =	vsub.s32 s21, v7;
	v59, _, _ =	vpop (xrf0)  }
0x249: {  	v7 =	vadd.s32 v9, v7;
	v60 =	vxor.u32 $0x80000000, v59;
	v9, _, _ =	vpop (xrf0)  }
0x24a: {  	(xrf0) =	vmax.scan.msk.u32 $0xffff, v60;
	(v2sf) =	vpush v9, $0xF  }
0x24b: {  	s21 =	simm.s32 $0x40;
	[tilespmem:s20+$0x18080] =	vst v7  }
0x24c: {  	v7 =	vld [tilespmem:s21+$0x18080];
	_ =	sdelay $0x1  }
0x24d: {  	s19 =	spop (v2sf)  }
0x24e: {  	s19 =	sadd.s32 $0x0, s19  }
0x24f: {  	v8 =	vsub.s32 v12, v8;
	v9, _, _ =	vpop (xrf0);
	s19 =	sadd.s32 $0x80000000, s19  }
0x250: {  	(xrf0) =	vadd.scan.msk.s32 $0xffff, v7;
	(v2sf) =	vpush v9, $0xF;
	v8 =	vadd.s32 s19, v8  }
0x251: {  	[tilespmem:s20+$0x18090] =	vst v8  }
0x252: {  	v9 =	vld [tilespmem:s21+$0x18090];
	_ =	sdelay $0x1  }
0x253: {  	s22 =	spop (v2sf)  }
0x254: {  	s19 =	sadd.s32 s22, s19  }
0x255: {  	v10 =	vsub.s32 v57, v10;
	v8, _, _ =	vpop (xrf0);
	s19 =	sadd.s32 $0x80000000, s19  }
0x256: {  	v61 =	vxor.u32 $0x80000000, v8;
	v10 =	vadd.s32 s19, v10;
	(xrf0) =	vadd.scan.msk.s32 $0xffff, v9  }
0x257: {  	[tilespmem:s20+$0x180A0] =	vst v10;
	(xrf0) =	vmax.scan.msk.u32 $0xffff, v61;
	s31 =	spop (v2sf)  }
0x258: {  	v10 =	vld [tilespmem:s21+$0x180A0];
	s19 =	sadd.s32 s31, s19  }
0x259: {  	v11 =	vsub.s32 v59, v11;
	s23 =	sadd.s32 $0x80000000, s19  }
0x25a: {  	v11 =	vadd.s32 s23, v11;
	_ =	sdelay $0x1  }
0x25b: {  	v62, _, _ =	vpop (xrf0)  }
0x25c: {  	(xrf0) =	vadd.scan.msk.s32 $0xffff, v10;
	v63 =	vxor.u32 $0x80000000, v62;
	[tilespmem:s20+$0x180B0] =	vst v11;
	v11, _, _ =	vpop (xrf0)  }
0x25d: {  	s24 =	spop (v2sf);
	(xrf0) =	vmax.scan.msk.u32 $0xffff, v63;
	(v2sf) =	vpush v11, $0xF  }
0x25e: {  	v11 =	vld [tilespmem:s21+$0x180B0];
	_ =	sdelay $0x1  }
0x25f: {  	s22 =	simm.s32 $0x200;
	s19 =	simm.s32 $0x100;
	s23 =	sadd.s32 s24, s23;
	v9 =	vsub.s32 v62, v9  }
.LBB2_19:
0x260: {  	p0 =	sne.s32 s22, $0x3F00  }
0x261: {  	v12, _, _ =	vpop (xrf0);
	s23 =	sadd.s32 $0x80000000, s23;
	s24 =	smov.u32 s22;
	s22 =	sadd.s32 $0x100, s22  }
0x262: {  	v13 =	vxor.u32 $0x80000000, v12;
	v7 =	vsub.s32 s23, v7;
	v10 =	vsub.s32 v12, v10;
	(xrf0) =	vadd.scan.msk.s32 $0xffff, v11;
	v12, _, _ =	vpop (xrf0)  }
0x263: {  	v7 =	vadd.s32 v8, v7;
	(v2sf) =	vpush v12, $0xF;
	(xrf0) =	vmax.scan.msk.u32 $0xffff, v13  }
0x264: {  	[tilespmem:s21+$0x18080] =	vst v7;
	_ =	sdelay $0x3  }
0x265: {  	s24 =	sshra.s32 s24, $0x2;
	v8, _, _ =	vpop (xrf0)  }
0x266: {  	v7 =	vld [tilespmem:s24+$0x18080];
	v12 =	vxor.u32 $0x80000000, v8;
	v11 =	vsub.s32 v8, v11;
	v8, _, _ =	vpop (xrf0)  }
0x267: {  	(v2sf) =	vpush v8, $0xF;
	(xrf0) =	vmax.scan.msk.u32 $0xffff, v12  }
0x268: {  	s25 =	spop (v2sf)  }
0x269: {  	s23 =	sadd.s32 s25, s23  }
0x26a: {  	s23 =	sadd.s32 $0x80000000, s23  }
0x26b: {  	(xrf0) =	vadd.scan.msk.s32 $0xffff, v7;
	v12 =	vadd.s32 s23, v9  }
0x26c: {  	[tilespmem:s21+$0x18090] =	vst v12  }
0x26d: {  	v9 =	vld [tilespmem:s24+$0x18090];
	v8, _, _ =	vpop (xrf0)  }
0x26e: {  	(v2sf) =	vpush v8, $0xF  }
0x26f: {  	s25 =	spop (v2sf)  }
0x270: {  	s23 =	sadd.s32 s25, s23  }
0x271: {  	v8, _, _ =	vpop (xrf0);
	s23 =	sadd.s32 $0x80000000, s23  }
0x272: {  	v12 =	vxor.u32 $0x80000000, v8;
	(xrf0) =	vadd.scan.msk.s32 $0xffff, v9;
	v10 =	vadd.s32 s23, v10  }
0x273: {  	(xrf0) =	vmax.scan.msk.u32 $0xffff, v12;
	[tilespmem:s21+$0x180A0] =	vst v10  }
0x274: {  	v10 =	vld [tilespmem:s24+$0x180A0];
	_ =	sdelay $0x1  }
0x275: {  	s25 =	spop (v2sf)  }
0x276: {  	s23 =	sadd.s32 s25, s23  }
0x277: {  	v12, _, _ =	vpop (xrf0);
	s23 =	sadd.s32 $0x80000000, s23  }
0x278: {  	v13 =	vxor.u32 $0x80000000, v12;
	v9 =	vsub.s32 v12, v9;
	(xrf0) =	vadd.scan.msk.s32 $0xffff, v10;
	v12, _, _ =	vpop (xrf0);
	v11 =	vadd.s32 s23, v11  }
.Ltmp8:
0x279: {  	(v2sf) =	vpush v12, $0xF;
	(xrf0) =	vmax.scan.msk.u32 $0xffff, v13;
	[tilespmem:s21+$0x180B0] =	vst v11;
	s21 =	smov.u32 s24;
	(pc) =	sbr.rel @p0 .LBB2_19-.Ltmp8, $3  }
0x27a: {  	v11 =	vld [tilespmem:s21+$0x180B0];
	_ =	sdelay $0x1  }
0x27b: {  	s24 =	spop (v2sf)  }
0x27c: {  	s23 =	sadd.s32 s24, s23  }
0x27d: {  	v12, _, _ =	vpop (xrf0)  }
0x27e: {  	v13 =	vxor.u32 $0x80000000, v12;
	(xrf0) =	vadd.scan.msk.s32 $0xffff, v11  }
0x27f: {  	(xrf0) =	vmax.scan.msk.u32 $0xffff, v13;
	_ =	sdelay $0x3  }
0x280: {  	v13, _, _ =	vpop (xrf0)  }
0x281: {  	(v2sf) =	vpush v13, $0xF;
	v13, _, _ =	vpop (xrf0)  }
0x282: {  	v14, _, _ =	vpop (xrf0)  }
0x283: {  	(v2sf) =	vpush v14, $0xF;
	_ =	sdelay $0xa  }
0x284: {  	s22 =	sadd.s32 $0x80000000, s23;
	s25 =	spop (v2sf)  }
0x285: {  	v14 =	vxor.u32 $0x80000000, v13;
	s23 =	sadd.s32 s25, s22  }
0x286: {  	(xrf0) =	vmax.scan.msk.u32 $0xffff, v14;
	s23 =	sadd.s32 $0x80000000, s23;
	s24 =	spop (v2sf)  }
0x287: {  	v7 =	vsub.s32 s22, v7;
	s26 =	sadd.s32 s24, s23  }
0x288: {  	v7 =	vadd.s32 v8, v7;
	s22 =	sadd.s32 $0x80000000, s26;
	s28 =	spop (v2sf)  }
0x289: {  	[tilespmem:s21+$0x18080] =	vst v7;
	v8 =	vadd.s32 s23, v9;
	v9 =	vsub.s32 v12, v10;
	s29 =	sadd.s32 s28, s22  }
0x28a: {  	v7 =	vsub.s32 v13, v11;
	[tilespmem:s21+$0x18090] =	vst v8;
	v8 =	vadd.s32 s22, v9;
	s30 =	sadd.s32 $0x80000000, s29  }
0x28b: {  	[tilespmem:s21+$0x180A0] =	vst v8;
	v7 =	vadd.s32 s30, v7  }
0x28c: {  	v9, _, _ =	vpop (xrf0);
	[tilespmem:s21+$0x180B0] =	vst v7  }
0x28d: {  	(v2sf) =	vpush v9, $0xF;
	v7 =	vld [tilespmem:s20+$0x0]  }
0x28e: {  	v10 =	vld [tilespmem:s20+$0x10]  }
0x28f: {  	v16 =	vld [tilespmem:s20+$0x20];
	_ =	sdelay $0x2  }
0x290: {  	v9 =	vld [tilespmem:s20+$0x30]  }
0x291: {  	v11 =	vshrl.u32 v7, $0xF;
	v8 =	vand.u32 $0x7FFF, v7;
	v12 =	vshrl.u32 v7, $0x8  }
0x292: {  	v13 =	vshrl.u32 v10, $0x8;
	v14 =	vand.u32 $0x7FFF, v10;
	v21 =	vshrl.u32 v16, $0xF  }
0x293: {  	v17 =	vand.u32 $0xFF, v11;
	v20 =	vshrl.u32 v8, $0xB;
	v7 =	vshll.u32 v11, $0x4  }
0x294: {  	v11 =	vshrl.u32 v10, $0xF;
	v15 =	vand.u32 $0xFF8000, v13;
	v22 =	vshll.u32 v21, $0x4  }
0x295: {  	v19 =	vor.u32 v0, v7;
	v10 =	vshll.u32 v11, $0x4;
	v7 =	vand.u32 $0x7FFF, v9  }
0x296: {  	v18 =	vand.u32 $0xFF, v11;
	v10 =	vor.u32 v0, v10;
	v13 =	vand.u32 $0xFFF, v19  }
0x297: {  	v11 =	vshrl.u32 v14, $0xB;
	v20 =	vadd.s32 v8, v20;
	v10 =	vand.u32 $0xFFF, v10  }
0x298: {  	v19 =	vand.u32 $0xFF, v21;
	v21 =	vadd.s32 v14, v11;
	v11 =	vor.u32 v0, v22  }
0x299: {  	vm0 =	veq.s32 v17, v18;
	v11 =	vand.u32 $0xFFF, v11;
	vm3 =	veq.s32 v17, v19  }
0x29a: {  	vm2 =	veq.s32 v18, v19;
	vm1 =	vne.s32 v18, v19;
	s31 =	spop (v2sf);
	v22 =	vsel vm3, $0x1, v1  }
.LBB2_21:
0x29b: {  	p0 =	sne.s32 s19, $0x1FF00;
	v23 =	vand.u32 $0x7FFF, v16;
	v24 =	vld.idx.msk [tilespmem:v13+s12+$0x0], $0xffff;
	v25 =	vsel vm0, $0x1, v1;
	v26 =	vsel vm2, $0x1, v1;
	s20 =	smov.u32 s19;
	s19 =	sadd.s32 $0x100, s19  }
0x29c: {  	v28 =	vshrl.u32 v9, $0xF;
	v27 =	vshrl.u32 v23, $0xB;
	v29 =	vld.idx.msk [tilespmem:v10+s12+$0x0], $0xffff;
	v22 =	vadd.s32 v26, v22  }
0x29d: {  	vm3 =	vne.s32 v17, v19;
	v26 =	vand.u32 $0xFF, v28;
	v28 =	vshll.u32 v28, $0x4  }
0x29e: {  	v30 =	vshrl.u32 v7, $0xB;
	v28 =	vor.u32 v0, v28;
	vm0 =	vne.s32 v19, v26  }
0x29f: {  	vm4 =	vne.s32 v17, v18;
	v30 =	vadd.s32 v7, v30;
	v28 =	vand.u32 $0xFFF, v28;
	v31 =	vld.idx.msk [tilespmem:v11+s12+$0x0], $0xffff  }
0x2a0: {  	vm3 =	vmand vm4, vm3;
	v27 =	vadd.s32 v23, v27;
	vm2 =	veq.s32 v17, v26;
	v21 =	vld.idx.msk [tilespmem:v21+s11+$0x0], $0xffff  }
0x2a1: {  	vm4 =	veq.s32 v18, v26;
	vm5 =	veq.s32 v19, v26;
	v19 =	vshll.u32 v24, $0x4;
	v20 =	vld.idx.msk [tilespmem:v20+s11+$0x0], $0xffff  }
0x2a2: {  	vm6 =	vne.s32 v17, v26;
	vm7 =	vne.s32 v18, v26;
	v17 =	vadd.s32 v25, v29  }
0x2a3: {  	vm1 =	vmand vm1, vm7;
	v18 =	vsel vm4, $0x1, v1;
	v25 =	vsel vm5, $0x1, v1  }
0x2a4: {  	v16 =	vshrl.u32 v16, $0x8;
	s20 =	sshra.s32 s20, $0x2;
	v29 =	vadd.s32 $0x1, v24;
	v19 =	vand.u32 $0x7FF0, v19;
	v26 =	vld.idx.msk [tilespmem:v28+s12+$0x0], $0xffff  }
0x2a5: {  	vm3 =	vmand vm3, vm6;
	v24 =	vshrl.u32 v24, $0xB;
	v22 =	vadd.s32 v31, v22  }
0x2a6: {  	v32 =	vshrl.u32 v17, $0xB;
	v31 =	vshll.u32 v17, $0x4;
	v21 =	vshrl.u32 v21, $0x1  }
0x2a7: {  	v31 =	vand.u32 $0x7FF0, v31;
	v20 =	vshrl.u32 v20, $0x1;
	v21 =	vand.u32 $0x7F800000, v21  }
0x2a8: {  	v19 =	vor.u32 v24, v19;
	v15 =	vor.u32 v21, v15;
	v21 =	vshrl.u32 v22, $0xB  }
0x2a9: {  	v24 =	vor.u32 v32, v31;
	v20 =	vand.u32 $0x7F800000, v20;
	v14 =	vor.u32 v14, v15;
	v15 =	vld.idx.msk [tilespmem:v27+s11+$0x0], $0xffff  }
0x2aa: {  	v12 =	vand.u32 $0xFF8000, v12;
	v17 =	vadd.s32 $0x1, v17;
	v27 =	vld.idx.msk [tilespmem:v30+s11+$0x0], $0xffff;
	v30 =	vsel vm2, $0x1, v1  }
0x2ab: {  	v9 =	vshrl.u32 v9, $0x8;
	v12 =	vor.u32 v20, v12;
	[tilespmem:v13+s12+$0x0] =	vst.idx.msk vm3, v29;
	v13 =	vadd.s32 v18, v30  }
0x2ac: {  	v9 =	vand.u32 $0xFF8000, v9;
	v18 =	vshll.u32 v22, $0x4;
	v13 =	vadd.s32 v25, v13  }
0x2ad: {  	v16 =	vand.u32 $0xFF8000, v16;
	v18 =	vand.u32 $0x7FF0, v18;
	v13 =	vadd.s32 v26, v13  }
0x2ae: {  	v8 =	vor.u32 v8, v12;
	v12 =	vor.u32 v21, v18;
	v18 =	vshll.u32 v13, $0x4  }
0x2af: {  	v15 =	vshrl.u32 v15, $0x1;
	[tilespmem:v19+s13+$0x0] =	vst.idx.msk $0xffff, v8;
	v8 =	vand.u32 $0x7FF0, v18;
	v18 =	vshrl.u32 v13, $0xB  }
0x2b0: {  	v15 =	vand.u32 $0x7F800000, v15;
	v19 =	vshrl.u32 v27, $0x1;
	[tilespmem:v10+s12+$0x0] =	vst.idx.msk vm1, v17;
	v8 =	vor.u32 v18, v8  }
0x2b1: {  	v10 =	vor.u32 v15, v16;
	v15 =	vand.u32 $0x7F800000, v19;
	[tilespmem:v24+s13+$0x0] =	vst.idx.msk $0xffff, v14;
	v14 =	vadd.s32 $0x1, v22  }
0x2b2: {  	v10 =	vor.u32 v23, v10;
	v9 =	vor.u32 v15, v9;
	[tilespmem:v11+s12+$0x0] =	vst.idx.msk vm0, v14  }
0x2b3: {  	v7 =	vor.u32 v7, v9;
	v9 =	vadd.s32 $0x1, v13;
	[tilespmem:v12+s13+$0x0] =	vst.idx.msk $0xffff, v10  }
0x2b4: {  	[tilespmem:v28+s12+$0x0] =	vst.idx.msk $0xffff, v9  }
0x2b5: {  	[tilespmem:v8+s13+$0x0] =	vst.idx.msk $0xffff, v7  }
0x2b6: {  	v7 =	vld [tilespmem:s20+$0x0]  }
0x2b7: {  	v9 =	vld [tilespmem:s20+$0x30]  }
0x2b8: {  	v10 =	vld [tilespmem:s20+$0x10]  }
0x2b9: {  	v16 =	vld [tilespmem:s20+$0x20];
	_ =	sdelay $0x1  }
0x2ba: {  	v11 =	vshrl.u32 v7, $0xF;
	v8 =	vand.u32 $0x7FFF, v7;
	v12 =	vshrl.u32 v7, $0x8  }
0x2bb: {  	v17 =	vand.u32 $0xFF, v11;
	v20 =	vshrl.u32 v8, $0xB;
	v7 =	vshll.u32 v11, $0x4  }
0x2bc: {  	v11 =	vshrl.u32 v10, $0xF;
	v13 =	vshrl.u32 v10, $0x8;
	v19 =	vor.u32 v0, v7  }
0x2bd: {  	v14 =	vand.u32 $0x7FFF, v10;
	v15 =	vand.u32 $0xFF8000, v13;
	v10 =	vshll.u32 v11, $0x4  }
0x2be: {  	v7 =	vand.u32 $0x7FFF, v9;
	v21 =	vshrl.u32 v16, $0xF;
	v10 =	vor.u32 v0, v10  }
.Ltmp9:
0x2bf: {  	v18 =	vand.u32 $0xFF, v11;
	v13 =	vand.u32 $0xFFF, v19;
	v10 =	vand.u32 $0xFFF, v10;
	(pc) =	sbr.rel @p0 .LBB2_21-.Ltmp9, $4  }
0x2c0: {  	v11 =	vshrl.u32 v14, $0xB;
	v19 =	vand.u32 $0xFF, v21;
	v22 =	vshll.u32 v21, $0x4  }
0x2c1: {  	v21 =	vadd.s32 v14, v11;
	vm0 =	veq.s32 v17, v18;
	v11 =	vor.u32 v0, v22  }
0x2c2: {  	v20 =	vadd.s32 v8, v20;
	vm3 =	veq.s32 v17, v19;
	v11 =	vand.u32 $0xFFF, v11  }
0x2c3: {  	vm2 =	veq.s32 v18, v19;
	vm1 =	vne.s32 v18, v19;
	v22 =	vsel vm3, $0x1, v1  }
0x2c4: {  	v23 =	vand.u32 $0x7FFF, v16  }
0x2c5: {  	v24 =	vsel vm0, $0x1, v1;
	v25 =	vsel vm2, $0x1, v1;
	v26 =	vshrl.u32 v9, $0xF  }
0x2c6: {  	vm13 =	vne.s32 v17, v19;
	v30 =	vshrl.u32 v7, $0xB;
	vm3 =	vne.s32 v17, v18  }
0x2c7: {  	v47 =	vshrl.u32 v16, $0x8;
	v12 =	vand.u32 $0xFF8000, v12;
	v56 =	vshrl.u32 v9, $0x8  }
0x2c8: {  	v27 =	vld.idx.msk [tilespmem:v13+s12+$0x0], $0xffff;
	v28 =	vshrl.u32 v23, $0xB;
	v22 =	vadd.s32 v25, v22;
	v41 =	vand.u32 $0xFF, v26  }
0x2c9: {  	v29 =	vld.idx.msk [tilespmem:v10+s12+$0x0], $0xffff;
	v26 =	vshll.u32 v26, $0x4;
	v30 =	vadd.s32 v7, v30;
	vm2 =	vmand vm3, vm13  }
0x2ca: {  	v31 =	vld.idx.msk [tilespmem:v11+s12+$0x0], $0xffff;
	v26 =	vor.u32 v0, v26;
	vm14 =	vne.s32 v19, v41;
	v28 =	vadd.s32 v23, v28  }
0x2cb: {  	v21 =	vld.idx.msk [tilespmem:v21+s11+$0x0], $0xffff;
	vm4 =	veq.s32 v17, v41;
	vm15 =	veq.s32 v18, v41;
	vm5 =	veq.s32 v19, v41  }
0x2cc: {  	v43 =	vld.idx.msk [tilespmem:v20+s11+$0x0], $0xffff;
	vm6 =	vne.s32 v18, v41;
	vm7 =	vne.s32 v17, v41;
	v26 =	vand.u32 $0xFFF, v26  }
0x2cd: {  	vm1 =	vmand vm1, vm6;
	v45 =	vsel vm15, $0x1, v1;
	v53 =	vsel vm4, $0x1, v1  }
0x2ce: {  	v46 =	vsel vm5, $0x1, v1;
	vm2 =	vmand vm2, vm7;
	v20 =	vadd.s32 v45, v53  }
0x2cf: {  	v42 =	vshll.u32 v27, $0x4;
	v44 =	vadd.s32 v24, v29;
	v48 =	vadd.s32 $0x1, v27  }
0x2d0: {  	v27 =	vshrl.u32 v27, $0xB;
	v22 =	vadd.s32 v31, v22;
	v21 =	vshrl.u32 v21, $0x1  }
0x2d1: {  	v18 =	vshrl.u32 v43, $0x1;
	v20 =	vadd.s32 v46, v20;
	v19 =	vand.u32 $0x7FF0, v42;
	v32 =	vld.idx.msk [tilespmem:v26+s12+$0x0], $0xffff  }
0x2d2: {  	v29 =	vshll.u32 v44, $0x4;
	v49 =	vshrl.u32 v44, $0xB;
	v21 =	vand.u32 $0x7F800000, v21  }
0x2d3: {  	v50 =	vshrl.u32 v22, $0xB;
	v18 =	vand.u32 $0x7F800000, v18;
	v19 =	vor.u32 v27, v19;
	v51 =	vld.idx.msk [tilespmem:v28+s11+$0x0], $0xffff  }
0x2d4: {  	v17 =	vadd.s32 $0x1, v44;
	v55 =	vshll.u32 v22, $0x4;
	v29 =	vand.u32 $0x7FF0, v29  }
0x2d5: {  	v54 =	vld.idx.msk [tilespmem:v30+s11+$0x0], $0xffff;
	v15 =	vor.u32 v21, v15;
	v12 =	vor.u32 v18, v12;
	v52 =	vor.u32 v49, v29  }
0x2d6: {  	v18 =	vand.u32 $0x7FF0, v55;
	v14 =	vor.u32 v14, v15;
	v20 =	vadd.s32 v32, v20  }
0x2d7: {  	v8 =	vor.u32 v8, v12;
	v57 =	vor.u32 v50, v18;
	[tilespmem:v13+s12+$0x0] =	vst.idx.msk vm2, v48;
	v58 =	vshll.u32 v20, $0x4  }
0x2d8: {  	v15 =	vshrl.u32 v51, $0x1;
	[tilespmem:v19+s13+$0x0] =	vst.idx.msk $0xffff, v8;
	v59 =	vshrl.u32 v20, $0xB;
	v8 =	vand.u32 $0x7FF0, v58  }
0x2d9: {  	v16 =	vand.u32 $0xFF8000, v47;
	v15 =	vand.u32 $0x7F800000, v15;
	[tilespmem:v10+s12+$0x0] =	vst.idx.msk vm1, v17;
	v8 =	vor.u32 v59, v8  }
0x2da: {  	v62 =	vadd.s32 $0x1, v22;
	v60 =	vshrl.u32 v54, $0x1;
	v61 =	vor.u32 v15, v16;
	[tilespmem:v52+s13+$0x0] =	vst.idx.msk $0xffff, v14  }
0x2db: {  	v9 =	vand.u32 $0xFF8000, v56;
	v10 =	vand.u32 $0x7F800000, v60;
	v13 =	vor.u32 v23, v61;
	[tilespmem:v11+s12+$0x0] =	vst.idx.msk vm14, v62  }
0x2dc: {  	v9 =	vor.u32 v10, v9;
	v63 =	vadd.s32 $0x1, v20;
	[tilespmem:v57+s13+$0x0] =	vst.idx.msk $0xffff, v13  }
0x2dd: {  	v7 =	vor.u32 v7, v9;
	[tilespmem:v26+s12+$0x0] =	vst.idx.msk $0xffff, v63  }
0x2de: {  	s19 =	simm.s32 $0x0;
	[tilespmem:v8+s13+$0x0] =	vst.idx.msk $0xffff, v7  }
.LBB2_23:
0x2df: {  	p0 =	sne.s32 s19, $0x3FC0  }
.Ltmp10:
0x2e0: {  	_ = 	snop;
	(pc) =	sbr.rel @p0 .LBB2_23-.Ltmp10, $3  }
0x2e1: {  	_ =	sdelay $0x1  }
0x2e2: {  	s20 =	sshra.s32 s19, $0x2  }
0x2e3: {  	s19 =	sadd.s32 $0x40, s19;
	[tilespmem:s20+$0x18080] =	vst v1  }
0x2e4: {  	s19 =	simm.s32 $0xFFFFFFF0;
	s20 =	simm.s32 $0x8080  }
.LBB2_25:
0x2e5: {  	v7 =	vld [tilespmem:s20+$0xFFFFFF80];
	_ =	sdelay $0x4  }
0x2e6: {  	v7 =	vshrl.u32 v7, $0xB  }
0x2e7: {  	v7 =	vand.u32 $0xFF0, v7  }
0x2e8: {  	v7 =	vor.u32 v0, v7;
	_ =	sdelay $0x4  }
0x2e9: {  	[tilespmem:v7+s12+$0x0] =	vst.idx.add.s32.msk $0xffff, v3  }
0x2ea: {  	v7 =	vld [tilespmem:s20+$0xFFFFFF90];
	_ =	sdelay $0x4  }
0x2eb: {  	v7 =	vshrl.u32 v7, $0xB  }
0x2ec: {  	v7 =	vand.u32 $0xFF0, v7  }
0x2ed: {  	v7 =	vor.u32 v0, v7;
	_ =	sdelay $0x4  }
0x2ee: {  	[tilespmem:v7+s12+$0x0] =	vst.idx.add.s32.msk $0xffff, v3  }
0x2ef: {  	v7 =	vld [tilespmem:s20+$0xFFFFFFA0];
	_ =	sdelay $0x4  }
0x2f0: {  	v7 =	vshrl.u32 v7, $0xB  }
0x2f1: {  	v7 =	vand.u32 $0xFF0, v7  }
0x2f2: {  	v7 =	vor.u32 v0, v7;
	_ =	sdelay $0x4  }
0x2f3: {  	[tilespmem:v7+s12+$0x0] =	vst.idx.add.s32.msk $0xffff, v3  }
0x2f4: {  	v7 =	vld [tilespmem:s20+$0xFFFFFFB0];
	_ =	sdelay $0x4  }
0x2f5: {  	v7 =	vshrl.u32 v7, $0xB  }
0x2f6: {  	v7 =	vand.u32 $0xFF0, v7  }
0x2f7: {  	v7 =	vor.u32 v0, v7;
	_ =	sdelay $0x4  }
0x2f8: {  	[tilespmem:v7+s12+$0x0] =	vst.idx.add.s32.msk $0xffff, v3  }
0x2f9: {  	v7 =	vld [tilespmem:s20+$0xFFFFFFC0];
	_ =	sdelay $0x4  }
0x2fa: {  	v7 =	vshrl.u32 v7, $0xB  }
0x2fb: {  	v7 =	vand.u32 $0xFF0, v7  }
0x2fc: {  	v7 =	vor.u32 v0, v7;
	_ =	sdelay $0x4  }
0x2fd: {  	[tilespmem:v7+s12+$0x0] =	vst.idx.add.s32.msk $0xffff, v3  }
0x2fe: {  	v7 =	vld [tilespmem:s20+$0xFFFFFFD0];
	_ =	sdelay $0x4  }
0x2ff: {  	v7 =	vshrl.u32 v7, $0xB  }
0x300: {  	v7 =	vand.u32 $0xFF0, v7  }
0x301: {  	v7 =	vor.u32 v0, v7;
	_ =	sdelay $0x4  }
0x302: {  	[tilespmem:v7+s12+$0x0] =	vst.idx.add.s32.msk $0xffff, v3  }
0x303: {  	v7 =	vld [tilespmem:s20+$0xFFFFFFE0];
	_ =	sdelay $0x4  }
0x304: {  	v7 =	vshrl.u32 v7, $0xB  }
0x305: {  	v7 =	vand.u32 $0xFF0, v7  }
0x306: {  	v7 =	vor.u32 v0, v7;
	_ =	sdelay $0x4  }
0x307: {  	[tilespmem:v7+s12+$0x0] =	vst.idx.add.s32.msk $0xffff, v3  }
0x308: {  	v7 =	vld [tilespmem:s20+$0xFFFFFFF0];
	_ =	sdelay $0x4  }
0x309: {  	v7 =	vshrl.u32 v7, $0xB  }
0x30a: {  	v7 =	vand.u32 $0xFF0, v7  }
0x30b: {  	v7 =	vor.u32 v0, v7;
	_ =	sdelay $0x4  }
0x30c: {  	[tilespmem:v7+s12+$0x0] =	vst.idx.add.s32.msk $0xffff, v3  }
0x30d: {  	v7 =	vld [tilespmem:s20+$0x0];
	_ =	sdelay $0x4  }
0x30e: {  	v7 =	vshrl.u32 v7, $0xB  }
0x30f: {  	v7 =	vand.u32 $0xFF0, v7  }
0x310: {  	v7 =	vor.u32 v0, v7;
	_ =	sdelay $0x4  }
0x311: {  	[tilespmem:v7+s12+$0x0] =	vst.idx.add.s32.msk $0xffff, v3  }
0x312: {  	v7 =	vld [tilespmem:s20+$0x10];
	_ =	sdelay $0x4  }
0x313: {  	v7 =	vshrl.u32 v7, $0xB  }
0x314: {  	v7 =	vand.u32 $0xFF0, v7  }
0x315: {  	v7 =	vor.u32 v0, v7;
	_ =	sdelay $0x4  }
0x316: {  	[tilespmem:v7+s12+$0x0] =	vst.idx.add.s32.msk $0xffff, v3  }
0x317: {  	v7 =	vld [tilespmem:s20+$0x20];
	_ =	sdelay $0x4  }
0x318: {  	v7 =	vshrl.u32 v7, $0xB  }
0x319: {  	v7 =	vand.u32 $0xFF0, v7  }
0x31a: {  	v7 =	vor.u32 v0, v7;
	_ =	sdelay $0x4  }
0x31b: {  	[tilespmem:v7+s12+$0x0] =	vst.idx.add.s32.msk $0xffff, v3  }
0x31c: {  	v7 =	vld [tilespmem:s20+$0x30];
	_ =	sdelay $0x4  }
0x31d: {  	v7 =	vshrl.u32 v7, $0xB  }
0x31e: {  	v7 =	vand.u32 $0xFF0, v7  }
0x31f: {  	v7 =	vor.u32 v0, v7;
	_ =	sdelay $0x4  }
0x320: {  	[tilespmem:v7+s12+$0x0] =	vst.idx.add.s32.msk $0xffff, v3  }
0x321: {  	v7 =	vld [tilespmem:s20+$0x40];
	_ =	sdelay $0x4  }
0x322: {  	v7 =	vshrl.u32 v7, $0xB  }
0x323: {  	v7 =	vand.u32 $0xFF0, v7  }
0x324: {  	v7 =	vor.u32 v0, v7;
	_ =	sdelay $0x4  }
0x325: {  	[tilespmem:v7+s12+$0x0] =	vst.idx.add.s32.msk $0xffff, v3  }
0x326: {  	v7 =	vld [tilespmem:s20+$0x50];
	_ =	sdelay $0x4  }
0x327: {  	v7 =	vshrl.u32 v7, $0xB  }
0x328: {  	v7 =	vand.u32 $0xFF0, v7  }
0x329: {  	v7 =	vor.u32 v0, v7;
	_ =	sdelay $0x4  }
0x32a: {  	[tilespmem:v7+s12+$0x0] =	vst.idx.add.s32.msk $0xffff, v3  }
0x32b: {  	v7 =	vld [tilespmem:s20+$0x60];
	_ =	sdelay $0x4  }
0x32c: {  	v7 =	vshrl.u32 v7, $0xB  }
0x32d: {  	v7 =	vand.u32 $0xFF0, v7  }
0x32e: {  	v7 =	vor.u32 v0, v7;
	_ =	sdelay $0x4  }
0x32f: {  	[tilespmem:v7+s12+$0x0] =	vst.idx.add.s32.msk $0xffff, v3  }
0x330: {  	v7 =	vld [tilespmem:s20+$0x70];
	_ =	sdelay $0x4  }
0x331: {  	v7 =	vshrl.u32 v7, $0xB  }
0x332: {  	s19 =	sadd.s32 $0x10, s19;
	v7 =	vand.u32 $0xFF0, v7  }
0x333: {  	p0 =	slt.u32 s19, $0x7F0;
	v7 =	vor.u32 v0, v7  }
.Ltmp11:
0x334: {  	_ = 	snop;
	(pc) =	sbr.rel @p0 .LBB2_25-.Ltmp11, $2  }
0x335: {  	_ =	sdelay $0x2  }
0x336: {  	s21 =	simm.s32 $0x0;
	s20 =	sadd.s32 $0x100, s20;
	[tilespmem:v7+s12+$0x0] =	vst.idx.add.s32.msk $0xffff, v3  }
0x337: {  	s20 =	simm.s32 $0x0  }
0x338: {  	v7 =	vld [tilespmem:s20+$0x18080];
	_ =	sdelay $0x4  }
0x339: {  	(xrf0) =	vadd.scan.msk.s32 $0xffff, v7;
	_ =	sdelay $0x1  }
0x33a: {  	v8 =	vld [tilespmem:s20+$0x18090];
	_ =	sdelay $0x3  }
0x33b: {  	v9, _, _ =	vpop (xrf0)  }
0x33c: {  	(xrf0) =	vadd.scan.msk.s32 $0xffff, v8;
	v10 =	vxor.u32 $0x80000000, v9  }
0x33d: {  	(xrf0) =	vmax.scan.msk.u32 $0xffff, v10;
	v10 =	vld [tilespmem:s20+$0x180A0];
	_ =	sdelay $0x4  }
0x33e: {  	(xrf0) =	vadd.scan.msk.s32 $0xffff, v10;
	_ =	sdelay $0x1  }
0x33f: {  	v11 =	vld [tilespmem:s20+$0x180B0];
	v12, _, _ =	vpop (xrf0)  }
0x340: {  	v13 =	vxor.u32 $0x80000000, v12;
	v14, _, _ =	vpop (xrf0)  }
0x341: {  	(xrf0) =	vmax.scan.msk.u32 $0xffff, v13;
	(v2sf) =	vpush v14, $0xF;
	_ =	sdelay $0x1  }
0x342: {  	v57, _, _ =	vpop (xrf0)  }
0x343: {  	(xrf0) =	vadd.scan.msk.s32 $0xffff, v11;
	v58 =	vxor.u32 $0x80000000, v57  }
0x344: {  	(xrf0) =	vmax.scan.msk.u32 $0xffff, v58;
	_ =	sdelay $0x1  }
0x345: {  	v15, _, _ =	vpop (xrf0)  }
0x346: {  	(v2sf) =	vpush v15, $0xF;
	_ =	sdelay $0x1  }
0x347: {  	v7 =	vsub.s32 s21, v7;
	v59, _, _ =	vpop (xrf0)  }
0x348: {  	v7 =	vadd.s32 v9, v7;
	v60 =	vxor.u32 $0x80000000, v59;
	v9, _, _ =	vpop (xrf0)  }
0x349: {  	(xrf0) =	vmax.scan.msk.u32 $0xffff, v60;
	(v2sf) =	vpush v9, $0xF  }
0x34a: {  	s21 =	simm.s32 $0x40;
	[tilespmem:s20+$0x18080] =	vst v7  }
0x34b: {  	v7 =	vld [tilespmem:s21+$0x18080];
	_ =	sdelay $0x1  }
0x34c: {  	s19 =	spop (v2sf)  }
0x34d: {  	s19 =	sadd.s32 $0x0, s19  }
0x34e: {  	v8 =	vsub.s32 v12, v8;
	v9, _, _ =	vpop (xrf0);
	s19 =	sadd.s32 $0x80000000, s19  }
0x34f: {  	(xrf0) =	vadd.scan.msk.s32 $0xffff, v7;
	(v2sf) =	vpush v9, $0xF;
	v8 =	vadd.s32 s19, v8  }
0x350: {  	[tilespmem:s20+$0x18090] =	vst v8  }
0x351: {  	v9 =	vld [tilespmem:s21+$0x18090];
	_ =	sdelay $0x1  }
0x352: {  	s22 =	spop (v2sf)  }
0x353: {  	s19 =	sadd.s32 s22, s19  }
0x354: {  	v10 =	vsub.s32 v57, v10;
	v8, _, _ =	vpop (xrf0);
	s19 =	sadd.s32 $0x80000000, s19  }
0x355: {  	v61 =	vxor.u32 $0x80000000, v8;
	v10 =	vadd.s32 s19, v10;
	(xrf0) =	vadd.scan.msk.s32 $0xffff, v9  }
0x356: {  	[tilespmem:s20+$0x180A0] =	vst v10;
	(xrf0) =	vmax.scan.msk.u32 $0xffff, v61;
	s31 =	spop (v2sf)  }
0x357: {  	v10 =	vld [tilespmem:s21+$0x180A0];
	s19 =	sadd.s32 s31, s19  }
0x358: {  	v11 =	vsub.s32 v59, v11;
	s23 =	sadd.s32 $0x80000000, s19  }
0x359: {  	v11 =	vadd.s32 s23, v11;
	_ =	sdelay $0x1  }
0x35a: {  	v62, _, _ =	vpop (xrf0)  }
0x35b: {  	(xrf0) =	vadd.scan.msk.s32 $0xffff, v10;
	v63 =	vxor.u32 $0x80000000, v62;
	[tilespmem:s20+$0x180B0] =	vst v11;
	v11, _, _ =	vpop (xrf0)  }
0x35c: {  	s24 =	spop (v2sf);
	(xrf0) =	vmax.scan.msk.u32 $0xffff, v63;
	(v2sf) =	vpush v11, $0xF  }
0x35d: {  	v11 =	vld [tilespmem:s21+$0x180B0];
	_ =	sdelay $0x1  }
0x35e: {  	s22 =	simm.s32 $0x200;
	s19 =	simm.s32 $0x100;
	s23 =	sadd.s32 s24, s23;
	v9 =	vsub.s32 v62, v9  }
.LBB2_27:
0x35f: {  	p0 =	sne.s32 s22, $0x3F00  }
0x360: {  	v12, _, _ =	vpop (xrf0);
	s23 =	sadd.s32 $0x80000000, s23;
	s24 =	smov.u32 s22;
	s22 =	sadd.s32 $0x100, s22  }
0x361: {  	v13 =	vxor.u32 $0x80000000, v12;
	v7 =	vsub.s32 s23, v7;
	v10 =	vsub.s32 v12, v10;
	(xrf0) =	vadd.scan.msk.s32 $0xffff, v11;
	v12, _, _ =	vpop (xrf0)  }
0x362: {  	v7 =	vadd.s32 v8, v7;
	(v2sf) =	vpush v12, $0xF;
	(xrf0) =	vmax.scan.msk.u32 $0xffff, v13  }
0x363: {  	[tilespmem:s21+$0x18080] =	vst v7;
	_ =	sdelay $0x3  }
0x364: {  	s24 =	sshra.s32 s24, $0x2;
	v8, _, _ =	vpop (xrf0)  }
0x365: {  	v7 =	vld [tilespmem:s24+$0x18080];
	v12 =	vxor.u32 $0x80000000, v8;
	v11 =	vsub.s32 v8, v11;
	v8, _, _ =	vpop (xrf0)  }
0x366: {  	(v2sf) =	vpush v8, $0xF;
	(xrf0) =	vmax.scan.msk.u32 $0xffff, v12  }
0x367: {  	s25 =	spop (v2sf)  }
0x368: {  	s23 =	sadd.s32 s25, s23  }
0x369: {  	s23 =	sadd.s32 $0x80000000, s23  }
0x36a: {  	(xrf0) =	vadd.scan.msk.s32 $0xffff, v7;
	v12 =	vadd.s32 s23, v9  }
0x36b: {  	[tilespmem:s21+$0x18090] =	vst v12  }
0x36c: {  	v9 =	vld [tilespmem:s24+$0x18090];
	v8, _, _ =	vpop (xrf0)  }
0x36d: {  	(v2sf) =	vpush v8, $0xF  }
0x36e: {  	s25 =	spop (v2sf)  }
0x36f: {  	s23 =	sadd.s32 s25, s23  }
0x370: {  	v8, _, _ =	vpop (xrf0);
	s23 =	sadd.s32 $0x80000000, s23  }
0x371: {  	v12 =	vxor.u32 $0x80000000, v8;
	(xrf0) =	vadd.scan.msk.s32 $0xffff, v9;
	v10 =	vadd.s32 s23, v10  }
0x372: {  	(xrf0) =	vmax.scan.msk.u32 $0xffff, v12;
	[tilespmem:s21+$0x180A0] =	vst v10  }
0x373: {  	v10 =	vld [tilespmem:s24+$0x180A0];
	_ =	sdelay $0x1  }
0x374: {  	s25 =	spop (v2sf)  }
0x375: {  	s23 =	sadd.s32 s25, s23  }
0x376: {  	v12, _, _ =	vpop (xrf0);
	s23 =	sadd.s32 $0x80000000, s23  }
0x377: {  	v13 =	vxor.u32 $0x80000000, v12;
	v9 =	vsub.s32 v12, v9;
	(xrf0) =	vadd.scan.msk.s32 $0xffff, v10;
	v12, _, _ =	vpop (xrf0);
	v11 =	vadd.s32 s23, v11  }
.Ltmp12:
0x378: {  	(v2sf) =	vpush v12, $0xF;
	(xrf0) =	vmax.scan.msk.u32 $0xffff, v13;
	[tilespmem:s21+$0x180B0] =	vst v11;
	s21 =	smov.u32 s24;
	(pc) =	sbr.rel @p0 .LBB2_27-.Ltmp12, $3  }
0x379: {  	v11 =	vld [tilespmem:s21+$0x180B0];
	_ =	sdelay $0x1  }
0x37a: {  	s24 =	spop (v2sf)  }
0x37b: {  	s23 =	sadd.s32 s24, s23  }
0x37c: {  	v12, _, _ =	vpop (xrf0)  }
0x37d: {  	v13 =	vxor.u32 $0x80000000, v12;
	(xrf0) =	vadd.scan.msk.s32 $0xffff, v11  }
0x37e: {  	(xrf0) =	vmax.scan.msk.u32 $0xffff, v13;
	_ =	sdelay $0x3  }
0x37f: {  	v13, _, _ =	vpop (xrf0)  }
0x380: {  	(v2sf) =	vpush v13, $0xF;
	v13, _, _ =	vpop (xrf0)  }
0x381: {  	v14, _, _ =	vpop (xrf0)  }
0x382: {  	(v2sf) =	vpush v14, $0xF;
	_ =	sdelay $0x5  }
0x383: {  	v14 =	vxor.u32 $0x80000000, v13  }
0x384: {  	(xrf0) =	vmax.scan.msk.u32 $0xffff, v14;
	_ =	sdelay $0x3  }
0x385: {  	s22 =	sadd.s32 $0x80000000, s23;
	s25 =	spop (v2sf)  }
0x386: {  	s23 =	sadd.s32 s25, s22  }
0x387: {  	s23 =	sadd.s32 $0x80000000, s23;
	v14, _, _ =	vpop (xrf0);
	s24 =	spop (v2sf)  }
0x388: {  	v7 =	vsub.s32 s22, v7;
	(v2sf) =	vpush v14, $0xF;
	s26 =	sadd.s32 s24, s23  }
0x389: {  	v7 =	vadd.s32 v8, v7;
	s22 =	sadd.s32 $0x80000000, s26;
	s28 =	spop (v2sf)  }
0x38a: {  	[tilespmem:s21+$0x18080] =	vst v7;
	v8 =	vadd.s32 s23, v9;
	v9 =	vsub.s32 v12, v10;
	s29 =	sadd.s32 s28, s22  }
0x38b: {  	v7 =	vsub.s32 v13, v11;
	[tilespmem:s21+$0x18090] =	vst v8;
	v8 =	vadd.s32 s22, v9;
	s30 =	sadd.s32 $0x80000000, s29  }
0x38c: {  	[tilespmem:s21+$0x180A0] =	vst v8;
	v7 =	vadd.s32 s30, v7  }
0x38d: {  	[tilespmem:s21+$0x180B0] =	vst v7  }
0x38e: {  	v10 =	vld [tilespmem:s20+$0x8000]  }
0x38f: {  	v9 =	vld [tilespmem:s20+$0x8010]  }
0x390: {  	v8 =	vld [tilespmem:s20+$0x8020]  }
0x391: {  	v7 =	vld [tilespmem:s20+$0x8030];
	_ =	sdelay $0x2  }
0x392: {  	v14 =	vshrl.u32 v10, $0xF;
	v13 =	vshrl.u32 v10, $0x8  }
0x393: {  	v10 =	vand.u32 $0x7FFF, v10;
	v17 =	vshrl.u32 v9, $0xF;
	v11 =	vshll.u32 v14, $0x4  }
0x394: {  	v18 =	vshrl.u32 v8, $0xF;
	v15 =	vshrl.u32 v7, $0xF;
	v11 =	vor.u32 v0, v11  }
0x395: {  	s31 =	spop (v2sf);
	v16 =	vshll.u32 v17, $0x4;
	v12 =	vand.u32 $0xFF, v18;
	v11 =	vand.u32 $0xFFF, v11  }
.LBB2_29:
0x396: {  	p0 =	sne.s32 s19, $0x1FF00;
	v17 =	vand.u32 $0xFF, v17;
	v19 =	vand.u32 $0xFF, v15;
	v18 =	vshll.u32 v18, $0x4;
	s20 =	smov.u32 s19;
	s19 =	sadd.s32 $0x100, s19  }
0x397: {  	v14 =	vand.u32 $0xFF, v14;
	v16 =	vor.u32 v0, v16;
	v18 =	vor.u32 v0, v18  }
0x398: {  	v15 =	vshll.u32 v15, $0x4;
	s21 =	sshra.s32 s20, $0x2;
	v16 =	vand.u32 $0xFFF, v16;
	v18 =	vand.u32 $0xFFF, v18  }
0x399: {  	v15 =	vor.u32 v0, v15;
	vm0 =	vne.s32 v14, v12;
	vm2 =	vne.s32 v17, v12  }
0x39a: {  	vm1 =	vne.s32 v14, v17;
	vm3 =	vne.s32 v14, v19;
	v15 =	vand.u32 $0xFFF, v15  }
0x39b: {  	vm4 =	veq.s32 v14, v17;
	vm5 =	veq.s32 v14, v19;
	vm0 =	vmand vm1, vm0  }
0x39c: {  	vm6 =	veq.s32 v17, v19;
	v21 =	vsel vm5, $0x1, v1;
	vm1 =	vmand vm0, vm3;
	v20 =	vld.idx.msk [tilespmem:v11+s12+$0x0], $0xffff  }
0x39d: {  	v13 =	vand.u32 $0xFF8000, v13;
	vm3 =	veq.s32 v14, v12;
	v14 =	vsel vm6, $0x1, v1;
	v22 =	vld.idx.msk [tilespmem:v16+s12+$0x0], $0xffff  }
0x39e: {  	vm0 =	vne.s32 v12, v19;
	v24 =	vsel vm3, $0x1, v1;
	v14 =	vadd.s32 v14, v21;
	v23 =	vld.idx.msk [tilespmem:v18+s12+$0x0], $0xffff  }
0x39f: {  	vm5 =	veq.s32 v12, v19;
	vm3 =	veq.s32 v17, v12;
	v12 =	vsel vm4, $0x1, v1  }
0x3a0: {  	v21 =	vshrl.u32 v9, $0x8;
	vm4 =	vne.s32 v17, v19;
	v17 =	vsel vm5, $0x1, v1  }
0x3a1: {  	v19 =	vand.u32 $0xFF8000, v21;
	v25 =	vsel vm3, $0x1, v1;
	v14 =	vadd.s32 v17, v14;
	v21 =	vld.idx.msk [tilespmem:v15+s12+$0x0], $0xffff  }
0x3a2: {  	vm2 =	vmand vm2, vm4;
	v17 =	vshll.u32 v20, $0x4;
	v26 =	vshrl.u32 v20, $0xB  }
0x3a3: {  	v17 =	vand.u32 $0x7FF0, v17;
	v12 =	vadd.s32 v12, v22;
	v22 =	vadd.s32 v25, v24  }
0x3a4: {  	v17 =	vor.u32 v26, v17;
	v24 =	vshll.u32 v12, $0x4;
	v22 =	vadd.s32 v23, v22  }
0x3a5: {  	v23 =	vand.u32 $0x7FF0, v24;
	v24 =	vshrl.u32 v12, $0xB;
	v25 =	vshll.u32 v22, $0x4  }
0x3a6: {  	v10 =	vor.u32 v10, v13;
	v13 =	vor.u32 v24, v23;
	v23 =	vand.u32 $0x7FF0, v25  }
0x3a7: {  	v20 =	vadd.s32 $0x1, v20;
	v24 =	vshrl.u32 v22, $0xB;
	v14 =	vadd.s32 v21, v14  }
0x3a8: {  	s20 =	simm.s32 $0x0;
	v9 =	vand.u32 $0x7FFF, v9;
	[tilespmem:v11+s12+$0x0] =	vst.idx.msk vm1, v20;
	v11 =	vor.u32 v24, v23;
	v20 =	vshll.u32 v14, $0x4  }
0x3a9: {  	[tilespmem:v17+s20+$0x0] =	vst.idx.msk $0xffff, v10;
	v10 =	vadd.s32 $0x1, v12;
	v12 =	vand.u32 $0x7FF0, v20;
	v17 =	vshrl.u32 v14, $0xB  }
0x3aa: {  	v9 =	vor.u32 v9, v19;
	v19 =	vshrl.u32 v8, $0x8;
	[tilespmem:v16+s12+$0x0] =	vst.idx.msk vm2, v10;
	v10 =	vor.u32 v17, v12  }
0x3ab: {  	v8 =	vand.u32 $0x7FFF, v8;
	v12 =	vand.u32 $0xFF8000, v19;
	[tilespmem:v13+s20+$0x0] =	vst.idx.msk $0xffff, v9;
	v9 =	vadd.s32 $0x1, v22  }
0x3ac: {  	v8 =	vor.u32 v8, v12;
	v12 =	vshrl.u32 v7, $0x8;
	[tilespmem:v18+s12+$0x0] =	vst.idx.msk vm0, v9  }
0x3ad: {  	v7 =	vand.u32 $0x7FFF, v7;
	v9 =	vand.u32 $0xFF8000, v12;
	[tilespmem:v11+s20+$0x0] =	vst.idx.msk $0xffff, v8;
	v8 =	vadd.s32 $0x1, v14  }
0x3ae: {  	v7 =	vor.u32 v7, v9;
	[tilespmem:v15+s12+$0x0] =	vst.idx.msk $0xffff, v8  }
0x3af: {  	[tilespmem:v10+s20+$0x0] =	vst.idx.msk $0xffff, v7  }
0x3b0: {  	v10 =	vld [tilespmem:s21+$0x8000]  }
0x3b1: {  	v9 =	vld [tilespmem:s21+$0x8010]  }
0x3b2: {  	v8 =	vld [tilespmem:s21+$0x8020]  }
0x3b3: {  	v7 =	vld [tilespmem:s21+$0x8030]  }
.Ltmp13:
0x3b4: {  	(pc) =	sbr.rel @p0 .LBB2_29-.Ltmp13, $4  }
0x3b5: {  	v14 =	vshrl.u32 v10, $0xF;
	v13 =	vshrl.u32 v10, $0x8  }
0x3b6: {  	v10 =	vand.u32 $0x7FFF, v10;
	v17 =	vshrl.u32 v9, $0xF;
	v11 =	vshll.u32 v14, $0x4  }
0x3b7: {  	v18 =	vshrl.u32 v8, $0xF;
	v11 =	vor.u32 v0, v11;
	v16 =	vshll.u32 v17, $0x4  }
0x3b8: {  	v12 =	vand.u32 $0xFF, v18;
	v15 =	vshrl.u32 v7, $0xF;
	v11 =	vand.u32 $0xFFF, v11  }
0x3b9: {  	v17 =	vand.u32 $0xFF, v17;
	v19 =	vand.u32 $0xFF, v15;
	v18 =	vshll.u32 v18, $0x4  }
0x3ba: {  	v14 =	vand.u32 $0xFF, v14;
	v16 =	vor.u32 v0, v16;
	v36 =	vshll.u32 v15, $0x4  }
0x3bb: {  	v13 =	vand.u32 $0xFF8000, v13;
	v24 =	vshrl.u32 v9, $0x8;
	v53 =	vand.u32 $0x7FFF, v9  }
0x3bc: {  	v18 =	vor.u32 v0, v18;
	v16 =	vand.u32 $0xFFF, v16;
	v15 =	vor.u32 v0, v36  }
0x3bd: {  	vm0 =	vne.s32 v14, v12;
	vm2 =	vne.s32 v17, v12;
	vm1 =	vne.s32 v14, v17  }
0x3be: {  	vm3 =	vne.s32 v14, v19;
	vm4 =	veq.s32 v14, v17;
	v18 =	vand.u32 $0xFFF, v18  }
0x3bf: {  	vm5 =	veq.s32 v14, v19;
	vm6 =	veq.s32 v17, v19;
	vm11 =	veq.s32 v14, v12  }
0x3c0: {  	v21 =	vld.idx.msk [tilespmem:v11+s12+$0x0], $0xffff;
	vm12 =	vne.s32 v12, v19;
	vm13 =	veq.s32 v17, v12;
	v15 =	vand.u32 $0xFFF, v15  }
0x3c1: {  	vm14 =	veq.s32 v12, v19;
	vm15 =	vne.s32 v17, v19;
	v41 =	vand.u32 $0xFF8000, v24;
	v22 =	vld.idx.msk [tilespmem:v16+s12+$0x0], $0xffff  }
0x3c2: {  	vm0 =	vmand vm1, vm0;
	v20 =	vsel vm5, $0x1, v1;
	v37 =	vsel vm6, $0x1, v1  }
0x3c3: {  	v23 =	vsel vm11, $0x1, v1;
	v39 =	vsel vm4, $0x1, v1;
	v40 =	vsel vm14, $0x1, v1;
	v38 =	vld.idx.msk [tilespmem:v18+s12+$0x0], $0xffff  }
0x3c4: {  	v42 =	vsel vm13, $0x1, v1;
	vm2 =	vmand vm2, vm15;
	vm1 =	vmand vm0, vm3  }
0x3c5: {  	v14 =	vadd.s32 v37, v20;
	v44 =	vadd.s32 v42, v23;
	v25 =	vshll.u32 v21, $0x4;
	v43 =	vld.idx.msk [tilespmem:v15+s12+$0x0], $0xffff  }
0x3c6: {  	v26 =	vshrl.u32 v21, $0xB;
	v25 =	vand.u32 $0x7FF0, v25;
	v12 =	vadd.s32 v39, v22  }
0x3c7: {  	v14 =	vadd.s32 v40, v14;
	v45 =	vor.u32 v26, v25;
	v46 =	vshll.u32 v12, $0x4  }
0x3c8: {  	v20 =	vadd.s32 v38, v44;
	v48 =	vshrl.u32 v12, $0xB;
	v47 =	vand.u32 $0x7FF0, v46  }
0x3c9: {  	v21 =	vadd.s32 $0x1, v21;
	v49 =	vshll.u32 v20, $0x4;
	v50 =	vor.u32 v48, v47  }
0x3ca: {  	v14 =	vadd.s32 v43, v14;
	v52 =	vshrl.u32 v20, $0xB;
	v51 =	vand.u32 $0x7FF0, v49  }
0x3cb: {  	v10 =	vor.u32 v10, v13;
	[tilespmem:v11+s12+$0x0] =	vst.idx.msk vm1, v21;
	v17 =	vshll.u32 v14, $0x4;
	v54 =	vor.u32 v52, v51  }
0x3cc: {  	[tilespmem:v45+s20+$0x0] =	vst.idx.msk $0xffff, v10;
	v55 =	vadd.s32 $0x1, v12;
	v57 =	vshrl.u32 v14, $0xB;
	v56 =	vand.u32 $0x7FF0, v17  }
0x3cd: {  	v58 =	vshrl.u32 v8, $0x8;
	v9 =	vor.u32 v53, v41;
	[tilespmem:v16+s12+$0x0] =	vst.idx.msk vm2, v55;
	v59 =	vor.u32 v57, v56  }
0x3ce: {  	v8 =	vand.u32 $0x7FFF, v8;
	v60 =	vand.u32 $0xFF8000, v58;
	v61 =	vadd.s32 $0x1, v20;
	[tilespmem:v50+s20+$0x0] =	vst.idx.msk $0xffff, v9  }
0x3cf: {  	v62 =	vshrl.u32 v7, $0x8;
	v8 =	vor.u32 v8, v60;
	[tilespmem:v18+s12+$0x0] =	vst.idx.msk vm12, v61  }
0x3d0: {  	v7 =	vand.u32 $0x7FFF, v7;
	v63 =	vand.u32 $0xFF8000, v62;
	[tilespmem:v54+s20+$0x0] =	vst.idx.msk $0xffff, v8;
	v8 =	vadd.s32 $0x1, v14  }
0x3d1: {  	v7 =	vor.u32 v7, v63;
	[tilespmem:v15+s12+$0x0] =	vst.idx.msk $0xffff, v8  }
0x3d2: {  	[tilespmem:v59+s20+$0x0] =	vst.idx.msk $0xffff, v7  }
.LBB2_31:
0x3d3: {  	p0 =	sne.s32 s20, $0x3FC0  }
.Ltmp14:
0x3d4: {  	_ = 	snop;
	(pc) =	sbr.rel @p0 .LBB2_31-.Ltmp14, $3  }
0x3d5: {  	_ =	sdelay $0x1  }
0x3d6: {  	s19 =	sshra.s32 s20, $0x2  }
0x3d7: {  	s20 =	sadd.s32 $0x40, s20;
	[tilespmem:s19+$0x18080] =	vst v1  }
0x3d8: {  	s19 =	simm.s32 $0xFFFFFFF0;
	s20 =	simm.s32 $0x80  }
.LBB2_33:
0x3d9: {  	v7 =	vld [tilespmem:s20+$0xFFFFFF80];
	_ =	sdelay $0x4  }
0x3da: {  	v7 =	vshrl.u32 v7, $0xB  }
0x3db: {  	v7 =	vand.u32 $0xFF0, v7  }
0x3dc: {  	v7 =	vor.u32 v0, v7;
	_ =	sdelay $0x4  }
0x3dd: {  	[tilespmem:v7+s12+$0x0] =	vst.idx.add.s32.msk $0xffff, v3  }
0x3de: {  	v7 =	vld [tilespmem:s20+$0xFFFFFF90];
	_ =	sdelay $0x4  }
0x3df: {  	v7 =	vshrl.u32 v7, $0xB  }
0x3e0: {  	v7 =	vand.u32 $0xFF0, v7  }
0x3e1: {  	v7 =	vor.u32 v0, v7;
	_ =	sdelay $0x4  }
0x3e2: {  	[tilespmem:v7+s12+$0x0] =	vst.idx.add.s32.msk $0xffff, v3  }
0x3e3: {  	v7 =	vld [tilespmem:s20+$0xFFFFFFA0];
	_ =	sdelay $0x4  }
0x3e4: {  	v7 =	vshrl.u32 v7, $0xB  }
0x3e5: {  	v7 =	vand.u32 $0xFF0, v7  }
0x3e6: {  	v7 =	vor.u32 v0, v7;
	_ =	sdelay $0x4  }
0x3e7: {  	[tilespmem:v7+s12+$0x0] =	vst.idx.add.s32.msk $0xffff, v3  }
0x3e8: {  	v7 =	vld [tilespmem:s20+$0xFFFFFFB0];
	_ =	sdelay $0x4  }
0x3e9: {  	v7 =	vshrl.u32 v7, $0xB  }
0x3ea: {  	v7 =	vand.u32 $0xFF0, v7  }
0x3eb: {  	v7 =	vor.u32 v0, v7;
	_ =	sdelay $0x4  }
0x3ec: {  	[tilespmem:v7+s12+$0x0] =	vst.idx.add.s32.msk $0xffff, v3  }
0x3ed: {  	v7 =	vld [tilespmem:s20+$0xFFFFFFC0];
	_ =	sdelay $0x4  }
0x3ee: {  	v7 =	vshrl.u32 v7, $0xB  }
0x3ef: {  	v7 =	vand.u32 $0xFF0, v7  }
0x3f0: {  	v7 =	vor.u32 v0, v7;
	_ =	sdelay $0x4  }
0x3f1: {  	[tilespmem:v7+s12+$0x0] =	vst.idx.add.s32.msk $0xffff, v3  }
0x3f2: {  	v7 =	vld [tilespmem:s20+$0xFFFFFFD0];
	_ =	sdelay $0x4  }
0x3f3: {  	v7 =	vshrl.u32 v7, $0xB  }
0x3f4: {  	v7 =	vand.u32 $0xFF0, v7  }
0x3f5: {  	v7 =	vor.u32 v0, v7;
	_ =	sdelay $0x4  }
0x3f6: {  	[tilespmem:v7+s12+$0x0] =	vst.idx.add.s32.msk $0xffff, v3  }
0x3f7: {  	v7 =	vld [tilespmem:s20+$0xFFFFFFE0];
	_ =	sdelay $0x4  }
0x3f8: {  	v7 =	vshrl.u32 v7, $0xB  }
0x3f9: {  	v7 =	vand.u32 $0xFF0, v7  }
0x3fa: {  	v7 =	vor.u32 v0, v7;
	_ =	sdelay $0x4  }
0x3fb: {  	[tilespmem:v7+s12+$0x0] =	vst.idx.add.s32.msk $0xffff, v3  }
0x3fc: {  	v7 =	vld [tilespmem:s20+$0xFFFFFFF0];
	_ =	sdelay $0x4  }
0x3fd: {  	v7 =	vshrl.u32 v7, $0xB  }
0x3fe: {  	v7 =	vand.u32 $0xFF0, v7  }
0x3ff: {  	v7 =	vor.u32 v0, v7;
	_ =	sdelay $0x4  }
0x400: {  	[tilespmem:v7+s12+$0x0] =	vst.idx.add.s32.msk $0xffff, v3  }
0x401: {  	v7 =	vld [tilespmem:s20+$0x0];
	_ =	sdelay $0x4  }
0x402: {  	v7 =	vshrl.u32 v7, $0xB  }
0x403: {  	v7 =	vand.u32 $0xFF0, v7  }
0x404: {  	v7 =	vor.u32 v0, v7;
	_ =	sdelay $0x4  }
0x405: {  	[tilespmem:v7+s12+$0x0] =	vst.idx.add.s32.msk $0xffff, v3  }
0x406: {  	v7 =	vld [tilespmem:s20+$0x10];
	_ =	sdelay $0x4  }
0x407: {  	v7 =	vshrl.u32 v7, $0xB  }
0x408: {  	v7 =	vand.u32 $0xFF0, v7  }
0x409: {  	v7 =	vor.u32 v0, v7;
	_ =	sdelay $0x4  }
0x40a: {  	[tilespmem:v7+s12+$0x0] =	vst.idx.add.s32.msk $0xffff, v3  }
0x40b: {  	v7 =	vld [tilespmem:s20+$0x20];
	_ =	sdelay $0x4  }
0x40c: {  	v7 =	vshrl.u32 v7, $0xB  }
0x40d: {  	v7 =	vand.u32 $0xFF0, v7  }
0x40e: {  	v7 =	vor.u32 v0, v7;
	_ =	sdelay $0x4  }
0x40f: {  	[tilespmem:v7+s12+$0x0] =	vst.idx.add.s32.msk $0xffff, v3  }
0x410: {  	v7 =	vld [tilespmem:s20+$0x30];
	_ =	sdelay $0x4  }
0x411: {  	v7 =	vshrl.u32 v7, $0xB  }
0x412: {  	v7 =	vand.u32 $0xFF0, v7  }
0x413: {  	v7 =	vor.u32 v0, v7;
	_ =	sdelay $0x4  }
0x414: {  	[tilespmem:v7+s12+$0x0] =	vst.idx.add.s32.msk $0xffff, v3  }
0x415: {  	v7 =	vld [tilespmem:s20+$0x40];
	_ =	sdelay $0x4  }
0x416: {  	v7 =	vshrl.u32 v7, $0xB  }
0x417: {  	v7 =	vand.u32 $0xFF0, v7  }
0x418: {  	v7 =	vor.u32 v0, v7;
	_ =	sdelay $0x4  }
0x419: {  	[tilespmem:v7+s12+$0x0] =	vst.idx.add.s32.msk $0xffff, v3  }
0x41a: {  	v7 =	vld [tilespmem:s20+$0x50];
	_ =	sdelay $0x4  }
0x41b: {  	v7 =	vshrl.u32 v7, $0xB  }
0x41c: {  	v7 =	vand.u32 $0xFF0, v7  }
0x41d: {  	v7 =	vor.u32 v0, v7;
	_ =	sdelay $0x4  }
0x41e: {  	[tilespmem:v7+s12+$0x0] =	vst.idx.add.s32.msk $0xffff, v3  }
0x41f: {  	v7 =	vld [tilespmem:s20+$0x60];
	_ =	sdelay $0x4  }
0x420: {  	v7 =	vshrl.u32 v7, $0xB  }
0x421: {  	v7 =	vand.u32 $0xFF0, v7  }
0x422: {  	v7 =	vor.u32 v0, v7;
	_ =	sdelay $0x4  }
0x423: {  	[tilespmem:v7+s12+$0x0] =	vst.idx.add.s32.msk $0xffff, v3  }
0x424: {  	v7 =	vld [tilespmem:s20+$0x70];
	_ =	sdelay $0x4  }
0x425: {  	v7 =	vshrl.u32 v7, $0xB  }
0x426: {  	s19 =	sadd.s32 $0x10, s19;
	v7 =	vand.u32 $0xFF0, v7  }
0x427: {  	p0 =	slt.u32 s19, $0x7F0;
	v7 =	vor.u32 v0, v7  }
.Ltmp15:
0x428: {  	_ = 	snop;
	(pc) =	sbr.rel @p0 .LBB2_33-.Ltmp15, $2  }
0x429: {  	_ =	sdelay $0x2  }
0x42a: {  	s21 =	simm.s32 $0x0;
	s20 =	sadd.s32 $0x100, s20;
	[tilespmem:v7+s12+$0x0] =	vst.idx.add.s32.msk $0xffff, v3  }
0x42b: {  	s20 =	simm.s32 $0x0  }
0x42c: {  	v7 =	vld [tilespmem:s20+$0x18080];
	_ =	sdelay $0x4  }
0x42d: {  	(xrf0) =	vadd.scan.msk.s32 $0xffff, v7;
	_ =	sdelay $0x1  }
0x42e: {  	v8 =	vld [tilespmem:s20+$0x18090];
	_ =	sdelay $0x3  }
0x42f: {  	v9, _, _ =	vpop (xrf0)  }
0x430: {  	(xrf0) =	vadd.scan.msk.s32 $0xffff, v8;
	v10 =	vxor.u32 $0x80000000, v9  }
0x431: {  	(xrf0) =	vmax.scan.msk.u32 $0xffff, v10;
	v10 =	vld [tilespmem:s20+$0x180A0];
	_ =	sdelay $0x4  }
0x432: {  	(xrf0) =	vadd.scan.msk.s32 $0xffff, v10;
	_ =	sdelay $0x1  }
0x433: {  	v11 =	vld [tilespmem:s20+$0x180B0];
	v12, _, _ =	vpop (xrf0)  }
0x434: {  	v13 =	vxor.u32 $0x80000000, v12;
	v14, _, _ =	vpop (xrf0)  }
0x435: {  	(xrf0) =	vmax.scan.msk.u32 $0xffff, v13;
	(v2sf) =	vpush v14, $0xF;
	_ =	sdelay $0x1  }
0x436: {  	v57, _, _ =	vpop (xrf0)  }
0x437: {  	(xrf0) =	vadd.scan.msk.s32 $0xffff, v11;
	v58 =	vxor.u32 $0x80000000, v57  }
0x438: {  	(xrf0) =	vmax.scan.msk.u32 $0xffff, v58;
	_ =	sdelay $0x1  }
0x439: {  	v15, _, _ =	vpop (xrf0)  }
0x43a: {  	(v2sf) =	vpush v15, $0xF;
	_ =	sdelay $0x1  }
0x43b: {  	v7 =	vsub.s32 s21, v7;
	v59, _, _ =	vpop (xrf0)  }
0x43c: {  	v7 =	vadd.s32 v9, v7;
	v60 =	vxor.u32 $0x80000000, v59;
	v9, _, _ =	vpop (xrf0)  }
0x43d: {  	(xrf0) =	vmax.scan.msk.u32 $0xffff, v60;
	(v2sf) =	vpush v9, $0xF  }
0x43e: {  	s21 =	simm.s32 $0x40;
	[tilespmem:s20+$0x18080] =	vst v7  }
0x43f: {  	v7 =	vld [tilespmem:s21+$0x18080];
	_ =	sdelay $0x1  }
0x440: {  	s19 =	spop (v2sf)  }
0x441: {  	s19 =	sadd.s32 $0x0, s19  }
0x442: {  	v8 =	vsub.s32 v12, v8;
	v9, _, _ =	vpop (xrf0);
	s19 =	sadd.s32 $0x80000000, s19  }
0x443: {  	(xrf0) =	vadd.scan.msk.s32 $0xffff, v7;
	(v2sf) =	vpush v9, $0xF;
	v8 =	vadd.s32 s19, v8  }
0x444: {  	[tilespmem:s20+$0x18090] =	vst v8  }
0x445: {  	v9 =	vld [tilespmem:s21+$0x18090];
	_ =	sdelay $0x1  }
0x446: {  	s22 =	spop (v2sf)  }
0x447: {  	s19 =	sadd.s32 s22, s19  }
0x448: {  	v10 =	vsub.s32 v57, v10;
	v8, _, _ =	vpop (xrf0);
	s19 =	sadd.s32 $0x80000000, s19  }
0x449: {  	v61 =	vxor.u32 $0x80000000, v8;
	v10 =	vadd.s32 s19, v10;
	(xrf0) =	vadd.scan.msk.s32 $0xffff, v9  }
0x44a: {  	[tilespmem:s20+$0x180A0] =	vst v10;
	(xrf0) =	vmax.scan.msk.u32 $0xffff, v61;
	s31 =	spop (v2sf)  }
0x44b: {  	v10 =	vld [tilespmem:s21+$0x180A0];
	s19 =	sadd.s32 s31, s19  }
0x44c: {  	v11 =	vsub.s32 v59, v11;
	s23 =	sadd.s32 $0x80000000, s19  }
0x44d: {  	v11 =	vadd.s32 s23, v11;
	_ =	sdelay $0x1  }
0x44e: {  	v62, _, _ =	vpop (xrf0)  }
0x44f: {  	(xrf0) =	vadd.scan.msk.s32 $0xffff, v10;
	v63 =	vxor.u32 $0x80000000, v62;
	[tilespmem:s20+$0x180B0] =	vst v11;
	v11, _, _ =	vpop (xrf0)  }
0x450: {  	s24 =	spop (v2sf);
	(xrf0) =	vmax.scan.msk.u32 $0xffff, v63;
	(v2sf) =	vpush v11, $0xF  }
0x451: {  	v11 =	vld [tilespmem:s21+$0x180B0];
	_ =	sdelay $0x1  }
0x452: {  	s22 =	simm.s32 $0x200;
	s19 =	simm.s32 $0x100;
	s23 =	sadd.s32 s24, s23;
	v9 =	vsub.s32 v62, v9  }
.LBB2_35:
0x453: {  	p0 =	sne.s32 s22, $0x3F00  }
0x454: {  	v12, _, _ =	vpop (xrf0);
	s23 =	sadd.s32 $0x80000000, s23;
	s24 =	smov.u32 s22;
	s22 =	sadd.s32 $0x100, s22  }
0x455: {  	v13 =	vxor.u32 $0x80000000, v12;
	v7 =	vsub.s32 s23, v7;
	v10 =	vsub.s32 v12, v10;
	(xrf0) =	vadd.scan.msk.s32 $0xffff, v11;
	v12, _, _ =	vpop (xrf0)  }
0x456: {  	v7 =	vadd.s32 v8, v7;
	(v2sf) =	vpush v12, $0xF;
	(xrf0) =	vmax.scan.msk.u32 $0xffff, v13  }
0x457: {  	[tilespmem:s21+$0x18080] =	vst v7;
	_ =	sdelay $0x3  }
0x458: {  	s24 =	sshra.s32 s24, $0x2;
	v8, _, _ =	vpop (xrf0)  }
0x459: {  	v7 =	vld [tilespmem:s24+$0x18080];
	v12 =	vxor.u32 $0x80000000, v8;
	v11 =	vsub.s32 v8, v11;
	v8, _, _ =	vpop (xrf0)  }
0x45a: {  	(v2sf) =	vpush v8, $0xF;
	(xrf0) =	vmax.scan.msk.u32 $0xffff, v12  }
0x45b: {  	s25 =	spop (v2sf)  }
0x45c: {  	s23 =	sadd.s32 s25, s23  }
0x45d: {  	s23 =	sadd.s32 $0x80000000, s23  }
0x45e: {  	(xrf0) =	vadd.scan.msk.s32 $0xffff, v7;
	v12 =	vadd.s32 s23, v9  }
0x45f: {  	[tilespmem:s21+$0x18090] =	vst v12  }
0x460: {  	v9 =	vld [tilespmem:s24+$0x18090];
	v8, _, _ =	vpop (xrf0)  }
0x461: {  	(v2sf) =	vpush v8, $0xF  }
0x462: {  	s25 =	spop (v2sf)  }
0x463: {  	s23 =	sadd.s32 s25, s23  }
0x464: {  	v8, _, _ =	vpop (xrf0);
	s23 =	sadd.s32 $0x80000000, s23  }
0x465: {  	v12 =	vxor.u32 $0x80000000, v8;
	(xrf0) =	vadd.scan.msk.s32 $0xffff, v9;
	v10 =	vadd.s32 s23, v10  }
0x466: {  	(xrf0) =	vmax.scan.msk.u32 $0xffff, v12;
	[tilespmem:s21+$0x180A0] =	vst v10  }
0x467: {  	v10 =	vld [tilespmem:s24+$0x180A0];
	_ =	sdelay $0x1  }
0x468: {  	s25 =	spop (v2sf)  }
0x469: {  	s23 =	sadd.s32 s25, s23  }
0x46a: {  	v12, _, _ =	vpop (xrf0);
	s23 =	sadd.s32 $0x80000000, s23  }
0x46b: {  	v13 =	vxor.u32 $0x80000000, v12;
	v9 =	vsub.s32 v12, v9;
	(xrf0) =	vadd.scan.msk.s32 $0xffff, v10;
	v12, _, _ =	vpop (xrf0);
	v11 =	vadd.s32 s23, v11  }
.Ltmp16:
0x46c: {  	(v2sf) =	vpush v12, $0xF;
	(xrf0) =	vmax.scan.msk.u32 $0xffff, v13;
	[tilespmem:s21+$0x180B0] =	vst v11;
	s21 =	smov.u32 s24;
	(pc) =	sbr.rel @p0 .LBB2_35-.Ltmp16, $3  }
0x46d: {  	v11 =	vld [tilespmem:s21+$0x180B0];
	_ =	sdelay $0x1  }
0x46e: {  	s24 =	spop (v2sf)  }
0x46f: {  	s23 =	sadd.s32 s24, s23  }
0x470: {  	v12, _, _ =	vpop (xrf0)  }
0x471: {  	v13 =	vxor.u32 $0x80000000, v12;
	(xrf0) =	vadd.scan.msk.s32 $0xffff, v11  }
0x472: {  	(xrf0) =	vmax.scan.msk.u32 $0xffff, v13;
	_ =	sdelay $0x3  }
0x473: {  	v13, _, _ =	vpop (xrf0)  }
0x474: {  	(v2sf) =	vpush v13, $0xF;
	v13, _, _ =	vpop (xrf0)  }
0x475: {  	v14, _, _ =	vpop (xrf0)  }
0x476: {  	(v2sf) =	vpush v14, $0xF;
	_ =	sdelay $0x8  }
0x477: {  	v14 =	vxor.u32 $0x80000000, v13  }
0x478: {  	(xrf0) =	vmax.scan.msk.u32 $0xffff, v14  }
0x479: {  	s22 =	sadd.s32 $0x80000000, s23;
	s25 =	spop (v2sf)  }
0x47a: {  	s23 =	sadd.s32 s25, s22  }
0x47b: {  	s23 =	sadd.s32 $0x80000000, s23;
	s24 =	spop (v2sf)  }
0x47c: {  	v7 =	vsub.s32 s22, v7;
	s26 =	sadd.s32 s24, s23  }
0x47d: {  	v7 =	vadd.s32 v8, v7;
	s22 =	sadd.s32 $0x80000000, s26;
	s28 =	spop (v2sf)  }
0x47e: {  	v10 =	vsub.s32 v12, v10;
	[tilespmem:s21+$0x18080] =	vst v7;
	v9 =	vadd.s32 s23, v9;
	v8, _, _ =	vpop (xrf0);
	s29 =	sadd.s32 s28, s22  }
0x47f: {  	v7 =	vsub.s32 v13, v11;
	[tilespmem:s21+$0x18090] =	vst v9;
	(v2sf) =	vpush v8, $0xF;
	v8 =	vadd.s32 s22, v10;
	s30 =	sadd.s32 $0x80000000, s29  }
0x480: {  	[tilespmem:s21+$0x180A0] =	vst v8;
	v7 =	vadd.s32 s30, v7  }
0x481: {  	[tilespmem:s21+$0x180B0] =	vst v7  }
0x482: {  	v9 =	vld [tilespmem:s20+$0x10]  }
0x483: {  	v10 =	vld [tilespmem:s20+$0x0]  }
0x484: {  	v8 =	vld [tilespmem:s20+$0x20]  }
0x485: {  	v7 =	vld [tilespmem:s20+$0x30];
	_ =	sdelay $0x3  }
0x486: {  	v11 =	vshrl.u32 v9, $0xF  }
0x487: {  	v16 =	vshrl.u32 v10, $0xF;
	v17 =	vshrl.u32 v8, $0xF;
	v18 =	vshrl.u32 v7, $0xF  }
0x488: {  	v14 =	vand.u32 $0xFF, v11;
	v11 =	vshll.u32 v11, $0x4;
	v12 =	vshll.u32 v16, $0x4  }
0x489: {  	v15 =	vshll.u32 v17, $0x4;
	v11 =	vor.u32 v0, v11;
	v12 =	vor.u32 v0, v12  }
0x48a: {  	v16 =	vand.u32 $0xFF, v16;
	v11 =	vand.u32 $0xFFF, v11;
	v13 =	vand.u32 $0xFFF, v12  }
0x48b: {  	v12 =	vor.u32 v0, v15;
	v15 =	vand.u32 $0xFF, v18;
	v18 =	vshll.u32 v18, $0x4  }
0x48c: {  	s20 =	simm.s32 $0x200;
	s31 =	spop (v2sf);
	v17 =	vand.u32 $0xFF, v17;
	v12 =	vand.u32 $0xFFF, v12;
	v18 =	vor.u32 v0, v18  }
.LBB2_37:
0x48d: {  	p0 =	sne.s32 s20, $0x1FF00  }
0x48e: {  	s21 =	sshra.s32 s19, $0x2;
	v18 =	vand.u32 $0xFFF, v18;
	vm0 =	veq.s32 v14, v15;
	vm1 =	vne.s32 v14, v15;
	s19 =	smov.u32 s20;
	s20 =	sadd.s32 $0x100, s20  }
0x48f: {  	vm2 =	vne.s32 v16, v14;
	vm3 =	vne.s32 v16, v17;
	v19 =	vld.idx.msk [tilespmem:v11+s12+$0x0], $0xffff  }
0x490: {  	vm4 =	vne.s32 v16, v15;
	vm2 =	vmand vm2, vm3;
	v20 =	vld.idx.msk [tilespmem:v13+s12+$0x0], $0xffff  }
0x491: {  	vm3 =	veq.s32 v17, v15;
	v22 =	vsel vm0, $0x1, v1;
	vm2 =	vmand vm2, vm4;
	v21 =	vld.idx.msk [tilespmem:v12+s12+$0x0], $0xffff  }
0x492: {  	vm5 =	vne.s32 v14, v17;
	vm0 =	vne.s32 v17, v15;
	vm4 =	veq.s32 v14, v17  }
0x493: {  	vm6 =	veq.s32 v16, v14;
	vm7 =	veq.s32 v16, v15;
	vm1 =	vmand vm5, vm1;
	v23 =	vld.idx.msk [tilespmem:v18+s12+$0x0], $0xffff  }
0x494: {  	vm5 =	veq.s32 v16, v17;
	v15 =	vsel vm7, $0x1, v1;
	v14 =	vsel vm6, $0x1, v1  }
0x495: {  	v16 =	vsel vm5, $0x1, v1;
	v17 =	vsel vm4, $0x1, v1;
	v14 =	vadd.s32 v14, v19  }
0x496: {  	v15 =	vadd.s32 v22, v15;
	v16 =	vadd.s32 v17, v16;
	v19 =	vadd.s32 $0x1, v20  }
0x497: {  	v10 =	vand.u32 $0x7FFF, v10;
	[tilespmem:v13+s12+$0x0] =	vst.idx.msk vm2, v19;
	v13 =	vadd.s32 v21, v16;
	v16 =	vsel vm3, $0x1, v1  }
0x498: {  	[tilespmem:v20+s13+$0x0] =	vst.idx.msk $0xffff, v10;
	v10 =	vadd.s32 $0x1, v14;
	v15 =	vadd.s32 v16, v15  }
0x499: {  	v9 =	vand.u32 $0x7FFF, v9;
	[tilespmem:v11+s12+$0x0] =	vst.idx.msk vm1, v10;
	v10 =	vadd.s32 v23, v15  }
0x49a: {  	[tilespmem:v14+s13+$0x0] =	vst.idx.msk $0xffff, v9;
	v9 =	vadd.s32 $0x1, v13  }
0x49b: {  	v8 =	vand.u32 $0x7FFF, v8;
	[tilespmem:v12+s12+$0x0] =	vst.idx.msk vm0, v9  }
0x49c: {  	[tilespmem:v13+s13+$0x0] =	vst.idx.msk $0xffff, v8;
	v8 =	vadd.s32 $0x1, v10  }
0x49d: {  	v7 =	vand.u32 $0x7FFF, v7;
	[tilespmem:v18+s12+$0x0] =	vst.idx.msk $0xffff, v8  }
0x49e: {  	[tilespmem:v10+s13+$0x0] =	vst.idx.msk $0xffff, v7  }
0x49f: {  	v9 =	vld [tilespmem:s21+$0x10]  }
0x4a0: {  	v10 =	vld [tilespmem:s21+$0x0]  }
0x4a1: {  	v8 =	vld [tilespmem:s21+$0x20]  }
0x4a2: {  	v7 =	vld [tilespmem:s21+$0x30];
	_ =	sdelay $0x1  }
0x4a3: {  	v11 =	vshrl.u32 v9, $0xF  }
0x4a4: {  	v16 =	vshrl.u32 v10, $0xF;
	v14 =	vand.u32 $0xFF, v11;
	v11 =	vshll.u32 v11, $0x4  }
.Ltmp17:
0x4a5: {  	v17 =	vshrl.u32 v8, $0xF;
	v12 =	vshll.u32 v16, $0x4;
	v11 =	vor.u32 v0, v11;
	(pc) =	sbr.rel @p0 .LBB2_37-.Ltmp17, $4  }
0x4a6: {  	v12 =	vor.u32 v0, v12;
	v11 =	vand.u32 $0xFFF, v11;
	v15 =	vshll.u32 v17, $0x4  }
0x4a7: {  	v18 =	vshrl.u32 v7, $0xF;
	v13 =	vand.u32 $0xFFF, v12;
	v12 =	vor.u32 v0, v15  }
0x4a8: {  	v15 =	vand.u32 $0xFF, v18;
	v18 =	vshll.u32 v18, $0x4;
	v12 =	vand.u32 $0xFFF, v12  }
0x4a9: {  	v16 =	vand.u32 $0xFF, v16;
	v17 =	vand.u32 $0xFF, v17;
	v18 =	vor.u32 v0, v18  }
0x4aa: {  	_ =	sdelay $0x2  }
0x4ab: {  	v18 =	vand.u32 $0xFFF, v18  }
0x4ac: {  	vm0 =	veq.s32 v14, v15;
	v19 =	vld.idx.msk [tilespmem:v11+s12+$0x0], $0xffff;
	vm1 =	vne.s32 v16, v14;
	vm2 =	vne.s32 v16, v17  }
0x4ad: {  	vm3 =	vne.s32 v14, v15;
	v20 =	vld.idx.msk [tilespmem:v13+s12+$0x0], $0xffff;
	vm4 =	vne.s32 v16, v15;
	vm1 =	vmand vm1, vm2  }
0x4ae: {  	vm15 =	veq.s32 v17, v15;
	vm9 =	veq.s32 v14, v17;
	vm1 =	vmand vm1, vm4  }
0x4af: {  	v22 =	vld.idx.msk [tilespmem:v12+s12+$0x0], $0xffff;
	vm10 =	vne.s32 v14, v17;
	vm5 =	vne.s32 v17, v15;
	vm6 =	veq.s32 v16, v14  }
0x4b0: {  	vm7 =	veq.s32 v16, v15;
	vm11 =	veq.s32 v16, v17;
	vm3 =	vmand vm10, vm3  }
0x4b1: {  	v10 =	vand.u32 $0x7FFF, v10;
	v21 =	vsel vm0, $0x1, v1;
	v15 =	vsel vm6, $0x1, v1;
	v14 =	vld.idx.msk [tilespmem:v18+s12+$0x0], $0xffff  }
0x4b2: {  	v17 =	vsel vm11, $0x1, v1;
	v15 =	vadd.s32 v15, v19;
	v19 =	vsel vm9, $0x1, v1  }
0x4b3: {  	v16 =	vsel vm7, $0x1, v1;
	v23 =	vadd.s32 $0x1, v20;
	v17 =	vadd.s32 v19, v17  }
0x4b4: {  	v16 =	vadd.s32 v21, v16;
	[tilespmem:v13+s12+$0x0] =	vst.idx.msk vm1, v23;
	v13 =	vadd.s32 v22, v17;
	v17 =	vsel vm15, $0x1, v1  }
0x4b5: {  	[tilespmem:v20+s13+$0x0] =	vst.idx.msk $0xffff, v10;
	v10 =	vadd.s32 $0x1, v15;
	v16 =	vadd.s32 v17, v16  }
0x4b6: {  	v9 =	vand.u32 $0x7FFF, v9;
	[tilespmem:v11+s12+$0x0] =	vst.idx.msk vm3, v10;
	v10 =	vadd.s32 v14, v16  }
0x4b7: {  	[tilespmem:v15+s13+$0x0] =	vst.idx.msk $0xffff, v9;
	v9 =	vadd.s32 $0x1, v13  }
0x4b8: {  	v8 =	vand.u32 $0x7FFF, v8;
	[tilespmem:v12+s12+$0x0] =	vst.idx.msk vm5, v9  }
0x4b9: {  	[tilespmem:v13+s13+$0x0] =	vst.idx.msk $0xffff, v8;
	v8 =	vadd.s32 $0x1, v10  }
0x4ba: {  	v7 =	vand.u32 $0x7FFF, v7;
	[tilespmem:v18+s12+$0x0] =	vst.idx.msk $0xffff, v8  }
0x4bb: {  	s19 =	sshra.s32 s19, $0x2;
	[tilespmem:v10+s13+$0x0] =	vst.idx.msk $0xffff, v7  }
0x4bc: {  	v7 =	vld [tilespmem:s19+$0x10]  }
0x4bd: {  	v8 =	vld [tilespmem:s19+$0x0];
	_ =	sdelay $0x1  }
0x4be: {  	v9 =	vld [tilespmem:s19+$0x20]  }
0x4bf: {  	v10 =	vld [tilespmem:s19+$0x30]  }
0x4c0: {  	v11 =	vshrl.u32 v7, $0xF  }
0x4c1: {  	v12 =	vshrl.u32 v8, $0xF;
	v13 =	vshll.u32 v11, $0x4  }
0x4c2: {  	v14 =	vshll.u32 v12, $0x4;
	v13 =	vor.u32 v0, v13  }
0x4c3: {  	v15 =	vshrl.u32 v9, $0xF;
	v14 =	vor.u32 v0, v14;
	v13 =	vand.u32 $0xFFF, v13  }
0x4c4: {  	v17 =	vshrl.u32 v10, $0xF;
	v16 =	vshll.u32 v15, $0x4;
	v14 =	vand.u32 $0xFFF, v14  }
0x4c5: {  	v8 =	vand.u32 $0x7FFF, v8;
	v11 =	vand.u32 $0xFF, v11;
	v16 =	vor.u32 v0, v16  }
0x4c6: {  	v18 =	vshll.u32 v17, $0x4;
	v17 =	vand.u32 $0xFF, v17;
	v16 =	vand.u32 $0xFFF, v16  }
0x4c7: {  	v12 =	vand.u32 $0xFF, v12;
	v15 =	vand.u32 $0xFF, v15;
	v18 =	vor.u32 v0, v18  }
0x4c8: {  	vm13 =	vne.s32 v12, v11;
	vm14 =	vne.s32 v12, v15;
	v18 =	vand.u32 $0xFFF, v18;
	v19 =	vld.idx.msk [tilespmem:v13+s12+$0x0], $0xffff  }
0x4c9: {  	vm12 =	veq.s32 v11, v17;
	vm8 =	vne.s32 v12, v17;
	vm1 =	vmand vm13, vm14;
	v20 =	vld.idx.msk [tilespmem:v14+s12+$0x0], $0xffff  }
0x4ca: {  	vm15 =	vne.s32 v11, v17;
	vm9 =	veq.s32 v15, v17;
	vm1 =	vmand vm1, vm8  }
0x4cb: {  	vm10 =	veq.s32 v11, v15;
	vm11 =	vne.s32 v11, v15;
	v21 =	vsel vm12, $0x1, v1;
	v22 =	vld.idx.msk [tilespmem:v16+s12+$0x0], $0xffff  }
0x4cc: {  	vm12 =	vne.s32 v15, v17;
	vm13 =	veq.s32 v12, v11;
	vm3 =	vmand vm11, vm15  }
0x4cd: {  	vm14 =	veq.s32 v12, v17;
	vm15 =	veq.s32 v12, v15;
	v12 =	vsel vm13, $0x1, v1;
	v11 =	vld.idx.msk [tilespmem:v18+s12+$0x0], $0xffff  }
0x4ce: {  	v17 =	vsel vm15, $0x1, v1;
	v12 =	vadd.s32 v12, v19;
	v19 =	vsel vm10, $0x1, v1  }
0x4cf: {  	v15 =	vsel vm14, $0x1, v1;
	v23 =	vadd.s32 $0x1, v20;
	v17 =	vadd.s32 v19, v17  }
0x4d0: {  	v15 =	vadd.s32 v21, v15;
	[tilespmem:v14+s12+$0x0] =	vst.idx.msk vm1, v23;
	v14 =	vadd.s32 v22, v17;
	v17 =	vsel vm9, $0x1, v1  }
0x4d1: {  	[tilespmem:v20+s13+$0x0] =	vst.idx.msk $0xffff, v8;
	v8 =	vadd.s32 $0x1, v12;
	v15 =	vadd.s32 v17, v15  }
0x4d2: {  	v7 =	vand.u32 $0x7FFF, v7;
	[tilespmem:v13+s12+$0x0] =	vst.idx.msk vm3, v8;
	v8 =	vadd.s32 v11, v15  }
0x4d3: {  	[tilespmem:v12+s13+$0x0] =	vst.idx.msk $0xffff, v7;
	v7 =	vadd.s32 $0x1, v14  }
0x4d4: {  	v9 =	vand.u32 $0x7FFF, v9;
	[tilespmem:v16+s12+$0x0] =	vst.idx.msk vm12, v7  }
0x4d5: {  	v7 =	vadd.s32 $0x1, v8;
	[tilespmem:v14+s13+$0x0] =	vst.idx.msk $0xffff, v9  }
0x4d6: {  	v9 =	vand.u32 $0x7FFF, v10;
	[tilespmem:v18+s12+$0x0] =	vst.idx.msk $0xffff, v7  }
0x4d7: {  	s20 =	simm.s32 $0x0;
	[tilespmem:v8+s13+$0x0] =	vst.idx.msk $0xffff, v9  }
0x4d8: {  	v7 =	vld [tilespmem:s20+$0x8010];
	_ =	sdelay $0x4  }
0x4d9: {  	v8 =	vshrl.u32 v7, $0xB  }
0x4da: {  	v7 =	vadd.s32 v7, v8  }
0x4db: {  	v8 =	vld [tilespmem:s20+$0x8000];
	_ =	sdelay $0x1  }
0x4dc: {  	v9 =	vld [tilespmem:s20+$0x8020]  }
0x4dd: {  	v10 =	vld [tilespmem:s20+$0x8030]  }
0x4de: {  	v7 =	vld.idx.msk [tilespmem:v7+s11+$0x0], $0xffff  }
0x4df: {  	v11 =	vld [tilespmem:s20+$0x8040];
	v12 =	vshrl.u32 v8, $0xB  }
0x4e0: {  	v8 =	vadd.s32 v8, v12  }
0x4e1: {  	v13 =	vld [tilespmem:s20+$0x8050];
	v12 =	vshrl.u32 v9, $0xB  }
0x4e2: {  	v14 =	vld [tilespmem:s20+$0x8060];
	v9 =	vadd.s32 v9, v12;
	v12 =	vshrl.u32 v10, $0xB  }
0x4e3: {  	v10 =	vadd.s32 v10, v12;
	vm8 =	vlt.s32 v7, $0x0;
	v12 =	vandn.u32 $0x7FFFFFFF, v7  }
0x4e4: {  	v15 =	vld [tilespmem:s20+$0x8070];
	v17 =	vshrl.u32 v11, $0xB;
	v16 =	vsel vm8, v7, v12  }
0x4e5: {  	v11 =	vadd.s32 v11, v17;
	v8 =	vld.idx.msk [tilespmem:v8+s11+$0x0], $0xffff;
	v7 =	vsub.f32 v16, v6  }
0x4e6: {  	v17 =	vshrl.u32 v13, $0xB  }
0x4e7: {  	s18 =	smul.f32 $8.999999760e-01, s18;
	v13 =	vadd.s32 v13, v17;
	v17 =	vshrl.u32 v14, $0xB;
	v9 =	vld.idx.msk [tilespmem:v9+s11+$0x0], $0xffff;
	v12 =	vmul.f32 $1.442695020e+00, v7  }
0x4e8: {  	v14 =	vadd.s32 v14, v17;
	v10 =	vld.idx.msk [tilespmem:v10+s11+$0x0], $0xffff  }
0x4e9: {  	v7 =	vmov s18;
	(erf) = vpow2.f32 v12  }
0x4ea: {  	v11 =	vld.idx.msk [tilespmem:v11+s11+$0x0], $0xffff;
	s18 =	simm.s32 $0x80;
	v12 =	vshrl.u32 v15, $0xB;
	vm9 =	vlt.s32 v8, $0x0;
	v18 =	vandn.u32 $0x7FFFFFFF, v8  }
0x4eb: {  	v12 =	vadd.s32 v15, v12;
	v15 =	vld [tilespmem:s18+$0x8010];
	v17 =	vsel vm9, v8, v18  }
0x4ec: {  	v13 =	vld.idx.msk [tilespmem:v13+s11+$0x0], $0xffff;
	vm10 =	vlt.s32 v9, $0x0;
	v8 =	vandn.u32 $0x7FFFFFFF, v9;
	v18 =	vsub.f32 v17, v6  }
0x4ed: {  	v14 =	vld.idx.msk [tilespmem:v14+s11+$0x0], $0xffff;
	v19 =	vsel vm10, v9, v8;
	vm11 =	vlt.s32 v10, $0x0;
	v8 =	vandn.u32 $0x7FFFFFFF, v10  }
0x4ee: {  	v9 =	vld [tilespmem:s18+$0x8020];
	v22 =	vsel vm11, v10, v8;
	v21 =	vmul.f32 $1.442695020e+00, v18;
	v18 =	vsub.f32 v19, v6  }
0x4ef: {  	vm12 =	vlt.s32 v11, $0x0;
	v20 =	vld [tilespmem:s18+$0x8030];
	v10 =	vandn.u32 $0x7FFFFFFF, v11;
	v8 =	vsub.f32 v22, v6  }
0x4f0: {  	v23 =	vld [tilespmem:s18+$0x8040];
	v24 =	vshrl.u32 v15, $0xB;
	v25 =	vmul.f32 $1.442695020e+00, v18;
	v18 =	vsel vm12, v11, v10  }
0x4f1: {  	(erf) = vpow2.f32 v21;
	v10 =	vmul.f32 $1.442695020e+00, v8;
	v11 =	vsub.f32 v18, v6  }
0x4f2: {  	vm13 =	vlt.s32 v13, $0x0;
	v12 =	vld.idx.msk [tilespmem:v12+s11+$0x0], $0xffff;
	v8 =	vadd.s32 v15, v24;
	(erf) = vpow2.f32 v25  }
0x4f3: {  	v26 =	vld [tilespmem:s18+$0x8000];
	v15 =	vshrl.u32 v9, $0xB;
	v31 =	vpop (erf);
	(erf) = vpow2.f32 v10;
	v10 =	vmul.f32 $1.442695020e+00, v11  }
0x4f4: {  	vm14 =	vlt.s32 v14, $0x0;
	v24 =	vandn.u32 $0x7FFFFFFF, v13;
	v11 =	vadd.s32 v9, v15  }
0x4f5: {  	v27 =	vld [tilespmem:s18+$0x8050];
	v9 =	vshrl.u32 v20, $0xB;
	v15 =	vshrl.u32 v23, $0xB;
	(erf) = vpow2.f32 v10  }
0x4f6: {  	v10 =	vadd.s32 v20, v9;
	v9 =	vadd.s32 v23, v15;
	v23 =	vsel vm13, v13, v24  }
0x4f7: {  	(xrf2) =	vadd.scan.msk.f32 $0xffff, v31;
	v20 =	vandn.u32 $0x7FFFFFFF, v14;
	vm15 =	vlt.s32 v12, $0x0;
	v15 =	vsub.f32 v23, v6  }
0x4f8: {  	v24 =	vsel vm14, v14, v20;
	v14 =	vandn.u32 $0x7FFFFFFF, v12;
	v20 =	vshrl.u32 v26, $0xB  }
0x4f9: {  	v28 =	vsub.f32 v24, v6;
	v25 =	vsel vm15, v12, v14;
	v14 =	vmul.f32 $1.442695020e+00, v15  }
0x4fa: {  	v12 =	vshrl.u32 v27, $0xB;
	v15 =	vadd.s32 v26, v20;
	v30 =	vpop (erf)  }
0x4fb: {  	v12 =	vadd.s32 v27, v12;
	v20 =	vmul.f32 $1.442695020e+00, v28;
	(xrf2) =	vadd.scan.msk.f32 $0xffff, v30;
	v27 =	vpop (erf);
	(erf) = vpow2.f32 v14  }
0x4fc: {  	v13 =	vld [tilespmem:s18+$0x8060]  }
0x4fd: {  	v29 =	vld [tilespmem:s18+$0x8070];
	v32 =	vsub.f32 v25, v6;
	(erf) = vpow2.f32 v20  }
0x4fe: {  	(xrf2) =	vadd.scan.msk.f32 $0xffff, v27;
	_ =	sdelay $0x1  }
0x4ff: {  	v28 =	vpop (erf)  }
0x500: {  	s19 =	simm.s32 $0x100;
	v26 =	vshrl.u32 v13, $0xB;
	v33 =	vmul.f32 $1.442695020e+00, v32;
	v32, _, _ =	vpop (xrf2);
	(xrf2) =	vadd.scan.msk.f32 $0xffff, v28  }
0x501: {  	v34 =	vshrl.u32 v29, $0xB;
	v21 =	vimm.f32 $0.0e+00;
	v14 =	vadd.s32 v13, v26;
	v26 =	vld [tilespmem:s19+$0x8010]  }
0x502: {  	s21 =	simm.s32 $0x600;
	v13 =	vadd.s32 v29, v34;
	v20 =	vld [tilespmem:s19+$0x8030];
	(erf) = vpow2.f32 v33;
	v29 =	vpop (erf);
	v31 =	vsub.f32 v32, v31  }
.LBB2_39:
0x503: {  	p0 =	sne.s32 s21, $0x1FE00;
	v33 =	vld [tilespmem:s19+$0x8020];
	(xrf2) =	vadd.scan.msk.f32 $0xffff, v29;
	v34 =	vpop (erf);
	s22 =	smov.u32 s21;
	s21 =	sadd.s32 $0x200, s21  }
0x504: {  	v35 =	vld [tilespmem:s19+$0x8040];
	v36, _, _ =	vpop (xrf2)  }
0x505: {  	v37 =	vld [tilespmem:s19+$0x8000];
	v30 =	vsub.f32 v36, v30;
	v36 =	vperm.xlane v36, v5;
	v38 =	vpop (erf)  }
0x506: {  	v39 =	vld [tilespmem:s19+$0x8050];
	(xrf2) =	vadd.scan.msk.f32 $0xffff, v34  }
0x507: {  	v32 =	vperm.xlane v32, v5;
	v40 =	vshrl.u32 v26, $0xB;
	v41 =	vld [tilespmem:s19+$0x8060];
	v36 =	vadd.f32 v36, v21;
	v42, _, _ =	vpop (xrf2)  }
0x508: {  	v26 =	vadd.s32 v26, v40;
	v40 =	vshrl.u32 v33, $0xB;
	v43 =	vld [tilespmem:s19+$0x8070];
	v45 =	vperm.xlane v42, v5  }
0x509: {  	v33 =	vadd.s32 v33, v40;
	v40 =	vshrl.u32 v20, $0xB;
	v32 =	vadd.f32 v32, v36;
	(xrf2) =	vadd.scan.msk.f32 $0xffff, v38  }
0x50a: {  	v27 =	vsub.f32 v42, v27;
	v20 =	vadd.s32 v20, v40;
	v40 =	vshrl.u32 v35, $0xB;
	v42, _, _ =	vpop (xrf2)  }
0x50b: {  	v35 =	vadd.s32 v35, v40;
	v40 =	vadd.f32 v45, v32;
	v28 =	vsub.f32 v42, v28;
	v44 =	vpop (erf)  }
0x50c: {  	v31 =	vadd.f32 v36, v31;
	v27 =	vadd.f32 v32, v27;
	v32 =	vperm.xlane v42, v5;
	(xrf2) =	vadd.scan.msk.f32 $0xffff, v44  }
0x50d: {  	v21 =	vadd.f32 v30, v21;
	v36 =	vshrl.u32 v37, $0xB;
	v28 =	vadd.f32 v40, v28;
	v30, _, _ =	vpop (xrf2)  }
0x50e: {  	v32 =	vadd.f32 v32, v40;
	v40 =	vsub.f32 v30, v29;
	v30 =	vperm.xlane v30, v5  }
0x50f: {  	vm0 =	vlt.f32 v31, v7;
	vm1 =	vlt.f32 v27, v7;
	vm2 =	vlt.f32 v28, v7  }
0x510: {  	v19 =	vnsel vm1, $0xFF800000, v19;
	v27 =	vadd.f32 v32, v40;
	v28 =	vadd.f32 v30, v32;
	v29, _, _ =	vpop (xrf2)  }
0x511: {  	[tilespmem:s20+$0x20] =	vst v19;
	v19 =	vnsel vm2, $0xFF800000, v22;
	v22 =	vsub.f32 v29, v34;
	v29 =	vperm.xlane v29, v5  }
0x512: {  	v16 =	vnsel vm0, $0xFF800000, v16;
	vm1 =	vlt.f32 v21, v7;
	[tilespmem:s20+$0x30] =	vst v19;
	vm0 =	vlt.f32 v27, v7  }
0x513: {  	v17 =	vnsel vm1, $0xFF800000, v17;
	[tilespmem:s20+$0x10] =	vst v16;
	v16 =	vadd.f32 v28, v22;
	v19 =	vadd.f32 v29, v28;
	v21, _, _ =	vpop (xrf2)  }
0x514: {  	v22 =	vadd.s32 v37, v36;
	v18 =	vnsel vm0, $0xFF800000, v18;
	v27 =	vsub.f32 v21, v38  }
0x515: {  	v28 =	vshrl.u32 v39, $0xB;
	[tilespmem:s20+$0x0] =	vst v17;
	vm0 =	vlt.f32 v16, v7;
	v16 =	vperm.xlane v21, v5  }
0x516: {  	v28 =	vadd.s32 v39, v28;
	[tilespmem:s20+$0x40] =	vst v18;
	v17 =	vnsel vm0, $0xFF800000, v23;
	v18 =	vadd.f32 v19, v27;
	v21, _, _ =	vpop (xrf2)  }
0x517: {  	[tilespmem:s20+$0x50] =	vst v17;
	v16 =	vadd.f32 v16, v19;
	v17 =	vsub.f32 v21, v44;
	v19 =	vperm.xlane v21, v5  }
0x518: {  	v23 =	vshrl.u32 v41, $0xB;
	v27 =	vshrl.u32 v43, $0xB;
	vm0 =	vlt.f32 v18, v7  }
0x519: {  	v18 =	vnsel vm0, $0xFF800000, v24;
	v17 =	vadd.f32 v16, v17;
	v21 =	vadd.f32 v19, v16  }
0x51a: {  	v23 =	vadd.s32 v41, v23;
	v24 =	vadd.s32 v43, v27;
	[tilespmem:s20+$0x60] =	vst v18  }
0x51b: {  	vm0 =	vlt.f32 v17, v7  }
0x51c: {  	v16 =	vnsel vm0, $0xFF800000, v25  }
0x51d: {  	[tilespmem:s20+$0x70] =	vst v16;
	s20 =	smov.u32 s18;
	s18 =	smov.u32 s19  }
0x51e: {  	v16 =	vld.idx.msk [tilespmem:v8+s11+$0x0], $0xffff;
	v8 =	vmov v26;
	_ =	sdelay $0x1  }
0x51f: {  	v17 =	vld.idx.msk [tilespmem:v15+s11+$0x0], $0xffff;
	v15 =	vmov v22;
	_ =	sdelay $0x1  }
0x520: {  	v18 =	vld.idx.msk [tilespmem:v11+s11+$0x0], $0xffff;
	v11 =	vmov v33;
	_ =	sdelay $0x1  }
0x521: {  	vm0 =	vlt.s32 v16, $0x0;
	v19 =	vandn.u32 $0x7FFFFFFF, v16;
	v22 =	vld.idx.msk [tilespmem:v10+s11+$0x0], $0xffff;
	v10 =	vmov v20  }
0x522: {  	v16 =	vsel vm0, v16, v19  }
0x523: {  	vm0 =	vlt.s32 v17, $0x0;
	v19 =	vandn.u32 $0x7FFFFFFF, v17;
	v20 =	vsub.f32 v16, v6  }
0x524: {  	v17 =	vsel vm0, v17, v19  }
0x525: {  	v20 =	vmul.f32 $1.442695020e+00, v20;
	vm0 =	vlt.s32 v18, $0x0;
	v19 =	vandn.u32 $0x7FFFFFFF, v18  }
0x526: {  	v25 =	vsub.f32 v17, v6;
	v19 =	vsel vm0, v18, v19;
	v18 =	vld.idx.msk [tilespmem:v9+s11+$0x0], $0xffff;
	v9 =	vmov v35  }
0x527: {  	vm0 =	vlt.s32 v22, $0x0;
	v26 =	vandn.u32 $0x7FFFFFFF, v22;
	(erf) = vpow2.f32 v20  }
0x528: {  	v20 =	vmul.f32 $1.442695020e+00, v25;
	v25 =	vsub.f32 v19, v6;
	v22 =	vsel vm0, v22, v26;
	v26 =	vld.idx.msk [tilespmem:v12+s11+$0x0], $0xffff;
	v12 =	vmovc v28  }
0x529: {  	v27 =	vsub.f32 v22, v6  }
0x52a: {  	v25 =	vmul.f32 $1.442695020e+00, v25;
	(erf) = vpow2.f32 v20  }
0x52b: {  	v20 =	vmul.f32 $1.442695020e+00, v27;
	v27 =	vld.idx.msk [tilespmem:v14+s11+$0x0], $0xffff;
	v14 =	vmov v23  }
0x52c: {  	vm0 =	vlt.s32 v18, $0x0;
	v23 =	vandn.u32 $0x7FFFFFFF, v18;
	(erf) = vpow2.f32 v25  }
0x52d: {  	v18 =	vsel vm0, v18, v23;
	(erf) = vpow2.f32 v20  }
0x52e: {  	v20 =	vsub.f32 v18, v6;
	vm0 =	vlt.s32 v26, $0x0;
	v23 =	vandn.u32 $0x7FFFFFFF, v26  }
0x52f: {  	v23 =	vsel vm0, v26, v23  }
0x530: {  	v20 =	vmul.f32 $1.442695020e+00, v20;
	v25 =	vsub.f32 v23, v6;
	v26 =	vld.idx.msk [tilespmem:v13+s11+$0x0], $0xffff;
	v31 =	vpop (erf);
	v13 =	vmov v24  }
0x531: {  	vm0 =	vlt.s32 v27, $0x0;
	v24 =	vandn.u32 $0x7FFFFFFF, v27  }
0x532: {  	v25 =	vmul.f32 $1.442695020e+00, v25;
	v24 =	vsel vm0, v27, v24;
	(xrf2) =	vadd.scan.msk.f32 $0xffff, v31;
	(erf) = vpow2.f32 v20  }
0x533: {  	v20 =	vsub.f32 v24, v6;
	v30 =	vpop (erf);
	_ =	sdelay $0x1  }
0x534: {  	v20 =	vmul.f32 $1.442695020e+00, v20;
	(xrf2) =	vadd.scan.msk.f32 $0xffff, v30;
	v27 =	vpop (erf);
	(erf) = vpow2.f32 v25  }
0x535: {  	vm0 =	vlt.s32 v26, $0x0;
	v25 =	vandn.u32 $0x7FFFFFFF, v26;
	v28 =	vpop (erf)  }
0x536: {  	v25 =	vsel vm0, v26, v25;
	(erf) = vpow2.f32 v20  }
0x537: {  	v20 =	vsub.f32 v25, v6;
	(xrf2) =	vadd.scan.msk.f32 $0xffff, v27  }
.Ltmp18:
0x538: {  	(pc) =	sbr.rel @p0 .LBB2_39-.Ltmp18, $4  }
0x539: {  	v33 =	vmul.f32 $1.442695020e+00, v20  }
0x53a: {  	s19 =	sshra.s32 s22, $0x2;
	(xrf2) =	vadd.scan.msk.f32 $0xffff, v28;
	v29 =	vpop (erf)  }
0x53b: {  	v26 =	vld [tilespmem:s19+$0x8010];
	v32, _, _ =	vpop (xrf2)  }
0x53c: {  	v20 =	vld [tilespmem:s19+$0x8030];
	v31 =	vsub.f32 v32, v31;
	(erf) = vpow2.f32 v33  }
0x53d: {  	_ =	sdelay $0x2  }
0x53e: {  	(xrf2) =	vadd.scan.msk.f32 $0xffff, v29  }
0x53f: {  	v33 =	vpop (erf)  }
0x540: {  	v34, _, _ =	vpop (xrf2);
	(xrf2) =	vadd.scan.msk.f32 $0xffff, v33  }
0x541: {  	v35 =	vperm.xlane v34, v5;
	v36 =	vpop (erf)  }
0x542: {  	v37, _, _ =	vpop (xrf2);
	(xrf2) =	vadd.scan.msk.f32 $0xffff, v36  }
0x543: {  	v32 =	vperm.xlane v32, v5;
	v30 =	vsub.f32 v34, v30;
	v35 =	vadd.f32 v35, v21;
	v38 =	vpop (erf)  }
0x544: {  	(xrf2) =	vadd.scan.msk.f32 $0xffff, v38  }
0x545: {  	v54 =	vadd.f32 v30, v21;
	v39 =	vperm.xlane v37, v5;
	v32 =	vadd.f32 v32, v35  }
0x546: {  	v31 =	vadd.f32 v35, v31;
	v51, _, _ =	vpop (xrf2)  }
0x547: {  	vm15 =	vlt.f32 v54, v7;
	v52 =	vadd.f32 v39, v32;
	v34 =	vperm.xlane v51, v5  }
0x548: {  	v27 =	vsub.f32 v37, v27;
	v17 =	vnsel vm15, $0xFF800000, v17;
	v55, _, _ =	vpop (xrf2)  }
0x549: {  	v30 =	vld [tilespmem:s19+$0x8000];
	vm0 =	vlt.f32 v31, v7;
	v34 =	vadd.f32 v34, v52;
	v56 =	vperm.xlane v55, v5  }
0x54a: {  	v21 =	vld [tilespmem:s19+$0x8060];
	v53 =	vsub.f32 v51, v28;
	v32 =	vadd.f32 v32, v27;
	v16 =	vnsel vm0, $0xFF800000, v16;
	v57, _, _ =	vpop (xrf2)  }
0x54b: {  	v28 =	vld [tilespmem:s19+$0x8020];
	v40 =	vsub.f32 v55, v29;
	v59 =	vperm.xlane v57, v5;
	v58 =	vadd.f32 v56, v34  }
0x54c: {  	v27 =	vld [tilespmem:s19+$0x8040];
	v39 =	vadd.f32 v52, v53;
	vm1 =	vlt.f32 v32, v7;
	v31 =	vsub.f32 v57, v33;
	v61, _, _ =	vpop (xrf2)  }
0x54d: {  	v29 =	vld [tilespmem:s19+$0x8050];
	v34 =	vadd.f32 v34, v40;
	v37 =	vadd.f32 v59, v58;
	v62 =	vperm.xlane v61, v5  }
0x54e: {  	v60 =	vnsel vm1, $0xFF800000, v19;
	v19 =	vld [tilespmem:s19+$0x8070];
	[tilespmem:s20+$0x10] =	vst v16;
	v31 =	vadd.f32 v58, v31;
	v63 =	vsub.f32 v61, v36;
	v33, _, _ =	vpop (xrf2)  }
0x54f: {  	[tilespmem:s20+$0x0] =	vst v17;
	vm2 =	vlt.f32 v39, v7;
	v36 =	vadd.f32 v62, v37;
	v46 =	vsub.f32 v33, v38  }
0x550: {  	[tilespmem:s20+$0x20] =	vst v60;
	v22 =	vnsel vm2, $0xFF800000, v22;
	vm4 =	vlt.f32 v34, v7;
	v47 =	vadd.f32 v37, v63  }
0x551: {  	[tilespmem:s20+$0x30] =	vst v22;
	v18 =	vnsel vm4, $0xFF800000, v18;
	vm5 =	vlt.f32 v31, v7;
	v48 =	vadd.f32 v36, v46  }
0x552: {  	[tilespmem:s20+$0x40] =	vst v18;
	v49 =	vnsel vm5, $0xFF800000, v23;
	vm6 =	vlt.f32 v47, v7  }
0x553: {  	[tilespmem:s20+$0x50] =	vst v49;
	v16 =	vnsel vm6, $0xFF800000, v24;
	vm7 =	vlt.f32 v48, v7  }
0x554: {  	[tilespmem:s20+$0x60] =	vst v16;
	v50 =	vnsel vm7, $0xFF800000, v25  }
0x555: {  	[tilespmem:s20+$0x70] =	vst v50  }
0x556: {  	v8 =	vld.idx.msk [tilespmem:v8+s11+$0x0], $0xffff  }
0x557: {  	v15 =	vld.idx.msk [tilespmem:v15+s11+$0x0], $0xffff;
	_ =	sdelay $0x2  }
0x558: {  	v11 =	vld.idx.msk [tilespmem:v11+s11+$0x0], $0xffff  }
0x559: {  	vm8 =	vlt.s32 v8, $0x0;
	v51 =	vandn.u32 $0x7FFFFFFF, v8  }
0x55a: {  	v10 =	vld.idx.msk [tilespmem:v10+s11+$0x0], $0xffff;
	vm9 =	vlt.s32 v15, $0x0;
	v52 =	vandn.u32 $0x7FFFFFFF, v15;
	v8 =	vsel vm8, v8, v51  }
0x55b: {  	v9 =	vld.idx.msk [tilespmem:v9+s11+$0x0], $0xffff;
	v15 =	vsel vm9, v15, v52;
	v53 =	vsub.f32 v8, v6  }
0x55c: {  	v55 =	vsub.f32 v15, v6  }
0x55d: {  	v12 =	vld.idx.msk [tilespmem:v12+s11+$0x0], $0xffff;
	vm10 =	vlt.s32 v11, $0x0;
	v56 =	vandn.u32 $0x7FFFFFFF, v11;
	v54 =	vmul.f32 $1.442695020e+00, v53  }
0x55e: {  	v11 =	vsel vm10, v11, v56;
	v57 =	vmul.f32 $1.442695020e+00, v55  }
0x55f: {  	v14 =	vld.idx.msk [tilespmem:v14+s11+$0x0], $0xffff;
	vm11 =	vlt.s32 v10, $0x0;
	v58 =	vsub.f32 v11, v6;
	(erf) = vpow2.f32 v54  }
0x560: {  	v59 =	vandn.u32 $0x7FFFFFFF, v10;
	vm12 =	vlt.s32 v9, $0x0;
	(erf) = vpow2.f32 v57  }
0x561: {  	v13 =	vld.idx.msk [tilespmem:v13+s11+$0x0], $0xffff;
	v60 =	vandn.u32 $0x7FFFFFFF, v9;
	v10 =	vsel vm11, v10, v59;
	v17 =	vmul.f32 $1.442695020e+00, v58  }
0x562: {  	vm13 =	vlt.s32 v12, $0x0;
	v9 =	vsel vm12, v9, v60;
	v61 =	vsub.f32 v10, v6  }
0x563: {  	v62 =	vandn.u32 $0x7FFFFFFF, v12;
	v16 =	vsub.f32 v9, v6;
	(erf) = vpow2.f32 v17  }
0x564: {  	vm14 =	vlt.s32 v14, $0x0;
	v12 =	vsel vm13, v12, v62;
	v18 =	vmul.f32 $1.442695020e+00, v61  }
0x565: {  	v39 =	vandn.u32 $0x7FFFFFFF, v14;
	v16 =	vmul.f32 $1.442695020e+00, v16;
	v17 =	vsub.f32 v12, v6  }
0x566: {  	vm15 =	vlt.s32 v13, $0x0;
	v42 =	vandn.u32 $0x7FFFFFFF, v13;
	(erf) = vpow2.f32 v18  }
0x567: {  	v14 =	vsel vm14, v14, v39;
	v17 =	vmul.f32 $1.442695020e+00, v17;
	(erf) = vpow2.f32 v16  }
0x568: {  	v13 =	vsel vm15, v13, v42;
	v40 =	vsub.f32 v14, v6;
	v63 =	vpop (erf)  }
0x569: {  	v43 =	vsub.f32 v13, v6;
	(erf) = vpow2.f32 v17;
	(xrf2) =	vadd.scan.msk.f32 $0xffff, v63;
	v41 =	vpop (erf)  }
0x56a: {  	v16 =	vmul.f32 $1.442695020e+00, v40;
	(xrf2) =	vadd.scan.msk.f32 $0xffff, v41  }
0x56b: {  	v45 =	vmul.f32 $1.442695020e+00, v43  }
0x56c: {  	(erf) = vpow2.f32 v16;
	v44 =	vpop (erf)  }
0x56d: {  	(erf) = vpow2.f32 v45;
	(xrf2) =	vadd.scan.msk.f32 $0xffff, v44;
	_ =	sdelay $0x1  }
0x56e: {  	v46 =	vpop (erf)  }
0x56f: {  	(xrf2) =	vadd.scan.msk.f32 $0xffff, v46;
	v47 =	vpop (erf)  }
0x570: {  	(xrf2) =	vadd.scan.msk.f32 $0xffff, v47  }
0x571: {  	v50 =	vpop (erf)  }
0x572: {  	v49 =	vperm.xlane v33, v5;
	v48, _, _ =	vpop (xrf2)  }
0x573: {  	(xrf2) =	vadd.scan.msk.f32 $0xffff, v50;
	v51, _, _ =	vpop (xrf2)  }
0x574: {  	v22 =	vadd.f32 v49, v36;
	v53 =	vpop (erf);
	v52 =	vperm.xlane v51, v5  }
0x575: {  	v56 =	vpop (erf);
	(xrf2) =	vadd.scan.msk.f32 $0xffff, v53  }
0x576: {  	v58 =	vshrl.u32 v26, $0xB;
	v54 =	vperm.xlane v48, v5;
	v55, _, _ =	vpop (xrf2);
	(xrf2) =	vadd.scan.msk.f32 $0xffff, v56;
	v31 =	vadd.f32 v52, v22  }
0x577: {  	v25 =	vadd.s32 v26, v58  }
0x578: {  	v23 =	vsub.f32 v51, v41;
	v57 =	vperm.xlane v55, v5;
	v35 =	vadd.f32 v54, v31  }
0x579: {  	v18 =	vsub.f32 v48, v63;
	v48 =	vshrl.u32 v30, $0xB;
	v24 =	vsub.f32 v55, v44;
	v59, _, _ =	vpop (xrf2)  }
0x57a: {  	v61 =	vperm.xlane v59, v5;
	v22 =	vadd.f32 v23, v22;
	v62, _, _ =	vpop (xrf2);
	v60 =	vadd.f32 v57, v35  }
0x57b: {  	v16 =	vsub.f32 v59, v46;
	v33 =	vperm.xlane v62, v5;
	v18 =	vadd.f32 v31, v18  }
0x57c: {  	v17 =	vsub.f32 v62, v47;
	vm7 =	vlt.f32 v22, v7;
	v63 =	vadd.f32 v61, v60  }
0x57d: {  	v15 =	vnsel vm7, $0xFF800000, v15;
	v24 =	vadd.f32 v35, v24;
	vm4 =	vlt.f32 v18, v7;
	v35, _, _ =	vpop (xrf2)  }
0x57e: {  	v8 =	vnsel vm4, $0xFF800000, v8;
	v38 =	vperm.xlane v35, v5;
	v36 =	vadd.f32 v33, v63  }
0x57f: {  	v16 =	vadd.f32 v60, v16;
	vm5 =	vlt.f32 v24, v7;
	v18 =	vsub.f32 v35, v50;
	v39, _, _ =	vpop (xrf2)  }
0x580: {  	v17 =	vadd.f32 v63, v17;
	v40 =	vperm.xlane v39, v5;
	v43, _, _ =	vpop (xrf2);
	v23 =	vadd.f32 v38, v36  }
0x581: {  	[tilespmem:s18+$0x0] =	vst v15;
	v11 =	vnsel vm5, $0xFF800000, v11;
	v42 =	vsub.f32 v39, v53;
	v45 =	vsub.f32 v43, v56  }
0x582: {  	[tilespmem:s18+$0x10] =	vst v8;
	vm6 =	vlt.f32 v16, v7;
	v41 =	vadd.f32 v36, v18;
	v44 =	vadd.f32 v40, v23  }
0x583: {  	[tilespmem:s18+$0x20] =	vst v11;
	v10 =	vnsel vm6, $0xFF800000, v10;
	vm8 =	vlt.f32 v17, v7;
	v46 =	vadd.f32 v23, v42  }
0x584: {  	[tilespmem:s18+$0x30] =	vst v10;
	v9 =	vnsel vm8, $0xFF800000, v9;
	vm9 =	vlt.f32 v41, v7;
	v47 =	vadd.f32 v44, v45  }
0x585: {  	v50 =	vadd.s32 v30, v48;
	[tilespmem:s18+$0x40] =	vst v9;
	v49 =	vnsel vm9, $0xFF800000, v12;
	vm10 =	vlt.f32 v46, v7  }
0x586: {  	v53 =	vshrl.u32 v28, $0xB;
	[tilespmem:s18+$0x50] =	vst v49;
	v51 =	vnsel vm10, $0xFF800000, v14;
	vm11 =	vlt.f32 v47, v7  }
0x587: {  	v54 =	vadd.s32 v28, v53;
	v56 =	vshrl.u32 v20, $0xB;
	[tilespmem:s18+$0x60] =	vst v51;
	v52 =	vnsel vm11, $0xFF800000, v13  }
0x588: {  	v12 =	vadd.s32 v20, v56;
	[tilespmem:s18+$0x70] =	vst v52  }
0x589: {  	v55 =	vld.idx.msk [tilespmem:v25+s11+$0x0], $0xffff  }
0x58a: {  	v8 =	vld.idx.msk [tilespmem:v50+s11+$0x0], $0xffff  }
0x58b: {  	v57 =	vshrl.u32 v27, $0xB  }
0x58c: {  	v58 =	vshrl.u32 v29, $0xB;
	v13 =	vadd.s32 v27, v57;
	v9 =	vld.idx.msk [tilespmem:v54+s11+$0x0], $0xffff  }
0x58d: {  	v63 =	vshrl.u32 v19, $0xB;
	v14 =	vadd.s32 v29, v58;
	v12 =	vld.idx.msk [tilespmem:v12+s11+$0x0], $0xffff  }
0x58e: {  	v15 =	vadd.s32 v19, v63;
	vm12 =	vlt.s32 v55, $0x0;
	v59 =	vandn.u32 $0x7FFFFFFF, v55  }
0x58f: {  	vm13 =	vlt.s32 v8, $0x0;
	v60 =	vandn.u32 $0x7FFFFFFF, v8;
	v11 =	vsel vm12, v55, v59  }
0x590: {  	v62 =	vshrl.u32 v21, $0xB;
	v8 =	vsel vm13, v8, v60;
	v61 =	vsub.f32 v11, v6  }
0x591: {  	v17 =	vadd.s32 v21, v62;
	v13 =	vld.idx.msk [tilespmem:v13+s11+$0x0], $0xffff;
	vm14 =	vlt.s32 v9, $0x0;
	v24 =	vsub.f32 v8, v6  }
0x592: {  	v14 =	vld.idx.msk [tilespmem:v14+s11+$0x0], $0xffff;
	v25 =	vandn.u32 $0x7FFFFFFF, v9;
	vm15 =	vlt.s32 v12, $0x0;
	v16 =	vmul.f32 $1.442695020e+00, v61  }
0x593: {  	v28 =	vandn.u32 $0x7FFFFFFF, v12;
	v9 =	vsel vm14, v9, v25;
	v26 =	vmul.f32 $1.442695020e+00, v24  }
0x594: {  	v15 =	vld.idx.msk [tilespmem:v15+s11+$0x0], $0xffff;
	v12 =	vsel vm15, v12, v28;
	v27 =	vsub.f32 v9, v6;
	(erf) = vpow2.f32 v16  }
0x595: {  	v31 =	vsub.f32 v12, v6;
	(erf) = vpow2.f32 v26  }
0x596: {  	v29 =	vld.idx.msk [tilespmem:v17+s11+$0x0], $0xffff;
	vm4 =	vlt.s32 v13, $0x0;
	v30 =	vandn.u32 $0x7FFFFFFF, v13;
	v19 =	vmul.f32 $1.442695020e+00, v27  }
0x597: {  	vm5 =	vlt.s32 v14, $0x0;
	v32 =	vandn.u32 $0x7FFFFFFF, v14;
	v13 =	vsel vm4, v13, v30  }
0x598: {  	v20 =	vmul.f32 $1.442695020e+00, v31;
	v17 =	vsub.f32 v13, v6;
	(erf) = vpow2.f32 v19  }
0x599: {  	vm7 =	vlt.s32 v15, $0x0;
	v37 =	vandn.u32 $0x7FFFFFFF, v15;
	v14 =	vsel vm5, v14, v32  }
0x59a: {  	v17 =	vmul.f32 $1.442695020e+00, v17;
	v19 =	vsub.f32 v14, v6;
	(erf) = vpow2.f32 v20  }
0x59b: {  	vm6 =	vlt.s32 v29, $0x0;
	v34 =	vandn.u32 $0x7FFFFFFF, v29;
	v15 =	vsel vm7, v15, v37  }
0x59c: {  	v16 =	vsel vm6, v29, v34;
	v19 =	vmul.f32 $1.442695020e+00, v19;
	(erf) = vpow2.f32 v17  }
0x59d: {  	v35 =	vsub.f32 v16, v6;
	v6 =	vsub.f32 v15, v6;
	v33 =	vpop (erf)  }
0x59e: {  	(erf) = vpow2.f32 v19;
	(xrf2) =	vadd.scan.msk.f32 $0xffff, v33;
	v36 =	vpop (erf)  }
0x59f: {  	v17 =	vmul.f32 $1.442695020e+00, v35;
	v6 =	vmul.f32 $1.442695020e+00, v6;
	(xrf2) =	vadd.scan.msk.f32 $0xffff, v36;
	_ =	sdelay $0x1  }
0x5a0: {  	(erf) = vpow2.f32 v17;
	v38 =	vpop (erf)  }
0x5a1: {  	(erf) = vpow2.f32 v6;
	(xrf2) =	vadd.scan.msk.f32 $0xffff, v38  }
0x5a2: {  	v6 =	vpop (erf)  }
0x5a3: {  	(xrf2) =	vadd.scan.msk.f32 $0xffff, v6  }
0x5a4: {  	v39 =	vpop (erf)  }
0x5a5: {  	(xrf2) =	vadd.scan.msk.f32 $0xffff, v39  }
0x5a6: {  	v41 =	vpop (erf)  }
0x5a7: {  	v18 =	vperm.xlane v43, v5;
	v40, _, _ =	vpop (xrf2)  }
0x5a8: {  	(xrf2) =	vadd.scan.msk.f32 $0xffff, v41;
	v42, _, _ =	vpop (xrf2)  }
0x5a9: {  	v10 =	vadd.f32 v18, v44;
	v44 =	vpop (erf);
	v43 =	vperm.xlane v42, v5  }
0x5aa: {  	v47 =	vpop (erf);
	(xrf2) =	vadd.scan.msk.f32 $0xffff, v44  }
0x5ab: {  	v45 =	vperm.xlane v40, v5;
	v46, _, _ =	vpop (xrf2);
	(xrf2) =	vadd.scan.msk.f32 $0xffff, v47;
	v18 =	vadd.f32 v43, v10;
	_ =	sdelay $0x1  }
0x5ac: {  	v21 =	vsub.f32 v42, v36;
	v48 =	vperm.xlane v46, v5;
	v49, _, _ =	vpop (xrf2);
	v26 =	vadd.f32 v45, v18  }
0x5ad: {  	v20 =	vsub.f32 v40, v33;
	v6 =	vsub.f32 v49, v6  }
0x5ae: {  	v51 =	vperm.xlane v49, v5;
	v10 =	vadd.f32 v21, v10;
	v52, _, _ =	vpop (xrf2);
	v50 =	vadd.f32 v48, v26  }
0x5af: {  	v19 =	vsub.f32 v46, v38;
	v53 =	vperm.xlane v52, v5;
	v18 =	vadd.f32 v18, v20  }
0x5b0: {  	vm11 =	vlt.f32 v10, v7;
	v6 =	vadd.f32 v50, v6;
	v20 =	vadd.f32 v51, v50  }
0x5b1: {  	v17 =	vsub.f32 v52, v39;
	v8 =	vnsel vm11, $0xFF800000, v8;
	v19 =	vadd.f32 v26, v19;
	v54, _, _ =	vpop (xrf2)  }
0x5b2: {  	v55 =	vperm.xlane v54, v5;
	vm10 =	vlt.f32 v6, v7;
	v6 =	vadd.f32 v53, v20  }
0x5b3: {  	vm8 =	vlt.f32 v18, v7;
	vm9 =	vlt.f32 v19, v7;
	v18 =	vsub.f32 v54, v41;
	v56, _, _ =	vpop (xrf2)  }
0x5b4: {  	v17 =	vadd.f32 v20, v17;
	v57 =	vperm.xlane v56, v5;
	v59, _, _ =	vpop (xrf2);
	v19 =	vadd.f32 v55, v6  }
0x5b5: {  	[tilespmem:s19+$0x0] =	vst v8;
	v11 =	vnsel vm8, $0xFF800000, v11;
	v58 =	vsub.f32 v56, v44;
	v10 =	vsub.f32 v59, v47  }
0x5b6: {  	[tilespmem:s19+$0x10] =	vst v11;
	v9 =	vnsel vm9, $0xFF800000, v9;
	v6 =	vadd.f32 v6, v18;
	v60 =	vadd.f32 v57, v19  }
0x5b7: {  	[tilespmem:s19+$0x20] =	vst v9;
	v12 =	vnsel vm10, $0xFF800000, v12;
	vm12 =	vlt.f32 v17, v7;
	v9 =	vadd.f32 v19, v58  }
0x5b8: {  	[tilespmem:s19+$0x30] =	vst v12;
	v61 =	vnsel vm12, $0xFF800000, v13;
	vm13 =	vlt.f32 v6, v7;
	v6 =	vadd.f32 v60, v10  }
0x5b9: {  	[tilespmem:s19+$0x40] =	vst v61;
	v62 =	vnsel vm13, $0xFF800000, v14;
	vm14 =	vlt.f32 v9, v7  }
0x5ba: {  	[tilespmem:s19+$0x50] =	vst v62;
	v63 =	vnsel vm14, $0xFF800000, v16;
	vm15 =	vlt.f32 v6, v7  }
0x5bb: {  	s16 =	sadd.s32 $0x1, s16;
	[tilespmem:s19+$0x60] =	vst v63;
	v6 =	vnsel vm15, $0xFF800000, v15  }
0x5bc: {  	s30 =	sadd.s32 s2, s17;
	p0 =	sne.s32 s16, $0x4;
	[tilespmem:s19+$0x70] =	vst v6  }
0x5bd: {  	[hbm4b:s30+s8] =	stream.strided.scatter [tilespmem:s5], [sflag:$0x2], $0x8000, s9, s8, $0x38;
	[tilespmem:$0x19080] =	vst v63  }
.Ltmp19:
0x5be: {  	_ = 	snop;
	(pc) =	sbr.rel @p0 .LBB2_2-.Ltmp19, $4  }
0x5bf: {  	_ =	swait.ge [sflag:s10], $0x8000  }
0x5c0: {  	[sflag:s10] =	ssyncset.done $0x0  }
0x5c1: {  	s31 =	sadd.s32 s3, s17;
	[sflag:s10] =	ssyncadd.s32 $0xFFFF8000  }
0x5c2: {  	[hbm4b:s31+s8] =	stream.strided.scatter [tilespmem:s13], [sflag:$0x1], $0x8000, s9, s8, $0x38;
	[tilespmem:$0x19080] =	vst v63  }
0x5c3: {  	s15 =	sadd.s32 $0x1, s15  }
0x5c4: {  	p0 =	sne.s32 s15, s7  }
.Ltmp20:
0x5c5: {  	_ = 	snop;
	(pc) =	sbr.rel @p0 .LBB2_1-.Ltmp20, $4  }
0x5c6: {  	_ = 	snop  }
0x5c7: {  	_ =	swait.ge [sflag:s14], $0x8000  }
0x5c8: {  	[sflag:s14] =	ssyncset.done $0x0  }
0x5c9: {  	[sflag:s14] =	ssyncadd.s32 $0xFFFF8000  }
0x5ca: {  	_ =	sfence.sel $0x180000  }
0x5cb: {  	[bflag:$0x0] =	sbarrier.arrive $0xFFFF  }
0x5cc: {  	p0 =	sne.s32 s4, $0x0;
	_ =	strace $0x90000047  }
0x5cd: {  	s0 =	sadd.s32 @!p0 $0x100000, s0;
	[bflag:$0x2] =	sbarrier.arrive $0xFFFF  }
0x5ce: {  	[sflag:s0] =	ssyncadd.tile.s32 @!p0 $0x1;
	_ =	shalt  }
.Lfunc_end2:
_tile_overlayer_lowered:
.L_overlay_start_2:
0x5cf: {  	(tag) =	ssettag $0x2  }
0x5d0: {  	s0 =	rddreg [dreg:$0x0];
	s2 =	stileid.u32  }
0x5d1: {  	s1 =	rddreg [dreg:$0x1];
	p0 =	sne.s32 s2, $0x0  }
0x5d2: {  	s3 =	rddreg [dreg:$0x2];
	[bflag:$0x3] =	sbarrier.arrive $0xFFFF;
	s2 =	simm.s32 @!p0 $0x1C02  }
0x5d3: {  	[timem:s3], [sflag:s2] =	dma.local @!p0 [hbm:s0], s1  }
0x5d4: {  	s0 =	simm.s32 @!p0 $0x2  }
0x5d5: {  	_ =	swait.ge @!p0 [sflag:s0], s1  }
0x5d6: {  	s1 =	ssub.s32 @!p0 $0x0, s1;
	[sflag:s0] =	ssyncset.done @!p0 $0x0  }
0x5d7: {  	[sflag:s0] =	ssyncadd.s32 @!p0 s1  }
0x5d8: {  	[bflag:$0x3] =	sbarrier.arrive $0xFFFF  }
0x5d9: {  	_ =	shalt  }

</sc_bundles>
